<compile_context>
chip_gen: v7x
topology: tpu7x:2x2x1
jax: 0.10.2.dev20260603
libtpu: 0.0.44.dev20260713+nightly
codegen_flags: <defaults>
</compile_context>

<pallas_src>
import functools

import numpy as np

import jax
import jax.numpy as jnp
from jax import lax
from jax.experimental import pallas as pl
from jax.experimental.pallas import tpu as pltpu
from jax.experimental.pallas import tpu_sc as plsc

N_ATOMS = 10000
N_PAIRS = 320000
D = 128
N_RBF = 20

NC = 2
NS = 16
NW = NC * NS

PAD_ATOMS = 10240
ROWS_PER_TILE = PAD_ATOMS // NS
C = 40

PB = 2048
SPLIT = 143360
NCHUNK_A = SPLIT // NW // C
NCHUNK_B = (N_PAIRS - SPLIT) // NW // C

_LOG2 = 0.6931471805599453


def _ssp(v):
    return jnp.log1p(jnp.exp(v)) - _LOG2



def _h_body(x_ref, w_ref, b_ref, o_ref):
    o_ref[...] = (
        jnp.dot(x_ref[...], w_ref[...], preferred_element_type=jnp.float32)
        + b_ref[...]
    )


def _filter_body(f_ref, rc_ref, w1_ref, b1_ref, w2_ref, b2_ref, o_ref):
    t = lax.dot_general(f_ref[...], w1_ref[...], (((0,), (0,)), ((), ())),
                        preferred_element_type=jnp.float32)
    t = _ssp(t + b1_ref[...])
    t = jnp.dot(t, w2_ref[...], preferred_element_type=jnp.float32) + b2_ref[...]
    o_ref[...] = t * rc_ref[...][:, None]


def _out_body(p_ref, w1_ref, b1_ref, w2_ref, b2_ref, o_ref):
    agg = p_ref[0, :N_ATOMS, :] + p_ref[1, :N_ATOMS, :]
    t = jnp.dot(agg, w1_ref[...], preferred_element_type=jnp.float32)
    t = _ssp(t + b1_ref[...])
    o_ref[...] = (
        jnp.dot(t, w2_ref[...], preferred_element_type=jnp.float32) + b2_ref[...]
    )


def _filter_call(f_t, rcut, W_r1, b_r1, W_r2, b_r2, n_rows, blk_off):
    return pl.pallas_call(
        _filter_body,
        grid=(pl.cdiv(n_rows, PB),),
        in_specs=[
            pl.BlockSpec((N_RBF, PB), lambda i: (0, blk_off + i)),
            pl.BlockSpec((PB,), lambda i: (blk_off + i,)),
            pl.BlockSpec((N_RBF, D), lambda i: (0, 0)),
            pl.BlockSpec((1, D), lambda i: (0, 0)),
            pl.BlockSpec((D, D), lambda i: (0, 0)),
            pl.BlockSpec((1, D), lambda i: (0, 0)),
        ],
        out_specs=pl.BlockSpec((PB, D), lambda i: (i, 0)),
        out_shape=jax.ShapeDtypeStruct((n_rows, D), jnp.float32),
    )(f_t, rcut, W_r1, b_r1.reshape(1, D), W_r2, b_r2.reshape(1, D))



_sc_mesh = plsc.VectorSubcoreMesh(core_axis_name="c", subcore_axis_name="s")


def _make_sc(nchunk, pair_off, init_from_prev):
    pairs_per_w = nchunk * C

    def body(*refs):
        if init_from_prev:
            (h_hbm, idxj_hbm, idxi_hbm, wij_hbm, prev_hbm, out_hbm,
             idxj_v, idxi_v, rows0, rows1, wij0, wij1, prod0, prod1,
             gsem0, gsem1, wsem0, wsem1, ssem0, ssem1, agg_sh) = refs
        else:
            (h_hbm, idxj_hbm, idxi_hbm, wij_hbm, out_hbm,
             idxj_v, idxi_v, rows0, rows1, wij0, wij1, prod0, prod1,
             gsem0, gsem1, wsem0, wsem1, ssem0, ssem1, agg_sh) = refs
        cid = lax.axis_index("c")
        sid = lax.axis_index("s")
        wid = cid * NS + sid
        rows = (rows0, rows1)
        wijb = (wij0, wij1)
        prod = (prod0, prod1)
        gsem = (gsem0, gsem1)
        wsem = (wsem0, wsem1)
        ssem = (ssem0, ssem1)
        pair_base = wid * pairs_per_w
        idx_base = pair_off + pair_base
        base_row = sid * ROWS_PER_TILE

        pltpu.sync_copy(idxj_hbm.at[pl.ds(idx_base, pairs_per_w)], idxj_v)
        pltpu.sync_copy(idxi_hbm.at[pl.ds(idx_base, pairs_per_w)], idxi_v)

        def start_fetch(k, b):
            pltpu.async_copy(wij_hbm.at[pl.ds(pair_base + k * C, C), :],
                             wijb[b], wsem[b])
            pltpu.async_copy(h_hbm.at[idxj_v.at[pl.ds(k * C, C)]],
                             rows[b], gsem[b])

        def wait_fetch(b):
            pltpu.make_async_copy(wij_hbm.at[pl.ds(pair_base, C), :],
                                  wijb[b], wsem[b]).wait()
            pltpu.make_async_copy(h_hbm.at[idxj_v.at[pl.ds(0, C)]],
                                  rows[b], gsem[b]).wait()

        def mul(b):
            def mrow(r, inner):
                for cc in range(D // 16):
                    s = pl.ds(cc * 16, 16)
                    prod[b][r, s] = rows[b][r, s] * wijb[b][r, s]
                return inner
            lax.fori_loop(0, C, mrow, 0)

        def start_scatter(k, b):
            pltpu.async_copy(prod[b], agg_sh.at[idxi_v.at[pl.ds(k * C, C)]],
                             ssem[b], add=True)

        def wait_scatter(b):
            pltpu.make_async_copy(prod[b], agg_sh.at[idxi_v.at[pl.ds(0, C)]],
                                  ssem[b]).wait()

        start_fetch(0, 0)
        start_fetch(1, 1)

        if init_from_prev:
            pltpu.sync_copy(
                prev_hbm.at[cid, pl.ds(base_row, ROWS_PER_TILE), :],
                agg_sh.at[pl.ds(base_row, ROWS_PER_TILE), :])
        else:
            def zrow(r, carry):
                for cc in range(D // 16):
                    prod0[r, pl.ds(cc * 16, 16)] = jnp.zeros((16,),
                                                             jnp.float32)
                return carry

            lax.fori_loop(0, C, zrow, 0)
            for z in range(ROWS_PER_TILE // C):
                pltpu.sync_copy(prod0,
                                agg_sh.at[pl.ds(base_row + z * C, C), :])
        plsc.subcore_barrier()

        for b in (0, 1):
            wait_fetch(b)
            mul(b)
            start_scatter(b, b)
            start_fetch(b + 2, b)

        def loop_body(g, carry):
            for b in (0, 1):
                k = 2 * g + b
                wait_fetch(b)
                wait_scatter(b)
                mul(b)
                start_scatter(k, b)

                @pl.when(k + 2 < nchunk)
                def _():
                    start_fetch(k + 2, b)
            return carry

        lax.fori_loop(1, nchunk // 2, loop_body, 0)

        wait_scatter(0)
        wait_scatter(1)
        plsc.subcore_barrier()

        pltpu.sync_copy(agg_sh.at[pl.ds(base_row, ROWS_PER_TILE), :],
                        out_hbm.at[cid, pl.ds(base_row, ROWS_PER_TILE), :])

    return pl.kernel(
        body,
        out_type=jax.ShapeDtypeStruct((NC, PAD_ATOMS, D), jnp.float32),
        mesh=_sc_mesh,
        scratch_types=[
            pltpu.VMEM((pairs_per_w,), jnp.int32),
            pltpu.VMEM((pairs_per_w,), jnp.int32),
            pltpu.VMEM((C, D), jnp.float32),
            pltpu.VMEM((C, D), jnp.float32),
            pltpu.VMEM((C, D), jnp.float32),
            pltpu.VMEM((C, D), jnp.float32),
            pltpu.VMEM((C, D), jnp.float32),
            pltpu.VMEM((C, D), jnp.float32),
            pltpu.SemaphoreType.DMA,
            pltpu.SemaphoreType.DMA,
            pltpu.SemaphoreType.DMA,
            pltpu.SemaphoreType.DMA,
            pltpu.SemaphoreType.DMA,
            pltpu.SemaphoreType.DMA,
            pltpu.VMEM_SHARED((PAD_ATOMS, D), jnp.float32),
        ],
    )


_STAGES = (102400, 102400, 115200)
_SC_CALLS = []
_off = 0
for _n in _STAGES:
    _SC_CALLS.append(_make_sc(_n // NW // C, _off, init_from_prev=_off > 0))
    _off += _n



def kernel(x, f_ij, idx_i, idx_j, rcut_ij,
           W_in, b_in, W_f1, b_f1, W_f2, b_f2, W_r1, b_r1, W_r2, b_r2):
    x2 = x.reshape(N_ATOMS, D)
    f_t = f_ij.T
    ii = idx_i.astype(jnp.int32)
    ij = idx_j.astype(jnp.int32)

    h = pl.pallas_call(
        _h_body,
        out_shape=jax.ShapeDtypeStruct((N_ATOMS, D), jnp.float32),
    )(x2, W_in, b_in.reshape(1, D))

    wijs = []
    off = 0
    for n in _STAGES:
        wijs.append(_filter_call(f_t, rcut_ij, W_r1, b_r1, W_r2, b_r2,
                                 n, off // PB))
        off += n

    partials = _SC_CALLS[0](h, ij, ii, wijs[0])
    for sc_call, wij in zip(_SC_CALLS[1:], wijs[1:]):
        partials = sc_call(h, ij, ii, wij, partials)

    out = pl.pallas_call(
        _out_body,
        out_shape=jax.ShapeDtypeStruct((N_ATOMS, D), jnp.float32),
    )(partials, W_f1, b_f1.reshape(1, D), W_f2, b_f2.reshape(1, D))

    return out.reshape(1, N_ATOMS, D)

# --- scband reference (transcript-rebuilt; emitter-appended) ---
"""Pipeline reference for scband-sch-net-interaction-block-67654324846790 (READ-ONLY COPY).

The authoritative reference and input builder live on the scoring server;
editing this copy changes nothing except your own understanding.
"""

import jax, jax.numpy as jnp
import numpy as np

N_ATOM_BASIS = 128
N_FILTERS = 128
N_RBF = 20
BATCH = 1
N_ATOMS = 10000
N_PAIRS = 320000


def _ssp(x):
    return jax.nn.softplus(x) - jnp.log(2.0)


def setup_inputs(seed: int = 0) -> dict:
    key = jax.random.key(seed)
    ks = jax.random.split(key, 16)
    x = jax.random.normal(ks[0], (BATCH, N_ATOMS, N_ATOM_BASIS), dtype=jnp.float32)
    f_ij = jax.random.normal(ks[1], (N_PAIRS, N_RBF), dtype=jnp.float32)
    idx_i = jax.random.randint(ks[2], (N_PAIRS,), 0, N_ATOMS, dtype=jnp.int64 if jax.config.jax_enable_x64 else jnp.int32)
    idx_j = jax.random.randint(ks[3], (N_PAIRS,), 0, N_ATOMS, dtype=jnp.int64 if jax.config.jax_enable_x64 else jnp.int32)
    rcut_ij = jax.random.uniform(ks[4], (N_PAIRS,), dtype=jnp.float32)
    def lin(k, fan_in, fan_out):
        bound = 1.0 / np.sqrt(fan_in)
        kw, kb = jax.random.split(k)
        W = jax.random.uniform(kw, (fan_in, fan_out), minval=-bound, maxval=bound, dtype=jnp.float32)
        b = jax.random.uniform(kb, (fan_out,), minval=-bound, maxval=bound, dtype=jnp.float32)
        return W, b
    W_in, b_in = lin(ks[5], N_ATOM_BASIS, N_FILTERS)
    W_f1, b_f1 = lin(ks[6], N_FILTERS, N_ATOM_BASIS)
    W_f2, b_f2 = lin(ks[7], N_ATOM_BASIS, N_ATOM_BASIS)
    W_r1, b_r1 = lin(ks[8], N_RBF, N_FILTERS)
    W_r2, b_r2 = lin(ks[9], N_FILTERS, N_FILTERS)
    return {"x": x, "f_ij": f_ij, "idx_i": idx_i, "idx_j": idx_j, "rcut_ij": rcut_ij,
            "W_in": W_in, "b_in": b_in, "W_f1": W_f1, "b_f1": b_f1, "W_f2": W_f2, "b_f2": b_f2,
            "W_r1": W_r1, "b_r1": b_r1, "W_r2": W_r2, "b_r2": b_r2}


def reference(x, f_ij, idx_i, idx_j, rcut_ij, W_in, b_in, W_f1, b_f1, W_f2, b_f2, W_r1, b_r1, W_r2, b_r2):
    batch_size, nr_of_atoms = x.shape[0], x.shape[1]
    # input_to_feature
    h = x @ W_in + b_in
    h = h.reshape(batch_size * nr_of_atoms, -1)
    # filter_network: Linear -> ShiftedSoftplus -> Linear
    Wij = _ssp(f_ij @ W_r1 + b_r1) @ W_r2 + b_r2
    Wij = Wij * rcut_ij[:, None]
    Wij = Wij.astype(h.dtype)
    # gather neighbor features
    x_j = h[idx_j]
    x_ij = x_j * Wij
    # scatter_add over destination atoms
    agg = jnp.zeros_like(h).at[idx_i].add(x_ij)
    # feature_to_output: Linear -> ShiftedSoftplus -> Linear
    out = _ssp(agg @ W_f1 + b_f1) @ W_f2 + b_f2
    return out.reshape(batch_size, nr_of_atoms, 128)

if __name__ == "__main__":
    import jax
    _d = setup_inputs()
    print(jax.jit(kernel)(*tuple(_d.values())))

</pallas_src>

<mosaic_0001>
#map = affine_map<(d0, d1) -> (0, 0)>
#map1 = affine_map<(d0, d1) -> (0)>
#map2 = affine_map<(d0, d1) -> (0, 0, 0)>
module attributes {stable_mosaic.version = 14 : i64} {
  func.func @body(%arg0: i32, %arg1: i32, %arg2: memref<10000x128xf32, #tpu.memory_space<hbm>>, %arg3: memref<320000xi32, #tpu.memory_space<hbm>>, %arg4: memref<320000xi32, #tpu.memory_space<hbm>>, %arg5: memref<102400x128xf32, #tpu.memory_space<hbm>>, %arg6: memref<2x10240x128xf32, #tpu.memory_space<hbm>>, %arg7: memref<2x10240x128xf32, #tpu.memory_space<hbm>>, %arg8: memref<3200xi32, #tpu.memory_space<vmem>>, %arg9: memref<3200xi32, #tpu.memory_space<vmem>>, %arg10: memref<40x128xf32, #tpu.memory_space<vmem>>, %arg11: memref<40x128xf32, #tpu.memory_space<vmem>>, %arg12: memref<40x128xf32, #tpu.memory_space<vmem>>, %arg13: memref<40x128xf32, #tpu.memory_space<vmem>>, %arg14: memref<40x128xf32, #tpu.memory_space<vmem>>, %arg15: memref<40x128xf32, #tpu.memory_space<vmem>>, %arg16: memref<!tpu.dma_semaphore, #tpu.memory_space<semaphore_mem>>, %arg17: memref<!tpu.dma_semaphore, #tpu.memory_space<semaphore_mem>>, %arg18: memref<!tpu.dma_semaphore, #tpu.memory_space<semaphore_mem>>, %arg19: memref<!tpu.dma_semaphore, #tpu.memory_space<semaphore_mem>>, %arg20: memref<!tpu.dma_semaphore, #tpu.memory_space<semaphore_mem>>, %arg21: memref<!tpu.dma_semaphore, #tpu.memory_space<semaphore_mem>>, %arg22: memref<10240x128xf32, #tpu.memory_space<vmem_shared>>) attributes {dimension_semantics = [#tpu.dimension_semantics<core_parallel>, #tpu.dimension_semantics<subcore_parallel>], iteration_bounds = array<i64: 2, 16>, scalar_prefetch = 0 : i64, scratch_operands = 15 : i64, tpu.core_type = #tpu.core_type<sc_vector_subcore>, window_params = [{transform_indices = #map}, {transform_indices = #map1}, {transform_indices = #map1}, {transform_indices = #map}, {transform_indices = #map2}, {transform_indices = #map2}]} {
    %mul3A = arith.constant 16 : i32
    %mul3A_0 = arith.muli %arg0, %mul3A : i32
    %add3A = arith.addi %mul3A_0, %arg1 : i32
    %mul3A_1 = arith.constant 3200 : i32
    %mul3A_2 = arith.muli %add3A, %mul3A_1 : i32
    %add3A_3 = arith.constant 102400 : i32
    %add3A_4 = arith.addi %add3A_3, %mul3A_2 : i32
    %mul3A_5 = arith.constant 640 : i32
    %mul3A_6 = arith.muli %arg1, %mul3A_5 : i32
    "tpu.region"() ({
      %run_scoped3A = tpu.sem_alloc : memref<!tpu.dma_semaphore, #tpu.memory_space<semaphore_mem>>
      %dma_start3A_105 = tpu.memref_slice %arg3[%add3A_4] : memref<320000xi32, #tpu.memory_space<hbm>> -> memref<3200xi32, #tpu.memory_space<hbm>>
      %dma_start3A_106 = tpu.memref_slice %arg3[%add3A_4] : memref<320000xi32, #tpu.memory_space<hbm>> -> memref<3200xi32, #tpu.memory_space<hbm>>
      tpu.enqueue_dma source(%dma_start3A_106 : memref<3200xi32, #tpu.memory_space<hbm>>) target(%arg8 : memref<3200xi32, #tpu.memory_space<vmem>>) target_semaphore(%run_scoped3A : memref<!tpu.dma_semaphore, #tpu.memory_space<semaphore_mem>>)
      %dma_wait3A_107 = tpu.memref_slice %arg3[%add3A_4] : memref<320000xi32, #tpu.memory_space<hbm>> -> memref<3200xi32, #tpu.memory_space<hbm>>
      %dma_wait3A_108 = tpu.memref_slice %arg3[%add3A_4] : memref<320000xi32, #tpu.memory_space<hbm>> -> memref<3200xi32, #tpu.memory_space<hbm>>
      tpu.wait_dma2 semaphore(%run_scoped3A : memref<!tpu.dma_semaphore, #tpu.memory_space<semaphore_mem>>) src(%dma_wait3A_108 : memref<3200xi32, #tpu.memory_space<hbm>>) dst(%arg8 : memref<3200xi32, #tpu.memory_space<vmem>>)
      tpu.yield
    }) : () -> ()
    "tpu.region"() ({
      %run_scoped3A = tpu.sem_alloc : memref<!tpu.dma_semaphore, #tpu.memory_space<semaphore_mem>>
      %dma_start3A_105 = tpu.memref_slice %arg4[%add3A_4] : memref<320000xi32, #tpu.memory_space<hbm>> -> memref<3200xi32, #tpu.memory_space<hbm>>
      %dma_start3A_106 = tpu.memref_slice %arg4[%add3A_4] : memref<320000xi32, #tpu.memory_space<hbm>> -> memref<3200xi32, #tpu.memory_space<hbm>>
      tpu.enqueue_dma source(%dma_start3A_106 : memref<3200xi32, #tpu.memory_space<hbm>>) target(%arg9 : memref<3200xi32, #tpu.memory_space<vmem>>) target_semaphore(%run_scoped3A : memref<!tpu.dma_semaphore, #tpu.memory_space<semaphore_mem>>)
      %dma_wait3A_107 = tpu.memref_slice %arg4[%add3A_4] : memref<320000xi32, #tpu.memory_space<hbm>> -> memref<3200xi32, #tpu.memory_space<hbm>>
      %dma_wait3A_108 = tpu.memref_slice %arg4[%add3A_4] : memref<320000xi32, #tpu.memory_space<hbm>> -> memref<3200xi32, #tpu.memory_space<hbm>>
      tpu.wait_dma2 semaphore(%run_scoped3A : memref<!tpu.dma_semaphore, #tpu.memory_space<semaphore_mem>>) src(%dma_wait3A_108 : memref<3200xi32, #tpu.memory_space<hbm>>) dst(%arg9 : memref<3200xi32, #tpu.memory_space<vmem>>)
      tpu.yield
    }) : () -> ()
    %add3A_7 = arith.constant 0 : i32
    %add3A_8 = arith.addi %mul3A_2, %add3A_7 : i32
    %dma_start3A = arith.constant 0 : i32
    %dma_start3A_9 = tpu.memref_slice %arg5[%add3A_8, %dma_start3A] : memref<102400x128xf32, #tpu.memory_space<hbm>> -> memref<40x128xf32, #tpu.memory_space<hbm>>
    %dma_start3A_10 = arith.constant 0 : i32
    %dma_start3A_11 = tpu.memref_slice %arg5[%add3A_8, %dma_start3A_10] : memref<102400x128xf32, #tpu.memory_space<hbm>> -> memref<40x128xf32, #tpu.memory_space<hbm>>
    tpu.enqueue_dma source(%dma_start3A_11 : memref<40x128xf32, #tpu.memory_space<hbm>>) target(%arg12 : memref<40x128xf32, #tpu.memory_space<vmem>>) target_semaphore(%arg18 : memref<!tpu.dma_semaphore, #tpu.memory_space<semaphore_mem>>)
    %dma_start3A_12 = arith.constant 0 : i32
    %dma_start3A_13 = tpu.memref_slice %arg8[%dma_start3A_12] : memref<3200xi32, #tpu.memory_space<vmem>> -> memref<40xi32, #tpu.memory_space<vmem>>
    %dma_start3A_14 = arith.constant 0 : i32
    %dma_start3A_15 = arith.constant 0 : i32
    %dma_start3A_16 = tpu.memref_slice %arg2[%dma_start3A_14, %dma_start3A_15] : memref<10000x128xf32, #tpu.memory_space<hbm>> -> memref<10000x128xf32, #tpu.memory_space<hbm>>
    tpu.enqueue_indirect_dma source(%dma_start3A_16 : memref<10000x128xf32, #tpu.memory_space<hbm>>) target(%arg10 : memref<40x128xf32, #tpu.memory_space<vmem>>) offsets(%dma_start3A_13 : memref<40xi32, #tpu.memory_space<vmem>>) semaphore(%arg16 : memref<!tpu.dma_semaphore, #tpu.memory_space<semaphore_mem>>)
    %add3A_17 = arith.constant 40 : i32
    %add3A_18 = arith.addi %mul3A_2, %add3A_17 : i32
    %dma_start3A_19 = arith.constant 0 : i32
    %dma_start3A_20 = tpu.memref_slice %arg5[%add3A_18, %dma_start3A_19] : memref<102400x128xf32, #tpu.memory_space<hbm>> -> memref<40x128xf32, #tpu.memory_space<hbm>>
    %dma_start3A_21 = arith.constant 0 : i32
    %dma_start3A_22 = tpu.memref_slice %arg5[%add3A_18, %dma_start3A_21] : memref<102400x128xf32, #tpu.memory_space<hbm>> -> memref<40x128xf32, #tpu.memory_space<hbm>>
    tpu.enqueue_dma source(%dma_start3A_22 : memref<40x128xf32, #tpu.memory_space<hbm>>) target(%arg13 : memref<40x128xf32, #tpu.memory_space<vmem>>) target_semaphore(%arg19 : memref<!tpu.dma_semaphore, #tpu.memory_space<semaphore_mem>>)
    %dma_start3A_23 = arith.constant 40 : i32
    %dma_start3A_24 = tpu.memref_slice %arg8[%dma_start3A_23] : memref<3200xi32, #tpu.memory_space<vmem>> -> memref<40xi32, #tpu.memory_space<vmem>>
    %dma_start3A_25 = arith.constant 0 : i32
    %dma_start3A_26 = arith.constant 0 : i32
    %dma_start3A_27 = tpu.memref_slice %arg2[%dma_start3A_25, %dma_start3A_26] : memref<10000x128xf32, #tpu.memory_space<hbm>> -> memref<10000x128xf32, #tpu.memory_space<hbm>>
    tpu.enqueue_indirect_dma source(%dma_start3A_27 : memref<10000x128xf32, #tpu.memory_space<hbm>>) target(%arg11 : memref<40x128xf32, #tpu.memory_space<vmem>>) offsets(%dma_start3A_24 : memref<40xi32, #tpu.memory_space<vmem>>) semaphore(%arg17 : memref<!tpu.dma_semaphore, #tpu.memory_space<semaphore_mem>>)
    "tpu.region"() ({
      %run_scoped3A = tpu.sem_alloc : memref<!tpu.dma_semaphore, #tpu.memory_space<semaphore_mem>>
      %dma_start3A_105 = arith.constant 0 : i32
      %dma_start3A_106 = tpu.memref_slice %arg22[%mul3A_6, %dma_start3A_105] : memref<10240x128xf32, #tpu.memory_space<vmem_shared>> -> memref<640x128xf32, #tpu.memory_space<vmem_shared>>
      %dma_start3A_107 = arith.constant 0 : i32
      %dma_start3A_108 = tpu.memref_slice %arg6[%arg0, %mul3A_6, %dma_start3A_107] : memref<2x10240x128xf32, #tpu.memory_space<hbm>> -> memref<1x640x128xf32, #tpu.memory_space<hbm>>
      %dma_start3A_109 = tpu.memref_squeeze %dma_start3A_108 : memref<1x640x128xf32, #tpu.memory_space<hbm>> -> memref<640x128xf32, #tpu.memory_space<hbm>>
      tpu.enqueue_dma source(%dma_start3A_109 : memref<640x128xf32, #tpu.memory_space<hbm>>) target(%dma_start3A_106 : memref<640x128xf32, #tpu.memory_space<vmem_shared>>) target_semaphore(%run_scoped3A : memref<!tpu.dma_semaphore, #tpu.memory_space<semaphore_mem>>)
      %dma_wait3A_110 = arith.constant 0 : i32
      %dma_wait3A_111 = tpu.memref_slice %arg22[%mul3A_6, %dma_wait3A_110] : memref<10240x128xf32, #tpu.memory_space<vmem_shared>> -> memref<640x128xf32, #tpu.memory_space<vmem_shared>>
      %dma_wait3A_112 = arith.constant 0 : i32
      %dma_wait3A_113 = tpu.memref_slice %arg6[%arg0, %mul3A_6, %dma_wait3A_112] : memref<2x10240x128xf32, #tpu.memory_space<hbm>> -> memref<1x640x128xf32, #tpu.memory_space<hbm>>
      %dma_wait3A_114 = tpu.memref_squeeze %dma_wait3A_113 : memref<1x640x128xf32, #tpu.memory_space<hbm>> -> memref<640x128xf32, #tpu.memory_space<hbm>>
      tpu.wait_dma2 semaphore(%run_scoped3A : memref<!tpu.dma_semaphore, #tpu.memory_space<semaphore_mem>>) src(%dma_wait3A_114 : memref<640x128xf32, #tpu.memory_space<hbm>>) dst(%dma_wait3A_111 : memref<640x128xf32, #tpu.memory_space<vmem_shared>>)
      tpu.yield
    }) : () -> ()
    %barrier3A = arith.constant 0 : index
    tpu.barrier barrier_id(%barrier3A)
    %dma_wait3A = arith.constant 0 : i32
    %dma_wait3A_28 = tpu.memref_slice %arg5[%mul3A_2, %dma_wait3A] : memref<102400x128xf32, #tpu.memory_space<hbm>> -> memref<40x128xf32, #tpu.memory_space<hbm>>
    %dma_wait3A_29 = arith.constant 0 : i32
    %dma_wait3A_30 = tpu.memref_slice %arg5[%mul3A_2, %dma_wait3A_29] : memref<102400x128xf32, #tpu.memory_space<hbm>> -> memref<40x128xf32, #tpu.memory_space<hbm>>
    tpu.wait_dma2 semaphore(%arg18 : memref<!tpu.dma_semaphore, #tpu.memory_space<semaphore_mem>>) src(%dma_wait3A_30 : memref<40x128xf32, #tpu.memory_space<hbm>>) dst(%arg12 : memref<40x128xf32, #tpu.memory_space<vmem>>)
    %dma_wait3A_31 = arith.constant 0 : i32
    %dma_wait3A_32 = tpu.memref_slice %arg8[%dma_wait3A_31] : memref<3200xi32, #tpu.memory_space<vmem>> -> memref<40xi32, #tpu.memory_space<vmem>>
    %dma_wait3A_33 = arith.constant 0 : i32
    %dma_wait3A_34 = arith.constant 0 : i32
    %dma_wait3A_35 = tpu.memref_slice %arg2[%dma_wait3A_33, %dma_wait3A_34] : memref<10000x128xf32, #tpu.memory_space<hbm>> -> memref<10000x128xf32, #tpu.memory_space<hbm>>
    tpu.wait_indirect_dma semaphore(%arg16 : memref<!tpu.dma_semaphore, #tpu.memory_space<semaphore_mem>>) src(%dma_wait3A_35 : memref<10000x128xf32, #tpu.memory_space<hbm>>) dst(%arg10 : memref<40x128xf32, #tpu.memory_space<vmem>>)
    %scan3A = arith.constant 0 : i32
    %scan3A_36 = arith.constant 0 : i32
    %scan3A_37 = arith.constant 40 : i32
    %scan3A_38 = arith.addi %scan3A_36, %scan3A_37 : i32
    %scan3A_39 = arith.constant 1 : i32
    scf.for %scan3A_105 = %scan3A_36 to %scan3A_38 step %scan3A_39  : i32 {
      %get3A = arith.index_cast %scan3A_105 : i32 to index
      %get3A_106 = arith.constant 0 : index
      %get3A_107 = tpu.vector_load %arg10[%get3A, %get3A_106] {strides = array<i32>} : memref<40x128xf32, #tpu.memory_space<vmem>>, vector<1x16xf32>,
      %get3A_108 = vector.shape_cast %get3A_107 : vector<1x16xf32> to vector<16xf32>
      %get3A_109 = arith.index_cast %scan3A_105 : i32 to index
      %get3A_110 = arith.constant 0 : index
      %get3A_111 = tpu.vector_load %arg12[%get3A_109, %get3A_110] {strides = array<i32>} : memref<40x128xf32, #tpu.memory_space<vmem>>, vector<1x16xf32>,
      %get3A_112 = vector.shape_cast %get3A_111 : vector<1x16xf32> to vector<16xf32>
      %mul3A_113 = arith.mulf %get3A_108, %get3A_112 : vector<16xf32>
      %swap3A = arith.index_cast %scan3A_105 : i32 to index
      %swap3A_114 = arith.constant 0 : index
      %swap3A_115 = tpu.vector_load %arg14[%swap3A, %swap3A_114] {strides = array<i32>} : memref<40x128xf32, #tpu.memory_space<vmem>>, vector<1x16xf32>,
      %swap3A_116 = vector.shape_cast %swap3A_115 : vector<1x16xf32> to vector<16xf32>
      %swap3A_117 = vector.shape_cast %mul3A_113 : vector<16xf32> to vector<1x16xf32>
      tpu.vector_store %arg14[%swap3A, %swap3A_114], %swap3A_117 {strides = array<i32>} : memref<40x128xf32, #tpu.memory_space<vmem>>, vector<1x16xf32>,
      %get3A_118 = arith.index_cast %scan3A_105 : i32 to index
      %get3A_119 = arith.constant 16 : index
      %get3A_120 = tpu.vector_load %arg10[%get3A_118, %get3A_119] {strides = array<i32>} : memref<40x128xf32, #tpu.memory_space<vmem>>, vector<1x16xf32>,
      %get3A_121 = vector.shape_cast %get3A_120 : vector<1x16xf32> to vector<16xf32>
      %get3A_122 = arith.index_cast %scan3A_105 : i32 to index
      %get3A_123 = arith.constant 16 : index
      %get3A_124 = tpu.vector_load %arg12[%get3A_122, %get3A_123] {strides = array<i32>} : memref<40x128xf32, #tpu.memory_space<vmem>>, vector<1x16xf32>,
      %get3A_125 = vector.shape_cast %get3A_124 : vector<1x16xf32> to vector<16xf32>
      %mul3A_126 = arith.mulf %get3A_121, %get3A_125 : vector<16xf32>
      %swap3A_127 = arith.index_cast %scan3A_105 : i32 to index
      %swap3A_128 = arith.constant 16 : index
      %swap3A_129 = tpu.vector_load %arg14[%swap3A_127, %swap3A_128] {strides = array<i32>} : memref<40x128xf32, #tpu.memory_space<vmem>>, vector<1x16xf32>,
      %swap3A_130 = vector.shape_cast %swap3A_129 : vector<1x16xf32> to vector<16xf32>
      %swap3A_131 = vector.shape_cast %mul3A_126 : vector<16xf32> to vector<1x16xf32>
      tpu.vector_store %arg14[%swap3A_127, %swap3A_128], %swap3A_131 {strides = array<i32>} : memref<40x128xf32, #tpu.memory_space<vmem>>, vector<1x16xf32>,
      %get3A_132 = arith.index_cast %scan3A_105 : i32 to index
      %get3A_133 = arith.constant 32 : index
      %get3A_134 = tpu.vector_load %arg10[%get3A_132, %get3A_133] {strides = array<i32>} : memref<40x128xf32, #tpu.memory_space<vmem>>, vector<1x16xf32>,
      %get3A_135 = vector.shape_cast %get3A_134 : vector<1x16xf32> to vector<16xf32>
      %get3A_136 = arith.index_cast %scan3A_105 : i32 to index
      %get3A_137 = arith.constant 32 : index
      %get3A_138 = tpu.vector_load %arg12[%get3A_136, %get3A_137] {strides = array<i32>} : memref<40x128xf32, #tpu.memory_space<vmem>>, vector<1x16xf32>,
      %get3A_139 = vector.shape_cast %get3A_138 : vector<1x16xf32> to vector<16xf32>
      %mul3A_140 = arith.mulf %get3A_135, %get3A_139 : vector<16xf32>
      %swap3A_141 = arith.index_cast %scan3A_105 : i32 to index
      %swap3A_142 = arith.constant 32 : index
      %swap3A_143 = tpu.vector_load %arg14[%swap3A_141, %swap3A_142] {strides = array<i32>} : memref<40x128xf32, #tpu.memory_space<vmem>>, vector<1x16xf32>,
      %swap3A_144 = vector.shape_cast %swap3A_143 : vector<1x16xf32> to vector<16xf32>
      %swap3A_145 = vector.shape_cast %mul3A_140 : vector<16xf32> to vector<1x16xf32>
      tpu.vector_store %arg14[%swap3A_141, %swap3A_142], %swap3A_145 {strides = array<i32>} : memref<40x128xf32, #tpu.memory_space<vmem>>, vector<1x16xf32>,
      %get3A_146 = arith.index_cast %scan3A_105 : i32 to index
      %get3A_147 = arith.constant 48 : index
      %get3A_148 = tpu.vector_load %arg10[%get3A_146, %get3A_147] {strides = array<i32>} : memref<40x128xf32, #tpu.memory_space<vmem>>, vector<1x16xf32>,
      %get3A_149 = vector.shape_cast %get3A_148 : vector<1x16xf32> to vector<16xf32>
      %get3A_150 = arith.index_cast %scan3A_105 : i32 to index
      %get3A_151 = arith.constant 48 : index
      %get3A_152 = tpu.vector_load %arg12[%get3A_150, %get3A_151] {strides = array<i32>} : memref<40x128xf32, #tpu.memory_space<vmem>>, vector<1x16xf32>,
      %get3A_153 = vector.shape_cast %get3A_152 : vector<1x16xf32> to vector<16xf32>
      %mul3A_154 = arith.mulf %get3A_149, %get3A_153 : vector<16xf32>
      %swap3A_155 = arith.index_cast %scan3A_105 : i32 to index
      %swap3A_156 = arith.constant 48 : index
      %swap3A_157 = tpu.vector_load %arg14[%swap3A_155, %swap3A_156] {strides = array<i32>} : memref<40x128xf32, #tpu.memory_space<vmem>>, vector<1x16xf32>,
      %swap3A_158 = vector.shape_cast %swap3A_157 : vector<1x16xf32> to vector<16xf32>
      %swap3A_159 = vector.shape_cast %mul3A_154 : vector<16xf32> to vector<1x16xf32>
      tpu.vector_store %arg14[%swap3A_155, %swap3A_156], %swap3A_159 {strides = array<i32>} : memref<40x128xf32, #tpu.memory_space<vmem>>, vector<1x16xf32>,
      %get3A_160 = arith.index_cast %scan3A_105 : i32 to index
      %get3A_161 = arith.constant 64 : index
      %get3A_162 = tpu.vector_load %arg10[%get3A_160, %get3A_161] {strides = array<i32>} : memref<40x128xf32, #tpu.memory_space<vmem>>, vector<1x16xf32>,
      %get3A_163 = vector.shape_cast %get3A_162 : vector<1x16xf32> to vector<16xf32>
      %get3A_164 = arith.index_cast %scan3A_105 : i32 to index
      %get3A_165 = arith.constant 64 : index
      %get3A_166 = tpu.vector_load %arg12[%get3A_164, %get3A_165] {strides = array<i32>} : memref<40x128xf32, #tpu.memory_space<vmem>>, vector<1x16xf32>,
      %get3A_167 = vector.shape_cast %get3A_166 : vector<1x16xf32> to vector<16xf32>
      %mul3A_168 = arith.mulf %get3A_163, %get3A_167 : vector<16xf32>
      %swap3A_169 = arith.index_cast %scan3A_105 : i32 to index
      %swap3A_170 = arith.constant 64 : index
      %swap3A_171 = tpu.vector_load %arg14[%swap3A_169, %swap3A_170] {strides = array<i32>} : memref<40x128xf32, #tpu.memory_space<vmem>>, vector<1x16xf32>,
      %swap3A_172 = vector.shape_cast %swap3A_171 : vector<1x16xf32> to vector<16xf32>
      %swap3A_173 = vector.shape_cast %mul3A_168 : vector<16xf32> to vector<1x16xf32>
      tpu.vector_store %arg14[%swap3A_169, %swap3A_170], %swap3A_173 {strides = array<i32>} : memref<40x128xf32, #tpu.memory_space<vmem>>, vector<1x16xf32>,
      %get3A_174 = arith.index_cast %scan3A_105 : i32 to index
      %get3A_175 = arith.constant 80 : index
      %get3A_176 = tpu.vector_load %arg10[%get3A_174, %get3A_175] {strides = array<i32>} : memref<40x128xf32, #tpu.memory_space<vmem>>, vector<1x16xf32>,
      %get3A_177 = vector.shape_cast %get3A_176 : vector<1x16xf32> to vector<16xf32>
      %get3A_178 = arith.index_cast %scan3A_105 : i32 to index
      %get3A_179 = arith.constant 80 : index
      %get3A_180 = tpu.vector_load %arg12[%get3A_178, %get3A_179] {strides = array<i32>} : memref<40x128xf32, #tpu.memory_space<vmem>>, vector<1x16xf32>,
      %get3A_181 = vector.shape_cast %get3A_180 : vector<1x16xf32> to vector<16xf32>
      %mul3A_182 = arith.mulf %get3A_177, %get3A_181 : vector<16xf32>
      %swap3A_183 = arith.index_cast %scan3A_105 : i32 to index
      %swap3A_184 = arith.constant 80 : index
      %swap3A_185 = tpu.vector_load %arg14[%swap3A_183, %swap3A_184] {strides = array<i32>} : memref<40x128xf32, #tpu.memory_space<vmem>>, vector<1x16xf32>,
      %swap3A_186 = vector.shape_cast %swap3A_185 : vector<1x16xf32> to vector<16xf32>
      %swap3A_187 = vector.shape_cast %mul3A_182 : vector<16xf32> to vector<1x16xf32>
      tpu.vector_store %arg14[%swap3A_183, %swap3A_184], %swap3A_187 {strides = array<i32>} : memref<40x128xf32, #tpu.memory_space<vmem>>, vector<1x16xf32>,
      %get3A_188 = arith.index_cast %scan3A_105 : i32 to index
      %get3A_189 = arith.constant 96 : index
      %get3A_190 = tpu.vector_load %arg10[%get3A_188, %get3A_189] {strides = array<i32>} : memref<40x128xf32, #tpu.memory_space<vmem>>, vector<1x16xf32>,
      %get3A_191 = vector.shape_cast %get3A_190 : vector<1x16xf32> to vector<16xf32>
      %get3A_192 = arith.index_cast %scan3A_105 : i32 to index
      %get3A_193 = arith.constant 96 : index
      %get3A_194 = tpu.vector_load %arg12[%get3A_192, %get3A_193] {strides = array<i32>} : memref<40x128xf32, #tpu.memory_space<vmem>>, vector<1x16xf32>,
      %get3A_195 = vector.shape_cast %get3A_194 : vector<1x16xf32> to vector<16xf32>
      %mul3A_196 = arith.mulf %get3A_191, %get3A_195 : vector<16xf32>
      %swap3A_197 = arith.index_cast %scan3A_105 : i32 to index
      %swap3A_198 = arith.constant 96 : index
      %swap3A_199 = tpu.vector_load %arg14[%swap3A_197, %swap3A_198] {strides = array<i32>} : memref<40x128xf32, #tpu.memory_space<vmem>>, vector<1x16xf32>,
      %swap3A_200 = vector.shape_cast %swap3A_199 : vector<1x16xf32> to vector<16xf32>
      %swap3A_201 = vector.shape_cast %mul3A_196 : vector<16xf32> to vector<1x16xf32>
      tpu.vector_store %arg14[%swap3A_197, %swap3A_198], %swap3A_201 {strides = array<i32>} : memref<40x128xf32, #tpu.memory_space<vmem>>, vector<1x16xf32>,
      %get3A_202 = arith.index_cast %scan3A_105 : i32 to index
      %get3A_203 = arith.constant 112 : index
      %get3A_204 = tpu.vector_load %arg10[%get3A_202, %get3A_203] {strides = array<i32>} : memref<40x128xf32, #tpu.memory_space<vmem>>, vector<1x16xf32>,
      %get3A_205 = vector.shape_cast %get3A_204 : vector<1x16xf32> to vector<16xf32>
      %get3A_206 = arith.index_cast %scan3A_105 : i32 to index
      %get3A_207 = arith.constant 112 : index
      %get3A_208 = tpu.vector_load %arg12[%get3A_206, %get3A_207] {strides = array<i32>} : memref<40x128xf32, #tpu.memory_space<vmem>>, vector<1x16xf32>,
      %get3A_209 = vector.shape_cast %get3A_208 : vector<1x16xf32> to vector<16xf32>
      %mul3A_210 = arith.mulf %get3A_205, %get3A_209 : vector<16xf32>
      %swap3A_211 = arith.index_cast %scan3A_105 : i32 to index
      %swap3A_212 = arith.constant 112 : index
      %swap3A_213 = tpu.vector_load %arg14[%swap3A_211, %swap3A_212] {strides = array<i32>} : memref<40x128xf32, #tpu.memory_space<vmem>>, vector<1x16xf32>,
      %swap3A_214 = vector.shape_cast %swap3A_213 : vector<1x16xf32> to vector<16xf32>
      %swap3A_215 = vector.shape_cast %mul3A_210 : vector<16xf32> to vector<1x16xf32>
      tpu.vector_store %arg14[%swap3A_211, %swap3A_212], %swap3A_215 {strides = array<i32>} : memref<40x128xf32, #tpu.memory_space<vmem>>, vector<1x16xf32>,
    }
    %scan3A_40 = arith.constant 40 : i32
    %dma_start3A_41 = arith.constant 0 : i32
    %dma_start3A_42 = tpu.memref_slice %arg9[%dma_start3A_41] : memref<3200xi32, #tpu.memory_space<vmem>> -> memref<40xi32, #tpu.memory_space<vmem>>
    %dma_start3A_43 = arith.constant 0 : i32
    %dma_start3A_44 = arith.constant 0 : i32
    %dma_start3A_45 = tpu.memref_slice %arg22[%dma_start3A_43, %dma_start3A_44] : memref<10240x128xf32, #tpu.memory_space<vmem_shared>> -> memref<10240x128xf32, #tpu.memory_space<vmem_shared>>
    tpu.enqueue_indirect_dma source(%arg14 : memref<40x128xf32, #tpu.memory_space<vmem>>) target(%dma_start3A_45 : memref<10240x128xf32, #tpu.memory_space<vmem_shared>>) offsets(%dma_start3A_42 : memref<40xi32, #tpu.memory_space<vmem>>) semaphore(%arg20 : memref<!tpu.dma_semaphore, #tpu.memory_space<semaphore_mem>>) {add = true}
    %add3A_46 = arith.constant 80 : i32
    %add3A_47 = arith.addi %mul3A_2, %add3A_46 : i32
    %dma_start3A_48 = arith.constant 0 : i32
    %dma_start3A_49 = tpu.memref_slice %arg5[%add3A_47, %dma_start3A_48] : memref<102400x128xf32, #tpu.memory_space<hbm>> -> memref<40x128xf32, #tpu.memory_space<hbm>>
    %dma_start3A_50 = arith.constant 0 : i32
    %dma_start3A_51 = tpu.memref_slice %arg5[%add3A_47, %dma_start3A_50] : memref<102400x128xf32, #tpu.memory_space<hbm>> -> memref<40x128xf32, #tpu.memory_space<hbm>>
    tpu.enqueue_dma source(%dma_start3A_51 : memref<40x128xf32, #tpu.memory_space<hbm>>) target(%arg12 : memref<40x128xf32, #tpu.memory_space<vmem>>) target_semaphore(%arg18 : memref<!tpu.dma_semaphore, #tpu.memory_space<semaphore_mem>>)
    %dma_start3A_52 = arith.constant 80 : i32
    %dma_start3A_53 = tpu.memref_slice %arg8[%dma_start3A_52] : memref<3200xi32, #tpu.memory_space<vmem>> -> memref<40xi32, #tpu.memory_space<vmem>>
    %dma_start3A_54 = arith.constant 0 : i32
    %dma_start3A_55 = arith.constant 0 : i32
    %dma_start3A_56 = tpu.memref_slice %arg2[%dma_start3A_54, %dma_start3A_55] : memref<10000x128xf32, #tpu.memory_space<hbm>> -> memref<10000x128xf32, #tpu.memory_space<hbm>>
    tpu.enqueue_indirect_dma source(%dma_start3A_56 : memref<10000x128xf32, #tpu.memory_space<hbm>>) target(%arg10 : memref<40x128xf32, #tpu.memory_space<vmem>>) offsets(%dma_start3A_53 : memref<40xi32, #tpu.memory_space<vmem>>) semaphore(%arg16 : memref<!tpu.dma_semaphore, #tpu.memory_space<semaphore_mem>>)
    %dma_wait3A_57 = arith.constant 0 : i32
    %dma_wait3A_58 = tpu.memref_slice %arg5[%mul3A_2, %dma_wait3A_57] : memref<102400x128xf32, #tpu.memory_space<hbm>> -> memref<40x128xf32, #tpu.memory_space<hbm>>
    %dma_wait3A_59 = arith.constant 0 : i32
    %dma_wait3A_60 = tpu.memref_slice %arg5[%mul3A_2, %dma_wait3A_59] : memref<102400x128xf32, #tpu.memory_space<hbm>> -> memref<40x128xf32, #tpu.memory_space<hbm>>
    tpu.wait_dma2 semaphore(%arg19 : memref<!tpu.dma_semaphore, #tpu.memory_space<semaphore_mem>>) src(%dma_wait3A_60 : memref<40x128xf32, #tpu.memory_space<hbm>>) dst(%arg13 : memref<40x128xf32, #tpu.memory_space<vmem>>)
    %dma_wait3A_61 = arith.constant 0 : i32
    %dma_wait3A_62 = tpu.memref_slice %arg8[%dma_wait3A_61] : memref<3200xi32, #tpu.memory_space<vmem>> -> memref<40xi32, #tpu.memory_space<vmem>>
    %dma_wait3A_63 = arith.constant 0 : i32
    %dma_wait3A_64 = arith.constant 0 : i32
    %dma_wait3A_65 = tpu.memref_slice %arg2[%dma_wait3A_63, %dma_wait3A_64] : memref<10000x128xf32, #tpu.memory_space<hbm>> -> memref<10000x128xf32, #tpu.memory_space<hbm>>
    tpu.wait_indirect_dma semaphore(%arg17 : memref<!tpu.dma_semaphore, #tpu.memory_space<semaphore_mem>>) src(%dma_wait3A_65 : memref<10000x128xf32, #tpu.memory_space<hbm>>) dst(%arg11 : memref<40x128xf32, #tpu.memory_space<vmem>>)
    %scan3A_66 = arith.constant 0 : i32
    %scan3A_67 = arith.constant 0 : i32
    %scan3A_68 = arith.constant 40 : i32
    %scan3A_69 = arith.addi %scan3A_67, %scan3A_68 : i32
    %scan3A_70 = arith.constant 1 : i32
    scf.for %scan3A_105 = %scan3A_67 to %scan3A_69 step %scan3A_70  : i32 {
      %get3A = arith.index_cast %scan3A_105 : i32 to index
      %get3A_106 = arith.constant 0 : index
      %get3A_107 = tpu.vector_load %arg11[%get3A, %get3A_106] {strides = array<i32>} : memref<40x128xf32, #tpu.memory_space<vmem>>, vector<1x16xf32>,
      %get3A_108 = vector.shape_cast %get3A_107 : vector<1x16xf32> to vector<16xf32>
      %get3A_109 = arith.index_cast %scan3A_105 : i32 to index
      %get3A_110 = arith.constant 0 : index
      %get3A_111 = tpu.vector_load %arg13[%get3A_109, %get3A_110] {strides = array<i32>} : memref<40x128xf32, #tpu.memory_space<vmem>>, vector<1x16xf32>,
      %get3A_112 = vector.shape_cast %get3A_111 : vector<1x16xf32> to vector<16xf32>
      %mul3A_113 = arith.mulf %get3A_108, %get3A_112 : vector<16xf32>
      %swap3A = arith.index_cast %scan3A_105 : i32 to index
      %swap3A_114 = arith.constant 0 : index
      %swap3A_115 = tpu.vector_load %arg15[%swap3A, %swap3A_114] {strides = array<i32>} : memref<40x128xf32, #tpu.memory_space<vmem>>, vector<1x16xf32>,
      %swap3A_116 = vector.shape_cast %swap3A_115 : vector<1x16xf32> to vector<16xf32>
      %swap3A_117 = vector.shape_cast %mul3A_113 : vector<16xf32> to vector<1x16xf32>
      tpu.vector_store %arg15[%swap3A, %swap3A_114], %swap3A_117 {strides = array<i32>} : memref<40x128xf32, #tpu.memory_space<vmem>>, vector<1x16xf32>,
      %get3A_118 = arith.index_cast %scan3A_105 : i32 to index
      %get3A_119 = arith.constant 16 : index
      %get3A_120 = tpu.vector_load %arg11[%get3A_118, %get3A_119] {strides = array<i32>} : memref<40x128xf32, #tpu.memory_space<vmem>>, vector<1x16xf32>,
      %get3A_121 = vector.shape_cast %get3A_120 : vector<1x16xf32> to vector<16xf32>
      %get3A_122 = arith.index_cast %scan3A_105 : i32 to index
      %get3A_123 = arith.constant 16 : index
      %get3A_124 = tpu.vector_load %arg13[%get3A_122, %get3A_123] {strides = array<i32>} : memref<40x128xf32, #tpu.memory_space<vmem>>, vector<1x16xf32>,
      %get3A_125 = vector.shape_cast %get3A_124 : vector<1x16xf32> to vector<16xf32>
      %mul3A_126 = arith.mulf %get3A_121, %get3A_125 : vector<16xf32>
      %swap3A_127 = arith.index_cast %scan3A_105 : i32 to index
      %swap3A_128 = arith.constant 16 : index
      %swap3A_129 = tpu.vector_load %arg15[%swap3A_127, %swap3A_128] {strides = array<i32>} : memref<40x128xf32, #tpu.memory_space<vmem>>, vector<1x16xf32>,
      %swap3A_130 = vector.shape_cast %swap3A_129 : vector<1x16xf32> to vector<16xf32>
      %swap3A_131 = vector.shape_cast %mul3A_126 : vector<16xf32> to vector<1x16xf32>
      tpu.vector_store %arg15[%swap3A_127, %swap3A_128], %swap3A_131 {strides = array<i32>} : memref<40x128xf32, #tpu.memory_space<vmem>>, vector<1x16xf32>,
      %get3A_132 = arith.index_cast %scan3A_105 : i32 to index
      %get3A_133 = arith.constant 32 : index
      %get3A_134 = tpu.vector_load %arg11[%get3A_132, %get3A_133] {strides = array<i32>} : memref<40x128xf32, #tpu.memory_space<vmem>>, vector<1x16xf32>,
      %get3A_135 = vector.shape_cast %get3A_134 : vector<1x16xf32> to vector<16xf32>
      %get3A_136 = arith.index_cast %scan3A_105 : i32 to index
      %get3A_137 = arith.constant 32 : index
      %get3A_138 = tpu.vector_load %arg13[%get3A_136, %get3A_137] {strides = array<i32>} : memref<40x128xf32, #tpu.memory_space<vmem>>, vector<1x16xf32>,
      %get3A_139 = vector.shape_cast %get3A_138 : vector<1x16xf32> to vector<16xf32>
      %mul3A_140 = arith.mulf %get3A_135, %get3A_139 : vector<16xf32>
      %swap3A_141 = arith.index_cast %scan3A_105 : i32 to index
      %swap3A_142 = arith.constant 32 : index
      %swap3A_143 = tpu.vector_load %arg15[%swap3A_141, %swap3A_142] {strides = array<i32>} : memref<40x128xf32, #tpu.memory_space<vmem>>, vector<1x16xf32>,
      %swap3A_144 = vector.shape_cast %swap3A_143 : vector<1x16xf32> to vector<16xf32>
      %swap3A_145 = vector.shape_cast %mul3A_140 : vector<16xf32> to vector<1x16xf32>
      tpu.vector_store %arg15[%swap3A_141, %swap3A_142], %swap3A_145 {strides = array<i32>} : memref<40x128xf32, #tpu.memory_space<vmem>>, vector<1x16xf32>,
      %get3A_146 = arith.index_cast %scan3A_105 : i32 to index
      %get3A_147 = arith.constant 48 : index
      %get3A_148 = tpu.vector_load %arg11[%get3A_146, %get3A_147] {strides = array<i32>} : memref<40x128xf32, #tpu.memory_space<vmem>>, vector<1x16xf32>,
      %get3A_149 = vector.shape_cast %get3A_148 : vector<1x16xf32> to vector<16xf32>
      %get3A_150 = arith.index_cast %scan3A_105 : i32 to index
      %get3A_151 = arith.constant 48 : index
      %get3A_152 = tpu.vector_load %arg13[%get3A_150, %get3A_151] {strides = array<i32>} : memref<40x128xf32, #tpu.memory_space<vmem>>, vector<1x16xf32>,
      %get3A_153 = vector.shape_cast %get3A_152 : vector<1x16xf32> to vector<16xf32>
      %mul3A_154 = arith.mulf %get3A_149, %get3A_153 : vector<16xf32>
      %swap3A_155 = arith.index_cast %scan3A_105 : i32 to index
      %swap3A_156 = arith.constant 48 : index
      %swap3A_157 = tpu.vector_load %arg15[%swap3A_155, %swap3A_156] {strides = array<i32>} : memref<40x128xf32, #tpu.memory_space<vmem>>, vector<1x16xf32>,
      %swap3A_158 = vector.shape_cast %swap3A_157 : vector<1x16xf32> to vector<16xf32>
      %swap3A_159 = vector.shape_cast %mul3A_154 : vector<16xf32> to vector<1x16xf32>
      tpu.vector_store %arg15[%swap3A_155, %swap3A_156], %swap3A_159 {strides = array<i32>} : memref<40x128xf32, #tpu.memory_space<vmem>>, vector<1x16xf32>,
      %get3A_160 = arith.index_cast %scan3A_105 : i32 to index
      %get3A_161 = arith.constant 64 : index
      %get3A_162 = tpu.vector_load %arg11[%get3A_160, %get3A_161] {strides = array<i32>} : memref<40x128xf32, #tpu.memory_space<vmem>>, vector<1x16xf32>,
      %get3A_163 = vector.shape_cast %get3A_162 : vector<1x16xf32> to vector<16xf32>
      %get3A_164 = arith.index_cast %scan3A_105 : i32 to index
      %get3A_165 = arith.constant 64 : index
      %get3A_166 = tpu.vector_load %arg13[%get3A_164, %get3A_165] {strides = array<i32>} : memref<40x128xf32, #tpu.memory_space<vmem>>, vector<1x16xf32>,
      %get3A_167 = vector.shape_cast %get3A_166 : vector<1x16xf32> to vector<16xf32>
      %mul3A_168 = arith.mulf %get3A_163, %get3A_167 : vector<16xf32>
      %swap3A_169 = arith.index_cast %scan3A_105 : i32 to index
      %swap3A_170 = arith.constant 64 : index
      %swap3A_171 = tpu.vector_load %arg15[%swap3A_169, %swap3A_170] {strides = array<i32>} : memref<40x128xf32, #tpu.memory_space<vmem>>, vector<1x16xf32>,
      %swap3A_172 = vector.shape_cast %swap3A_171 : vector<1x16xf32> to vector<16xf32>
      %swap3A_173 = vector.shape_cast %mul3A_168 : vector<16xf32> to vector<1x16xf32>
      tpu.vector_store %arg15[%swap3A_169, %swap3A_170], %swap3A_173 {strides = array<i32>} : memref<40x128xf32, #tpu.memory_space<vmem>>, vector<1x16xf32>,
      %get3A_174 = arith.index_cast %scan3A_105 : i32 to index
      %get3A_175 = arith.constant 80 : index
      %get3A_176 = tpu.vector_load %arg11[%get3A_174, %get3A_175] {strides = array<i32>} : memref<40x128xf32, #tpu.memory_space<vmem>>, vector<1x16xf32>,
      %get3A_177 = vector.shape_cast %get3A_176 : vector<1x16xf32> to vector<16xf32>
      %get3A_178 = arith.index_cast %scan3A_105 : i32 to index
      %get3A_179 = arith.constant 80 : index
      %get3A_180 = tpu.vector_load %arg13[%get3A_178, %get3A_179] {strides = array<i32>} : memref<40x128xf32, #tpu.memory_space<vmem>>, vector<1x16xf32>,
      %get3A_181 = vector.shape_cast %get3A_180 : vector<1x16xf32> to vector<16xf32>
      %mul3A_182 = arith.mulf %get3A_177, %get3A_181 : vector<16xf32>
      %swap3A_183 = arith.index_cast %scan3A_105 : i32 to index
      %swap3A_184 = arith.constant 80 : index
      %swap3A_185 = tpu.vector_load %arg15[%swap3A_183, %swap3A_184] {strides = array<i32>} : memref<40x128xf32, #tpu.memory_space<vmem>>, vector<1x16xf32>,
      %swap3A_186 = vector.shape_cast %swap3A_185 : vector<1x16xf32> to vector<16xf32>
      %swap3A_187 = vector.shape_cast %mul3A_182 : vector<16xf32> to vector<1x16xf32>
      tpu.vector_store %arg15[%swap3A_183, %swap3A_184], %swap3A_187 {strides = array<i32>} : memref<40x128xf32, #tpu.memory_space<vmem>>, vector<1x16xf32>,
      %get3A_188 = arith.index_cast %scan3A_105 : i32 to index
      %get3A_189 = arith.constant 96 : index
      %get3A_190 = tpu.vector_load %arg11[%get3A_188, %get3A_189] {strides = array<i32>} : memref<40x128xf32, #tpu.memory_space<vmem>>, vector<1x16xf32>,
      %get3A_191 = vector.shape_cast %get3A_190 : vector<1x16xf32> to vector<16xf32>
      %get3A_192 = arith.index_cast %scan3A_105 : i32 to index
      %get3A_193 = arith.constant 96 : index
      %get3A_194 = tpu.vector_load %arg13[%get3A_192, %get3A_193] {strides = array<i32>} : memref<40x128xf32, #tpu.memory_space<vmem>>, vector<1x16xf32>,
      %get3A_195 = vector.shape_cast %get3A_194 : vector<1x16xf32> to vector<16xf32>
      %mul3A_196 = arith.mulf %get3A_191, %get3A_195 : vector<16xf32>
      %swap3A_197 = arith.index_cast %scan3A_105 : i32 to index
      %swap3A_198 = arith.constant 96 : index
      %swap3A_199 = tpu.vector_load %arg15[%swap3A_197, %swap3A_198] {strides = array<i32>} : memref<40x128xf32, #tpu.memory_space<vmem>>, vector<1x16xf32>,
      %swap3A_200 = vector.shape_cast %swap3A_199 : vector<1x16xf32> to vector<16xf32>
      %swap3A_201 = vector.shape_cast %mul3A_196 : vector<16xf32> to vector<1x16xf32>
      tpu.vector_store %arg15[%swap3A_197, %swap3A_198], %swap3A_201 {strides = array<i32>} : memref<40x128xf32, #tpu.memory_space<vmem>>, vector<1x16xf32>,
      %get3A_202 = arith.index_cast %scan3A_105 : i32 to index
      %get3A_203 = arith.constant 112 : index
      %get3A_204 = tpu.vector_load %arg11[%get3A_202, %get3A_203] {strides = array<i32>} : memref<40x128xf32, #tpu.memory_space<vmem>>, vector<1x16xf32>,
      %get3A_205 = vector.shape_cast %get3A_204 : vector<1x16xf32> to vector<16xf32>
      %get3A_206 = arith.index_cast %scan3A_105 : i32 to index
      %get3A_207 = arith.constant 112 : index
      %get3A_208 = tpu.vector_load %arg13[%get3A_206, %get3A_207] {strides = array<i32>} : memref<40x128xf32, #tpu.memory_space<vmem>>, vector<1x16xf32>,
      %get3A_209 = vector.shape_cast %get3A_208 : vector<1x16xf32> to vector<16xf32>
      %mul3A_210 = arith.mulf %get3A_205, %get3A_209 : vector<16xf32>
      %swap3A_211 = arith.index_cast %scan3A_105 : i32 to index
      %swap3A_212 = arith.constant 112 : index
      %swap3A_213 = tpu.vector_load %arg15[%swap3A_211, %swap3A_212] {strides = array<i32>} : memref<40x128xf32, #tpu.memory_space<vmem>>, vector<1x16xf32>,
      %swap3A_214 = vector.shape_cast %swap3A_213 : vector<1x16xf32> to vector<16xf32>
      %swap3A_215 = vector.shape_cast %mul3A_210 : vector<16xf32> to vector<1x16xf32>
      tpu.vector_store %arg15[%swap3A_211, %swap3A_212], %swap3A_215 {strides = array<i32>} : memref<40x128xf32, #tpu.memory_space<vmem>>, vector<1x16xf32>,
    }
    %scan3A_71 = arith.constant 40 : i32
    %dma_start3A_72 = arith.constant 40 : i32
    %dma_start3A_73 = tpu.memref_slice %arg9[%dma_start3A_72] : memref<3200xi32, #tpu.memory_space<vmem>> -> memref<40xi32, #tpu.memory_space<vmem>>
    %dma_start3A_74 = arith.constant 0 : i32
    %dma_start3A_75 = arith.constant 0 : i32
    %dma_start3A_76 = tpu.memref_slice %arg22[%dma_start3A_74, %dma_start3A_75] : memref<10240x128xf32, #tpu.memory_space<vmem_shared>> -> memref<10240x128xf32, #tpu.memory_space<vmem_shared>>
    tpu.enqueue_indirect_dma source(%arg15 : memref<40x128xf32, #tpu.memory_space<vmem>>) target(%dma_start3A_76 : memref<10240x128xf32, #tpu.memory_space<vmem_shared>>) offsets(%dma_start3A_73 : memref<40xi32, #tpu.memory_space<vmem>>) semaphore(%arg21 : memref<!tpu.dma_semaphore, #tpu.memory_space<semaphore_mem>>) {add = true}
    %add3A_77 = arith.constant 120 : i32
    %add3A_78 = arith.addi %mul3A_2, %add3A_77 : i32
    %dma_start3A_79 = arith.constant 0 : i32
    %dma_start3A_80 = tpu.memref_slice %arg5[%add3A_78, %dma_start3A_79] : memref<102400x128xf32, #tpu.memory_space<hbm>> -> memref<40x128xf32, #tpu.memory_space<hbm>>
    %dma_start3A_81 = arith.constant 0 : i32
    %dma_start3A_82 = tpu.memref_slice %arg5[%add3A_78, %dma_start3A_81] : memref<102400x128xf32, #tpu.memory_space<hbm>> -> memref<40x128xf32, #tpu.memory_space<hbm>>
    tpu.enqueue_dma source(%dma_start3A_82 : memref<40x128xf32, #tpu.memory_space<hbm>>) target(%arg13 : memref<40x128xf32, #tpu.memory_space<vmem>>) target_semaphore(%arg19 : memref<!tpu.dma_semaphore, #tpu.memory_space<semaphore_mem>>)
    %dma_start3A_83 = arith.constant 120 : i32
    %dma_start3A_84 = tpu.memref_slice %arg8[%dma_start3A_83] : memref<3200xi32, #tpu.memory_space<vmem>> -> memref<40xi32, #tpu.memory_space<vmem>>
    %dma_start3A_85 = arith.constant 0 : i32
    %dma_start3A_86 = arith.constant 0 : i32
    %dma_start3A_87 = tpu.memref_slice %arg2[%dma_start3A_85, %dma_start3A_86] : memref<10000x128xf32, #tpu.memory_space<hbm>> -> memref<10000x128xf32, #tpu.memory_space<hbm>>
    tpu.enqueue_indirect_dma source(%dma_start3A_87 : memref<10000x128xf32, #tpu.memory_space<hbm>>) target(%arg11 : memref<40x128xf32, #tpu.memory_space<vmem>>) offsets(%dma_start3A_84 : memref<40xi32, #tpu.memory_space<vmem>>) semaphore(%arg17 : memref<!tpu.dma_semaphore, #tpu.memory_space<semaphore_mem>>)
    %scan3A_88 = arith.constant 0 : i32
    %scan3A_89 = arith.constant 1 : i32
    %scan3A_90 = arith.constant 39 : i32
    %scan3A_91 = arith.addi %scan3A_89, %scan3A_90 : i32
    %scan3A_92 = arith.constant 1 : i32
    scf.for %scan3A_105 = %scan3A_89 to %scan3A_91 step %scan3A_92  : i32 {
      %mul3A_106 = arith.constant 2 : i32
      %mul3A_107 = arith.muli %mul3A_106, %scan3A_105 : i32
      %add3A_108 = arith.constant 0 : i32
      %add3A_109 = arith.addi %mul3A_107, %add3A_108 : i32
      %dma_wait3A_110 = arith.constant 0 : i32
      %dma_wait3A_111 = tpu.memref_slice %arg5[%mul3A_2, %dma_wait3A_110] : memref<102400x128xf32, #tpu.memory_space<hbm>> -> memref<40x128xf32, #tpu.memory_space<hbm>>
      %dma_wait3A_112 = arith.constant 0 : i32
      %dma_wait3A_113 = tpu.memref_slice %arg5[%mul3A_2, %dma_wait3A_112] : memref<102400x128xf32, #tpu.memory_space<hbm>> -> memref<40x128xf32, #tpu.memory_space<hbm>>
      tpu.wait_dma2 semaphore(%arg18 : memref<!tpu.dma_semaphore, #tpu.memory_space<semaphore_mem>>) src(%dma_wait3A_113 : memref<40x128xf32, #tpu.memory_space<hbm>>) dst(%arg12 : memref<40x128xf32, #tpu.memory_space<vmem>>)
      %dma_wait3A_114 = arith.constant 0 : i32
      %dma_wait3A_115 = tpu.memref_slice %arg8[%dma_wait3A_114] : memref<3200xi32, #tpu.memory_space<vmem>> -> memref<40xi32, #tpu.memory_space<vmem>>
      %dma_wait3A_116 = arith.constant 0 : i32
      %dma_wait3A_117 = arith.constant 0 : i32
      %dma_wait3A_118 = tpu.memref_slice %arg2[%dma_wait3A_116, %dma_wait3A_117] : memref<10000x128xf32, #tpu.memory_space<hbm>> -> memref<10000x128xf32, #tpu.memory_space<hbm>>
      tpu.wait_indirect_dma semaphore(%arg16 : memref<!tpu.dma_semaphore, #tpu.memory_space<semaphore_mem>>) src(%dma_wait3A_118 : memref<10000x128xf32, #tpu.memory_space<hbm>>) dst(%arg10 : memref<40x128xf32, #tpu.memory_space<vmem>>)
      %dma_wait3A_119 = arith.constant 0 : i32
      %dma_wait3A_120 = tpu.memref_slice %arg9[%dma_wait3A_119] : memref<3200xi32, #tpu.memory_space<vmem>> -> memref<40xi32, #tpu.memory_space<vmem>>
      %dma_wait3A_121 = arith.constant 0 : i32
      %dma_wait3A_122 = arith.constant 0 : i32
      %dma_wait3A_123 = tpu.memref_slice %arg22[%dma_wait3A_121, %dma_wait3A_122] : memref<10240x128xf32, #tpu.memory_space<vmem_shared>> -> memref<10240x128xf32, #tpu.memory_space<vmem_shared>>
      tpu.wait_indirect_dma semaphore(%arg20 : memref<!tpu.dma_semaphore, #tpu.memory_space<semaphore_mem>>) src(%arg14 : memref<40x128xf32, #tpu.memory_space<vmem>>) dst(%dma_wait3A_123 : memref<10240x128xf32, #tpu.memory_space<vmem_shared>>)
      %scan3A_124 = arith.constant 0 : i32
      %scan3A_125 = arith.constant 0 : i32
      %scan3A_126 = arith.constant 40 : i32
      %scan3A_127 = arith.addi %scan3A_125, %scan3A_126 : i32
      %scan3A_128 = arith.constant 1 : i32
      scf.for %scan3A_177 = %scan3A_125 to %scan3A_127 step %scan3A_128  : i32 {
        %get3A = arith.index_cast %scan3A_177 : i32 to index
        %get3A_178 = arith.constant 0 : index
        %get3A_179 = tpu.vector_load %arg10[%get3A, %get3A_178] {strides = array<i32>} : memref<40x128xf32, #tpu.memory_space<vmem>>, vector<1x16xf32>,
        %get3A_180 = vector.shape_cast %get3A_179 : vector<1x16xf32> to vector<16xf32>
        %get3A_181 = arith.index_cast %scan3A_177 : i32 to index
        %get3A_182 = arith.constant 0 : index
        %get3A_183 = tpu.vector_load %arg12[%get3A_181, %get3A_182] {strides = array<i32>} : memref<40x128xf32, #tpu.memory_space<vmem>>, vector<1x16xf32>,
        %get3A_184 = vector.shape_cast %get3A_183 : vector<1x16xf32> to vector<16xf32>
        %mul3A_185 = arith.mulf %get3A_180, %get3A_184 : vector<16xf32>
        %swap3A = arith.index_cast %scan3A_177 : i32 to index
        %swap3A_186 = arith.constant 0 : index
        %swap3A_187 = tpu.vector_load %arg14[%swap3A, %swap3A_186] {strides = array<i32>} : memref<40x128xf32, #tpu.memory_space<vmem>>, vector<1x16xf32>,
        %swap3A_188 = vector.shape_cast %swap3A_187 : vector<1x16xf32> to vector<16xf32>
        %swap3A_189 = vector.shape_cast %mul3A_185 : vector<16xf32> to vector<1x16xf32>
        tpu.vector_store %arg14[%swap3A, %swap3A_186], %swap3A_189 {strides = array<i32>} : memref<40x128xf32, #tpu.memory_space<vmem>>, vector<1x16xf32>,
        %get3A_190 = arith.index_cast %scan3A_177 : i32 to index
        %get3A_191 = arith.constant 16 : index
        %get3A_192 = tpu.vector_load %arg10[%get3A_190, %get3A_191] {strides = array<i32>} : memref<40x128xf32, #tpu.memory_space<vmem>>, vector<1x16xf32>,
        %get3A_193 = vector.shape_cast %get3A_192 : vector<1x16xf32> to vector<16xf32>
        %get3A_194 = arith.index_cast %scan3A_177 : i32 to index
        %get3A_195 = arith.constant 16 : index
        %get3A_196 = tpu.vector_load %arg12[%get3A_194, %get3A_195] {strides = array<i32>} : memref<40x128xf32, #tpu.memory_space<vmem>>, vector<1x16xf32>,
        %get3A_197 = vector.shape_cast %get3A_196 : vector<1x16xf32> to vector<16xf32>
        %mul3A_198 = arith.mulf %get3A_193, %get3A_197 : vector<16xf32>
        %swap3A_199 = arith.index_cast %scan3A_177 : i32 to index
        %swap3A_200 = arith.constant 16 : index
        %swap3A_201 = tpu.vector_load %arg14[%swap3A_199, %swap3A_200] {strides = array<i32>} : memref<40x128xf32, #tpu.memory_space<vmem>>, vector<1x16xf32>,
        %swap3A_202 = vector.shape_cast %swap3A_201 : vector<1x16xf32> to vector<16xf32>
        %swap3A_203 = vector.shape_cast %mul3A_198 : vector<16xf32> to vector<1x16xf32>
        tpu.vector_store %arg14[%swap3A_199, %swap3A_200], %swap3A_203 {strides = array<i32>} : memref<40x128xf32, #tpu.memory_space<vmem>>, vector<1x16xf32>,
        %get3A_204 = arith.index_cast %scan3A_177 : i32 to index
        %get3A_205 = arith.constant 32 : index
        %get3A_206 = tpu.vector_load %arg10[%get3A_204, %get3A_205] {strides = array<i32>} : memref<40x128xf32, #tpu.memory_space<vmem>>, vector<1x16xf32>,
        %get3A_207 = vector.shape_cast %get3A_206 : vector<1x16xf32> to vector<16xf32>
        %get3A_208 = arith.index_cast %scan3A_177 : i32 to index
        %get3A_209 = arith.constant 32 : index
        %get3A_210 = tpu.vector_load %arg12[%get3A_208, %get3A_209] {strides = array<i32>} : memref<40x128xf32, #tpu.memory_space<vmem>>, vector<1x16xf32>,
        %get3A_211 = vector.shape_cast %get3A_210 : vector<1x16xf32> to vector<16xf32>
        %mul3A_212 = arith.mulf %get3A_207, %get3A_211 : vector<16xf32>
        %swap3A_213 = arith.index_cast %scan3A_177 : i32 to index
        %swap3A_214 = arith.constant 32 : index
        %swap3A_215 = tpu.vector_load %arg14[%swap3A_213, %swap3A_214] {strides = array<i32>} : memref<40x128xf32, #tpu.memory_space<vmem>>, vector<1x16xf32>,
        %swap3A_216 = vector.shape_cast %swap3A_215 : vector<1x16xf32> to vector<16xf32>
        %swap3A_217 = vector.shape_cast %mul3A_212 : vector<16xf32> to vector<1x16xf32>
        tpu.vector_store %arg14[%swap3A_213, %swap3A_214], %swap3A_217 {strides = array<i32>} : memref<40x128xf32, #tpu.memory_space<vmem>>, vector<1x16xf32>,
        %get3A_218 = arith.index_cast %scan3A_177 : i32 to index
        %get3A_219 = arith.constant 48 : index
        %get3A_220 = tpu.vector_load %arg10[%get3A_218, %get3A_219] {strides = array<i32>} : memref<40x128xf32, #tpu.memory_space<vmem>>, vector<1x16xf32>,
        %get3A_221 = vector.shape_cast %get3A_220 : vector<1x16xf32> to vector<16xf32>
        %get3A_222 = arith.index_cast %scan3A_177 : i32 to index
        %get3A_223 = arith.constant 48 : index
        %get3A_224 = tpu.vector_load %arg12[%get3A_222, %get3A_223] {strides = array<i32>} : memref<40x128xf32, #tpu.memory_space<vmem>>, vector<1x16xf32>,
        %get3A_225 = vector.shape_cast %get3A_224 : vector<1x16xf32> to vector<16xf32>
        %mul3A_226 = arith.mulf %get3A_221, %get3A_225 : vector<16xf32>
        %swap3A_227 = arith.index_cast %scan3A_177 : i32 to index
        %swap3A_228 = arith.constant 48 : index
        %swap3A_229 = tpu.vector_load %arg14[%swap3A_227, %swap3A_228] {strides = array<i32>} : memref<40x128xf32, #tpu.memory_space<vmem>>, vector<1x16xf32>,
        %swap3A_230 = vector.shape_cast %swap3A_229 : vector<1x16xf32> to vector<16xf32>
        %swap3A_231 = vector.shape_cast %mul3A_226 : vector<16xf32> to vector<1x16xf32>
        tpu.vector_store %arg14[%swap3A_227, %swap3A_228], %swap3A_231 {strides = array<i32>} : memref<40x128xf32, #tpu.memory_space<vmem>>, vector<1x16xf32>,
        %get3A_232 = arith.index_cast %scan3A_177 : i32 to index
        %get3A_233 = arith.constant 64 : index
        %get3A_234 = tpu.vector_load %arg10[%get3A_232, %get3A_233] {strides = array<i32>} : memref<40x128xf32, #tpu.memory_space<vmem>>, vector<1x16xf32>,
        %get3A_235 = vector.shape_cast %get3A_234 : vector<1x16xf32> to vector<16xf32>
        %get3A_236 = arith.index_cast %scan3A_177 : i32 to index
        %get3A_237 = arith.constant 64 : index
        %get3A_238 = tpu.vector_load %arg12[%get3A_236, %get3A_237] {strides = array<i32>} : memref<40x128xf32, #tpu.memory_space<vmem>>, vector<1x16xf32>,
        %get3A_239 = vector.shape_cast %get3A_238 : vector<1x16xf32> to vector<16xf32>
        %mul3A_240 = arith.mulf %get3A_235, %get3A_239 : vector<16xf32>
        %swap3A_241 = arith.index_cast %scan3A_177 : i32 to index
        %swap3A_242 = arith.constant 64 : index
        %swap3A_243 = tpu.vector_load %arg14[%swap3A_241, %swap3A_242] {strides = array<i32>} : memref<40x128xf32, #tpu.memory_space<vmem>>, vector<1x16xf32>,
        %swap3A_244 = vector.shape_cast %swap3A_243 : vector<1x16xf32> to vector<16xf32>
        %swap3A_245 = vector.shape_cast %mul3A_240 : vector<16xf32> to vector<1x16xf32>
        tpu.vector_store %arg14[%swap3A_241, %swap3A_242], %swap3A_245 {strides = array<i32>} : memref<40x128xf32, #tpu.memory_space<vmem>>, vector<1x16xf32>,
        %get3A_246 = arith.index_cast %scan3A_177 : i32 to index
        %get3A_247 = arith.constant 80 : index
        %get3A_248 = tpu.vector_load %arg10[%get3A_246, %get3A_247] {strides = array<i32>} : memref<40x128xf32, #tpu.memory_space<vmem>>, vector<1x16xf32>,
        %get3A_249 = vector.shape_cast %get3A_248 : vector<1x16xf32> to vector<16xf32>
        %get3A_250 = arith.index_cast %scan3A_177 : i32 to index
        %get3A_251 = arith.constant 80 : index
        %get3A_252 = tpu.vector_load %arg12[%get3A_250, %get3A_251] {strides = array<i32>} : memref<40x128xf32, #tpu.memory_space<vmem>>, vector<1x16xf32>,
        %get3A_253 = vector.shape_cast %get3A_252 : vector<1x16xf32> to vector<16xf32>
        %mul3A_254 = arith.mulf %get3A_249, %get3A_253 : vector<16xf32>
        %swap3A_255 = arith.index_cast %scan3A_177 : i32 to index
        %swap3A_256 = arith.constant 80 : index
        %swap3A_257 = tpu.vector_load %arg14[%swap3A_255, %swap3A_256] {strides = array<i32>} : memref<40x128xf32, #tpu.memory_space<vmem>>, vector<1x16xf32>,
        %swap3A_258 = vector.shape_cast %swap3A_257 : vector<1x16xf32> to vector<16xf32>
        %swap3A_259 = vector.shape_cast %mul3A_254 : vector<16xf32> to vector<1x16xf32>
        tpu.vector_store %arg14[%swap3A_255, %swap3A_256], %swap3A_259 {strides = array<i32>} : memref<40x128xf32, #tpu.memory_space<vmem>>, vector<1x16xf32>,
        %get3A_260 = arith.index_cast %scan3A_177 : i32 to index
        %get3A_261 = arith.constant 96 : index
        %get3A_262 = tpu.vector_load %arg10[%get3A_260, %get3A_261] {strides = array<i32>} : memref<40x128xf32, #tpu.memory_space<vmem>>, vector<1x16xf32>,
        %get3A_263 = vector.shape_cast %get3A_262 : vector<1x16xf32> to vector<16xf32>
        %get3A_264 = arith.index_cast %scan3A_177 : i32 to index
        %get3A_265 = arith.constant 96 : index
        %get3A_266 = tpu.vector_load %arg12[%get3A_264, %get3A_265] {strides = array<i32>} : memref<40x128xf32, #tpu.memory_space<vmem>>, vector<1x16xf32>,
        %get3A_267 = vector.shape_cast %get3A_266 : vector<1x16xf32> to vector<16xf32>
        %mul3A_268 = arith.mulf %get3A_263, %get3A_267 : vector<16xf32>
        %swap3A_269 = arith.index_cast %scan3A_177 : i32 to index
        %swap3A_270 = arith.constant 96 : index
        %swap3A_271 = tpu.vector_load %arg14[%swap3A_269, %swap3A_270] {strides = array<i32>} : memref<40x128xf32, #tpu.memory_space<vmem>>, vector<1x16xf32>,
        %swap3A_272 = vector.shape_cast %swap3A_271 : vector<1x16xf32> to vector<16xf32>
        %swap3A_273 = vector.shape_cast %mul3A_268 : vector<16xf32> to vector<1x16xf32>
        tpu.vector_store %arg14[%swap3A_269, %swap3A_270], %swap3A_273 {strides = array<i32>} : memref<40x128xf32, #tpu.memory_space<vmem>>, vector<1x16xf32>,
        %get3A_274 = arith.index_cast %scan3A_177 : i32 to index
        %get3A_275 = arith.constant 112 : index
        %get3A_276 = tpu.vector_load %arg10[%get3A_274, %get3A_275] {strides = array<i32>} : memref<40x128xf32, #tpu.memory_space<vmem>>, vector<1x16xf32>,
        %get3A_277 = vector.shape_cast %get3A_276 : vector<1x16xf32> to vector<16xf32>
        %get3A_278 = arith.index_cast %scan3A_177 : i32 to index
        %get3A_279 = arith.constant 112 : index
        %get3A_280 = tpu.vector_load %arg12[%get3A_278, %get3A_279] {strides = array<i32>} : memref<40x128xf32, #tpu.memory_space<vmem>>, vector<1x16xf32>,
        %get3A_281 = vector.shape_cast %get3A_280 : vector<1x16xf32> to vector<16xf32>
        %mul3A_282 = arith.mulf %get3A_277, %get3A_281 : vector<16xf32>
        %swap3A_283 = arith.index_cast %scan3A_177 : i32 to index
        %swap3A_284 = arith.constant 112 : index
        %swap3A_285 = tpu.vector_load %arg14[%swap3A_283, %swap3A_284] {strides = array<i32>} : memref<40x128xf32, #tpu.memory_space<vmem>>, vector<1x16xf32>,
        %swap3A_286 = vector.shape_cast %swap3A_285 : vector<1x16xf32> to vector<16xf32>
        %swap3A_287 = vector.shape_cast %mul3A_282 : vector<16xf32> to vector<1x16xf32>
        tpu.vector_store %arg14[%swap3A_283, %swap3A_284], %swap3A_287 {strides = array<i32>} : memref<40x128xf32, #tpu.memory_space<vmem>>, vector<1x16xf32>,
      }
      %scan3A_129 = arith.constant 40 : i32
      %mul3A_130 = arith.constant 40 : i32
      %mul3A_131 = arith.muli %add3A_109, %mul3A_130 : i32
      %dma_start3A_132 = tpu.memref_slice %arg9[%mul3A_131] : memref<3200xi32, #tpu.memory_space<vmem>> -> memref<40xi32, #tpu.memory_space<vmem>>
      %dma_start3A_133 = arith.constant 0 : i32
      %dma_start3A_134 = arith.constant 0 : i32
      %dma_start3A_135 = tpu.memref_slice %arg22[%dma_start3A_133, %dma_start3A_134] : memref<10240x128xf32, #tpu.memory_space<vmem_shared>> -> memref<10240x128xf32, #tpu.memory_space<vmem_shared>>
      tpu.enqueue_indirect_dma source(%arg14 : memref<40x128xf32, #tpu.memory_space<vmem>>) target(%dma_start3A_135 : memref<10240x128xf32, #tpu.memory_space<vmem_shared>>) offsets(%dma_start3A_132 : memref<40xi32, #tpu.memory_space<vmem>>) semaphore(%arg20 : memref<!tpu.dma_semaphore, #tpu.memory_space<semaphore_mem>>) {add = true}
      %add3A_136 = arith.constant 2 : i32
      %add3A_137 = arith.addi %add3A_109, %add3A_136 : i32
      %lt3A = arith.constant 80 : i32
      %lt3A_138 = arith.cmpi slt, %add3A_137, %lt3A : i32
      %convert_element_type3A = arith.extui %lt3A_138 : i1 to i32
      %cond3A = arith.constant 0 : i32
      %cond3A_139 = arith.cmpi ne, %convert_element_type3A, %cond3A : i32
      scf.if %cond3A_139 {
        %add3A_177 = arith.constant 2 : i32
        %add3A_178 = arith.addi %add3A_109, %add3A_177 : i32
        %mul3A_179 = arith.constant 40 : i32
        %mul3A_180 = arith.muli %add3A_178, %mul3A_179 : i32
        %add3A_181 = arith.addi %mul3A_2, %mul3A_180 : i32
        %dma_start3A_182 = arith.constant 0 : i32
        %dma_start3A_183 = tpu.memref_slice %arg5[%add3A_181, %dma_start3A_182] : memref<102400x128xf32, #tpu.memory_space<hbm>> -> memref<40x128xf32, #tpu.memory_space<hbm>>
        %dma_start3A_184 = arith.constant 0 : i32
        %dma_start3A_185 = tpu.memref_slice %arg5[%add3A_181, %dma_start3A_184] : memref<102400x128xf32, #tpu.memory_space<hbm>> -> memref<40x128xf32, #tpu.memory_space<hbm>>
        tpu.enqueue_dma source(%dma_start3A_185 : memref<40x128xf32, #tpu.memory_space<hbm>>) target(%arg12 : memref<40x128xf32, #tpu.memory_space<vmem>>) target_semaphore(%arg18 : memref<!tpu.dma_semaphore, #tpu.memory_space<semaphore_mem>>)
        %mul3A_186 = arith.constant 40 : i32
        %mul3A_187 = arith.muli %add3A_178, %mul3A_186 : i32
        %dma_start3A_188 = tpu.memref_slice %arg8[%mul3A_187] : memref<3200xi32, #tpu.memory_space<vmem>> -> memref<40xi32, #tpu.memory_space<vmem>>
        %dma_start3A_189 = arith.constant 0 : i32
        %dma_start3A_190 = arith.constant 0 : i32
        %dma_start3A_191 = tpu.memref_slice %arg2[%dma_start3A_189, %dma_start3A_190] : memref<10000x128xf32, #tpu.memory_space<hbm>> -> memref<10000x128xf32, #tpu.memory_space<hbm>>
        tpu.enqueue_indirect_dma source(%dma_start3A_191 : memref<10000x128xf32, #tpu.memory_space<hbm>>) target(%arg10 : memref<40x128xf32, #tpu.memory_space<vmem>>) offsets(%dma_start3A_188 : memref<40xi32, #tpu.memory_space<vmem>>) semaphore(%arg16 : memref<!tpu.dma_semaphore, #tpu.memory_space<semaphore_mem>>)
      } else {
      }
      %mul3A_140 = arith.constant 2 : i32
      %mul3A_141 = arith.muli %mul3A_140, %scan3A_105 : i32
      %add3A_142 = arith.constant 1 : i32
      %add3A_143 = arith.addi %mul3A_141, %add3A_142 : i32
      %dma_wait3A_144 = arith.constant 0 : i32
      %dma_wait3A_145 = tpu.memref_slice %arg5[%mul3A_2, %dma_wait3A_144] : memref<102400x128xf32, #tpu.memory_space<hbm>> -> memref<40x128xf32, #tpu.memory_space<hbm>>
      %dma_wait3A_146 = arith.constant 0 : i32
      %dma_wait3A_147 = tpu.memref_slice %arg5[%mul3A_2, %dma_wait3A_146] : memref<102400x128xf32, #tpu.memory_space<hbm>> -> memref<40x128xf32, #tpu.memory_space<hbm>>
      tpu.wait_dma2 semaphore(%arg19 : memref<!tpu.dma_semaphore, #tpu.memory_space<semaphore_mem>>) src(%dma_wait3A_147 : memref<40x128xf32, #tpu.memory_space<hbm>>) dst(%arg13 : memref<40x128xf32, #tpu.memory_space<vmem>>)
      %dma_wait3A_148 = arith.constant 0 : i32
      %dma_wait3A_149 = tpu.memref_slice %arg8[%dma_wait3A_148] : memref<3200xi32, #tpu.memory_space<vmem>> -> memref<40xi32, #tpu.memory_space<vmem>>
      %dma_wait3A_150 = arith.constant 0 : i32
      %dma_wait3A_151 = arith.constant 0 : i32
      %dma_wait3A_152 = tpu.memref_slice %arg2[%dma_wait3A_150, %dma_wait3A_151] : memref<10000x128xf32, #tpu.memory_space<hbm>> -> memref<10000x128xf32, #tpu.memory_space<hbm>>
      tpu.wait_indirect_dma semaphore(%arg17 : memref<!tpu.dma_semaphore, #tpu.memory_space<semaphore_mem>>) src(%dma_wait3A_152 : memref<10000x128xf32, #tpu.memory_space<hbm>>) dst(%arg11 : memref<40x128xf32, #tpu.memory_space<vmem>>)
      %dma_wait3A_153 = arith.constant 0 : i32
      %dma_wait3A_154 = tpu.memref_slice %arg9[%dma_wait3A_153] : memref<3200xi32, #tpu.memory_space<vmem>> -> memref<40xi32, #tpu.memory_space<vmem>>
      %dma_wait3A_155 = arith.constant 0 : i32
      %dma_wait3A_156 = arith.constant 0 : i32
      %dma_wait3A_157 = tpu.memref_slice %arg22[%dma_wait3A_155, %dma_wait3A_156] : memref<10240x128xf32, #tpu.memory_space<vmem_shared>> -> memref<10240x128xf32, #tpu.memory_space<vmem_shared>>
      tpu.wait_indirect_dma semaphore(%arg21 : memref<!tpu.dma_semaphore, #tpu.memory_space<semaphore_mem>>) src(%arg15 : memref<40x128xf32, #tpu.memory_space<vmem>>) dst(%dma_wait3A_157 : memref<10240x128xf32, #tpu.memory_space<vmem_shared>>)
      %scan3A_158 = arith.constant 0 : i32
      %scan3A_159 = arith.constant 0 : i32
      %scan3A_160 = arith.constant 40 : i32
      %scan3A_161 = arith.addi %scan3A_159, %scan3A_160 : i32
      %scan3A_162 = arith.constant 1 : i32
      scf.for %scan3A_177 = %scan3A_159 to %scan3A_161 step %scan3A_162  : i32 {
        %get3A = arith.index_cast %scan3A_177 : i32 to index
        %get3A_178 = arith.constant 0 : index
        %get3A_179 = tpu.vector_load %arg11[%get3A, %get3A_178] {strides = array<i32>} : memref<40x128xf32, #tpu.memory_space<vmem>>, vector<1x16xf32>,
        %get3A_180 = vector.shape_cast %get3A_179 : vector<1x16xf32> to vector<16xf32>
        %get3A_181 = arith.index_cast %scan3A_177 : i32 to index
        %get3A_182 = arith.constant 0 : index
        %get3A_183 = tpu.vector_load %arg13[%get3A_181, %get3A_182] {strides = array<i32>} : memref<40x128xf32, #tpu.memory_space<vmem>>, vector<1x16xf32>,
        %get3A_184 = vector.shape_cast %get3A_183 : vector<1x16xf32> to vector<16xf32>
        %mul3A_185 = arith.mulf %get3A_180, %get3A_184 : vector<16xf32>
        %swap3A = arith.index_cast %scan3A_177 : i32 to index
        %swap3A_186 = arith.constant 0 : index
        %swap3A_187 = tpu.vector_load %arg15[%swap3A, %swap3A_186] {strides = array<i32>} : memref<40x128xf32, #tpu.memory_space<vmem>>, vector<1x16xf32>,
        %swap3A_188 = vector.shape_cast %swap3A_187 : vector<1x16xf32> to vector<16xf32>
        %swap3A_189 = vector.shape_cast %mul3A_185 : vector<16xf32> to vector<1x16xf32>
        tpu.vector_store %arg15[%swap3A, %swap3A_186], %swap3A_189 {strides = array<i32>} : memref<40x128xf32, #tpu.memory_space<vmem>>, vector<1x16xf32>,
        %get3A_190 = arith.index_cast %scan3A_177 : i32 to index
        %get3A_191 = arith.constant 16 : index
        %get3A_192 = tpu.vector_load %arg11[%get3A_190, %get3A_191] {strides = array<i32>} : memref<40x128xf32, #tpu.memory_space<vmem>>, vector<1x16xf32>,
        %get3A_193 = vector.shape_cast %get3A_192 : vector<1x16xf32> to vector<16xf32>
        %get3A_194 = arith.index_cast %scan3A_177 : i32 to index
        %get3A_195 = arith.constant 16 : index
        %get3A_196 = tpu.vector_load %arg13[%get3A_194, %get3A_195] {strides = array<i32>} : memref<40x128xf32, #tpu.memory_space<vmem>>, vector<1x16xf32>,
        %get3A_197 = vector.shape_cast %get3A_196 : vector<1x16xf32> to vector<16xf32>
        %mul3A_198 = arith.mulf %get3A_193, %get3A_197 : vector<16xf32>
        %swap3A_199 = arith.index_cast %scan3A_177 : i32 to index
        %swap3A_200 = arith.constant 16 : index
        %swap3A_201 = tpu.vector_load %arg15[%swap3A_199, %swap3A_200] {strides = array<i32>} : memref<40x128xf32, #tpu.memory_space<vmem>>, vector<1x16xf32>,
        %swap3A_202 = vector.shape_cast %swap3A_201 : vector<1x16xf32> to vector<16xf32>
        %swap3A_203 = vector.shape_cast %mul3A_198 : vector<16xf32> to vector<1x16xf32>
        tpu.vector_store %arg15[%swap3A_199, %swap3A_200], %swap3A_203 {strides = array<i32>} : memref<40x128xf32, #tpu.memory_space<vmem>>, vector<1x16xf32>,
        %get3A_204 = arith.index_cast %scan3A_177 : i32 to index
        %get3A_205 = arith.constant 32 : index
        %get3A_206 = tpu.vector_load %arg11[%get3A_204, %get3A_205] {strides = array<i32>} : memref<40x128xf32, #tpu.memory_space<vmem>>, vector<1x16xf32>,
        %get3A_207 = vector.shape_cast %get3A_206 : vector<1x16xf32> to vector<16xf32>
        %get3A_208 = arith.index_cast %scan3A_177 : i32 to index
        %get3A_209 = arith.constant 32 : index
        %get3A_210 = tpu.vector_load %arg13[%get3A_208, %get3A_209] {strides = array<i32>} : memref<40x128xf32, #tpu.memory_space<vmem>>, vector<1x16xf32>,
        %get3A_211 = vector.shape_cast %get3A_210 : vector<1x16xf32> to vector<16xf32>
        %mul3A_212 = arith.mulf %get3A_207, %get3A_211 : vector<16xf32>
        %swap3A_213 = arith.index_cast %scan3A_177 : i32 to index
        %swap3A_214 = arith.constant 32 : index
        %swap3A_215 = tpu.vector_load %arg15[%swap3A_213, %swap3A_214] {strides = array<i32>} : memref<40x128xf32, #tpu.memory_space<vmem>>, vector<1x16xf32>,
        %swap3A_216 = vector.shape_cast %swap3A_215 : vector<1x16xf32> to vector<16xf32>
        %swap3A_217 = vector.shape_cast %mul3A_212 : vector<16xf32> to vector<1x16xf32>
        tpu.vector_store %arg15[%swap3A_213, %swap3A_214], %swap3A_217 {strides = array<i32>} : memref<40x128xf32, #tpu.memory_space<vmem>>, vector<1x16xf32>,
        %get3A_218 = arith.index_cast %scan3A_177 : i32 to index
        %get3A_219 = arith.constant 48 : index
        %get3A_220 = tpu.vector_load %arg11[%get3A_218, %get3A_219] {strides = array<i32>} : memref<40x128xf32, #tpu.memory_space<vmem>>, vector<1x16xf32>,
        %get3A_221 = vector.shape_cast %get3A_220 : vector<1x16xf32> to vector<16xf32>
        %get3A_222 = arith.index_cast %scan3A_177 : i32 to index
        %get3A_223 = arith.constant 48 : index
        %get3A_224 = tpu.vector_load %arg13[%get3A_222, %get3A_223] {strides = array<i32>} : memref<40x128xf32, #tpu.memory_space<vmem>>, vector<1x16xf32>,
        %get3A_225 = vector.shape_cast %get3A_224 : vector<1x16xf32> to vector<16xf32>
        %mul3A_226 = arith.mulf %get3A_221, %get3A_225 : vector<16xf32>
        %swap3A_227 = arith.index_cast %scan3A_177 : i32 to index
        %swap3A_228 = arith.constant 48 : index
        %swap3A_229 = tpu.vector_load %arg15[%swap3A_227, %swap3A_228] {strides = array<i32>} : memref<40x128xf32, #tpu.memory_space<vmem>>, vector<1x16xf32>,
        %swap3A_230 = vector.shape_cast %swap3A_229 : vector<1x16xf32> to vector<16xf32>
        %swap3A_231 = vector.shape_cast %mul3A_226 : vector<16xf32> to vector<1x16xf32>
        tpu.vector_store %arg15[%swap3A_227, %swap3A_228], %swap3A_231 {strides = array<i32>} : memref<40x128xf32, #tpu.memory_space<vmem>>, vector<1x16xf32>,
        %get3A_232 = arith.index_cast %scan3A_177 : i32 to index
        %get3A_233 = arith.constant 64 : index
        %get3A_234 = tpu.vector_load %arg11[%get3A_232, %get3A_233] {strides = array<i32>} : memref<40x128xf32, #tpu.memory_space<vmem>>, vector<1x16xf32>,
        %get3A_235 = vector.shape_cast %get3A_234 : vector<1x16xf32> to vector<16xf32>
        %get3A_236 = arith.index_cast %scan3A_177 : i32 to index
        %get3A_237 = arith.constant 64 : index
        %get3A_238 = tpu.vector_load %arg13[%get3A_236, %get3A_237] {strides = array<i32>} : memref<40x128xf32, #tpu.memory_space<vmem>>, vector<1x16xf32>,
        %get3A_239 = vector.shape_cast %get3A_238 : vector<1x16xf32> to vector<16xf32>
        %mul3A_240 = arith.mulf %get3A_235, %get3A_239 : vector<16xf32>
        %swap3A_241 = arith.index_cast %scan3A_177 : i32 to index
        %swap3A_242 = arith.constant 64 : index
        %swap3A_243 = tpu.vector_load %arg15[%swap3A_241, %swap3A_242] {strides = array<i32>} : memref<40x128xf32, #tpu.memory_space<vmem>>, vector<1x16xf32>,
        %swap3A_244 = vector.shape_cast %swap3A_243 : vector<1x16xf32> to vector<16xf32>
        %swap3A_245 = vector.shape_cast %mul3A_240 : vector<16xf32> to vector<1x16xf32>
        tpu.vector_store %arg15[%swap3A_241, %swap3A_242], %swap3A_245 {strides = array<i32>} : memref<40x128xf32, #tpu.memory_space<vmem>>, vector<1x16xf32>,
        %get3A_246 = arith.index_cast %scan3A_177 : i32 to index
        %get3A_247 = arith.constant 80 : index
        %get3A_248 = tpu.vector_load %arg11[%get3A_246, %get3A_247] {strides = array<i32>} : memref<40x128xf32, #tpu.memory_space<vmem>>, vector<1x16xf32>,
        %get3A_249 = vector.shape_cast %get3A_248 : vector<1x16xf32> to vector<16xf32>
        %get3A_250 = arith.index_cast %scan3A_177 : i32 to index
        %get3A_251 = arith.constant 80 : index
        %get3A_252 = tpu.vector_load %arg13[%get3A_250, %get3A_251] {strides = array<i32>} : memref<40x128xf32, #tpu.memory_space<vmem>>, vector<1x16xf32>,
        %get3A_253 = vector.shape_cast %get3A_252 : vector<1x16xf32> to vector<16xf32>
        %mul3A_254 = arith.mulf %get3A_249, %get3A_253 : vector<16xf32>
        %swap3A_255 = arith.index_cast %scan3A_177 : i32 to index
        %swap3A_256 = arith.constant 80 : index
        %swap3A_257 = tpu.vector_load %arg15[%swap3A_255, %swap3A_256] {strides = array<i32>} : memref<40x128xf32, #tpu.memory_space<vmem>>, vector<1x16xf32>,
        %swap3A_258 = vector.shape_cast %swap3A_257 : vector<1x16xf32> to vector<16xf32>
        %swap3A_259 = vector.shape_cast %mul3A_254 : vector<16xf32> to vector<1x16xf32>
        tpu.vector_store %arg15[%swap3A_255, %swap3A_256], %swap3A_259 {strides = array<i32>} : memref<40x128xf32, #tpu.memory_space<vmem>>, vector<1x16xf32>,
        %get3A_260 = arith.index_cast %scan3A_177 : i32 to index
        %get3A_261 = arith.constant 96 : index
        %get3A_262 = tpu.vector_load %arg11[%get3A_260, %get3A_261] {strides = array<i32>} : memref<40x128xf32, #tpu.memory_space<vmem>>, vector<1x16xf32>,
        %get3A_263 = vector.shape_cast %get3A_262 : vector<1x16xf32> to vector<16xf32>
        %get3A_264 = arith.index_cast %scan3A_177 : i32 to index
        %get3A_265 = arith.constant 96 : index
        %get3A_266 = tpu.vector_load %arg13[%get3A_264, %get3A_265] {strides = array<i32>} : memref<40x128xf32, #tpu.memory_space<vmem>>, vector<1x16xf32>,
        %get3A_267 = vector.shape_cast %get3A_266 : vector<1x16xf32> to vector<16xf32>
        %mul3A_268 = arith.mulf %get3A_263, %get3A_267 : vector<16xf32>
        %swap3A_269 = arith.index_cast %scan3A_177 : i32 to index
        %swap3A_270 = arith.constant 96 : index
        %swap3A_271 = tpu.vector_load %arg15[%swap3A_269, %swap3A_270] {strides = array<i32>} : memref<40x128xf32, #tpu.memory_space<vmem>>, vector<1x16xf32>,
        %swap3A_272 = vector.shape_cast %swap3A_271 : vector<1x16xf32> to vector<16xf32>
        %swap3A_273 = vector.shape_cast %mul3A_268 : vector<16xf32> to vector<1x16xf32>
        tpu.vector_store %arg15[%swap3A_269, %swap3A_270], %swap3A_273 {strides = array<i32>} : memref<40x128xf32, #tpu.memory_space<vmem>>, vector<1x16xf32>,
        %get3A_274 = arith.index_cast %scan3A_177 : i32 to index
        %get3A_275 = arith.constant 112 : index
        %get3A_276 = tpu.vector_load %arg11[%get3A_274, %get3A_275] {strides = array<i32>} : memref<40x128xf32, #tpu.memory_space<vmem>>, vector<1x16xf32>,
        %get3A_277 = vector.shape_cast %get3A_276 : vector<1x16xf32> to vector<16xf32>
        %get3A_278 = arith.index_cast %scan3A_177 : i32 to index
        %get3A_279 = arith.constant 112 : index
        %get3A_280 = tpu.vector_load %arg13[%get3A_278, %get3A_279] {strides = array<i32>} : memref<40x128xf32, #tpu.memory_space<vmem>>, vector<1x16xf32>,
        %get3A_281 = vector.shape_cast %get3A_280 : vector<1x16xf32> to vector<16xf32>
        %mul3A_282 = arith.mulf %get3A_277, %get3A_281 : vector<16xf32>
        %swap3A_283 = arith.index_cast %scan3A_177 : i32 to index
        %swap3A_284 = arith.constant 112 : index
        %swap3A_285 = tpu.vector_load %arg15[%swap3A_283, %swap3A_284] {strides = array<i32>} : memref<40x128xf32, #tpu.memory_space<vmem>>, vector<1x16xf32>,
        %swap3A_286 = vector.shape_cast %swap3A_285 : vector<1x16xf32> to vector<16xf32>
        %swap3A_287 = vector.shape_cast %mul3A_282 : vector<16xf32> to vector<1x16xf32>
        tpu.vector_store %arg15[%swap3A_283, %swap3A_284], %swap3A_287 {strides = array<i32>} : memref<40x128xf32, #tpu.memory_space<vmem>>, vector<1x16xf32>,
      }
      %scan3A_163 = arith.constant 40 : i32
      %mul3A_164 = arith.constant 40 : i32
      %mul3A_165 = arith.muli %add3A_143, %mul3A_164 : i32
      %dma_start3A_166 = tpu.memref_slice %arg9[%mul3A_165] : memref<3200xi32, #tpu.memory_space<vmem>> -> memref<40xi32, #tpu.memory_space<vmem>>
      %dma_start3A_167 = arith.constant 0 : i32
      %dma_start3A_168 = arith.constant 0 : i32
      %dma_start3A_169 = tpu.memref_slice %arg22[%dma_start3A_167, %dma_start3A_168] : memref<10240x128xf32, #tpu.memory_space<vmem_shared>> -> memref<10240x128xf32, #tpu.memory_space<vmem_shared>>
      tpu.enqueue_indirect_dma source(%arg15 : memref<40x128xf32, #tpu.memory_space<vmem>>) target(%dma_start3A_169 : memref<10240x128xf32, #tpu.memory_space<vmem_shared>>) offsets(%dma_start3A_166 : memref<40xi32, #tpu.memory_space<vmem>>) semaphore(%arg21 : memref<!tpu.dma_semaphore, #tpu.memory_space<semaphore_mem>>) {add = true}
      %add3A_170 = arith.constant 2 : i32
      %add3A_171 = arith.addi %add3A_143, %add3A_170 : i32
      %lt3A_172 = arith.constant 80 : i32
      %lt3A_173 = arith.cmpi slt, %add3A_171, %lt3A_172 : i32
      %convert_element_type3A_174 = arith.extui %lt3A_173 : i1 to i32
      %cond3A_175 = arith.constant 0 : i32
      %cond3A_176 = arith.cmpi ne, %convert_element_type3A_174, %cond3A_175 : i32
      scf.if %cond3A_176 {
        %add3A_177 = arith.constant 2 : i32
        %add3A_178 = arith.addi %add3A_143, %add3A_177 : i32
        %mul3A_179 = arith.constant 40 : i32
        %mul3A_180 = arith.muli %add3A_178, %mul3A_179 : i32
        %add3A_181 = arith.addi %mul3A_2, %mul3A_180 : i32
        %dma_start3A_182 = arith.constant 0 : i32
        %dma_start3A_183 = tpu.memref_slice %arg5[%add3A_181, %dma_start3A_182] : memref<102400x128xf32, #tpu.memory_space<hbm>> -> memref<40x128xf32, #tpu.memory_space<hbm>>
        %dma_start3A_184 = arith.constant 0 : i32
        %dma_start3A_185 = tpu.memref_slice %arg5[%add3A_181, %dma_start3A_184] : memref<102400x128xf32, #tpu.memory_space<hbm>> -> memref<40x128xf32, #tpu.memory_space<hbm>>
        tpu.enqueue_dma source(%dma_start3A_185 : memref<40x128xf32, #tpu.memory_space<hbm>>) target(%arg13 : memref<40x128xf32, #tpu.memory_space<vmem>>) target_semaphore(%arg19 : memref<!tpu.dma_semaphore, #tpu.memory_space<semaphore_mem>>)
        %mul3A_186 = arith.constant 40 : i32
        %mul3A_187 = arith.muli %add3A_178, %mul3A_186 : i32
        %dma_start3A_188 = tpu.memref_slice %arg8[%mul3A_187] : memref<3200xi32, #tpu.memory_space<vmem>> -> memref<40xi32, #tpu.memory_space<vmem>>
        %dma_start3A_189 = arith.constant 0 : i32
        %dma_start3A_190 = arith.constant 0 : i32
        %dma_start3A_191 = tpu.memref_slice %arg2[%dma_start3A_189, %dma_start3A_190] : memref<10000x128xf32, #tpu.memory_space<hbm>> -> memref<10000x128xf32, #tpu.memory_space<hbm>>
        tpu.enqueue_indirect_dma source(%dma_start3A_191 : memref<10000x128xf32, #tpu.memory_space<hbm>>) target(%arg11 : memref<40x128xf32, #tpu.memory_space<vmem>>) offsets(%dma_start3A_188 : memref<40xi32, #tpu.memory_space<vmem>>) semaphore(%arg17 : memref<!tpu.dma_semaphore, #tpu.memory_space<semaphore_mem>>)
      } else {
      }
    }
    %scan3A_93 = arith.constant 39 : i32
    %dma_wait3A_94 = arith.constant 0 : i32
    %dma_wait3A_95 = tpu.memref_slice %arg9[%dma_wait3A_94] : memref<3200xi32, #tpu.memory_space<vmem>> -> memref<40xi32, #tpu.memory_space<vmem>>
    %dma_wait3A_96 = arith.constant 0 : i32
    %dma_wait3A_97 = arith.constant 0 : i32
    %dma_wait3A_98 = tpu.memref_slice %arg22[%dma_wait3A_96, %dma_wait3A_97] : memref<10240x128xf32, #tpu.memory_space<vmem_shared>> -> memref<10240x128xf32, #tpu.memory_space<vmem_shared>>
    tpu.wait_indirect_dma semaphore(%arg20 : memref<!tpu.dma_semaphore, #tpu.memory_space<semaphore_mem>>) src(%arg14 : memref<40x128xf32, #tpu.memory_space<vmem>>) dst(%dma_wait3A_98 : memref<10240x128xf32, #tpu.memory_space<vmem_shared>>)
    %dma_wait3A_99 = arith.constant 0 : i32
    %dma_wait3A_100 = tpu.memref_slice %arg9[%dma_wait3A_99] : memref<3200xi32, #tpu.memory_space<vmem>> -> memref<40xi32, #tpu.memory_space<vmem>>
    %dma_wait3A_101 = arith.constant 0 : i32
    %dma_wait3A_102 = arith.constant 0 : i32
    %dma_wait3A_103 = tpu.memref_slice %arg22[%dma_wait3A_101, %dma_wait3A_102] : memref<10240x128xf32, #tpu.memory_space<vmem_shared>> -> memref<10240x128xf32, #tpu.memory_space<vmem_shared>>
    tpu.wait_indirect_dma semaphore(%arg21 : memref<!tpu.dma_semaphore, #tpu.memory_space<semaphore_mem>>) src(%arg15 : memref<40x128xf32, #tpu.memory_space<vmem>>) dst(%dma_wait3A_103 : memref<10240x128xf32, #tpu.memory_space<vmem_shared>>)
    %barrier3A_104 = arith.constant 0 : index
    tpu.barrier barrier_id(%barrier3A_104)
    "tpu.region"() ({
      %run_scoped3A = tpu.sem_alloc : memref<!tpu.dma_semaphore, #tpu.memory_space<semaphore_mem>>
      %dma_start3A_105 = arith.constant 0 : i32
      %dma_start3A_106 = tpu.memref_slice %arg7[%arg0, %mul3A_6, %dma_start3A_105] : memref<2x10240x128xf32, #tpu.memory_space<hbm>> -> memref<1x640x128xf32, #tpu.memory_space<hbm>>
      %dma_start3A_107 = tpu.memref_squeeze %dma_start3A_106 : memref<1x640x128xf32, #tpu.memory_space<hbm>> -> memref<640x128xf32, #tpu.memory_space<hbm>>
      %dma_start3A_108 = arith.constant 0 : i32
      %dma_start3A_109 = tpu.memref_slice %arg22[%mul3A_6, %dma_start3A_108] : memref<10240x128xf32, #tpu.memory_space<vmem_shared>> -> memref<640x128xf32, #tpu.memory_space<vmem_shared>>
      tpu.enqueue_dma source(%dma_start3A_109 : memref<640x128xf32, #tpu.memory_space<vmem_shared>>) target(%dma_start3A_107 : memref<640x128xf32, #tpu.memory_space<hbm>>) target_semaphore(%run_scoped3A : memref<!tpu.dma_semaphore, #tpu.memory_space<semaphore_mem>>)
      %dma_wait3A_110 = arith.constant 0 : i32
      %dma_wait3A_111 = tpu.memref_slice %arg7[%arg0, %mul3A_6, %dma_wait3A_110] : memref<2x10240x128xf32, #tpu.memory_space<hbm>> -> memref<1x640x128xf32, #tpu.memory_space<hbm>>
      %dma_wait3A_112 = tpu.memref_squeeze %dma_wait3A_111 : memref<1x640x128xf32, #tpu.memory_space<hbm>> -> memref<640x128xf32, #tpu.memory_space<hbm>>
      %dma_wait3A_113 = arith.constant 0 : i32
      %dma_wait3A_114 = tpu.memref_slice %arg22[%mul3A_6, %dma_wait3A_113] : memref<10240x128xf32, #tpu.memory_space<vmem_shared>> -> memref<640x128xf32, #tpu.memory_space<vmem_shared>>
      tpu.wait_dma2 semaphore(%run_scoped3A : memref<!tpu.dma_semaphore, #tpu.memory_space<semaphore_mem>>) src(%dma_wait3A_114 : memref<640x128xf32, #tpu.memory_space<vmem_shared>>) dst(%dma_wait3A_112 : memref<640x128xf32, #tpu.memory_space<hbm>>)
      tpu.yield
    }) : () -> ()
    return
  }
}

#map = affine_map<(d0, d1) -> (0, 0)>
#map1 = affine_map<(d0, d1) -> (0)>
#map2 = affine_map<(d0, d1) -> (0, 0, 0)>
module attributes {stable_mosaic.version = 14 : i64} {
  func.func @body(%arg0: i32, %arg1: i32, %arg2: memref<10000x128xf32, #tpu.memory_space<hbm>>, %arg3: memref<320000xi32, #tpu.memory_space<hbm>>, %arg4: memref<320000xi32, #tpu.memory_space<hbm>>, %arg5: memref<102400x128xf32, #tpu.memory_space<hbm>>, %arg6: memref<2x10240x128xf32, #tpu.memory_space<hbm>>, %arg7: memref<3200xi32, #tpu.memory_space<vmem>>, %arg8: memref<3200xi32, #tpu.memory_space<vmem>>, %arg9: memref<40x128xf32, #tpu.memory_space<vmem>>, %arg10: memref<40x128xf32, #tpu.memory_space<vmem>>, %arg11: memref<40x128xf32, #tpu.memory_space<vmem>>, %arg12: memref<40x128xf32, #tpu.memory_space<vmem>>, %arg13: memref<40x128xf32, #tpu.memory_space<vmem>>, %arg14: memref<40x128xf32, #tpu.memory_space<vmem>>, %arg15: memref<!tpu.dma_semaphore, #tpu.memory_space<semaphore_mem>>, %arg16: memref<!tpu.dma_semaphore, #tpu.memory_space<semaphore_mem>>, %arg17: memref<!tpu.dma_semaphore, #tpu.memory_space<semaphore_mem>>, %arg18: memref<!tpu.dma_semaphore, #tpu.memory_space<semaphore_mem>>, %arg19: memref<!tpu.dma_semaphore, #tpu.memory_space<semaphore_mem>>, %arg20: memref<!tpu.dma_semaphore, #tpu.memory_space<semaphore_mem>>, %arg21: memref<10240x128xf32, #tpu.memory_space<vmem_shared>>) attributes {dimension_semantics = [#tpu.dimension_semantics<core_parallel>, #tpu.dimension_semantics<subcore_parallel>], iteration_bounds = array<i64: 2, 16>, scalar_prefetch = 0 : i64, scratch_operands = 15 : i64, tpu.core_type = #tpu.core_type<sc_vector_subcore>, window_params = [{transform_indices = #map}, {transform_indices = #map1}, {transform_indices = #map1}, {transform_indices = #map}, {transform_indices = #map2}]} {
    %mul3A = arith.constant 16 : i32
    %mul3A_0 = arith.muli %arg0, %mul3A : i32
    %add3A = arith.addi %mul3A_0, %arg1 : i32
    %mul3A_1 = arith.constant 3200 : i32
    %mul3A_2 = arith.muli %add3A, %mul3A_1 : i32
    %add3A_3 = arith.constant 0 : i32
    %add3A_4 = arith.addi %add3A_3, %mul3A_2 : i32
    %mul3A_5 = arith.constant 640 : i32
    %mul3A_6 = arith.muli %arg1, %mul3A_5 : i32
    "tpu.region"() ({
      %run_scoped3A = tpu.sem_alloc : memref<!tpu.dma_semaphore, #tpu.memory_space<semaphore_mem>>
      %dma_start3A_143 = tpu.memref_slice %arg3[%add3A_4] : memref<320000xi32, #tpu.memory_space<hbm>> -> memref<3200xi32, #tpu.memory_space<hbm>>
      %dma_start3A_144 = tpu.memref_slice %arg3[%add3A_4] : memref<320000xi32, #tpu.memory_space<hbm>> -> memref<3200xi32, #tpu.memory_space<hbm>>
      tpu.enqueue_dma source(%dma_start3A_144 : memref<3200xi32, #tpu.memory_space<hbm>>) target(%arg7 : memref<3200xi32, #tpu.memory_space<vmem>>) target_semaphore(%run_scoped3A : memref<!tpu.dma_semaphore, #tpu.memory_space<semaphore_mem>>)
      %dma_wait3A_145 = tpu.memref_slice %arg3[%add3A_4] : memref<320000xi32, #tpu.memory_space<hbm>> -> memref<3200xi32, #tpu.memory_space<hbm>>
      %dma_wait3A_146 = tpu.memref_slice %arg3[%add3A_4] : memref<320000xi32, #tpu.memory_space<hbm>> -> memref<3200xi32, #tpu.memory_space<hbm>>
      tpu.wait_dma2 semaphore(%run_scoped3A : memref<!tpu.dma_semaphore, #tpu.memory_space<semaphore_mem>>) src(%dma_wait3A_146 : memref<3200xi32, #tpu.memory_space<hbm>>) dst(%arg7 : memref<3200xi32, #tpu.memory_space<vmem>>)
      tpu.yield
    }) : () -> ()
    "tpu.region"() ({
      %run_scoped3A = tpu.sem_alloc : memref<!tpu.dma_semaphore, #tpu.memory_space<semaphore_mem>>
      %dma_start3A_143 = tpu.memref_slice %arg4[%add3A_4] : memref<320000xi32, #tpu.memory_space<hbm>> -> memref<3200xi32, #tpu.memory_space<hbm>>
      %dma_start3A_144 = tpu.memref_slice %arg4[%add3A_4] : memref<320000xi32, #tpu.memory_space<hbm>> -> memref<3200xi32, #tpu.memory_space<hbm>>
      tpu.enqueue_dma source(%dma_start3A_144 : memref<3200xi32, #tpu.memory_space<hbm>>) target(%arg8 : memref<3200xi32, #tpu.memory_space<vmem>>) target_semaphore(%run_scoped3A : memref<!tpu.dma_semaphore, #tpu.memory_space<semaphore_mem>>)
      %dma_wait3A_145 = tpu.memref_slice %arg4[%add3A_4] : memref<320000xi32, #tpu.memory_space<hbm>> -> memref<3200xi32, #tpu.memory_space<hbm>>
      %dma_wait3A_146 = tpu.memref_slice %arg4[%add3A_4] : memref<320000xi32, #tpu.memory_space<hbm>> -> memref<3200xi32, #tpu.memory_space<hbm>>
      tpu.wait_dma2 semaphore(%run_scoped3A : memref<!tpu.dma_semaphore, #tpu.memory_space<semaphore_mem>>) src(%dma_wait3A_146 : memref<3200xi32, #tpu.memory_space<hbm>>) dst(%arg8 : memref<3200xi32, #tpu.memory_space<vmem>>)
      tpu.yield
    }) : () -> ()
    %add3A_7 = arith.constant 0 : i32
    %add3A_8 = arith.addi %mul3A_2, %add3A_7 : i32
    %dma_start3A = arith.constant 0 : i32
    %dma_start3A_9 = tpu.memref_slice %arg5[%add3A_8, %dma_start3A] : memref<102400x128xf32, #tpu.memory_space<hbm>> -> memref<40x128xf32, #tpu.memory_space<hbm>>
    %dma_start3A_10 = arith.constant 0 : i32
    %dma_start3A_11 = tpu.memref_slice %arg5[%add3A_8, %dma_start3A_10] : memref<102400x128xf32, #tpu.memory_space<hbm>> -> memref<40x128xf32, #tpu.memory_space<hbm>>
    tpu.enqueue_dma source(%dma_start3A_11 : memref<40x128xf32, #tpu.memory_space<hbm>>) target(%arg11 : memref<40x128xf32, #tpu.memory_space<vmem>>) target_semaphore(%arg17 : memref<!tpu.dma_semaphore, #tpu.memory_space<semaphore_mem>>)
    %dma_start3A_12 = arith.constant 0 : i32
    %dma_start3A_13 = tpu.memref_slice %arg7[%dma_start3A_12] : memref<3200xi32, #tpu.memory_space<vmem>> -> memref<40xi32, #tpu.memory_space<vmem>>
    %dma_start3A_14 = arith.constant 0 : i32
    %dma_start3A_15 = arith.constant 0 : i32
    %dma_start3A_16 = tpu.memref_slice %arg2[%dma_start3A_14, %dma_start3A_15] : memref<10000x128xf32, #tpu.memory_space<hbm>> -> memref<10000x128xf32, #tpu.memory_space<hbm>>
    tpu.enqueue_indirect_dma source(%dma_start3A_16 : memref<10000x128xf32, #tpu.memory_space<hbm>>) target(%arg9 : memref<40x128xf32, #tpu.memory_space<vmem>>) offsets(%dma_start3A_13 : memref<40xi32, #tpu.memory_space<vmem>>) semaphore(%arg15 : memref<!tpu.dma_semaphore, #tpu.memory_space<semaphore_mem>>)
    %add3A_17 = arith.constant 40 : i32
    %add3A_18 = arith.addi %mul3A_2, %add3A_17 : i32
    %dma_start3A_19 = arith.constant 0 : i32
    %dma_start3A_20 = tpu.memref_slice %arg5[%add3A_18, %dma_start3A_19] : memref<102400x128xf32, #tpu.memory_space<hbm>> -> memref<40x128xf32, #tpu.memory_space<hbm>>
    %dma_start3A_21 = arith.constant 0 : i32
    %dma_start3A_22 = tpu.memref_slice %arg5[%add3A_18, %dma_start3A_21] : memref<102400x128xf32, #tpu.memory_space<hbm>> -> memref<40x128xf32, #tpu.memory_space<hbm>>
    tpu.enqueue_dma source(%dma_start3A_22 : memref<40x128xf32, #tpu.memory_space<hbm>>) target(%arg12 : memref<40x128xf32, #tpu.memory_space<vmem>>) target_semaphore(%arg18 : memref<!tpu.dma_semaphore, #tpu.memory_space<semaphore_mem>>)
    %dma_start3A_23 = arith.constant 40 : i32
    %dma_start3A_24 = tpu.memref_slice %arg7[%dma_start3A_23] : memref<3200xi32, #tpu.memory_space<vmem>> -> memref<40xi32, #tpu.memory_space<vmem>>
    %dma_start3A_25 = arith.constant 0 : i32
    %dma_start3A_26 = arith.constant 0 : i32
    %dma_start3A_27 = tpu.memref_slice %arg2[%dma_start3A_25, %dma_start3A_26] : memref<10000x128xf32, #tpu.memory_space<hbm>> -> memref<10000x128xf32, #tpu.memory_space<hbm>>
    tpu.enqueue_indirect_dma source(%dma_start3A_27 : memref<10000x128xf32, #tpu.memory_space<hbm>>) target(%arg10 : memref<40x128xf32, #tpu.memory_space<vmem>>) offsets(%dma_start3A_24 : memref<40xi32, #tpu.memory_space<vmem>>) semaphore(%arg16 : memref<!tpu.dma_semaphore, #tpu.memory_space<semaphore_mem>>)
    %scan3A = arith.constant 0 : i32
    %scan3A_28 = arith.constant 0 : i32
    %scan3A_29 = arith.constant 40 : i32
    %scan3A_30 = arith.addi %scan3A_28, %scan3A_29 : i32
    %scan3A_31 = arith.constant 1 : i32
    scf.for %scan3A_143 = %scan3A_28 to %scan3A_30 step %scan3A_31  : i32 {
      %broadcast_in_dim3A = arith.constant 0.000000e+00 : f32
      %broadcast_in_dim3A_144 = vector.broadcast %broadcast_in_dim3A : f32 to vector<16xf32>
      %swap3A = arith.index_cast %scan3A_143 : i32 to index
      %swap3A_145 = arith.constant 0 : index
      %swap3A_146 = tpu.vector_load %arg13[%swap3A, %swap3A_145] {strides = array<i32>} : memref<40x128xf32, #tpu.memory_space<vmem>>, vector<1x16xf32>,
      %swap3A_147 = vector.shape_cast %swap3A_146 : vector<1x16xf32> to vector<16xf32>
      %swap3A_148 = vector.shape_cast %broadcast_in_dim3A_144 : vector<16xf32> to vector<1x16xf32>
      tpu.vector_store %arg13[%swap3A, %swap3A_145], %swap3A_148 {strides = array<i32>} : memref<40x128xf32, #tpu.memory_space<vmem>>, vector<1x16xf32>,
      %broadcast_in_dim3A_149 = arith.constant 0.000000e+00 : f32
      %broadcast_in_dim3A_150 = vector.broadcast %broadcast_in_dim3A_149 : f32 to vector<16xf32>
      %swap3A_151 = arith.index_cast %scan3A_143 : i32 to index
      %swap3A_152 = arith.constant 16 : index
      %swap3A_153 = tpu.vector_load %arg13[%swap3A_151, %swap3A_152] {strides = array<i32>} : memref<40x128xf32, #tpu.memory_space<vmem>>, vector<1x16xf32>,
      %swap3A_154 = vector.shape_cast %swap3A_153 : vector<1x16xf32> to vector<16xf32>
      %swap3A_155 = vector.shape_cast %broadcast_in_dim3A_150 : vector<16xf32> to vector<1x16xf32>
      tpu.vector_store %arg13[%swap3A_151, %swap3A_152], %swap3A_155 {strides = array<i32>} : memref<40x128xf32, #tpu.memory_space<vmem>>, vector<1x16xf32>,
      %broadcast_in_dim3A_156 = arith.constant 0.000000e+00 : f32
      %broadcast_in_dim3A_157 = vector.broadcast %broadcast_in_dim3A_156 : f32 to vector<16xf32>
      %swap3A_158 = arith.index_cast %scan3A_143 : i32 to index
      %swap3A_159 = arith.constant 32 : index
      %swap3A_160 = tpu.vector_load %arg13[%swap3A_158, %swap3A_159] {strides = array<i32>} : memref<40x128xf32, #tpu.memory_space<vmem>>, vector<1x16xf32>,
      %swap3A_161 = vector.shape_cast %swap3A_160 : vector<1x16xf32> to vector<16xf32>
      %swap3A_162 = vector.shape_cast %broadcast_in_dim3A_157 : vector<16xf32> to vector<1x16xf32>
      tpu.vector_store %arg13[%swap3A_158, %swap3A_159], %swap3A_162 {strides = array<i32>} : memref<40x128xf32, #tpu.memory_space<vmem>>, vector<1x16xf32>,
      %broadcast_in_dim3A_163 = arith.constant 0.000000e+00 : f32
      %broadcast_in_dim3A_164 = vector.broadcast %broadcast_in_dim3A_163 : f32 to vector<16xf32>
      %swap3A_165 = arith.index_cast %scan3A_143 : i32 to index
      %swap3A_166 = arith.constant 48 : index
      %swap3A_167 = tpu.vector_load %arg13[%swap3A_165, %swap3A_166] {strides = array<i32>} : memref<40x128xf32, #tpu.memory_space<vmem>>, vector<1x16xf32>,
      %swap3A_168 = vector.shape_cast %swap3A_167 : vector<1x16xf32> to vector<16xf32>
      %swap3A_169 = vector.shape_cast %broadcast_in_dim3A_164 : vector<16xf32> to vector<1x16xf32>
      tpu.vector_store %arg13[%swap3A_165, %swap3A_166], %swap3A_169 {strides = array<i32>} : memref<40x128xf32, #tpu.memory_space<vmem>>, vector<1x16xf32>,
      %broadcast_in_dim3A_170 = arith.constant 0.000000e+00 : f32
      %broadcast_in_dim3A_171 = vector.broadcast %broadcast_in_dim3A_170 : f32 to vector<16xf32>
      %swap3A_172 = arith.index_cast %scan3A_143 : i32 to index
      %swap3A_173 = arith.constant 64 : index
      %swap3A_174 = tpu.vector_load %arg13[%swap3A_172, %swap3A_173] {strides = array<i32>} : memref<40x128xf32, #tpu.memory_space<vmem>>, vector<1x16xf32>,
      %swap3A_175 = vector.shape_cast %swap3A_174 : vector<1x16xf32> to vector<16xf32>
      %swap3A_176 = vector.shape_cast %broadcast_in_dim3A_171 : vector<16xf32> to vector<1x16xf32>
      tpu.vector_store %arg13[%swap3A_172, %swap3A_173], %swap3A_176 {strides = array<i32>} : memref<40x128xf32, #tpu.memory_space<vmem>>, vector<1x16xf32>,
      %broadcast_in_dim3A_177 = arith.constant 0.000000e+00 : f32
      %broadcast_in_dim3A_178 = vector.broadcast %broadcast_in_dim3A_177 : f32 to vector<16xf32>
      %swap3A_179 = arith.index_cast %scan3A_143 : i32 to index
      %swap3A_180 = arith.constant 80 : index
      %swap3A_181 = tpu.vector_load %arg13[%swap3A_179, %swap3A_180] {strides = array<i32>} : memref<40x128xf32, #tpu.memory_space<vmem>>, vector<1x16xf32>,
      %swap3A_182 = vector.shape_cast %swap3A_181 : vector<1x16xf32> to vector<16xf32>
      %swap3A_183 = vector.shape_cast %broadcast_in_dim3A_178 : vector<16xf32> to vector<1x16xf32>
      tpu.vector_store %arg13[%swap3A_179, %swap3A_180], %swap3A_183 {strides = array<i32>} : memref<40x128xf32, #tpu.memory_space<vmem>>, vector<1x16xf32>,
      %broadcast_in_dim3A_184 = arith.constant 0.000000e+00 : f32
      %broadcast_in_dim3A_185 = vector.broadcast %broadcast_in_dim3A_184 : f32 to vector<16xf32>
      %swap3A_186 = arith.index_cast %scan3A_143 : i32 to index
      %swap3A_187 = arith.constant 96 : index
      %swap3A_188 = tpu.vector_load %arg13[%swap3A_186, %swap3A_187] {strides = array<i32>} : memref<40x128xf32, #tpu.memory_space<vmem>>, vector<1x16xf32>,
      %swap3A_189 = vector.shape_cast %swap3A_188 : vector<1x16xf32> to vector<16xf32>
      %swap3A_190 = vector.shape_cast %broadcast_in_dim3A_185 : vector<16xf32> to vector<1x16xf32>
      tpu.vector_store %arg13[%swap3A_186, %swap3A_187], %swap3A_190 {strides = array<i32>} : memref<40x128xf32, #tpu.memory_space<vmem>>, vector<1x16xf32>,
      %broadcast_in_dim3A_191 = arith.constant 0.000000e+00 : f32
      %broadcast_in_dim3A_192 = vector.broadcast %broadcast_in_dim3A_191 : f32 to vector<16xf32>
      %swap3A_193 = arith.index_cast %scan3A_143 : i32 to index
      %swap3A_194 = arith.constant 112 : index
      %swap3A_195 = tpu.vector_load %arg13[%swap3A_193, %swap3A_194] {strides = array<i32>} : memref<40x128xf32, #tpu.memory_space<vmem>>, vector<1x16xf32>,
      %swap3A_196 = vector.shape_cast %swap3A_195 : vector<1x16xf32> to vector<16xf32>
      %swap3A_197 = vector.shape_cast %broadcast_in_dim3A_192 : vector<16xf32> to vector<1x16xf32>
      tpu.vector_store %arg13[%swap3A_193, %swap3A_194], %swap3A_197 {strides = array<i32>} : memref<40x128xf32, #tpu.memory_space<vmem>>, vector<1x16xf32>,
    }
    %scan3A_32 = arith.constant 40 : i32
    %add3A_33 = arith.constant 0 : i32
    %add3A_34 = arith.addi %mul3A_6, %add3A_33 : i32
    "tpu.region"() ({
      %run_scoped3A = tpu.sem_alloc : memref<!tpu.dma_semaphore, #tpu.memory_space<semaphore_mem>>
      %dma_start3A_143 = arith.constant 0 : i32
      %dma_start3A_144 = tpu.memref_slice %arg21[%add3A_34, %dma_start3A_143] : memref<10240x128xf32, #tpu.memory_space<vmem_shared>> -> memref<40x128xf32, #tpu.memory_space<vmem_shared>>
      %dma_start3A_145 = arith.constant 0 : i32
      %dma_start3A_146 = tpu.memref_slice %arg21[%add3A_34, %dma_start3A_145] : memref<10240x128xf32, #tpu.memory_space<vmem_shared>> -> memref<40x128xf32, #tpu.memory_space<vmem_shared>>
      tpu.enqueue_dma source(%arg13 : memref<40x128xf32, #tpu.memory_space<vmem>>) target(%dma_start3A_146 : memref<40x128xf32, #tpu.memory_space<vmem_shared>>) target_semaphore(%run_scoped3A : memref<!tpu.dma_semaphore, #tpu.memory_space<semaphore_mem>>)
      %dma_wait3A_147 = arith.constant 0 : i32
      %dma_wait3A_148 = tpu.memref_slice %arg21[%add3A_34, %dma_wait3A_147] : memref<10240x128xf32, #tpu.memory_space<vmem_shared>> -> memref<40x128xf32, #tpu.memory_space<vmem_shared>>
      %dma_wait3A_149 = arith.constant 0 : i32
      %dma_wait3A_150 = tpu.memref_slice %arg21[%add3A_34, %dma_wait3A_149] : memref<10240x128xf32, #tpu.memory_space<vmem_shared>> -> memref<40x128xf32, #tpu.memory_space<vmem_shared>>
      tpu.wait_dma2 semaphore(%run_scoped3A : memref<!tpu.dma_semaphore, #tpu.memory_space<semaphore_mem>>) src(%arg13 : memref<40x128xf32, #tpu.memory_space<vmem>>) dst(%dma_wait3A_150 : memref<40x128xf32, #tpu.memory_space<vmem_shared>>)
      tpu.yield
    }) : () -> ()
    %add3A_35 = arith.constant 40 : i32
    %add3A_36 = arith.addi %mul3A_6, %add3A_35 : i32
    "tpu.region"() ({
      %run_scoped3A = tpu.sem_alloc : memref<!tpu.dma_semaphore, #tpu.memory_space<semaphore_mem>>
      %dma_start3A_143 = arith.constant 0 : i32
      %dma_start3A_144 = tpu.memref_slice %arg21[%add3A_36, %dma_start3A_143] : memref<10240x128xf32, #tpu.memory_space<vmem_shared>> -> memref<40x128xf32, #tpu.memory_space<vmem_shared>>
      %dma_start3A_145 = arith.constant 0 : i32
      %dma_start3A_146 = tpu.memref_slice %arg21[%add3A_36, %dma_start3A_145] : memref<10240x128xf32, #tpu.memory_space<vmem_shared>> -> memref<40x128xf32, #tpu.memory_space<vmem_shared>>
      tpu.enqueue_dma source(%arg13 : memref<40x128xf32, #tpu.memory_space<vmem>>) target(%dma_start3A_146 : memref<40x128xf32, #tpu.memory_space<vmem_shared>>) target_semaphore(%run_scoped3A : memref<!tpu.dma_semaphore, #tpu.memory_space<semaphore_mem>>)
      %dma_wait3A_147 = arith.constant 0 : i32
      %dma_wait3A_148 = tpu.memref_slice %arg21[%add3A_36, %dma_wait3A_147] : memref<10240x128xf32, #tpu.memory_space<vmem_shared>> -> memref<40x128xf32, #tpu.memory_space<vmem_shared>>
      %dma_wait3A_149 = arith.constant 0 : i32
      %dma_wait3A_150 = tpu.memref_slice %arg21[%add3A_36, %dma_wait3A_149] : memref<10240x128xf32, #tpu.memory_space<vmem_shared>> -> memref<40x128xf32, #tpu.memory_space<vmem_shared>>
      tpu.wait_dma2 semaphore(%run_scoped3A : memref<!tpu.dma_semaphore, #tpu.memory_space<semaphore_mem>>) src(%arg13 : memref<40x128xf32, #tpu.memory_space<vmem>>) dst(%dma_wait3A_150 : memref<40x128xf32, #tpu.memory_space<vmem_shared>>)
      tpu.yield
    }) : () -> ()
    %add3A_37 = arith.constant 80 : i32
    %add3A_38 = arith.addi %mul3A_6, %add3A_37 : i32
    "tpu.region"() ({
      %run_scoped3A = tpu.sem_alloc : memref<!tpu.dma_semaphore, #tpu.memory_space<semaphore_mem>>
      %dma_start3A_143 = arith.constant 0 : i32
      %dma_start3A_144 = tpu.memref_slice %arg21[%add3A_38, %dma_start3A_143] : memref<10240x128xf32, #tpu.memory_space<vmem_shared>> -> memref<40x128xf32, #tpu.memory_space<vmem_shared>>
      %dma_start3A_145 = arith.constant 0 : i32
      %dma_start3A_146 = tpu.memref_slice %arg21[%add3A_38, %dma_start3A_145] : memref<10240x128xf32, #tpu.memory_space<vmem_shared>> -> memref<40x128xf32, #tpu.memory_space<vmem_shared>>
      tpu.enqueue_dma source(%arg13 : memref<40x128xf32, #tpu.memory_space<vmem>>) target(%dma_start3A_146 : memref<40x128xf32, #tpu.memory_space<vmem_shared>>) target_semaphore(%run_scoped3A : memref<!tpu.dma_semaphore, #tpu.memory_space<semaphore_mem>>)
      %dma_wait3A_147 = arith.constant 0 : i32
      %dma_wait3A_148 = tpu.memref_slice %arg21[%add3A_38, %dma_wait3A_147] : memref<10240x128xf32, #tpu.memory_space<vmem_shared>> -> memref<40x128xf32, #tpu.memory_space<vmem_shared>>
      %dma_wait3A_149 = arith.constant 0 : i32
      %dma_wait3A_150 = tpu.memref_slice %arg21[%add3A_38, %dma_wait3A_149] : memref<10240x128xf32, #tpu.memory_space<vmem_shared>> -> memref<40x128xf32, #tpu.memory_space<vmem_shared>>
      tpu.wait_dma2 semaphore(%run_scoped3A : memref<!tpu.dma_semaphore, #tpu.memory_space<semaphore_mem>>) src(%arg13 : memref<40x128xf32, #tpu.memory_space<vmem>>) dst(%dma_wait3A_150 : memref<40x128xf32, #tpu.memory_space<vmem_shared>>)
      tpu.yield
    }) : () -> ()
    %add3A_39 = arith.constant 120 : i32
    %add3A_40 = arith.addi %mul3A_6, %add3A_39 : i32
    "tpu.region"() ({
      %run_scoped3A = tpu.sem_alloc : memref<!tpu.dma_semaphore, #tpu.memory_space<semaphore_mem>>
      %dma_start3A_143 = arith.constant 0 : i32
      %dma_start3A_144 = tpu.memref_slice %arg21[%add3A_40, %dma_start3A_143] : memref<10240x128xf32, #tpu.memory_space<vmem_shared>> -> memref<40x128xf32, #tpu.memory_space<vmem_shared>>
      %dma_start3A_145 = arith.constant 0 : i32
      %dma_start3A_146 = tpu.memref_slice %arg21[%add3A_40, %dma_start3A_145] : memref<10240x128xf32, #tpu.memory_space<vmem_shared>> -> memref<40x128xf32, #tpu.memory_space<vmem_shared>>
      tpu.enqueue_dma source(%arg13 : memref<40x128xf32, #tpu.memory_space<vmem>>) target(%dma_start3A_146 : memref<40x128xf32, #tpu.memory_space<vmem_shared>>) target_semaphore(%run_scoped3A : memref<!tpu.dma_semaphore, #tpu.memory_space<semaphore_mem>>)
      %dma_wait3A_147 = arith.constant 0 : i32
      %dma_wait3A_148 = tpu.memref_slice %arg21[%add3A_40, %dma_wait3A_147] : memref<10240x128xf32, #tpu.memory_space<vmem_shared>> -> memref<40x128xf32, #tpu.memory_space<vmem_shared>>
      %dma_wait3A_149 = arith.constant 0 : i32
      %dma_wait3A_150 = tpu.memref_slice %arg21[%add3A_40, %dma_wait3A_149] : memref<10240x128xf32, #tpu.memory_space<vmem_shared>> -> memref<40x128xf32, #tpu.memory_space<vmem_shared>>
      tpu.wait_dma2 semaphore(%run_scoped3A : memref<!tpu.dma_semaphore, #tpu.memory_space<semaphore_mem>>) src(%arg13 : memref<40x128xf32, #tpu.memory_space<vmem>>) dst(%dma_wait3A_150 : memref<40x128xf32, #tpu.memory_space<vmem_shared>>)
      tpu.yield
    }) : () -> ()
    %add3A_41 = arith.constant 160 : i32
    %add3A_42 = arith.addi %mul3A_6, %add3A_41 : i32
    "tpu.region"() ({
      %run_scoped3A = tpu.sem_alloc : memref<!tpu.dma_semaphore, #tpu.memory_space<semaphore_mem>>
      %dma_start3A_143 = arith.constant 0 : i32
      %dma_start3A_144 = tpu.memref_slice %arg21[%add3A_42, %dma_start3A_143] : memref<10240x128xf32, #tpu.memory_space<vmem_shared>> -> memref<40x128xf32, #tpu.memory_space<vmem_shared>>
      %dma_start3A_145 = arith.constant 0 : i32
      %dma_start3A_146 = tpu.memref_slice %arg21[%add3A_42, %dma_start3A_145] : memref<10240x128xf32, #tpu.memory_space<vmem_shared>> -> memref<40x128xf32, #tpu.memory_space<vmem_shared>>
      tpu.enqueue_dma source(%arg13 : memref<40x128xf32, #tpu.memory_space<vmem>>) target(%dma_start3A_146 : memref<40x128xf32, #tpu.memory_space<vmem_shared>>) target_semaphore(%run_scoped3A : memref<!tpu.dma_semaphore, #tpu.memory_space<semaphore_mem>>)
      %dma_wait3A_147 = arith.constant 0 : i32
      %dma_wait3A_148 = tpu.memref_slice %arg21[%add3A_42, %dma_wait3A_147] : memref<10240x128xf32, #tpu.memory_space<vmem_shared>> -> memref<40x128xf32, #tpu.memory_space<vmem_shared>>
      %dma_wait3A_149 = arith.constant 0 : i32
      %dma_wait3A_150 = tpu.memref_slice %arg21[%add3A_42, %dma_wait3A_149] : memref<10240x128xf32, #tpu.memory_space<vmem_shared>> -> memref<40x128xf32, #tpu.memory_space<vmem_shared>>
      tpu.wait_dma2 semaphore(%run_scoped3A : memref<!tpu.dma_semaphore, #tpu.memory_space<semaphore_mem>>) src(%arg13 : memref<40x128xf32, #tpu.memory_space<vmem>>) dst(%dma_wait3A_150 : memref<40x128xf32, #tpu.memory_space<vmem_shared>>)
      tpu.yield
    }) : () -> ()
    %add3A_43 = arith.constant 200 : i32
    %add3A_44 = arith.addi %mul3A_6, %add3A_43 : i32
    "tpu.region"() ({
      %run_scoped3A = tpu.sem_alloc : memref<!tpu.dma_semaphore, #tpu.memory_space<semaphore_mem>>
      %dma_start3A_143 = arith.constant 0 : i32
      %dma_start3A_144 = tpu.memref_slice %arg21[%add3A_44, %dma_start3A_143] : memref<10240x128xf32, #tpu.memory_space<vmem_shared>> -> memref<40x128xf32, #tpu.memory_space<vmem_shared>>
      %dma_start3A_145 = arith.constant 0 : i32
      %dma_start3A_146 = tpu.memref_slice %arg21[%add3A_44, %dma_start3A_145] : memref<10240x128xf32, #tpu.memory_space<vmem_shared>> -> memref<40x128xf32, #tpu.memory_space<vmem_shared>>
      tpu.enqueue_dma source(%arg13 : memref<40x128xf32, #tpu.memory_space<vmem>>) target(%dma_start3A_146 : memref<40x128xf32, #tpu.memory_space<vmem_shared>>) target_semaphore(%run_scoped3A : memref<!tpu.dma_semaphore, #tpu.memory_space<semaphore_mem>>)
      %dma_wait3A_147 = arith.constant 0 : i32
      %dma_wait3A_148 = tpu.memref_slice %arg21[%add3A_44, %dma_wait3A_147] : memref<10240x128xf32, #tpu.memory_space<vmem_shared>> -> memref<40x128xf32, #tpu.memory_space<vmem_shared>>
      %dma_wait3A_149 = arith.constant 0 : i32
      %dma_wait3A_150 = tpu.memref_slice %arg21[%add3A_44, %dma_wait3A_149] : memref<10240x128xf32, #tpu.memory_space<vmem_shared>> -> memref<40x128xf32, #tpu.memory_space<vmem_shared>>
      tpu.wait_dma2 semaphore(%run_scoped3A : memref<!tpu.dma_semaphore, #tpu.memory_space<semaphore_mem>>) src(%arg13 : memref<40x128xf32, #tpu.memory_space<vmem>>) dst(%dma_wait3A_150 : memref<40x128xf32, #tpu.memory_space<vmem_shared>>)
      tpu.yield
    }) : () -> ()
    %add3A_45 = arith.constant 240 : i32
    %add3A_46 = arith.addi %mul3A_6, %add3A_45 : i32
    "tpu.region"() ({
      %run_scoped3A = tpu.sem_alloc : memref<!tpu.dma_semaphore, #tpu.memory_space<semaphore_mem>>
      %dma_start3A_143 = arith.constant 0 : i32
      %dma_start3A_144 = tpu.memref_slice %arg21[%add3A_46, %dma_start3A_143] : memref<10240x128xf32, #tpu.memory_space<vmem_shared>> -> memref<40x128xf32, #tpu.memory_space<vmem_shared>>
      %dma_start3A_145 = arith.constant 0 : i32
      %dma_start3A_146 = tpu.memref_slice %arg21[%add3A_46, %dma_start3A_145] : memref<10240x128xf32, #tpu.memory_space<vmem_shared>> -> memref<40x128xf32, #tpu.memory_space<vmem_shared>>
      tpu.enqueue_dma source(%arg13 : memref<40x128xf32, #tpu.memory_space<vmem>>) target(%dma_start3A_146 : memref<40x128xf32, #tpu.memory_space<vmem_shared>>) target_semaphore(%run_scoped3A : memref<!tpu.dma_semaphore, #tpu.memory_space<semaphore_mem>>)
      %dma_wait3A_147 = arith.constant 0 : i32
      %dma_wait3A_148 = tpu.memref_slice %arg21[%add3A_46, %dma_wait3A_147] : memref<10240x128xf32, #tpu.memory_space<vmem_shared>> -> memref<40x128xf32, #tpu.memory_space<vmem_shared>>
      %dma_wait3A_149 = arith.constant 0 : i32
      %dma_wait3A_150 = tpu.memref_slice %arg21[%add3A_46, %dma_wait3A_149] : memref<10240x128xf32, #tpu.memory_space<vmem_shared>> -> memref<40x128xf32, #tpu.memory_space<vmem_shared>>
      tpu.wait_dma2 semaphore(%run_scoped3A : memref<!tpu.dma_semaphore, #tpu.memory_space<semaphore_mem>>) src(%arg13 : memref<40x128xf32, #tpu.memory_space<vmem>>) dst(%dma_wait3A_150 : memref<40x128xf32, #tpu.memory_space<vmem_shared>>)
      tpu.yield
    }) : () -> ()
    %add3A_47 = arith.constant 280 : i32
    %add3A_48 = arith.addi %mul3A_6, %add3A_47 : i32
    "tpu.region"() ({
      %run_scoped3A = tpu.sem_alloc : memref<!tpu.dma_semaphore, #tpu.memory_space<semaphore_mem>>
      %dma_start3A_143 = arith.constant 0 : i32
      %dma_start3A_144 = tpu.memref_slice %arg21[%add3A_48, %dma_start3A_143] : memref<10240x128xf32, #tpu.memory_space<vmem_shared>> -> memref<40x128xf32, #tpu.memory_space<vmem_shared>>
      %dma_start3A_145 = arith.constant 0 : i32
      %dma_start3A_146 = tpu.memref_slice %arg21[%add3A_48, %dma_start3A_145] : memref<10240x128xf32, #tpu.memory_space<vmem_shared>> -> memref<40x128xf32, #tpu.memory_space<vmem_shared>>
      tpu.enqueue_dma source(%arg13 : memref<40x128xf32, #tpu.memory_space<vmem>>) target(%dma_start3A_146 : memref<40x128xf32, #tpu.memory_space<vmem_shared>>) target_semaphore(%run_scoped3A : memref<!tpu.dma_semaphore, #tpu.memory_space<semaphore_mem>>)
      %dma_wait3A_147 = arith.constant 0 : i32
      %dma_wait3A_148 = tpu.memref_slice %arg21[%add3A_48, %dma_wait3A_147] : memref<10240x128xf32, #tpu.memory_space<vmem_shared>> -> memref<40x128xf32, #tpu.memory_space<vmem_shared>>
      %dma_wait3A_149 = arith.constant 0 : i32
      %dma_wait3A_150 = tpu.memref_slice %arg21[%add3A_48, %dma_wait3A_149] : memref<10240x128xf32, #tpu.memory_space<vmem_shared>> -> memref<40x128xf32, #tpu.memory_space<vmem_shared>>
      tpu.wait_dma2 semaphore(%run_scoped3A : memref<!tpu.dma_semaphore, #tpu.memory_space<semaphore_mem>>) src(%arg13 : memref<40x128xf32, #tpu.memory_space<vmem>>) dst(%dma_wait3A_150 : memref<40x128xf32, #tpu.memory_space<vmem_shared>>)
      tpu.yield
    }) : () -> ()
    %add3A_49 = arith.constant 320 : i32
    %add3A_50 = arith.addi %mul3A_6, %add3A_49 : i32
    "tpu.region"() ({
      %run_scoped3A = tpu.sem_alloc : memref<!tpu.dma_semaphore, #tpu.memory_space<semaphore_mem>>
      %dma_start3A_143 = arith.constant 0 : i32
      %dma_start3A_144 = tpu.memref_slice %arg21[%add3A_50, %dma_start3A_143] : memref<10240x128xf32, #tpu.memory_space<vmem_shared>> -> memref<40x128xf32, #tpu.memory_space<vmem_shared>>
      %dma_start3A_145 = arith.constant 0 : i32
      %dma_start3A_146 = tpu.memref_slice %arg21[%add3A_50, %dma_start3A_145] : memref<10240x128xf32, #tpu.memory_space<vmem_shared>> -> memref<40x128xf32, #tpu.memory_space<vmem_shared>>
      tpu.enqueue_dma source(%arg13 : memref<40x128xf32, #tpu.memory_space<vmem>>) target(%dma_start3A_146 : memref<40x128xf32, #tpu.memory_space<vmem_shared>>) target_semaphore(%run_scoped3A : memref<!tpu.dma_semaphore, #tpu.memory_space<semaphore_mem>>)
      %dma_wait3A_147 = arith.constant 0 : i32
      %dma_wait3A_148 = tpu.memref_slice %arg21[%add3A_50, %dma_wait3A_147] : memref<10240x128xf32, #tpu.memory_space<vmem_shared>> -> memref<40x128xf32, #tpu.memory_space<vmem_shared>>
      %dma_wait3A_149 = arith.constant 0 : i32
      %dma_wait3A_150 = tpu.memref_slice %arg21[%add3A_50, %dma_wait3A_149] : memref<10240x128xf32, #tpu.memory_space<vmem_shared>> -> memref<40x128xf32, #tpu.memory_space<vmem_shared>>
      tpu.wait_dma2 semaphore(%run_scoped3A : memref<!tpu.dma_semaphore, #tpu.memory_space<semaphore_mem>>) src(%arg13 : memref<40x128xf32, #tpu.memory_space<vmem>>) dst(%dma_wait3A_150 : memref<40x128xf32, #tpu.memory_space<vmem_shared>>)
      tpu.yield
    }) : () -> ()
    %add3A_51 = arith.constant 360 : i32
    %add3A_52 = arith.addi %mul3A_6, %add3A_51 : i32
    "tpu.region"() ({
      %run_scoped3A = tpu.sem_alloc : memref<!tpu.dma_semaphore, #tpu.memory_space<semaphore_mem>>
      %dma_start3A_143 = arith.constant 0 : i32
      %dma_start3A_144 = tpu.memref_slice %arg21[%add3A_52, %dma_start3A_143] : memref<10240x128xf32, #tpu.memory_space<vmem_shared>> -> memref<40x128xf32, #tpu.memory_space<vmem_shared>>
      %dma_start3A_145 = arith.constant 0 : i32
      %dma_start3A_146 = tpu.memref_slice %arg21[%add3A_52, %dma_start3A_145] : memref<10240x128xf32, #tpu.memory_space<vmem_shared>> -> memref<40x128xf32, #tpu.memory_space<vmem_shared>>
      tpu.enqueue_dma source(%arg13 : memref<40x128xf32, #tpu.memory_space<vmem>>) target(%dma_start3A_146 : memref<40x128xf32, #tpu.memory_space<vmem_shared>>) target_semaphore(%run_scoped3A : memref<!tpu.dma_semaphore, #tpu.memory_space<semaphore_mem>>)
      %dma_wait3A_147 = arith.constant 0 : i32
      %dma_wait3A_148 = tpu.memref_slice %arg21[%add3A_52, %dma_wait3A_147] : memref<10240x128xf32, #tpu.memory_space<vmem_shared>> -> memref<40x128xf32, #tpu.memory_space<vmem_shared>>
      %dma_wait3A_149 = arith.constant 0 : i32
      %dma_wait3A_150 = tpu.memref_slice %arg21[%add3A_52, %dma_wait3A_149] : memref<10240x128xf32, #tpu.memory_space<vmem_shared>> -> memref<40x128xf32, #tpu.memory_space<vmem_shared>>
      tpu.wait_dma2 semaphore(%run_scoped3A : memref<!tpu.dma_semaphore, #tpu.memory_space<semaphore_mem>>) src(%arg13 : memref<40x128xf32, #tpu.memory_space<vmem>>) dst(%dma_wait3A_150 : memref<40x128xf32, #tpu.memory_space<vmem_shared>>)
      tpu.yield
    }) : () -> ()
    %add3A_53 = arith.constant 400 : i32
    %add3A_54 = arith.addi %mul3A_6, %add3A_53 : i32
    "tpu.region"() ({
      %run_scoped3A = tpu.sem_alloc : memref<!tpu.dma_semaphore, #tpu.memory_space<semaphore_mem>>
      %dma_start3A_143 = arith.constant 0 : i32
      %dma_start3A_144 = tpu.memref_slice %arg21[%add3A_54, %dma_start3A_143] : memref<10240x128xf32, #tpu.memory_space<vmem_shared>> -> memref<40x128xf32, #tpu.memory_space<vmem_shared>>
      %dma_start3A_145 = arith.constant 0 : i32
      %dma_start3A_146 = tpu.memref_slice %arg21[%add3A_54, %dma_start3A_145] : memref<10240x128xf32, #tpu.memory_space<vmem_shared>> -> memref<40x128xf32, #tpu.memory_space<vmem_shared>>
      tpu.enqueue_dma source(%arg13 : memref<40x128xf32, #tpu.memory_space<vmem>>) target(%dma_start3A_146 : memref<40x128xf32, #tpu.memory_space<vmem_shared>>) target_semaphore(%run_scoped3A : memref<!tpu.dma_semaphore, #tpu.memory_space<semaphore_mem>>)
      %dma_wait3A_147 = arith.constant 0 : i32
      %dma_wait3A_148 = tpu.memref_slice %arg21[%add3A_54, %dma_wait3A_147] : memref<10240x128xf32, #tpu.memory_space<vmem_shared>> -> memref<40x128xf32, #tpu.memory_space<vmem_shared>>
      %dma_wait3A_149 = arith.constant 0 : i32
      %dma_wait3A_150 = tpu.memref_slice %arg21[%add3A_54, %dma_wait3A_149] : memref<10240x128xf32, #tpu.memory_space<vmem_shared>> -> memref<40x128xf32, #tpu.memory_space<vmem_shared>>
      tpu.wait_dma2 semaphore(%run_scoped3A : memref<!tpu.dma_semaphore, #tpu.memory_space<semaphore_mem>>) src(%arg13 : memref<40x128xf32, #tpu.memory_space<vmem>>) dst(%dma_wait3A_150 : memref<40x128xf32, #tpu.memory_space<vmem_shared>>)
      tpu.yield
    }) : () -> ()
    %add3A_55 = arith.constant 440 : i32
    %add3A_56 = arith.addi %mul3A_6, %add3A_55 : i32
    "tpu.region"() ({
      %run_scoped3A = tpu.sem_alloc : memref<!tpu.dma_semaphore, #tpu.memory_space<semaphore_mem>>
      %dma_start3A_143 = arith.constant 0 : i32
      %dma_start3A_144 = tpu.memref_slice %arg21[%add3A_56, %dma_start3A_143] : memref<10240x128xf32, #tpu.memory_space<vmem_shared>> -> memref<40x128xf32, #tpu.memory_space<vmem_shared>>
      %dma_start3A_145 = arith.constant 0 : i32
      %dma_start3A_146 = tpu.memref_slice %arg21[%add3A_56, %dma_start3A_145] : memref<10240x128xf32, #tpu.memory_space<vmem_shared>> -> memref<40x128xf32, #tpu.memory_space<vmem_shared>>
      tpu.enqueue_dma source(%arg13 : memref<40x128xf32, #tpu.memory_space<vmem>>) target(%dma_start3A_146 : memref<40x128xf32, #tpu.memory_space<vmem_shared>>) target_semaphore(%run_scoped3A : memref<!tpu.dma_semaphore, #tpu.memory_space<semaphore_mem>>)
      %dma_wait3A_147 = arith.constant 0 : i32
      %dma_wait3A_148 = tpu.memref_slice %arg21[%add3A_56, %dma_wait3A_147] : memref<10240x128xf32, #tpu.memory_space<vmem_shared>> -> memref<40x128xf32, #tpu.memory_space<vmem_shared>>
      %dma_wait3A_149 = arith.constant 0 : i32
      %dma_wait3A_150 = tpu.memref_slice %arg21[%add3A_56, %dma_wait3A_149] : memref<10240x128xf32, #tpu.memory_space<vmem_shared>> -> memref<40x128xf32, #tpu.memory_space<vmem_shared>>
      tpu.wait_dma2 semaphore(%run_scoped3A : memref<!tpu.dma_semaphore, #tpu.memory_space<semaphore_mem>>) src(%arg13 : memref<40x128xf32, #tpu.memory_space<vmem>>) dst(%dma_wait3A_150 : memref<40x128xf32, #tpu.memory_space<vmem_shared>>)
      tpu.yield
    }) : () -> ()
    %add3A_57 = arith.constant 480 : i32
    %add3A_58 = arith.addi %mul3A_6, %add3A_57 : i32
    "tpu.region"() ({
      %run_scoped3A = tpu.sem_alloc : memref<!tpu.dma_semaphore, #tpu.memory_space<semaphore_mem>>
      %dma_start3A_143 = arith.constant 0 : i32
      %dma_start3A_144 = tpu.memref_slice %arg21[%add3A_58, %dma_start3A_143] : memref<10240x128xf32, #tpu.memory_space<vmem_shared>> -> memref<40x128xf32, #tpu.memory_space<vmem_shared>>
      %dma_start3A_145 = arith.constant 0 : i32
      %dma_start3A_146 = tpu.memref_slice %arg21[%add3A_58, %dma_start3A_145] : memref<10240x128xf32, #tpu.memory_space<vmem_shared>> -> memref<40x128xf32, #tpu.memory_space<vmem_shared>>
      tpu.enqueue_dma source(%arg13 : memref<40x128xf32, #tpu.memory_space<vmem>>) target(%dma_start3A_146 : memref<40x128xf32, #tpu.memory_space<vmem_shared>>) target_semaphore(%run_scoped3A : memref<!tpu.dma_semaphore, #tpu.memory_space<semaphore_mem>>)
      %dma_wait3A_147 = arith.constant 0 : i32
      %dma_wait3A_148 = tpu.memref_slice %arg21[%add3A_58, %dma_wait3A_147] : memref<10240x128xf32, #tpu.memory_space<vmem_shared>> -> memref<40x128xf32, #tpu.memory_space<vmem_shared>>
      %dma_wait3A_149 = arith.constant 0 : i32
      %dma_wait3A_150 = tpu.memref_slice %arg21[%add3A_58, %dma_wait3A_149] : memref<10240x128xf32, #tpu.memory_space<vmem_shared>> -> memref<40x128xf32, #tpu.memory_space<vmem_shared>>
      tpu.wait_dma2 semaphore(%run_scoped3A : memref<!tpu.dma_semaphore, #tpu.memory_space<semaphore_mem>>) src(%arg13 : memref<40x128xf32, #tpu.memory_space<vmem>>) dst(%dma_wait3A_150 : memref<40x128xf32, #tpu.memory_space<vmem_shared>>)
      tpu.yield
    }) : () -> ()
    %add3A_59 = arith.constant 520 : i32
    %add3A_60 = arith.addi %mul3A_6, %add3A_59 : i32
    "tpu.region"() ({
      %run_scoped3A = tpu.sem_alloc : memref<!tpu.dma_semaphore, #tpu.memory_space<semaphore_mem>>
      %dma_start3A_143 = arith.constant 0 : i32
      %dma_start3A_144 = tpu.memref_slice %arg21[%add3A_60, %dma_start3A_143] : memref<10240x128xf32, #tpu.memory_space<vmem_shared>> -> memref<40x128xf32, #tpu.memory_space<vmem_shared>>
      %dma_start3A_145 = arith.constant 0 : i32
      %dma_start3A_146 = tpu.memref_slice %arg21[%add3A_60, %dma_start3A_145] : memref<10240x128xf32, #tpu.memory_space<vmem_shared>> -> memref<40x128xf32, #tpu.memory_space<vmem_shared>>
      tpu.enqueue_dma source(%arg13 : memref<40x128xf32, #tpu.memory_space<vmem>>) target(%dma_start3A_146 : memref<40x128xf32, #tpu.memory_space<vmem_shared>>) target_semaphore(%run_scoped3A : memref<!tpu.dma_semaphore, #tpu.memory_space<semaphore_mem>>)
      %dma_wait3A_147 = arith.constant 0 : i32
      %dma_wait3A_148 = tpu.memref_slice %arg21[%add3A_60, %dma_wait3A_147] : memref<10240x128xf32, #tpu.memory_space<vmem_shared>> -> memref<40x128xf32, #tpu.memory_space<vmem_shared>>
      %dma_wait3A_149 = arith.constant 0 : i32
      %dma_wait3A_150 = tpu.memref_slice %arg21[%add3A_60, %dma_wait3A_149] : memref<10240x128xf32, #tpu.memory_space<vmem_shared>> -> memref<40x128xf32, #tpu.memory_space<vmem_shared>>
      tpu.wait_dma2 semaphore(%run_scoped3A : memref<!tpu.dma_semaphore, #tpu.memory_space<semaphore_mem>>) src(%arg13 : memref<40x128xf32, #tpu.memory_space<vmem>>) dst(%dma_wait3A_150 : memref<40x128xf32, #tpu.memory_space<vmem_shared>>)
      tpu.yield
    }) : () -> ()
    %add3A_61 = arith.constant 560 : i32
    %add3A_62 = arith.addi %mul3A_6, %add3A_61 : i32
    "tpu.region"() ({
      %run_scoped3A = tpu.sem_alloc : memref<!tpu.dma_semaphore, #tpu.memory_space<semaphore_mem>>
      %dma_start3A_143 = arith.constant 0 : i32
      %dma_start3A_144 = tpu.memref_slice %arg21[%add3A_62, %dma_start3A_143] : memref<10240x128xf32, #tpu.memory_space<vmem_shared>> -> memref<40x128xf32, #tpu.memory_space<vmem_shared>>
      %dma_start3A_145 = arith.constant 0 : i32
      %dma_start3A_146 = tpu.memref_slice %arg21[%add3A_62, %dma_start3A_145] : memref<10240x128xf32, #tpu.memory_space<vmem_shared>> -> memref<40x128xf32, #tpu.memory_space<vmem_shared>>
      tpu.enqueue_dma source(%arg13 : memref<40x128xf32, #tpu.memory_space<vmem>>) target(%dma_start3A_146 : memref<40x128xf32, #tpu.memory_space<vmem_shared>>) target_semaphore(%run_scoped3A : memref<!tpu.dma_semaphore, #tpu.memory_space<semaphore_mem>>)
      %dma_wait3A_147 = arith.constant 0 : i32
      %dma_wait3A_148 = tpu.memref_slice %arg21[%add3A_62, %dma_wait3A_147] : memref<10240x128xf32, #tpu.memory_space<vmem_shared>> -> memref<40x128xf32, #tpu.memory_space<vmem_shared>>
      %dma_wait3A_149 = arith.constant 0 : i32
      %dma_wait3A_150 = tpu.memref_slice %arg21[%add3A_62, %dma_wait3A_149] : memref<10240x128xf32, #tpu.memory_space<vmem_shared>> -> memref<40x128xf32, #tpu.memory_space<vmem_shared>>
      tpu.wait_dma2 semaphore(%run_scoped3A : memref<!tpu.dma_semaphore, #tpu.memory_space<semaphore_mem>>) src(%arg13 : memref<40x128xf32, #tpu.memory_space<vmem>>) dst(%dma_wait3A_150 : memref<40x128xf32, #tpu.memory_space<vmem_shared>>)
      tpu.yield
    }) : () -> ()
    %add3A_63 = arith.constant 600 : i32
    %add3A_64 = arith.addi %mul3A_6, %add3A_63 : i32
    "tpu.region"() ({
      %run_scoped3A = tpu.sem_alloc : memref<!tpu.dma_semaphore, #tpu.memory_space<semaphore_mem>>
      %dma_start3A_143 = arith.constant 0 : i32
      %dma_start3A_144 = tpu.memref_slice %arg21[%add3A_64, %dma_start3A_143] : memref<10240x128xf32, #tpu.memory_space<vmem_shared>> -> memref<40x128xf32, #tpu.memory_space<vmem_shared>>
      %dma_start3A_145 = arith.constant 0 : i32
      %dma_start3A_146 = tpu.memref_slice %arg21[%add3A_64, %dma_start3A_145] : memref<10240x128xf32, #tpu.memory_space<vmem_shared>> -> memref<40x128xf32, #tpu.memory_space<vmem_shared>>
      tpu.enqueue_dma source(%arg13 : memref<40x128xf32, #tpu.memory_space<vmem>>) target(%dma_start3A_146 : memref<40x128xf32, #tpu.memory_space<vmem_shared>>) target_semaphore(%run_scoped3A : memref<!tpu.dma_semaphore, #tpu.memory_space<semaphore_mem>>)
      %dma_wait3A_147 = arith.constant 0 : i32
      %dma_wait3A_148 = tpu.memref_slice %arg21[%add3A_64, %dma_wait3A_147] : memref<10240x128xf32, #tpu.memory_space<vmem_shared>> -> memref<40x128xf32, #tpu.memory_space<vmem_shared>>
      %dma_wait3A_149 = arith.constant 0 : i32
      %dma_wait3A_150 = tpu.memref_slice %arg21[%add3A_64, %dma_wait3A_149] : memref<10240x128xf32, #tpu.memory_space<vmem_shared>> -> memref<40x128xf32, #tpu.memory_space<vmem_shared>>
      tpu.wait_dma2 semaphore(%run_scoped3A : memref<!tpu.dma_semaphore, #tpu.memory_space<semaphore_mem>>) src(%arg13 : memref<40x128xf32, #tpu.memory_space<vmem>>) dst(%dma_wait3A_150 : memref<40x128xf32, #tpu.memory_space<vmem_shared>>)
      tpu.yield
    }) : () -> ()
    %barrier3A = arith.constant 0 : index
    tpu.barrier barrier_id(%barrier3A)
    %dma_wait3A = arith.constant 0 : i32
    %dma_wait3A_65 = tpu.memref_slice %arg5[%mul3A_2, %dma_wait3A] : memref<102400x128xf32, #tpu.memory_space<hbm>> -> memref<40x128xf32, #tpu.memory_space<hbm>>
    %dma_wait3A_66 = arith.constant 0 : i32
    %dma_wait3A_67 = tpu.memref_slice %arg5[%mul3A_2, %dma_wait3A_66] : memref<102400x128xf32, #tpu.memory_space<hbm>> -> memref<40x128xf32, #tpu.memory_space<hbm>>
    tpu.wait_dma2 semaphore(%arg17 : memref<!tpu.dma_semaphore, #tpu.memory_space<semaphore_mem>>) src(%dma_wait3A_67 : memref<40x128xf32, #tpu.memory_space<hbm>>) dst(%arg11 : memref<40x128xf32, #tpu.memory_space<vmem>>)
    %dma_wait3A_68 = arith.constant 0 : i32
    %dma_wait3A_69 = tpu.memref_slice %arg7[%dma_wait3A_68] : memref<3200xi32, #tpu.memory_space<vmem>> -> memref<40xi32, #tpu.memory_space<vmem>>
    %dma_wait3A_70 = arith.constant 0 : i32
    %dma_wait3A_71 = arith.constant 0 : i32
    %dma_wait3A_72 = tpu.memref_slice %arg2[%dma_wait3A_70, %dma_wait3A_71] : memref<10000x128xf32, #tpu.memory_space<hbm>> -> memref<10000x128xf32, #tpu.memory_space<hbm>>
    tpu.wait_indirect_dma semaphore(%arg15 : memref<!tpu.dma_semaphore, #tpu.memory_space<semaphore_mem>>) src(%dma_wait3A_72 : memref<10000x128xf32, #tpu.memory_space<hbm>>) dst(%arg9 : memref<40x128xf32, #tpu.memory_space<vmem>>)
    %scan3A_73 = arith.constant 0 : i32
    %scan3A_74 = arith.constant 0 : i32
    %scan3A_75 = arith.constant 40 : i32
    %scan3A_76 = arith.addi %scan3A_74, %scan3A_75 : i32
    %scan3A_77 = arith.constant 1 : i32
    scf.for %scan3A_143 = %scan3A_74 to %scan3A_76 step %scan3A_77  : i32 {
      %get3A = arith.index_cast %scan3A_143 : i32 to index
      %get3A_144 = arith.constant 0 : index
      %get3A_145 = tpu.vector_load %arg9[%get3A, %get3A_144] {strides = array<i32>} : memref<40x128xf32, #tpu.memory_space<vmem>>, vector<1x16xf32>,
      %get3A_146 = vector.shape_cast %get3A_145 : vector<1x16xf32> to vector<16xf32>
      %get3A_147 = arith.index_cast %scan3A_143 : i32 to index
      %get3A_148 = arith.constant 0 : index
      %get3A_149 = tpu.vector_load %arg11[%get3A_147, %get3A_148] {strides = array<i32>} : memref<40x128xf32, #tpu.memory_space<vmem>>, vector<1x16xf32>,
      %get3A_150 = vector.shape_cast %get3A_149 : vector<1x16xf32> to vector<16xf32>
      %mul3A_151 = arith.mulf %get3A_146, %get3A_150 : vector<16xf32>
      %swap3A = arith.index_cast %scan3A_143 : i32 to index
      %swap3A_152 = arith.constant 0 : index
      %swap3A_153 = tpu.vector_load %arg13[%swap3A, %swap3A_152] {strides = array<i32>} : memref<40x128xf32, #tpu.memory_space<vmem>>, vector<1x16xf32>,
      %swap3A_154 = vector.shape_cast %swap3A_153 : vector<1x16xf32> to vector<16xf32>
      %swap3A_155 = vector.shape_cast %mul3A_151 : vector<16xf32> to vector<1x16xf32>
      tpu.vector_store %arg13[%swap3A, %swap3A_152], %swap3A_155 {strides = array<i32>} : memref<40x128xf32, #tpu.memory_space<vmem>>, vector<1x16xf32>,
      %get3A_156 = arith.index_cast %scan3A_143 : i32 to index
      %get3A_157 = arith.constant 16 : index
      %get3A_158 = tpu.vector_load %arg9[%get3A_156, %get3A_157] {strides = array<i32>} : memref<40x128xf32, #tpu.memory_space<vmem>>, vector<1x16xf32>,
      %get3A_159 = vector.shape_cast %get3A_158 : vector<1x16xf32> to vector<16xf32>
      %get3A_160 = arith.index_cast %scan3A_143 : i32 to index
      %get3A_161 = arith.constant 16 : index
      %get3A_162 = tpu.vector_load %arg11[%get3A_160, %get3A_161] {strides = array<i32>} : memref<40x128xf32, #tpu.memory_space<vmem>>, vector<1x16xf32>,
      %get3A_163 = vector.shape_cast %get3A_162 : vector<1x16xf32> to vector<16xf32>
      %mul3A_164 = arith.mulf %get3A_159, %get3A_163 : vector<16xf32>
      %swap3A_165 = arith.index_cast %scan3A_143 : i32 to index
      %swap3A_166 = arith.constant 16 : index
      %swap3A_167 = tpu.vector_load %arg13[%swap3A_165, %swap3A_166] {strides = array<i32>} : memref<40x128xf32, #tpu.memory_space<vmem>>, vector<1x16xf32>,
      %swap3A_168 = vector.shape_cast %swap3A_167 : vector<1x16xf32> to vector<16xf32>
      %swap3A_169 = vector.shape_cast %mul3A_164 : vector<16xf32> to vector<1x16xf32>
      tpu.vector_store %arg13[%swap3A_165, %swap3A_166], %swap3A_169 {strides = array<i32>} : memref<40x128xf32, #tpu.memory_space<vmem>>, vector<1x16xf32>,
      %get3A_170 = arith.index_cast %scan3A_143 : i32 to index
      %get3A_171 = arith.constant 32 : index
      %get3A_172 = tpu.vector_load %arg9[%get3A_170, %get3A_171] {strides = array<i32>} : memref<40x128xf32, #tpu.memory_space<vmem>>, vector<1x16xf32>,
      %get3A_173 = vector.shape_cast %get3A_172 : vector<1x16xf32> to vector<16xf32>
      %get3A_174 = arith.index_cast %scan3A_143 : i32 to index
      %get3A_175 = arith.constant 32 : index
      %get3A_176 = tpu.vector_load %arg11[%get3A_174, %get3A_175] {strides = array<i32>} : memref<40x128xf32, #tpu.memory_space<vmem>>, vector<1x16xf32>,
      %get3A_177 = vector.shape_cast %get3A_176 : vector<1x16xf32> to vector<16xf32>
      %mul3A_178 = arith.mulf %get3A_173, %get3A_177 : vector<16xf32>
      %swap3A_179 = arith.index_cast %scan3A_143 : i32 to index
      %swap3A_180 = arith.constant 32 : index
      %swap3A_181 = tpu.vector_load %arg13[%swap3A_179, %swap3A_180] {strides = array<i32>} : memref<40x128xf32, #tpu.memory_space<vmem>>, vector<1x16xf32>,
      %swap3A_182 = vector.shape_cast %swap3A_181 : vector<1x16xf32> to vector<16xf32>
      %swap3A_183 = vector.shape_cast %mul3A_178 : vector<16xf32> to vector<1x16xf32>
      tpu.vector_store %arg13[%swap3A_179, %swap3A_180], %swap3A_183 {strides = array<i32>} : memref<40x128xf32, #tpu.memory_space<vmem>>, vector<1x16xf32>,
      %get3A_184 = arith.index_cast %scan3A_143 : i32 to index
      %get3A_185 = arith.constant 48 : index
      %get3A_186 = tpu.vector_load %arg9[%get3A_184, %get3A_185] {strides = array<i32>} : memref<40x128xf32, #tpu.memory_space<vmem>>, vector<1x16xf32>,
      %get3A_187 = vector.shape_cast %get3A_186 : vector<1x16xf32> to vector<16xf32>
      %get3A_188 = arith.index_cast %scan3A_143 : i32 to index
      %get3A_189 = arith.constant 48 : index
      %get3A_190 = tpu.vector_load %arg11[%get3A_188, %get3A_189] {strides = array<i32>} : memref<40x128xf32, #tpu.memory_space<vmem>>, vector<1x16xf32>,
      %get3A_191 = vector.shape_cast %get3A_190 : vector<1x16xf32> to vector<16xf32>
      %mul3A_192 = arith.mulf %get3A_187, %get3A_191 : vector<16xf32>
      %swap3A_193 = arith.index_cast %scan3A_143 : i32 to index
      %swap3A_194 = arith.constant 48 : index
      %swap3A_195 = tpu.vector_load %arg13[%swap3A_193, %swap3A_194] {strides = array<i32>} : memref<40x128xf32, #tpu.memory_space<vmem>>, vector<1x16xf32>,
      %swap3A_196 = vector.shape_cast %swap3A_195 : vector<1x16xf32> to vector<16xf32>
      %swap3A_197 = vector.shape_cast %mul3A_192 : vector<16xf32> to vector<1x16xf32>
      tpu.vector_store %arg13[%swap3A_193, %swap3A_194], %swap3A_197 {strides = array<i32>} : memref<40x128xf32, #tpu.memory_space<vmem>>, vector<1x16xf32>,
      %get3A_198 = arith.index_cast %scan3A_143 : i32 to index
      %get3A_199 = arith.constant 64 : index
      %get3A_200 = tpu.vector_load %arg9[%get3A_198, %get3A_199] {strides = array<i32>} : memref<40x128xf32, #tpu.memory_space<vmem>>, vector<1x16xf32>,
      %get3A_201 = vector.shape_cast %get3A_200 : vector<1x16xf32> to vector<16xf32>
      %get3A_202 = arith.index_cast %scan3A_143 : i32 to index
      %get3A_203 = arith.constant 64 : index
      %get3A_204 = tpu.vector_load %arg11[%get3A_202, %get3A_203] {strides = array<i32>} : memref<40x128xf32, #tpu.memory_space<vmem>>, vector<1x16xf32>,
      %get3A_205 = vector.shape_cast %get3A_204 : vector<1x16xf32> to vector<16xf32>
      %mul3A_206 = arith.mulf %get3A_201, %get3A_205 : vector<16xf32>
      %swap3A_207 = arith.index_cast %scan3A_143 : i32 to index
      %swap3A_208 = arith.constant 64 : index
      %swap3A_209 = tpu.vector_load %arg13[%swap3A_207, %swap3A_208] {strides = array<i32>} : memref<40x128xf32, #tpu.memory_space<vmem>>, vector<1x16xf32>,
      %swap3A_210 = vector.shape_cast %swap3A_209 : vector<1x16xf32> to vector<16xf32>
      %swap3A_211 = vector.shape_cast %mul3A_206 : vector<16xf32> to vector<1x16xf32>
      tpu.vector_store %arg13[%swap3A_207, %swap3A_208], %swap3A_211 {strides = array<i32>} : memref<40x128xf32, #tpu.memory_space<vmem>>, vector<1x16xf32>,
      %get3A_212 = arith.index_cast %scan3A_143 : i32 to index
      %get3A_213 = arith.constant 80 : index
      %get3A_214 = tpu.vector_load %arg9[%get3A_212, %get3A_213] {strides = array<i32>} : memref<40x128xf32, #tpu.memory_space<vmem>>, vector<1x16xf32>,
      %get3A_215 = vector.shape_cast %get3A_214 : vector<1x16xf32> to vector<16xf32>
      %get3A_216 = arith.index_cast %scan3A_143 : i32 to index
      %get3A_217 = arith.constant 80 : index
      %get3A_218 = tpu.vector_load %arg11[%get3A_216, %get3A_217] {strides = array<i32>} : memref<40x128xf32, #tpu.memory_space<vmem>>, vector<1x16xf32>,
      %get3A_219 = vector.shape_cast %get3A_218 : vector<1x16xf32> to vector<16xf32>
      %mul3A_220 = arith.mulf %get3A_215, %get3A_219 : vector<16xf32>
      %swap3A_221 = arith.index_cast %scan3A_143 : i32 to index
      %swap3A_222 = arith.constant 80 : index
      %swap3A_223 = tpu.vector_load %arg13[%swap3A_221, %swap3A_222] {strides = array<i32>} : memref<40x128xf32, #tpu.memory_space<vmem>>, vector<1x16xf32>,
      %swap3A_224 = vector.shape_cast %swap3A_223 : vector<1x16xf32> to vector<16xf32>
      %swap3A_225 = vector.shape_cast %mul3A_220 : vector<16xf32> to vector<1x16xf32>
      tpu.vector_store %arg13[%swap3A_221, %swap3A_222], %swap3A_225 {strides = array<i32>} : memref<40x128xf32, #tpu.memory_space<vmem>>, vector<1x16xf32>,
      %get3A_226 = arith.index_cast %scan3A_143 : i32 to index
      %get3A_227 = arith.constant 96 : index
      %get3A_228 = tpu.vector_load %arg9[%get3A_226, %get3A_227] {strides = array<i32>} : memref<40x128xf32, #tpu.memory_space<vmem>>, vector<1x16xf32>,
      %get3A_229 = vector.shape_cast %get3A_228 : vector<1x16xf32> to vector<16xf32>
      %get3A_230 = arith.index_cast %scan3A_143 : i32 to index
      %get3A_231 = arith.constant 96 : index
      %get3A_232 = tpu.vector_load %arg11[%get3A_230, %get3A_231] {strides = array<i32>} : memref<40x128xf32, #tpu.memory_space<vmem>>, vector<1x16xf32>,
      %get3A_233 = vector.shape_cast %get3A_232 : vector<1x16xf32> to vector<16xf32>
      %mul3A_234 = arith.mulf %get3A_229, %get3A_233 : vector<16xf32>
      %swap3A_235 = arith.index_cast %scan3A_143 : i32 to index
      %swap3A_236 = arith.constant 96 : index
      %swap3A_237 = tpu.vector_load %arg13[%swap3A_235, %swap3A_236] {strides = array<i32>} : memref<40x128xf32, #tpu.memory_space<vmem>>, vector<1x16xf32>,
      %swap3A_238 = vector.shape_cast %swap3A_237 : vector<1x16xf32> to vector<16xf32>
      %swap3A_239 = vector.shape_cast %mul3A_234 : vector<16xf32> to vector<1x16xf32>
      tpu.vector_store %arg13[%swap3A_235, %swap3A_236], %swap3A_239 {strides = array<i32>} : memref<40x128xf32, #tpu.memory_space<vmem>>, vector<1x16xf32>,
      %get3A_240 = arith.index_cast %scan3A_143 : i32 to index
      %get3A_241 = arith.constant 112 : index
      %get3A_242 = tpu.vector_load %arg9[%get3A_240, %get3A_241] {strides = array<i32>} : memref<40x128xf32, #tpu.memory_space<vmem>>, vector<1x16xf32>,
      %get3A_243 = vector.shape_cast %get3A_242 : vector<1x16xf32> to vector<16xf32>
      %get3A_244 = arith.index_cast %scan3A_143 : i32 to index
      %get3A_245 = arith.constant 112 : index
      %get3A_246 = tpu.vector_load %arg11[%get3A_244, %get3A_245] {strides = array<i32>} : memref<40x128xf32, #tpu.memory_space<vmem>>, vector<1x16xf32>,
      %get3A_247 = vector.shape_cast %get3A_246 : vector<1x16xf32> to vector<16xf32>
      %mul3A_248 = arith.mulf %get3A_243, %get3A_247 : vector<16xf32>
      %swap3A_249 = arith.index_cast %scan3A_143 : i32 to index
      %swap3A_250 = arith.constant 112 : index
      %swap3A_251 = tpu.vector_load %arg13[%swap3A_249, %swap3A_250] {strides = array<i32>} : memref<40x128xf32, #tpu.memory_space<vmem>>, vector<1x16xf32>,
      %swap3A_252 = vector.shape_cast %swap3A_251 : vector<1x16xf32> to vector<16xf32>
      %swap3A_253 = vector.shape_cast %mul3A_248 : vector<16xf32> to vector<1x16xf32>
      tpu.vector_store %arg13[%swap3A_249, %swap3A_250], %swap3A_253 {strides = array<i32>} : memref<40x128xf32, #tpu.memory_space<vmem>>, vector<1x16xf32>,
    }
    %scan3A_78 = arith.constant 40 : i32
    %dma_start3A_79 = arith.constant 0 : i32
    %dma_start3A_80 = tpu.memref_slice %arg8[%dma_start3A_79] : memref<3200xi32, #tpu.memory_space<vmem>> -> memref<40xi32, #tpu.memory_space<vmem>>
    %dma_start3A_81 = arith.constant 0 : i32
    %dma_start3A_82 = arith.constant 0 : i32
    %dma_start3A_83 = tpu.memref_slice %arg21[%dma_start3A_81, %dma_start3A_82] : memref<10240x128xf32, #tpu.memory_space<vmem_shared>> -> memref<10240x128xf32, #tpu.memory_space<vmem_shared>>
    tpu.enqueue_indirect_dma source(%arg13 : memref<40x128xf32, #tpu.memory_space<vmem>>) target(%dma_start3A_83 : memref<10240x128xf32, #tpu.memory_space<vmem_shared>>) offsets(%dma_start3A_80 : memref<40xi32, #tpu.memory_space<vmem>>) semaphore(%arg19 : memref<!tpu.dma_semaphore, #tpu.memory_space<semaphore_mem>>) {add = true}
    %add3A_84 = arith.constant 80 : i32
    %add3A_85 = arith.addi %mul3A_2, %add3A_84 : i32
    %dma_start3A_86 = arith.constant 0 : i32
    %dma_start3A_87 = tpu.memref_slice %arg5[%add3A_85, %dma_start3A_86] : memref<102400x128xf32, #tpu.memory_space<hbm>> -> memref<40x128xf32, #tpu.memory_space<hbm>>
    %dma_start3A_88 = arith.constant 0 : i32
    %dma_start3A_89 = tpu.memref_slice %arg5[%add3A_85, %dma_start3A_88] : memref<102400x128xf32, #tpu.memory_space<hbm>> -> memref<40x128xf32, #tpu.memory_space<hbm>>
    tpu.enqueue_dma source(%dma_start3A_89 : memref<40x128xf32, #tpu.memory_space<hbm>>) target(%arg11 : memref<40x128xf32, #tpu.memory_space<vmem>>) target_semaphore(%arg17 : memref<!tpu.dma_semaphore, #tpu.memory_space<semaphore_mem>>)
    %dma_start3A_90 = arith.constant 80 : i32
    %dma_start3A_91 = tpu.memref_slice %arg7[%dma_start3A_90] : memref<3200xi32, #tpu.memory_space<vmem>> -> memref<40xi32, #tpu.memory_space<vmem>>
    %dma_start3A_92 = arith.constant 0 : i32
    %dma_start3A_93 = arith.constant 0 : i32
    %dma_start3A_94 = tpu.memref_slice %arg2[%dma_start3A_92, %dma_start3A_93] : memref<10000x128xf32, #tpu.memory_space<hbm>> -> memref<10000x128xf32, #tpu.memory_space<hbm>>
    tpu.enqueue_indirect_dma source(%dma_start3A_94 : memref<10000x128xf32, #tpu.memory_space<hbm>>) target(%arg9 : memref<40x128xf32, #tpu.memory_space<vmem>>) offsets(%dma_start3A_91 : memref<40xi32, #tpu.memory_space<vmem>>) semaphore(%arg15 : memref<!tpu.dma_semaphore, #tpu.memory_space<semaphore_mem>>)
    %dma_wait3A_95 = arith.constant 0 : i32
    %dma_wait3A_96 = tpu.memref_slice %arg5[%mul3A_2, %dma_wait3A_95] : memref<102400x128xf32, #tpu.memory_space<hbm>> -> memref<40x128xf32, #tpu.memory_space<hbm>>
    %dma_wait3A_97 = arith.constant 0 : i32
    %dma_wait3A_98 = tpu.memref_slice %arg5[%mul3A_2, %dma_wait3A_97] : memref<102400x128xf32, #tpu.memory_space<hbm>> -> memref<40x128xf32, #tpu.memory_space<hbm>>
    tpu.wait_dma2 semaphore(%arg18 : memref<!tpu.dma_semaphore, #tpu.memory_space<semaphore_mem>>) src(%dma_wait3A_98 : memref<40x128xf32, #tpu.memory_space<hbm>>) dst(%arg12 : memref<40x128xf32, #tpu.memory_space<vmem>>)
    %dma_wait3A_99 = arith.constant 0 : i32
    %dma_wait3A_100 = tpu.memref_slice %arg7[%dma_wait3A_99] : memref<3200xi32, #tpu.memory_space<vmem>> -> memref<40xi32, #tpu.memory_space<vmem>>
    %dma_wait3A_101 = arith.constant 0 : i32
    %dma_wait3A_102 = arith.constant 0 : i32
    %dma_wait3A_103 = tpu.memref_slice %arg2[%dma_wait3A_101, %dma_wait3A_102] : memref<10000x128xf32, #tpu.memory_space<hbm>> -> memref<10000x128xf32, #tpu.memory_space<hbm>>
    tpu.wait_indirect_dma semaphore(%arg16 : memref<!tpu.dma_semaphore, #tpu.memory_space<semaphore_mem>>) src(%dma_wait3A_103 : memref<10000x128xf32, #tpu.memory_space<hbm>>) dst(%arg10 : memref<40x128xf32, #tpu.memory_space<vmem>>)
    %scan3A_104 = arith.constant 0 : i32
    %scan3A_105 = arith.constant 0 : i32
    %scan3A_106 = arith.constant 40 : i32
    %scan3A_107 = arith.addi %scan3A_105, %scan3A_106 : i32
    %scan3A_108 = arith.constant 1 : i32
    scf.for %scan3A_143 = %scan3A_105 to %scan3A_107 step %scan3A_108  : i32 {
      %get3A = arith.index_cast %scan3A_143 : i32 to index
      %get3A_144 = arith.constant 0 : index
      %get3A_145 = tpu.vector_load %arg10[%get3A, %get3A_144] {strides = array<i32>} : memref<40x128xf32, #tpu.memory_space<vmem>>, vector<1x16xf32>,
      %get3A_146 = vector.shape_cast %get3A_145 : vector<1x16xf32> to vector<16xf32>
      %get3A_147 = arith.index_cast %scan3A_143 : i32 to index
      %get3A_148 = arith.constant 0 : index
      %get3A_149 = tpu.vector_load %arg12[%get3A_147, %get3A_148] {strides = array<i32>} : memref<40x128xf32, #tpu.memory_space<vmem>>, vector<1x16xf32>,
      %get3A_150 = vector.shape_cast %get3A_149 : vector<1x16xf32> to vector<16xf32>
      %mul3A_151 = arith.mulf %get3A_146, %get3A_150 : vector<16xf32>
      %swap3A = arith.index_cast %scan3A_143 : i32 to index
      %swap3A_152 = arith.constant 0 : index
      %swap3A_153 = tpu.vector_load %arg14[%swap3A, %swap3A_152] {strides = array<i32>} : memref<40x128xf32, #tpu.memory_space<vmem>>, vector<1x16xf32>,
      %swap3A_154 = vector.shape_cast %swap3A_153 : vector<1x16xf32> to vector<16xf32>
      %swap3A_155 = vector.shape_cast %mul3A_151 : vector<16xf32> to vector<1x16xf32>
      tpu.vector_store %arg14[%swap3A, %swap3A_152], %swap3A_155 {strides = array<i32>} : memref<40x128xf32, #tpu.memory_space<vmem>>, vector<1x16xf32>,
      %get3A_156 = arith.index_cast %scan3A_143 : i32 to index
      %get3A_157 = arith.constant 16 : index
      %get3A_158 = tpu.vector_load %arg10[%get3A_156, %get3A_157] {strides = array<i32>} : memref<40x128xf32, #tpu.memory_space<vmem>>, vector<1x16xf32>,
      %get3A_159 = vector.shape_cast %get3A_158 : vector<1x16xf32> to vector<16xf32>
      %get3A_160 = arith.index_cast %scan3A_143 : i32 to index
      %get3A_161 = arith.constant 16 : index
      %get3A_162 = tpu.vector_load %arg12[%get3A_160, %get3A_161] {strides = array<i32>} : memref<40x128xf32, #tpu.memory_space<vmem>>, vector<1x16xf32>,
      %get3A_163 = vector.shape_cast %get3A_162 : vector<1x16xf32> to vector<16xf32>
      %mul3A_164 = arith.mulf %get3A_159, %get3A_163 : vector<16xf32>
      %swap3A_165 = arith.index_cast %scan3A_143 : i32 to index
      %swap3A_166 = arith.constant 16 : index
      %swap3A_167 = tpu.vector_load %arg14[%swap3A_165, %swap3A_166] {strides = array<i32>} : memref<40x128xf32, #tpu.memory_space<vmem>>, vector<1x16xf32>,
      %swap3A_168 = vector.shape_cast %swap3A_167 : vector<1x16xf32> to vector<16xf32>
      %swap3A_169 = vector.shape_cast %mul3A_164 : vector<16xf32> to vector<1x16xf32>
      tpu.vector_store %arg14[%swap3A_165, %swap3A_166], %swap3A_169 {strides = array<i32>} : memref<40x128xf32, #tpu.memory_space<vmem>>, vector<1x16xf32>,
      %get3A_170 = arith.index_cast %scan3A_143 : i32 to index
      %get3A_171 = arith.constant 32 : index
      %get3A_172 = tpu.vector_load %arg10[%get3A_170, %get3A_171] {strides = array<i32>} : memref<40x128xf32, #tpu.memory_space<vmem>>, vector<1x16xf32>,
      %get3A_173 = vector.shape_cast %get3A_172 : vector<1x16xf32> to vector<16xf32>
      %get3A_174 = arith.index_cast %scan3A_143 : i32 to index
      %get3A_175 = arith.constant 32 : index
      %get3A_176 = tpu.vector_load %arg12[%get3A_174, %get3A_175] {strides = array<i32>} : memref<40x128xf32, #tpu.memory_space<vmem>>, vector<1x16xf32>,
      %get3A_177 = vector.shape_cast %get3A_176 : vector<1x16xf32> to vector<16xf32>
      %mul3A_178 = arith.mulf %get3A_173, %get3A_177 : vector<16xf32>
      %swap3A_179 = arith.index_cast %scan3A_143 : i32 to index
      %swap3A_180 = arith.constant 32 : index
      %swap3A_181 = tpu.vector_load %arg14[%swap3A_179, %swap3A_180] {strides = array<i32>} : memref<40x128xf32, #tpu.memory_space<vmem>>, vector<1x16xf32>,
      %swap3A_182 = vector.shape_cast %swap3A_181 : vector<1x16xf32> to vector<16xf32>
      %swap3A_183 = vector.shape_cast %mul3A_178 : vector<16xf32> to vector<1x16xf32>
      tpu.vector_store %arg14[%swap3A_179, %swap3A_180], %swap3A_183 {strides = array<i32>} : memref<40x128xf32, #tpu.memory_space<vmem>>, vector<1x16xf32>,
      %get3A_184 = arith.index_cast %scan3A_143 : i32 to index
      %get3A_185 = arith.constant 48 : index
      %get3A_186 = tpu.vector_load %arg10[%get3A_184, %get3A_185] {strides = array<i32>} : memref<40x128xf32, #tpu.memory_space<vmem>>, vector<1x16xf32>,
      %get3A_187 = vector.shape_cast %get3A_186 : vector<1x16xf32> to vector<16xf32>
      %get3A_188 = arith.index_cast %scan3A_143 : i32 to index
      %get3A_189 = arith.constant 48 : index
      %get3A_190 = tpu.vector_load %arg12[%get3A_188, %get3A_189] {strides = array<i32>} : memref<40x128xf32, #tpu.memory_space<vmem>>, vector<1x16xf32>,
      %get3A_191 = vector.shape_cast %get3A_190 : vector<1x16xf32> to vector<16xf32>
      %mul3A_192 = arith.mulf %get3A_187, %get3A_191 : vector<16xf32>
      %swap3A_193 = arith.index_cast %scan3A_143 : i32 to index
      %swap3A_194 = arith.constant 48 : index
      %swap3A_195 = tpu.vector_load %arg14[%swap3A_193, %swap3A_194] {strides = array<i32>} : memref<40x128xf32, #tpu.memory_space<vmem>>, vector<1x16xf32>,
      %swap3A_196 = vector.shape_cast %swap3A_195 : vector<1x16xf32> to vector<16xf32>
      %swap3A_197 = vector.shape_cast %mul3A_192 : vector<16xf32> to vector<1x16xf32>
      tpu.vector_store %arg14[%swap3A_193, %swap3A_194], %swap3A_197 {strides = array<i32>} : memref<40x128xf32, #tpu.memory_space<vmem>>, vector<1x16xf32>,
      %get3A_198 = arith.index_cast %scan3A_143 : i32 to index
      %get3A_199 = arith.constant 64 : index
      %get3A_200 = tpu.vector_load %arg10[%get3A_198, %get3A_199] {strides = array<i32>} : memref<40x128xf32, #tpu.memory_space<vmem>>, vector<1x16xf32>,
      %get3A_201 = vector.shape_cast %get3A_200 : vector<1x16xf32> to vector<16xf32>
      %get3A_202 = arith.index_cast %scan3A_143 : i32 to index
      %get3A_203 = arith.constant 64 : index
      %get3A_204 = tpu.vector_load %arg12[%get3A_202, %get3A_203] {strides = array<i32>} : memref<40x128xf32, #tpu.memory_space<vmem>>, vector<1x16xf32>,
      %get3A_205 = vector.shape_cast %get3A_204 : vector<1x16xf32> to vector<16xf32>
      %mul3A_206 = arith.mulf %get3A_201, %get3A_205 : vector<16xf32>
      %swap3A_207 = arith.index_cast %scan3A_143 : i32 to index
      %swap3A_208 = arith.constant 64 : index
      %swap3A_209 = tpu.vector_load %arg14[%swap3A_207, %swap3A_208] {strides = array<i32>} : memref<40x128xf32, #tpu.memory_space<vmem>>, vector<1x16xf32>,
      %swap3A_210 = vector.shape_cast %swap3A_209 : vector<1x16xf32> to vector<16xf32>
      %swap3A_211 = vector.shape_cast %mul3A_206 : vector<16xf32> to vector<1x16xf32>
      tpu.vector_store %arg14[%swap3A_207, %swap3A_208], %swap3A_211 {strides = array<i32>} : memref<40x128xf32, #tpu.memory_space<vmem>>, vector<1x16xf32>,
      %get3A_212 = arith.index_cast %scan3A_143 : i32 to index
      %get3A_213 = arith.constant 80 : index
      %get3A_214 = tpu.vector_load %arg10[%get3A_212, %get3A_213] {strides = array<i32>} : memref<40x128xf32, #tpu.memory_space<vmem>>, vector<1x16xf32>,
      %get3A_215 = vector.shape_cast %get3A_214 : vector<1x16xf32> to vector<16xf32>
      %get3A_216 = arith.index_cast %scan3A_143 : i32 to index
      %get3A_217 = arith.constant 80 : index
      %get3A_218 = tpu.vector_load %arg12[%get3A_216, %get3A_217] {strides = array<i32>} : memref<40x128xf32, #tpu.memory_space<vmem>>, vector<1x16xf32>,
      %get3A_219 = vector.shape_cast %get3A_218 : vector<1x16xf32> to vector<16xf32>
      %mul3A_220 = arith.mulf %get3A_215, %get3A_219 : vector<16xf32>
      %swap3A_221 = arith.index_cast %scan3A_143 : i32 to index
      %swap3A_222 = arith.constant 80 : index
      %swap3A_223 = tpu.vector_load %arg14[%swap3A_221, %swap3A_222] {strides = array<i32>} : memref<40x128xf32, #tpu.memory_space<vmem>>, vector<1x16xf32>,
      %swap3A_224 = vector.shape_cast %swap3A_223 : vector<1x16xf32> to vector<16xf32>
      %swap3A_225 = vector.shape_cast %mul3A_220 : vector<16xf32> to vector<1x16xf32>
      tpu.vector_store %arg14[%swap3A_221, %swap3A_222], %swap3A_225 {strides = array<i32>} : memref<40x128xf32, #tpu.memory_space<vmem>>, vector<1x16xf32>,
      %get3A_226 = arith.index_cast %scan3A_143 : i32 to index
      %get3A_227 = arith.constant 96 : index
      %get3A_228 = tpu.vector_load %arg10[%get3A_226, %get3A_227] {strides = array<i32>} : memref<40x128xf32, #tpu.memory_space<vmem>>, vector<1x16xf32>,
      %get3A_229 = vector.shape_cast %get3A_228 : vector<1x16xf32> to vector<16xf32>
      %get3A_230 = arith.index_cast %scan3A_143 : i32 to index
      %get3A_231 = arith.constant 96 : index
      %get3A_232 = tpu.vector_load %arg12[%get3A_230, %get3A_231] {strides = array<i32>} : memref<40x128xf32, #tpu.memory_space<vmem>>, vector<1x16xf32>,
      %get3A_233 = vector.shape_cast %get3A_232 : vector<1x16xf32> to vector<16xf32>
      %mul3A_234 = arith.mulf %get3A_229, %get3A_233 : vector<16xf32>
      %swap3A_235 = arith.index_cast %scan3A_143 : i32 to index
      %swap3A_236 = arith.constant 96 : index
      %swap3A_237 = tpu.vector_load %arg14[%swap3A_235, %swap3A_236] {strides = array<i32>} : memref<40x128xf32, #tpu.memory_space<vmem>>, vector<1x16xf32>,
      %swap3A_238 = vector.shape_cast %swap3A_237 : vector<1x16xf32> to vector<16xf32>
      %swap3A_239 = vector.shape_cast %mul3A_234 : vector<16xf32> to vector<1x16xf32>
      tpu.vector_store %arg14[%swap3A_235, %swap3A_236], %swap3A_239 {strides = array<i32>} : memref<40x128xf32, #tpu.memory_space<vmem>>, vector<1x16xf32>,
      %get3A_240 = arith.index_cast %scan3A_143 : i32 to index
      %get3A_241 = arith.constant 112 : index
      %get3A_242 = tpu.vector_load %arg10[%get3A_240, %get3A_241] {strides = array<i32>} : memref<40x128xf32, #tpu.memory_space<vmem>>, vector<1x16xf32>,
      %get3A_243 = vector.shape_cast %get3A_242 : vector<1x16xf32> to vector<16xf32>
      %get3A_244 = arith.index_cast %scan3A_143 : i32 to index
      %get3A_245 = arith.constant 112 : index
      %get3A_246 = tpu.vector_load %arg12[%get3A_244, %get3A_245] {strides = array<i32>} : memref<40x128xf32, #tpu.memory_space<vmem>>, vector<1x16xf32>,
      %get3A_247 = vector.shape_cast %get3A_246 : vector<1x16xf32> to vector<16xf32>
      %mul3A_248 = arith.mulf %get3A_243, %get3A_247 : vector<16xf32>
      %swap3A_249 = arith.index_cast %scan3A_143 : i32 to index
      %swap3A_250 = arith.constant 112 : index
      %swap3A_251 = tpu.vector_load %arg14[%swap3A_249, %swap3A_250] {strides = array<i32>} : memref<40x128xf32, #tpu.memory_space<vmem>>, vector<1x16xf32>,
      %swap3A_252 = vector.shape_cast %swap3A_251 : vector<1x16xf32> to vector<16xf32>
      %swap3A_253 = vector.shape_cast %mul3A_248 : vector<16xf32> to vector<1x16xf32>
      tpu.vector_store %arg14[%swap3A_249, %swap3A_250], %swap3A_253 {strides = array<i32>} : memref<40x128xf32, #tpu.memory_space<vmem>>, vector<1x16xf32>,
    }
    %scan3A_109 = arith.constant 40 : i32
    %dma_start3A_110 = arith.constant 40 : i32
    %dma_start3A_111 = tpu.memref_slice %arg8[%dma_start3A_110] : memref<3200xi32, #tpu.memory_space<vmem>> -> memref<40xi32, #tpu.memory_space<vmem>>
    %dma_start3A_112 = arith.constant 0 : i32
    %dma_start3A_113 = arith.constant 0 : i32
    %dma_start3A_114 = tpu.memref_slice %arg21[%dma_start3A_112, %dma_start3A_113] : memref<10240x128xf32, #tpu.memory_space<vmem_shared>> -> memref<10240x128xf32, #tpu.memory_space<vmem_shared>>
    tpu.enqueue_indirect_dma source(%arg14 : memref<40x128xf32, #tpu.memory_space<vmem>>) target(%dma_start3A_114 : memref<10240x128xf32, #tpu.memory_space<vmem_shared>>) offsets(%dma_start3A_111 : memref<40xi32, #tpu.memory_space<vmem>>) semaphore(%arg20 : memref<!tpu.dma_semaphore, #tpu.memory_space<semaphore_mem>>) {add = true}
    %add3A_115 = arith.constant 120 : i32
    %add3A_116 = arith.addi %mul3A_2, %add3A_115 : i32
    %dma_start3A_117 = arith.constant 0 : i32
    %dma_start3A_118 = tpu.memref_slice %arg5[%add3A_116, %dma_start3A_117] : memref<102400x128xf32, #tpu.memory_space<hbm>> -> memref<40x128xf32, #tpu.memory_space<hbm>>
    %dma_start3A_119 = arith.constant 0 : i32
    %dma_start3A_120 = tpu.memref_slice %arg5[%add3A_116, %dma_start3A_119] : memref<102400x128xf32, #tpu.memory_space<hbm>> -> memref<40x128xf32, #tpu.memory_space<hbm>>
    tpu.enqueue_dma source(%dma_start3A_120 : memref<40x128xf32, #tpu.memory_space<hbm>>) target(%arg12 : memref<40x128xf32, #tpu.memory_space<vmem>>) target_semaphore(%arg18 : memref<!tpu.dma_semaphore, #tpu.memory_space<semaphore_mem>>)
    %dma_start3A_121 = arith.constant 120 : i32
    %dma_start3A_122 = tpu.memref_slice %arg7[%dma_start3A_121] : memref<3200xi32, #tpu.memory_space<vmem>> -> memref<40xi32, #tpu.memory_space<vmem>>
    %dma_start3A_123 = arith.constant 0 : i32
    %dma_start3A_124 = arith.constant 0 : i32
    %dma_start3A_125 = tpu.memref_slice %arg2[%dma_start3A_123, %dma_start3A_124] : memref<10000x128xf32, #tpu.memory_space<hbm>> -> memref<10000x128xf32, #tpu.memory_space<hbm>>
    tpu.enqueue_indirect_dma source(%dma_start3A_125 : memref<10000x128xf32, #tpu.memory_space<hbm>>) target(%arg10 : memref<40x128xf32, #tpu.memory_space<vmem>>) offsets(%dma_start3A_122 : memref<40xi32, #tpu.memory_space<vmem>>) semaphore(%arg16 : memref<!tpu.dma_semaphore, #tpu.memory_space<semaphore_mem>>)
    %scan3A_126 = arith.constant 0 : i32
    %scan3A_127 = arith.constant 1 : i32
    %scan3A_128 = arith.constant 39 : i32
    %scan3A_129 = arith.addi %scan3A_127, %scan3A_128 : i32
    %scan3A_130 = arith.constant 1 : i32
    scf.for %scan3A_143 = %scan3A_127 to %scan3A_129 step %scan3A_130  : i32 {
      %mul3A_144 = arith.constant 2 : i32
      %mul3A_145 = arith.muli %mul3A_144, %scan3A_143 : i32
      %add3A_146 = arith.constant 0 : i32
      %add3A_147 = arith.addi %mul3A_145, %add3A_146 : i32
      %dma_wait3A_148 = arith.constant 0 : i32
      %dma_wait3A_149 = tpu.memref_slice %arg5[%mul3A_2, %dma_wait3A_148] : memref<102400x128xf32, #tpu.memory_space<hbm>> -> memref<40x128xf32, #tpu.memory_space<hbm>>
      %dma_wait3A_150 = arith.constant 0 : i32
      %dma_wait3A_151 = tpu.memref_slice %arg5[%mul3A_2, %dma_wait3A_150] : memref<102400x128xf32, #tpu.memory_space<hbm>> -> memref<40x128xf32, #tpu.memory_space<hbm>>
      tpu.wait_dma2 semaphore(%arg17 : memref<!tpu.dma_semaphore, #tpu.memory_space<semaphore_mem>>) src(%dma_wait3A_151 : memref<40x128xf32, #tpu.memory_space<hbm>>) dst(%arg11 : memref<40x128xf32, #tpu.memory_space<vmem>>)
      %dma_wait3A_152 = arith.constant 0 : i32
      %dma_wait3A_153 = tpu.memref_slice %arg7[%dma_wait3A_152] : memref<3200xi32, #tpu.memory_space<vmem>> -> memref<40xi32, #tpu.memory_space<vmem>>
      %dma_wait3A_154 = arith.constant 0 : i32
      %dma_wait3A_155 = arith.constant 0 : i32
      %dma_wait3A_156 = tpu.memref_slice %arg2[%dma_wait3A_154, %dma_wait3A_155] : memref<10000x128xf32, #tpu.memory_space<hbm>> -> memref<10000x128xf32, #tpu.memory_space<hbm>>
      tpu.wait_indirect_dma semaphore(%arg15 : memref<!tpu.dma_semaphore, #tpu.memory_space<semaphore_mem>>) src(%dma_wait3A_156 : memref<10000x128xf32, #tpu.memory_space<hbm>>) dst(%arg9 : memref<40x128xf32, #tpu.memory_space<vmem>>)
      %dma_wait3A_157 = arith.constant 0 : i32
      %dma_wait3A_158 = tpu.memref_slice %arg8[%dma_wait3A_157] : memref<3200xi32, #tpu.memory_space<vmem>> -> memref<40xi32, #tpu.memory_space<vmem>>
      %dma_wait3A_159 = arith.constant 0 : i32
      %dma_wait3A_160 = arith.constant 0 : i32
      %dma_wait3A_161 = tpu.memref_slice %arg21[%dma_wait3A_159, %dma_wait3A_160] : memref<10240x128xf32, #tpu.memory_space<vmem_shared>> -> memref<10240x128xf32, #tpu.memory_space<vmem_shared>>
      tpu.wait_indirect_dma semaphore(%arg19 : memref<!tpu.dma_semaphore, #tpu.memory_space<semaphore_mem>>) src(%arg13 : memref<40x128xf32, #tpu.memory_space<vmem>>) dst(%dma_wait3A_161 : memref<10240x128xf32, #tpu.memory_space<vmem_shared>>)
      %scan3A_162 = arith.constant 0 : i32
      %scan3A_163 = arith.constant 0 : i32
      %scan3A_164 = arith.constant 40 : i32
      %scan3A_165 = arith.addi %scan3A_163, %scan3A_164 : i32
      %scan3A_166 = arith.constant 1 : i32
      scf.for %scan3A_215 = %scan3A_163 to %scan3A_165 step %scan3A_166  : i32 {
        %get3A = arith.index_cast %scan3A_215 : i32 to index
        %get3A_216 = arith.constant 0 : index
        %get3A_217 = tpu.vector_load %arg9[%get3A, %get3A_216] {strides = array<i32>} : memref<40x128xf32, #tpu.memory_space<vmem>>, vector<1x16xf32>,
        %get3A_218 = vector.shape_cast %get3A_217 : vector<1x16xf32> to vector<16xf32>
        %get3A_219 = arith.index_cast %scan3A_215 : i32 to index
        %get3A_220 = arith.constant 0 : index
        %get3A_221 = tpu.vector_load %arg11[%get3A_219, %get3A_220] {strides = array<i32>} : memref<40x128xf32, #tpu.memory_space<vmem>>, vector<1x16xf32>,
        %get3A_222 = vector.shape_cast %get3A_221 : vector<1x16xf32> to vector<16xf32>
        %mul3A_223 = arith.mulf %get3A_218, %get3A_222 : vector<16xf32>
        %swap3A = arith.index_cast %scan3A_215 : i32 to index
        %swap3A_224 = arith.constant 0 : index
        %swap3A_225 = tpu.vector_load %arg13[%swap3A, %swap3A_224] {strides = array<i32>} : memref<40x128xf32, #tpu.memory_space<vmem>>, vector<1x16xf32>,
        %swap3A_226 = vector.shape_cast %swap3A_225 : vector<1x16xf32> to vector<16xf32>
        %swap3A_227 = vector.shape_cast %mul3A_223 : vector<16xf32> to vector<1x16xf32>
        tpu.vector_store %arg13[%swap3A, %swap3A_224], %swap3A_227 {strides = array<i32>} : memref<40x128xf32, #tpu.memory_space<vmem>>, vector<1x16xf32>,
        %get3A_228 = arith.index_cast %scan3A_215 : i32 to index
        %get3A_229 = arith.constant 16 : index
        %get3A_230 = tpu.vector_load %arg9[%get3A_228, %get3A_229] {strides = array<i32>} : memref<40x128xf32, #tpu.memory_space<vmem>>, vector<1x16xf32>,
        %get3A_231 = vector.shape_cast %get3A_230 : vector<1x16xf32> to vector<16xf32>
        %get3A_232 = arith.index_cast %scan3A_215 : i32 to index
        %get3A_233 = arith.constant 16 : index
        %get3A_234 = tpu.vector_load %arg11[%get3A_232, %get3A_233] {strides = array<i32>} : memref<40x128xf32, #tpu.memory_space<vmem>>, vector<1x16xf32>,
        %get3A_235 = vector.shape_cast %get3A_234 : vector<1x16xf32> to vector<16xf32>
        %mul3A_236 = arith.mulf %get3A_231, %get3A_235 : vector<16xf32>
        %swap3A_237 = arith.index_cast %scan3A_215 : i32 to index
        %swap3A_238 = arith.constant 16 : index
        %swap3A_239 = tpu.vector_load %arg13[%swap3A_237, %swap3A_238] {strides = array<i32>} : memref<40x128xf32, #tpu.memory_space<vmem>>, vector<1x16xf32>,
        %swap3A_240 = vector.shape_cast %swap3A_239 : vector<1x16xf32> to vector<16xf32>
        %swap3A_241 = vector.shape_cast %mul3A_236 : vector<16xf32> to vector<1x16xf32>
        tpu.vector_store %arg13[%swap3A_237, %swap3A_238], %swap3A_241 {strides = array<i32>} : memref<40x128xf32, #tpu.memory_space<vmem>>, vector<1x16xf32>,
        %get3A_242 = arith.index_cast %scan3A_215 : i32 to index
        %get3A_243 = arith.constant 32 : index
        %get3A_244 = tpu.vector_load %arg9[%get3A_242, %get3A_243] {strides = array<i32>} : memref<40x128xf32, #tpu.memory_space<vmem>>, vector<1x16xf32>,
        %get3A_245 = vector.shape_cast %get3A_244 : vector<1x16xf32> to vector<16xf32>
        %get3A_246 = arith.index_cast %scan3A_215 : i32 to index
        %get3A_247 = arith.constant 32 : index
        %get3A_248 = tpu.vector_load %arg11[%get3A_246, %get3A_247] {strides = array<i32>} : memref<40x128xf32, #tpu.memory_space<vmem>>, vector<1x16xf32>,
        %get3A_249 = vector.shape_cast %get3A_248 : vector<1x16xf32> to vector<16xf32>
        %mul3A_250 = arith.mulf %get3A_245, %get3A_249 : vector<16xf32>
        %swap3A_251 = arith.index_cast %scan3A_215 : i32 to index
        %swap3A_252 = arith.constant 32 : index
        %swap3A_253 = tpu.vector_load %arg13[%swap3A_251, %swap3A_252] {strides = array<i32>} : memref<40x128xf32, #tpu.memory_space<vmem>>, vector<1x16xf32>,
        %swap3A_254 = vector.shape_cast %swap3A_253 : vector<1x16xf32> to vector<16xf32>
        %swap3A_255 = vector.shape_cast %mul3A_250 : vector<16xf32> to vector<1x16xf32>
        tpu.vector_store %arg13[%swap3A_251, %swap3A_252], %swap3A_255 {strides = array<i32>} : memref<40x128xf32, #tpu.memory_space<vmem>>, vector<1x16xf32>,
        %get3A_256 = arith.index_cast %scan3A_215 : i32 to index
        %get3A_257 = arith.constant 48 : index
        %get3A_258 = tpu.vector_load %arg9[%get3A_256, %get3A_257] {strides = array<i32>} : memref<40x128xf32, #tpu.memory_space<vmem>>, vector<1x16xf32>,
        %get3A_259 = vector.shape_cast %get3A_258 : vector<1x16xf32> to vector<16xf32>
        %get3A_260 = arith.index_cast %scan3A_215 : i32 to index
        %get3A_261 = arith.constant 48 : index
        %get3A_262 = tpu.vector_load %arg11[%get3A_260, %get3A_261] {strides = array<i32>} : memref<40x128xf32, #tpu.memory_space<vmem>>, vector<1x16xf32>,
        %get3A_263 = vector.shape_cast %get3A_262 : vector<1x16xf32> to vector<16xf32>
        %mul3A_264 = arith.mulf %get3A_259, %get3A_263 : vector<16xf32>
        %swap3A_265 = arith.index_cast %scan3A_215 : i32 to index
        %swap3A_266 = arith.constant 48 : index
        %swap3A_267 = tpu.vector_load %arg13[%swap3A_265, %swap3A_266] {strides = array<i32>} : memref<40x128xf32, #tpu.memory_space<vmem>>, vector<1x16xf32>,
        %swap3A_268 = vector.shape_cast %swap3A_267 : vector<1x16xf32> to vector<16xf32>
        %swap3A_269 = vector.shape_cast %mul3A_264 : vector<16xf32> to vector<1x16xf32>
        tpu.vector_store %arg13[%swap3A_265, %swap3A_266], %swap3A_269 {strides = array<i32>} : memref<40x128xf32, #tpu.memory_space<vmem>>, vector<1x16xf32>,
        %get3A_270 = arith.index_cast %scan3A_215 : i32 to index
        %get3A_271 = arith.constant 64 : index
        %get3A_272 = tpu.vector_load %arg9[%get3A_270, %get3A_271] {strides = array<i32>} : memref<40x128xf32, #tpu.memory_space<vmem>>, vector<1x16xf32>,
        %get3A_273 = vector.shape_cast %get3A_272 : vector<1x16xf32> to vector<16xf32>
        %get3A_274 = arith.index_cast %scan3A_215 : i32 to index
        %get3A_275 = arith.constant 64 : index
        %get3A_276 = tpu.vector_load %arg11[%get3A_274, %get3A_275] {strides = array<i32>} : memref<40x128xf32, #tpu.memory_space<vmem>>, vector<1x16xf32>,
        %get3A_277 = vector.shape_cast %get3A_276 : vector<1x16xf32> to vector<16xf32>
        %mul3A_278 = arith.mulf %get3A_273, %get3A_277 : vector<16xf32>
        %swap3A_279 = arith.index_cast %scan3A_215 : i32 to index
        %swap3A_280 = arith.constant 64 : index
        %swap3A_281 = tpu.vector_load %arg13[%swap3A_279, %swap3A_280] {strides = array<i32>} : memref<40x128xf32, #tpu.memory_space<vmem>>, vector<1x16xf32>,
        %swap3A_282 = vector.shape_cast %swap3A_281 : vector<1x16xf32> to vector<16xf32>
        %swap3A_283 = vector.shape_cast %mul3A_278 : vector<16xf32> to vector<1x16xf32>
        tpu.vector_store %arg13[%swap3A_279, %swap3A_280], %swap3A_283 {strides = array<i32>} : memref<40x128xf32, #tpu.memory_space<vmem>>, vector<1x16xf32>,
        %get3A_284 = arith.index_cast %scan3A_215 : i32 to index
        %get3A_285 = arith.constant 80 : index
        %get3A_286 = tpu.vector_load %arg9[%get3A_284, %get3A_285] {strides = array<i32>} : memref<40x128xf32, #tpu.memory_space<vmem>>, vector<1x16xf32>,
        %get3A_287 = vector.shape_cast %get3A_286 : vector<1x16xf32> to vector<16xf32>
        %get3A_288 = arith.index_cast %scan3A_215 : i32 to index
        %get3A_289 = arith.constant 80 : index
        %get3A_290 = tpu.vector_load %arg11[%get3A_288, %get3A_289] {strides = array<i32>} : memref<40x128xf32, #tpu.memory_space<vmem>>, vector<1x16xf32>,
        %get3A_291 = vector.shape_cast %get3A_290 : vector<1x16xf32> to vector<16xf32>
        %mul3A_292 = arith.mulf %get3A_287, %get3A_291 : vector<16xf32>
        %swap3A_293 = arith.index_cast %scan3A_215 : i32 to index
        %swap3A_294 = arith.constant 80 : index
        %swap3A_295 = tpu.vector_load %arg13[%swap3A_293, %swap3A_294] {strides = array<i32>} : memref<40x128xf32, #tpu.memory_space<vmem>>, vector<1x16xf32>,
        %swap3A_296 = vector.shape_cast %swap3A_295 : vector<1x16xf32> to vector<16xf32>
        %swap3A_297 = vector.shape_cast %mul3A_292 : vector<16xf32> to vector<1x16xf32>
        tpu.vector_store %arg13[%swap3A_293, %swap3A_294], %swap3A_297 {strides = array<i32>} : memref<40x128xf32, #tpu.memory_space<vmem>>, vector<1x16xf32>,
        %get3A_298 = arith.index_cast %scan3A_215 : i32 to index
        %get3A_299 = arith.constant 96 : index
        %get3A_300 = tpu.vector_load %arg9[%get3A_298, %get3A_299] {strides = array<i32>} : memref<40x128xf32, #tpu.memory_space<vmem>>, vector<1x16xf32>,
        %get3A_301 = vector.shape_cast %get3A_300 : vector<1x16xf32> to vector<16xf32>
        %get3A_302 = arith.index_cast %scan3A_215 : i32 to index
        %get3A_303 = arith.constant 96 : index
        %get3A_304 = tpu.vector_load %arg11[%get3A_302, %get3A_303] {strides = array<i32>} : memref<40x128xf32, #tpu.memory_space<vmem>>, vector<1x16xf32>,
        %get3A_305 = vector.shape_cast %get3A_304 : vector<1x16xf32> to vector<16xf32>
        %mul3A_306 = arith.mulf %get3A_301, %get3A_305 : vector<16xf32>
        %swap3A_307 = arith.index_cast %scan3A_215 : i32 to index
        %swap3A_308 = arith.constant 96 : index
        %swap3A_309 = tpu.vector_load %arg13[%swap3A_307, %swap3A_308] {strides = array<i32>} : memref<40x128xf32, #tpu.memory_space<vmem>>, vector<1x16xf32>,
        %swap3A_310 = vector.shape_cast %swap3A_309 : vector<1x16xf32> to vector<16xf32>
        %swap3A_311 = vector.shape_cast %mul3A_306 : vector<16xf32> to vector<1x16xf32>
        tpu.vector_store %arg13[%swap3A_307, %swap3A_308], %swap3A_311 {strides = array<i32>} : memref<40x128xf32, #tpu.memory_space<vmem>>, vector<1x16xf32>,
        %get3A_312 = arith.index_cast %scan3A_215 : i32 to index
        %get3A_313 = arith.constant 112 : index
        %get3A_314 = tpu.vector_load %arg9[%get3A_312, %get3A_313] {strides = array<i32>} : memref<40x128xf32, #tpu.memory_space<vmem>>, vector<1x16xf32>,
        %get3A_315 = vector.shape_cast %get3A_314 : vector<1x16xf32> to vector<16xf32>
        %get3A_316 = arith.index_cast %scan3A_215 : i32 to index
        %get3A_317 = arith.constant 112 : index
        %get3A_318 = tpu.vector_load %arg11[%get3A_316, %get3A_317] {strides = array<i32>} : memref<40x128xf32, #tpu.memory_space<vmem>>, vector<1x16xf32>,
        %get3A_319 = vector.shape_cast %get3A_318 : vector<1x16xf32> to vector<16xf32>
        %mul3A_320 = arith.mulf %get3A_315, %get3A_319 : vector<16xf32>
        %swap3A_321 = arith.index_cast %scan3A_215 : i32 to index
        %swap3A_322 = arith.constant 112 : index
        %swap3A_323 = tpu.vector_load %arg13[%swap3A_321, %swap3A_322] {strides = array<i32>} : memref<40x128xf32, #tpu.memory_space<vmem>>, vector<1x16xf32>,
        %swap3A_324 = vector.shape_cast %swap3A_323 : vector<1x16xf32> to vector<16xf32>
        %swap3A_325 = vector.shape_cast %mul3A_320 : vector<16xf32> to vector<1x16xf32>
        tpu.vector_store %arg13[%swap3A_321, %swap3A_322], %swap3A_325 {strides = array<i32>} : memref<40x128xf32, #tpu.memory_space<vmem>>, vector<1x16xf32>,
      }
      %scan3A_167 = arith.constant 40 : i32
      %mul3A_168 = arith.constant 40 : i32
      %mul3A_169 = arith.muli %add3A_147, %mul3A_168 : i32
      %dma_start3A_170 = tpu.memref_slice %arg8[%mul3A_169] : memref<3200xi32, #tpu.memory_space<vmem>> -> memref<40xi32, #tpu.memory_space<vmem>>
      %dma_start3A_171 = arith.constant 0 : i32
      %dma_start3A_172 = arith.constant 0 : i32
      %dma_start3A_173 = tpu.memref_slice %arg21[%dma_start3A_171, %dma_start3A_172] : memref<10240x128xf32, #tpu.memory_space<vmem_shared>> -> memref<10240x128xf32, #tpu.memory_space<vmem_shared>>
      tpu.enqueue_indirect_dma source(%arg13 : memref<40x128xf32, #tpu.memory_space<vmem>>) target(%dma_start3A_173 : memref<10240x128xf32, #tpu.memory_space<vmem_shared>>) offsets(%dma_start3A_170 : memref<40xi32, #tpu.memory_space<vmem>>) semaphore(%arg19 : memref<!tpu.dma_semaphore, #tpu.memory_space<semaphore_mem>>) {add = true}
      %add3A_174 = arith.constant 2 : i32
      %add3A_175 = arith.addi %add3A_147, %add3A_174 : i32
      %lt3A = arith.constant 80 : i32
      %lt3A_176 = arith.cmpi slt, %add3A_175, %lt3A : i32
      %convert_element_type3A = arith.extui %lt3A_176 : i1 to i32
      %cond3A = arith.constant 0 : i32
      %cond3A_177 = arith.cmpi ne, %convert_element_type3A, %cond3A : i32
      scf.if %cond3A_177 {
        %add3A_215 = arith.constant 2 : i32
        %add3A_216 = arith.addi %add3A_147, %add3A_215 : i32
        %mul3A_217 = arith.constant 40 : i32
        %mul3A_218 = arith.muli %add3A_216, %mul3A_217 : i32
        %add3A_219 = arith.addi %mul3A_2, %mul3A_218 : i32
        %dma_start3A_220 = arith.constant 0 : i32
        %dma_start3A_221 = tpu.memref_slice %arg5[%add3A_219, %dma_start3A_220] : memref<102400x128xf32, #tpu.memory_space<hbm>> -> memref<40x128xf32, #tpu.memory_space<hbm>>
        %dma_start3A_222 = arith.constant 0 : i32
        %dma_start3A_223 = tpu.memref_slice %arg5[%add3A_219, %dma_start3A_222] : memref<102400x128xf32, #tpu.memory_space<hbm>> -> memref<40x128xf32, #tpu.memory_space<hbm>>
        tpu.enqueue_dma source(%dma_start3A_223 : memref<40x128xf32, #tpu.memory_space<hbm>>) target(%arg11 : memref<40x128xf32, #tpu.memory_space<vmem>>) target_semaphore(%arg17 : memref<!tpu.dma_semaphore, #tpu.memory_space<semaphore_mem>>)
        %mul3A_224 = arith.constant 40 : i32
        %mul3A_225 = arith.muli %add3A_216, %mul3A_224 : i32
        %dma_start3A_226 = tpu.memref_slice %arg7[%mul3A_225] : memref<3200xi32, #tpu.memory_space<vmem>> -> memref<40xi32, #tpu.memory_space<vmem>>
        %dma_start3A_227 = arith.constant 0 : i32
        %dma_start3A_228 = arith.constant 0 : i32
        %dma_start3A_229 = tpu.memref_slice %arg2[%dma_start3A_227, %dma_start3A_228] : memref<10000x128xf32, #tpu.memory_space<hbm>> -> memref<10000x128xf32, #tpu.memory_space<hbm>>
        tpu.enqueue_indirect_dma source(%dma_start3A_229 : memref<10000x128xf32, #tpu.memory_space<hbm>>) target(%arg9 : memref<40x128xf32, #tpu.memory_space<vmem>>) offsets(%dma_start3A_226 : memref<40xi32, #tpu.memory_space<vmem>>) semaphore(%arg15 : memref<!tpu.dma_semaphore, #tpu.memory_space<semaphore_mem>>)
      } else {
      }
      %mul3A_178 = arith.constant 2 : i32
      %mul3A_179 = arith.muli %mul3A_178, %scan3A_143 : i32
      %add3A_180 = arith.constant 1 : i32
      %add3A_181 = arith.addi %mul3A_179, %add3A_180 : i32
      %dma_wait3A_182 = arith.constant 0 : i32
      %dma_wait3A_183 = tpu.memref_slice %arg5[%mul3A_2, %dma_wait3A_182] : memref<102400x128xf32, #tpu.memory_space<hbm>> -> memref<40x128xf32, #tpu.memory_space<hbm>>
      %dma_wait3A_184 = arith.constant 0 : i32
      %dma_wait3A_185 = tpu.memref_slice %arg5[%mul3A_2, %dma_wait3A_184] : memref<102400x128xf32, #tpu.memory_space<hbm>> -> memref<40x128xf32, #tpu.memory_space<hbm>>
      tpu.wait_dma2 semaphore(%arg18 : memref<!tpu.dma_semaphore, #tpu.memory_space<semaphore_mem>>) src(%dma_wait3A_185 : memref<40x128xf32, #tpu.memory_space<hbm>>) dst(%arg12 : memref<40x128xf32, #tpu.memory_space<vmem>>)
      %dma_wait3A_186 = arith.constant 0 : i32
      %dma_wait3A_187 = tpu.memref_slice %arg7[%dma_wait3A_186] : memref<3200xi32, #tpu.memory_space<vmem>> -> memref<40xi32, #tpu.memory_space<vmem>>
      %dma_wait3A_188 = arith.constant 0 : i32
      %dma_wait3A_189 = arith.constant 0 : i32
      %dma_wait3A_190 = tpu.memref_slice %arg2[%dma_wait3A_188, %dma_wait3A_189] : memref<10000x128xf32, #tpu.memory_space<hbm>> -> memref<10000x128xf32, #tpu.memory_space<hbm>>
      tpu.wait_indirect_dma semaphore(%arg16 : memref<!tpu.dma_semaphore, #tpu.memory_space<semaphore_mem>>) src(%dma_wait3A_190 : memref<10000x128xf32, #tpu.memory_space<hbm>>) dst(%arg10 : memref<40x128xf32, #tpu.memory_space<vmem>>)
      %dma_wait3A_191 = arith.constant 0 : i32
      %dma_wait3A_192 = tpu.memref_slice %arg8[%dma_wait3A_191] : memref<3200xi32, #tpu.memory_space<vmem>> -> memref<40xi32, #tpu.memory_space<vmem>>
      %dma_wait3A_193 = arith.constant 0 : i32
      %dma_wait3A_194 = arith.constant 0 : i32
      %dma_wait3A_195 = tpu.memref_slice %arg21[%dma_wait3A_193, %dma_wait3A_194] : memref<10240x128xf32, #tpu.memory_space<vmem_shared>> -> memref<10240x128xf32, #tpu.memory_space<vmem_shared>>
      tpu.wait_indirect_dma semaphore(%arg20 : memref<!tpu.dma_semaphore, #tpu.memory_space<semaphore_mem>>) src(%arg14 : memref<40x128xf32, #tpu.memory_space<vmem>>) dst(%dma_wait3A_195 : memref<10240x128xf32, #tpu.memory_space<vmem_shared>>)
      %scan3A_196 = arith.constant 0 : i32
      %scan3A_197 = arith.constant 0 : i32
      %scan3A_198 = arith.constant 40 : i32
      %scan3A_199 = arith.addi %scan3A_197, %scan3A_198 : i32
      %scan3A_200 = arith.constant 1 : i32
      scf.for %scan3A_215 = %scan3A_197 to %scan3A_199 step %scan3A_200  : i32 {
        %get3A = arith.index_cast %scan3A_215 : i32 to index
        %get3A_216 = arith.constant 0 : index
        %get3A_217 = tpu.vector_load %arg10[%get3A, %get3A_216] {strides = array<i32>} : memref<40x128xf32, #tpu.memory_space<vmem>>, vector<1x16xf32>,
        %get3A_218 = vector.shape_cast %get3A_217 : vector<1x16xf32> to vector<16xf32>
        %get3A_219 = arith.index_cast %scan3A_215 : i32 to index
        %get3A_220 = arith.constant 0 : index
        %get3A_221 = tpu.vector_load %arg12[%get3A_219, %get3A_220] {strides = array<i32>} : memref<40x128xf32, #tpu.memory_space<vmem>>, vector<1x16xf32>,
        %get3A_222 = vector.shape_cast %get3A_221 : vector<1x16xf32> to vector<16xf32>
        %mul3A_223 = arith.mulf %get3A_218, %get3A_222 : vector<16xf32>
        %swap3A = arith.index_cast %scan3A_215 : i32 to index
        %swap3A_224 = arith.constant 0 : index
        %swap3A_225 = tpu.vector_load %arg14[%swap3A, %swap3A_224] {strides = array<i32>} : memref<40x128xf32, #tpu.memory_space<vmem>>, vector<1x16xf32>,
        %swap3A_226 = vector.shape_cast %swap3A_225 : vector<1x16xf32> to vector<16xf32>
        %swap3A_227 = vector.shape_cast %mul3A_223 : vector<16xf32> to vector<1x16xf32>
        tpu.vector_store %arg14[%swap3A, %swap3A_224], %swap3A_227 {strides = array<i32>} : memref<40x128xf32, #tpu.memory_space<vmem>>, vector<1x16xf32>,
        %get3A_228 = arith.index_cast %scan3A_215 : i32 to index
        %get3A_229 = arith.constant 16 : index
        %get3A_230 = tpu.vector_load %arg10[%get3A_228, %get3A_229] {strides = array<i32>} : memref<40x128xf32, #tpu.memory_space<vmem>>, vector<1x16xf32>,
        %get3A_231 = vector.shape_cast %get3A_230 : vector<1x16xf32> to vector<16xf32>
        %get3A_232 = arith.index_cast %scan3A_215 : i32 to index
        %get3A_233 = arith.constant 16 : index
        %get3A_234 = tpu.vector_load %arg12[%get3A_232, %get3A_233] {strides = array<i32>} : memref<40x128xf32, #tpu.memory_space<vmem>>, vector<1x16xf32>,
        %get3A_235 = vector.shape_cast %get3A_234 : vector<1x16xf32> to vector<16xf32>
        %mul3A_236 = arith.mulf %get3A_231, %get3A_235 : vector<16xf32>
        %swap3A_237 = arith.index_cast %scan3A_215 : i32 to index
        %swap3A_238 = arith.constant 16 : index
        %swap3A_239 = tpu.vector_load %arg14[%swap3A_237, %swap3A_238] {strides = array<i32>} : memref<40x128xf32, #tpu.memory_space<vmem>>, vector<1x16xf32>,
        %swap3A_240 = vector.shape_cast %swap3A_239 : vector<1x16xf32> to vector<16xf32>
        %swap3A_241 = vector.shape_cast %mul3A_236 : vector<16xf32> to vector<1x16xf32>
        tpu.vector_store %arg14[%swap3A_237, %swap3A_238], %swap3A_241 {strides = array<i32>} : memref<40x128xf32, #tpu.memory_space<vmem>>, vector<1x16xf32>,
        %get3A_242 = arith.index_cast %scan3A_215 : i32 to index
        %get3A_243 = arith.constant 32 : index
        %get3A_244 = tpu.vector_load %arg10[%get3A_242, %get3A_243] {strides = array<i32>} : memref<40x128xf32, #tpu.memory_space<vmem>>, vector<1x16xf32>,
        %get3A_245 = vector.shape_cast %get3A_244 : vector<1x16xf32> to vector<16xf32>
        %get3A_246 = arith.index_cast %scan3A_215 : i32 to index
        %get3A_247 = arith.constant 32 : index
        %get3A_248 = tpu.vector_load %arg12[%get3A_246, %get3A_247] {strides = array<i32>} : memref<40x128xf32, #tpu.memory_space<vmem>>, vector<1x16xf32>,
        %get3A_249 = vector.shape_cast %get3A_248 : vector<1x16xf32> to vector<16xf32>
        %mul3A_250 = arith.mulf %get3A_245, %get3A_249 : vector<16xf32>
        %swap3A_251 = arith.index_cast %scan3A_215 : i32 to index
        %swap3A_252 = arith.constant 32 : index
        %swap3A_253 = tpu.vector_load %arg14[%swap3A_251, %swap3A_252] {strides = array<i32>} : memref<40x128xf32, #tpu.memory_space<vmem>>, vector<1x16xf32>,
        %swap3A_254 = vector.shape_cast %swap3A_253 : vector<1x16xf32> to vector<16xf32>
        %swap3A_255 = vector.shape_cast %mul3A_250 : vector<16xf32> to vector<1x16xf32>
        tpu.vector_store %arg14[%swap3A_251, %swap3A_252], %swap3A_255 {strides = array<i32>} : memref<40x128xf32, #tpu.memory_space<vmem>>, vector<1x16xf32>,
        %get3A_256 = arith.index_cast %scan3A_215 : i32 to index
        %get3A_257 = arith.constant 48 : index
        %get3A_258 = tpu.vector_load %arg10[%get3A_256, %get3A_257] {strides = array<i32>} : memref<40x128xf32, #tpu.memory_space<vmem>>, vector<1x16xf32>,
        %get3A_259 = vector.shape_cast %get3A_258 : vector<1x16xf32> to vector<16xf32>
        %get3A_260 = arith.index_cast %scan3A_215 : i32 to index
        %get3A_261 = arith.constant 48 : index
        %get3A_262 = tpu.vector_load %arg12[%get3A_260, %get3A_261] {strides = array<i32>} : memref<40x128xf32, #tpu.memory_space<vmem>>, vector<1x16xf32>,
        %get3A_263 = vector.shape_cast %get3A_262 : vector<1x16xf32> to vector<16xf32>
        %mul3A_264 = arith.mulf %get3A_259, %get3A_263 : vector<16xf32>
        %swap3A_265 = arith.index_cast %scan3A_215 : i32 to index
        %swap3A_266 = arith.constant 48 : index
        %swap3A_267 = tpu.vector_load %arg14[%swap3A_265, %swap3A_266] {strides = array<i32>} : memref<40x128xf32, #tpu.memory_space<vmem>>, vector<1x16xf32>,
        %swap3A_268 = vector.shape_cast %swap3A_267 : vector<1x16xf32> to vector<16xf32>
        %swap3A_269 = vector.shape_cast %mul3A_264 : vector<16xf32> to vector<1x16xf32>
        tpu.vector_store %arg14[%swap3A_265, %swap3A_266], %swap3A_269 {strides = array<i32>} : memref<40x128xf32, #tpu.memory_space<vmem>>, vector<1x16xf32>,
        %get3A_270 = arith.index_cast %scan3A_215 : i32 to index
        %get3A_271 = arith.constant 64 : index
        %get3A_272 = tpu.vector_load %arg10[%get3A_270, %get3A_271] {strides = array<i32>} : memref<40x128xf32, #tpu.memory_space<vmem>>, vector<1x16xf32>,
        %get3A_273 = vector.shape_cast %get3A_272 : vector<1x16xf32> to vector<16xf32>
        %get3A_274 = arith.index_cast %scan3A_215 : i32 to index
        %get3A_275 = arith.constant 64 : index
        %get3A_276 = tpu.vector_load %arg12[%get3A_274, %get3A_275] {strides = array<i32>} : memref<40x128xf32, #tpu.memory_space<vmem>>, vector<1x16xf32>,
        %get3A_277 = vector.shape_cast %get3A_276 : vector<1x16xf32> to vector<16xf32>
        %mul3A_278 = arith.mulf %get3A_273, %get3A_277 : vector<16xf32>
        %swap3A_279 = arith.index_cast %scan3A_215 : i32 to index
        %swap3A_280 = arith.constant 64 : index
        %swap3A_281 = tpu.vector_load %arg14[%swap3A_279, %swap3A_280] {strides = array<i32>} : memref<40x128xf32, #tpu.memory_space<vmem>>, vector<1x16xf32>,
        %swap3A_282 = vector.shape_cast %swap3A_281 : vector<1x16xf32> to vector<16xf32>
        %swap3A_283 = vector.shape_cast %mul3A_278 : vector<16xf32> to vector<1x16xf32>
        tpu.vector_store %arg14[%swap3A_279, %swap3A_280], %swap3A_283 {strides = array<i32>} : memref<40x128xf32, #tpu.memory_space<vmem>>, vector<1x16xf32>,
        %get3A_284 = arith.index_cast %scan3A_215 : i32 to index
        %get3A_285 = arith.constant 80 : index
        %get3A_286 = tpu.vector_load %arg10[%get3A_284, %get3A_285] {strides = array<i32>} : memref<40x128xf32, #tpu.memory_space<vmem>>, vector<1x16xf32>,
        %get3A_287 = vector.shape_cast %get3A_286 : vector<1x16xf32> to vector<16xf32>
        %get3A_288 = arith.index_cast %scan3A_215 : i32 to index
        %get3A_289 = arith.constant 80 : index
        %get3A_290 = tpu.vector_load %arg12[%get3A_288, %get3A_289] {strides = array<i32>} : memref<40x128xf32, #tpu.memory_space<vmem>>, vector<1x16xf32>,
        %get3A_291 = vector.shape_cast %get3A_290 : vector<1x16xf32> to vector<16xf32>
        %mul3A_292 = arith.mulf %get3A_287, %get3A_291 : vector<16xf32>
        %swap3A_293 = arith.index_cast %scan3A_215 : i32 to index
        %swap3A_294 = arith.constant 80 : index
        %swap3A_295 = tpu.vector_load %arg14[%swap3A_293, %swap3A_294] {strides = array<i32>} : memref<40x128xf32, #tpu.memory_space<vmem>>, vector<1x16xf32>,
        %swap3A_296 = vector.shape_cast %swap3A_295 : vector<1x16xf32> to vector<16xf32>
        %swap3A_297 = vector.shape_cast %mul3A_292 : vector<16xf32> to vector<1x16xf32>
        tpu.vector_store %arg14[%swap3A_293, %swap3A_294], %swap3A_297 {strides = array<i32>} : memref<40x128xf32, #tpu.memory_space<vmem>>, vector<1x16xf32>,
        %get3A_298 = arith.index_cast %scan3A_215 : i32 to index
        %get3A_299 = arith.constant 96 : index
        %get3A_300 = tpu.vector_load %arg10[%get3A_298, %get3A_299] {strides = array<i32>} : memref<40x128xf32, #tpu.memory_space<vmem>>, vector<1x16xf32>,
        %get3A_301 = vector.shape_cast %get3A_300 : vector<1x16xf32> to vector<16xf32>
        %get3A_302 = arith.index_cast %scan3A_215 : i32 to index
        %get3A_303 = arith.constant 96 : index
        %get3A_304 = tpu.vector_load %arg12[%get3A_302, %get3A_303] {strides = array<i32>} : memref<40x128xf32, #tpu.memory_space<vmem>>, vector<1x16xf32>,
        %get3A_305 = vector.shape_cast %get3A_304 : vector<1x16xf32> to vector<16xf32>
        %mul3A_306 = arith.mulf %get3A_301, %get3A_305 : vector<16xf32>
        %swap3A_307 = arith.index_cast %scan3A_215 : i32 to index
        %swap3A_308 = arith.constant 96 : index
        %swap3A_309 = tpu.vector_load %arg14[%swap3A_307, %swap3A_308] {strides = array<i32>} : memref<40x128xf32, #tpu.memory_space<vmem>>, vector<1x16xf32>,
        %swap3A_310 = vector.shape_cast %swap3A_309 : vector<1x16xf32> to vector<16xf32>
        %swap3A_311 = vector.shape_cast %mul3A_306 : vector<16xf32> to vector<1x16xf32>
        tpu.vector_store %arg14[%swap3A_307, %swap3A_308], %swap3A_311 {strides = array<i32>} : memref<40x128xf32, #tpu.memory_space<vmem>>, vector<1x16xf32>,
        %get3A_312 = arith.index_cast %scan3A_215 : i32 to index
        %get3A_313 = arith.constant 112 : index
        %get3A_314 = tpu.vector_load %arg10[%get3A_312, %get3A_313] {strides = array<i32>} : memref<40x128xf32, #tpu.memory_space<vmem>>, vector<1x16xf32>,
        %get3A_315 = vector.shape_cast %get3A_314 : vector<1x16xf32> to vector<16xf32>
        %get3A_316 = arith.index_cast %scan3A_215 : i32 to index
        %get3A_317 = arith.constant 112 : index
        %get3A_318 = tpu.vector_load %arg12[%get3A_316, %get3A_317] {strides = array<i32>} : memref<40x128xf32, #tpu.memory_space<vmem>>, vector<1x16xf32>,
        %get3A_319 = vector.shape_cast %get3A_318 : vector<1x16xf32> to vector<16xf32>
        %mul3A_320 = arith.mulf %get3A_315, %get3A_319 : vector<16xf32>
        %swap3A_321 = arith.index_cast %scan3A_215 : i32 to index
        %swap3A_322 = arith.constant 112 : index
        %swap3A_323 = tpu.vector_load %arg14[%swap3A_321, %swap3A_322] {strides = array<i32>} : memref<40x128xf32, #tpu.memory_space<vmem>>, vector<1x16xf32>,
        %swap3A_324 = vector.shape_cast %swap3A_323 : vector<1x16xf32> to vector<16xf32>
        %swap3A_325 = vector.shape_cast %mul3A_320 : vector<16xf32> to vector<1x16xf32>
        tpu.vector_store %arg14[%swap3A_321, %swap3A_322], %swap3A_325 {strides = array<i32>} : memref<40x128xf32, #tpu.memory_space<vmem>>, vector<1x16xf32>,
      }
      %scan3A_201 = arith.constant 40 : i32
      %mul3A_202 = arith.constant 40 : i32
      %mul3A_203 = arith.muli %add3A_181, %mul3A_202 : i32
      %dma_start3A_204 = tpu.memref_slice %arg8[%mul3A_203] : memref<3200xi32, #tpu.memory_space<vmem>> -> memref<40xi32, #tpu.memory_space<vmem>>
      %dma_start3A_205 = arith.constant 0 : i32
      %dma_start3A_206 = arith.constant 0 : i32
      %dma_start3A_207 = tpu.memref_slice %arg21[%dma_start3A_205, %dma_start3A_206] : memref<10240x128xf32, #tpu.memory_space<vmem_shared>> -> memref<10240x128xf32, #tpu.memory_space<vmem_shared>>
      tpu.enqueue_indirect_dma source(%arg14 : memref<40x128xf32, #tpu.memory_space<vmem>>) target(%dma_start3A_207 : memref<10240x128xf32, #tpu.memory_space<vmem_shared>>) offsets(%dma_start3A_204 : memref<40xi32, #tpu.memory_space<vmem>>) semaphore(%arg20 : memref<!tpu.dma_semaphore, #tpu.memory_space<semaphore_mem>>) {add = true}
      %add3A_208 = arith.constant 2 : i32
      %add3A_209 = arith.addi %add3A_181, %add3A_208 : i32
      %lt3A_210 = arith.constant 80 : i32
      %lt3A_211 = arith.cmpi slt, %add3A_209, %lt3A_210 : i32
      %convert_element_type3A_212 = arith.extui %lt3A_211 : i1 to i32
      %cond3A_213 = arith.constant 0 : i32
      %cond3A_214 = arith.cmpi ne, %convert_element_type3A_212, %cond3A_213 : i32
      scf.if %cond3A_214 {
        %add3A_215 = arith.constant 2 : i32
        %add3A_216 = arith.addi %add3A_181, %add3A_215 : i32
        %mul3A_217 = arith.constant 40 : i32
        %mul3A_218 = arith.muli %add3A_216, %mul3A_217 : i32
        %add3A_219 = arith.addi %mul3A_2, %mul3A_218 : i32
        %dma_start3A_220 = arith.constant 0 : i32
        %dma_start3A_221 = tpu.memref_slice %arg5[%add3A_219, %dma_start3A_220] : memref<102400x128xf32, #tpu.memory_space<hbm>> -> memref<40x128xf32, #tpu.memory_space<hbm>>
        %dma_start3A_222 = arith.constant 0 : i32
        %dma_start3A_223 = tpu.memref_slice %arg5[%add3A_219, %dma_start3A_222] : memref<102400x128xf32, #tpu.memory_space<hbm>> -> memref<40x128xf32, #tpu.memory_space<hbm>>
        tpu.enqueue_dma source(%dma_start3A_223 : memref<40x128xf32, #tpu.memory_space<hbm>>) target(%arg12 : memref<40x128xf32, #tpu.memory_space<vmem>>) target_semaphore(%arg18 : memref<!tpu.dma_semaphore, #tpu.memory_space<semaphore_mem>>)
        %mul3A_224 = arith.constant 40 : i32
        %mul3A_225 = arith.muli %add3A_216, %mul3A_224 : i32
        %dma_start3A_226 = tpu.memref_slice %arg7[%mul3A_225] : memref<3200xi32, #tpu.memory_space<vmem>> -> memref<40xi32, #tpu.memory_space<vmem>>
        %dma_start3A_227 = arith.constant 0 : i32
        %dma_start3A_228 = arith.constant 0 : i32
        %dma_start3A_229 = tpu.memref_slice %arg2[%dma_start3A_227, %dma_start3A_228] : memref<10000x128xf32, #tpu.memory_space<hbm>> -> memref<10000x128xf32, #tpu.memory_space<hbm>>
        tpu.enqueue_indirect_dma source(%dma_start3A_229 : memref<10000x128xf32, #tpu.memory_space<hbm>>) target(%arg10 : memref<40x128xf32, #tpu.memory_space<vmem>>) offsets(%dma_start3A_226 : memref<40xi32, #tpu.memory_space<vmem>>) semaphore(%arg16 : memref<!tpu.dma_semaphore, #tpu.memory_space<semaphore_mem>>)
      } else {
      }
    }
    %scan3A_131 = arith.constant 39 : i32
    %dma_wait3A_132 = arith.constant 0 : i32
    %dma_wait3A_133 = tpu.memref_slice %arg8[%dma_wait3A_132] : memref<3200xi32, #tpu.memory_space<vmem>> -> memref<40xi32, #tpu.memory_space<vmem>>
    %dma_wait3A_134 = arith.constant 0 : i32
    %dma_wait3A_135 = arith.constant 0 : i32
    %dma_wait3A_136 = tpu.memref_slice %arg21[%dma_wait3A_134, %dma_wait3A_135] : memref<10240x128xf32, #tpu.memory_space<vmem_shared>> -> memref<10240x128xf32, #tpu.memory_space<vmem_shared>>
    tpu.wait_indirect_dma semaphore(%arg19 : memref<!tpu.dma_semaphore, #tpu.memory_space<semaphore_mem>>) src(%arg13 : memref<40x128xf32, #tpu.memory_space<vmem>>) dst(%dma_wait3A_136 : memref<10240x128xf32, #tpu.memory_space<vmem_shared>>)
    %dma_wait3A_137 = arith.constant 0 : i32
    %dma_wait3A_138 = tpu.memref_slice %arg8[%dma_wait3A_137] : memref<3200xi32, #tpu.memory_space<vmem>> -> memref<40xi32, #tpu.memory_space<vmem>>
    %dma_wait3A_139 = arith.constant 0 : i32
    %dma_wait3A_140 = arith.constant 0 : i32
    %dma_wait3A_141 = tpu.memref_slice %arg21[%dma_wait3A_139, %dma_wait3A_140] : memref<10240x128xf32, #tpu.memory_space<vmem_shared>> -> memref<10240x128xf32, #tpu.memory_space<vmem_shared>>
    tpu.wait_indirect_dma semaphore(%arg20 : memref<!tpu.dma_semaphore, #tpu.memory_space<semaphore_mem>>) src(%arg14 : memref<40x128xf32, #tpu.memory_space<vmem>>) dst(%dma_wait3A_141 : memref<10240x128xf32, #tpu.memory_space<vmem_shared>>)
    %barrier3A_142 = arith.constant 0 : index
    tpu.barrier barrier_id(%barrier3A_142)
    "tpu.region"() ({
      %run_scoped3A = tpu.sem_alloc : memref<!tpu.dma_semaphore, #tpu.memory_space<semaphore_mem>>
      %dma_start3A_143 = arith.constant 0 : i32
      %dma_start3A_144 = tpu.memref_slice %arg6[%arg0, %mul3A_6, %dma_start3A_143] : memref<2x10240x128xf32, #tpu.memory_space<hbm>> -> memref<1x640x128xf32, #tpu.memory_space<hbm>>
      %dma_start3A_145 = tpu.memref_squeeze %dma_start3A_144 : memref<1x640x128xf32, #tpu.memory_space<hbm>> -> memref<640x128xf32, #tpu.memory_space<hbm>>
      %dma_start3A_146 = arith.constant 0 : i32
      %dma_start3A_147 = tpu.memref_slice %arg21[%mul3A_6, %dma_start3A_146] : memref<10240x128xf32, #tpu.memory_space<vmem_shared>> -> memref<640x128xf32, #tpu.memory_space<vmem_shared>>
      tpu.enqueue_dma source(%dma_start3A_147 : memref<640x128xf32, #tpu.memory_space<vmem_shared>>) target(%dma_start3A_145 : memref<640x128xf32, #tpu.memory_space<hbm>>) target_semaphore(%run_scoped3A : memref<!tpu.dma_semaphore, #tpu.memory_space<semaphore_mem>>)
      %dma_wait3A_148 = arith.constant 0 : i32
      %dma_wait3A_149 = tpu.memref_slice %arg6[%arg0, %mul3A_6, %dma_wait3A_148] : memref<2x10240x128xf32, #tpu.memory_space<hbm>> -> memref<1x640x128xf32, #tpu.memory_space<hbm>>
      %dma_wait3A_150 = tpu.memref_squeeze %dma_wait3A_149 : memref<1x640x128xf32, #tpu.memory_space<hbm>> -> memref<640x128xf32, #tpu.memory_space<hbm>>
      %dma_wait3A_151 = arith.constant 0 : i32
      %dma_wait3A_152 = tpu.memref_slice %arg21[%mul3A_6, %dma_wait3A_151] : memref<10240x128xf32, #tpu.memory_space<vmem_shared>> -> memref<640x128xf32, #tpu.memory_space<vmem_shared>>
      tpu.wait_dma2 semaphore(%run_scoped3A : memref<!tpu.dma_semaphore, #tpu.memory_space<semaphore_mem>>) src(%dma_wait3A_152 : memref<640x128xf32, #tpu.memory_space<vmem_shared>>) dst(%dma_wait3A_150 : memref<640x128xf32, #tpu.memory_space<hbm>>)
      tpu.yield
    }) : () -> ()
    return
  }
}

#map = affine_map<(d0, d1) -> (0, 0)>
#map1 = affine_map<(d0, d1) -> (0)>
#map2 = affine_map<(d0, d1) -> (0, 0, 0)>
module attributes {stable_mosaic.version = 14 : i64} {
  func.func @body(%arg0: i32, %arg1: i32, %arg2: memref<10000x128xf32, #tpu.memory_space<hbm>>, %arg3: memref<320000xi32, #tpu.memory_space<hbm>>, %arg4: memref<320000xi32, #tpu.memory_space<hbm>>, %arg5: memref<115200x128xf32, #tpu.memory_space<hbm>>, %arg6: memref<2x10240x128xf32, #tpu.memory_space<hbm>>, %arg7: memref<2x10240x128xf32, #tpu.memory_space<hbm>>, %arg8: memref<3600xi32, #tpu.memory_space<vmem>>, %arg9: memref<3600xi32, #tpu.memory_space<vmem>>, %arg10: memref<40x128xf32, #tpu.memory_space<vmem>>, %arg11: memref<40x128xf32, #tpu.memory_space<vmem>>, %arg12: memref<40x128xf32, #tpu.memory_space<vmem>>, %arg13: memref<40x128xf32, #tpu.memory_space<vmem>>, %arg14: memref<40x128xf32, #tpu.memory_space<vmem>>, %arg15: memref<40x128xf32, #tpu.memory_space<vmem>>, %arg16: memref<!tpu.dma_semaphore, #tpu.memory_space<semaphore_mem>>, %arg17: memref<!tpu.dma_semaphore, #tpu.memory_space<semaphore_mem>>, %arg18: memref<!tpu.dma_semaphore, #tpu.memory_space<semaphore_mem>>, %arg19: memref<!tpu.dma_semaphore, #tpu.memory_space<semaphore_mem>>, %arg20: memref<!tpu.dma_semaphore, #tpu.memory_space<semaphore_mem>>, %arg21: memref<!tpu.dma_semaphore, #tpu.memory_space<semaphore_mem>>, %arg22: memref<10240x128xf32, #tpu.memory_space<vmem_shared>>) attributes {dimension_semantics = [#tpu.dimension_semantics<core_parallel>, #tpu.dimension_semantics<subcore_parallel>], iteration_bounds = array<i64: 2, 16>, scalar_prefetch = 0 : i64, scratch_operands = 15 : i64, tpu.core_type = #tpu.core_type<sc_vector_subcore>, window_params = [{transform_indices = #map}, {transform_indices = #map1}, {transform_indices = #map1}, {transform_indices = #map}, {transform_indices = #map2}, {transform_indices = #map2}]} {
    %mul3A = arith.constant 16 : i32
    %mul3A_0 = arith.muli %arg0, %mul3A : i32
    %add3A = arith.addi %mul3A_0, %arg1 : i32
    %mul3A_1 = arith.constant 3600 : i32
    %mul3A_2 = arith.muli %add3A, %mul3A_1 : i32
    %add3A_3 = arith.constant 204800 : i32
    %add3A_4 = arith.addi %add3A_3, %mul3A_2 : i32
    %mul3A_5 = arith.constant 640 : i32
    %mul3A_6 = arith.muli %arg1, %mul3A_5 : i32
    "tpu.region"() ({
      %run_scoped3A = tpu.sem_alloc : memref<!tpu.dma_semaphore, #tpu.memory_space<semaphore_mem>>
      %dma_start3A_105 = tpu.memref_slice %arg3[%add3A_4] : memref<320000xi32, #tpu.memory_space<hbm>> -> memref<3600xi32, #tpu.memory_space<hbm>>
      %dma_start3A_106 = tpu.memref_slice %arg3[%add3A_4] : memref<320000xi32, #tpu.memory_space<hbm>> -> memref<3600xi32, #tpu.memory_space<hbm>>
      tpu.enqueue_dma source(%dma_start3A_106 : memref<3600xi32, #tpu.memory_space<hbm>>) target(%arg8 : memref<3600xi32, #tpu.memory_space<vmem>>) target_semaphore(%run_scoped3A : memref<!tpu.dma_semaphore, #tpu.memory_space<semaphore_mem>>)
      %dma_wait3A_107 = tpu.memref_slice %arg3[%add3A_4] : memref<320000xi32, #tpu.memory_space<hbm>> -> memref<3600xi32, #tpu.memory_space<hbm>>
      %dma_wait3A_108 = tpu.memref_slice %arg3[%add3A_4] : memref<320000xi32, #tpu.memory_space<hbm>> -> memref<3600xi32, #tpu.memory_space<hbm>>
      tpu.wait_dma2 semaphore(%run_scoped3A : memref<!tpu.dma_semaphore, #tpu.memory_space<semaphore_mem>>) src(%dma_wait3A_108 : memref<3600xi32, #tpu.memory_space<hbm>>) dst(%arg8 : memref<3600xi32, #tpu.memory_space<vmem>>)
      tpu.yield
    }) : () -> ()
    "tpu.region"() ({
      %run_scoped3A = tpu.sem_alloc : memref<!tpu.dma_semaphore, #tpu.memory_space<semaphore_mem>>
      %dma_start3A_105 = tpu.memref_slice %arg4[%add3A_4] : memref<320000xi32, #tpu.memory_space<hbm>> -> memref<3600xi32, #tpu.memory_space<hbm>>
      %dma_start3A_106 = tpu.memref_slice %arg4[%add3A_4] : memref<320000xi32, #tpu.memory_space<hbm>> -> memref<3600xi32, #tpu.memory_space<hbm>>
      tpu.enqueue_dma source(%dma_start3A_106 : memref<3600xi32, #tpu.memory_space<hbm>>) target(%arg9 : memref<3600xi32, #tpu.memory_space<vmem>>) target_semaphore(%run_scoped3A : memref<!tpu.dma_semaphore, #tpu.memory_space<semaphore_mem>>)
      %dma_wait3A_107 = tpu.memref_slice %arg4[%add3A_4] : memref<320000xi32, #tpu.memory_space<hbm>> -> memref<3600xi32, #tpu.memory_space<hbm>>
      %dma_wait3A_108 = tpu.memref_slice %arg4[%add3A_4] : memref<320000xi32, #tpu.memory_space<hbm>> -> memref<3600xi32, #tpu.memory_space<hbm>>
      tpu.wait_dma2 semaphore(%run_scoped3A : memref<!tpu.dma_semaphore, #tpu.memory_space<semaphore_mem>>) src(%dma_wait3A_108 : memref<3600xi32, #tpu.memory_space<hbm>>) dst(%arg9 : memref<3600xi32, #tpu.memory_space<vmem>>)
      tpu.yield
    }) : () -> ()
    %add3A_7 = arith.constant 0 : i32
    %add3A_8 = arith.addi %mul3A_2, %add3A_7 : i32
    %dma_start3A = arith.constant 0 : i32
    %dma_start3A_9 = tpu.memref_slice %arg5[%add3A_8, %dma_start3A] : memref<115200x128xf32, #tpu.memory_space<hbm>> -> memref<40x128xf32, #tpu.memory_space<hbm>>
    %dma_start3A_10 = arith.constant 0 : i32
    %dma_start3A_11 = tpu.memref_slice %arg5[%add3A_8, %dma_start3A_10] : memref<115200x128xf32, #tpu.memory_space<hbm>> -> memref<40x128xf32, #tpu.memory_space<hbm>>
    tpu.enqueue_dma source(%dma_start3A_11 : memref<40x128xf32, #tpu.memory_space<hbm>>) target(%arg12 : memref<40x128xf32, #tpu.memory_space<vmem>>) target_semaphore(%arg18 : memref<!tpu.dma_semaphore, #tpu.memory_space<semaphore_mem>>)
    %dma_start3A_12 = arith.constant 0 : i32
    %dma_start3A_13 = tpu.memref_slice %arg8[%dma_start3A_12] : memref<3600xi32, #tpu.memory_space<vmem>> -> memref<40xi32, #tpu.memory_space<vmem>>
    %dma_start3A_14 = arith.constant 0 : i32
    %dma_start3A_15 = arith.constant 0 : i32
    %dma_start3A_16 = tpu.memref_slice %arg2[%dma_start3A_14, %dma_start3A_15] : memref<10000x128xf32, #tpu.memory_space<hbm>> -> memref<10000x128xf32, #tpu.memory_space<hbm>>
    tpu.enqueue_indirect_dma source(%dma_start3A_16 : memref<10000x128xf32, #tpu.memory_space<hbm>>) target(%arg10 : memref<40x128xf32, #tpu.memory_space<vmem>>) offsets(%dma_start3A_13 : memref<40xi32, #tpu.memory_space<vmem>>) semaphore(%arg16 : memref<!tpu.dma_semaphore, #tpu.memory_space<semaphore_mem>>)
    %add3A_17 = arith.constant 40 : i32
    %add3A_18 = arith.addi %mul3A_2, %add3A_17 : i32
    %dma_start3A_19 = arith.constant 0 : i32
    %dma_start3A_20 = tpu.memref_slice %arg5[%add3A_18, %dma_start3A_19] : memref<115200x128xf32, #tpu.memory_space<hbm>> -> memref<40x128xf32, #tpu.memory_space<hbm>>
    %dma_start3A_21 = arith.constant 0 : i32
    %dma_start3A_22 = tpu.memref_slice %arg5[%add3A_18, %dma_start3A_21] : memref<115200x128xf32, #tpu.memory_space<hbm>> -> memref<40x128xf32, #tpu.memory_space<hbm>>
    tpu.enqueue_dma source(%dma_start3A_22 : memref<40x128xf32, #tpu.memory_space<hbm>>) target(%arg13 : memref<40x128xf32, #tpu.memory_space<vmem>>) target_semaphore(%arg19 : memref<!tpu.dma_semaphore, #tpu.memory_space<semaphore_mem>>)
    %dma_start3A_23 = arith.constant 40 : i32
    %dma_start3A_24 = tpu.memref_slice %arg8[%dma_start3A_23] : memref<3600xi32, #tpu.memory_space<vmem>> -> memref<40xi32, #tpu.memory_space<vmem>>
    %dma_start3A_25 = arith.constant 0 : i32
    %dma_start3A_26 = arith.constant 0 : i32
    %dma_start3A_27 = tpu.memref_slice %arg2[%dma_start3A_25, %dma_start3A_26] : memref<10000x128xf32, #tpu.memory_space<hbm>> -> memref<10000x128xf32, #tpu.memory_space<hbm>>
    tpu.enqueue_indirect_dma source(%dma_start3A_27 : memref<10000x128xf32, #tpu.memory_space<hbm>>) target(%arg11 : memref<40x128xf32, #tpu.memory_space<vmem>>) offsets(%dma_start3A_24 : memref<40xi32, #tpu.memory_space<vmem>>) semaphore(%arg17 : memref<!tpu.dma_semaphore, #tpu.memory_space<semaphore_mem>>)
    "tpu.region"() ({
      %run_scoped3A = tpu.sem_alloc : memref<!tpu.dma_semaphore, #tpu.memory_space<semaphore_mem>>
      %dma_start3A_105 = arith.constant 0 : i32
      %dma_start3A_106 = tpu.memref_slice %arg22[%mul3A_6, %dma_start3A_105] : memref<10240x128xf32, #tpu.memory_space<vmem_shared>> -> memref<640x128xf32, #tpu.memory_space<vmem_shared>>
      %dma_start3A_107 = arith.constant 0 : i32
      %dma_start3A_108 = tpu.memref_slice %arg6[%arg0, %mul3A_6, %dma_start3A_107] : memref<2x10240x128xf32, #tpu.memory_space<hbm>> -> memref<1x640x128xf32, #tpu.memory_space<hbm>>
      %dma_start3A_109 = tpu.memref_squeeze %dma_start3A_108 : memref<1x640x128xf32, #tpu.memory_space<hbm>> -> memref<640x128xf32, #tpu.memory_space<hbm>>
      tpu.enqueue_dma source(%dma_start3A_109 : memref<640x128xf32, #tpu.memory_space<hbm>>) target(%dma_start3A_106 : memref<640x128xf32, #tpu.memory_space<vmem_shared>>) target_semaphore(%run_scoped3A : memref<!tpu.dma_semaphore, #tpu.memory_space<semaphore_mem>>)
      %dma_wait3A_110 = arith.constant 0 : i32
      %dma_wait3A_111 = tpu.memref_slice %arg22[%mul3A_6, %dma_wait3A_110] : memref<10240x128xf32, #tpu.memory_space<vmem_shared>> -> memref<640x128xf32, #tpu.memory_space<vmem_shared>>
      %dma_wait3A_112 = arith.constant 0 : i32
      %dma_wait3A_113 = tpu.memref_slice %arg6[%arg0, %mul3A_6, %dma_wait3A_112] : memref<2x10240x128xf32, #tpu.memory_space<hbm>> -> memref<1x640x128xf32, #tpu.memory_space<hbm>>
      %dma_wait3A_114 = tpu.memref_squeeze %dma_wait3A_113 : memref<1x640x128xf32, #tpu.memory_space<hbm>> -> memref<640x128xf32, #tpu.memory_space<hbm>>
      tpu.wait_dma2 semaphore(%run_scoped3A : memref<!tpu.dma_semaphore, #tpu.memory_space<semaphore_mem>>) src(%dma_wait3A_114 : memref<640x128xf32, #tpu.memory_space<hbm>>) dst(%dma_wait3A_111 : memref<640x128xf32, #tpu.memory_space<vmem_shared>>)
      tpu.yield
    }) : () -> ()
    %barrier3A = arith.constant 0 : index
    tpu.barrier barrier_id(%barrier3A)
    %dma_wait3A = arith.constant 0 : i32
    %dma_wait3A_28 = tpu.memref_slice %arg5[%mul3A_2, %dma_wait3A] : memref<115200x128xf32, #tpu.memory_space<hbm>> -> memref<40x128xf32, #tpu.memory_space<hbm>>
    %dma_wait3A_29 = arith.constant 0 : i32
    %dma_wait3A_30 = tpu.memref_slice %arg5[%mul3A_2, %dma_wait3A_29] : memref<115200x128xf32, #tpu.memory_space<hbm>> -> memref<40x128xf32, #tpu.memory_space<hbm>>
    tpu.wait_dma2 semaphore(%arg18 : memref<!tpu.dma_semaphore, #tpu.memory_space<semaphore_mem>>) src(%dma_wait3A_30 : memref<40x128xf32, #tpu.memory_space<hbm>>) dst(%arg12 : memref<40x128xf32, #tpu.memory_space<vmem>>)
    %dma_wait3A_31 = arith.constant 0 : i32
    %dma_wait3A_32 = tpu.memref_slice %arg8[%dma_wait3A_31] : memref<3600xi32, #tpu.memory_space<vmem>> -> memref<40xi32, #tpu.memory_space<vmem>>
    %dma_wait3A_33 = arith.constant 0 : i32
    %dma_wait3A_34 = arith.constant 0 : i32
    %dma_wait3A_35 = tpu.memref_slice %arg2[%dma_wait3A_33, %dma_wait3A_34] : memref<10000x128xf32, #tpu.memory_space<hbm>> -> memref<10000x128xf32, #tpu.memory_space<hbm>>
    tpu.wait_indirect_dma semaphore(%arg16 : memref<!tpu.dma_semaphore, #tpu.memory_space<semaphore_mem>>) src(%dma_wait3A_35 : memref<10000x128xf32, #tpu.memory_space<hbm>>) dst(%arg10 : memref<40x128xf32, #tpu.memory_space<vmem>>)
    %scan3A = arith.constant 0 : i32
    %scan3A_36 = arith.constant 0 : i32
    %scan3A_37 = arith.constant 40 : i32
    %scan3A_38 = arith.addi %scan3A_36, %scan3A_37 : i32
    %scan3A_39 = arith.constant 1 : i32
    scf.for %scan3A_105 = %scan3A_36 to %scan3A_38 step %scan3A_39  : i32 {
      %get3A = arith.index_cast %scan3A_105 : i32 to index
      %get3A_106 = arith.constant 0 : index
      %get3A_107 = tpu.vector_load %arg10[%get3A, %get3A_106] {strides = array<i32>} : memref<40x128xf32, #tpu.memory_space<vmem>>, vector<1x16xf32>,
      %get3A_108 = vector.shape_cast %get3A_107 : vector<1x16xf32> to vector<16xf32>
      %get3A_109 = arith.index_cast %scan3A_105 : i32 to index
      %get3A_110 = arith.constant 0 : index
      %get3A_111 = tpu.vector_load %arg12[%get3A_109, %get3A_110] {strides = array<i32>} : memref<40x128xf32, #tpu.memory_space<vmem>>, vector<1x16xf32>,
      %get3A_112 = vector.shape_cast %get3A_111 : vector<1x16xf32> to vector<16xf32>
      %mul3A_113 = arith.mulf %get3A_108, %get3A_112 : vector<16xf32>
      %swap3A = arith.index_cast %scan3A_105 : i32 to index
      %swap3A_114 = arith.constant 0 : index
      %swap3A_115 = tpu.vector_load %arg14[%swap3A, %swap3A_114] {strides = array<i32>} : memref<40x128xf32, #tpu.memory_space<vmem>>, vector<1x16xf32>,
      %swap3A_116 = vector.shape_cast %swap3A_115 : vector<1x16xf32> to vector<16xf32>
      %swap3A_117 = vector.shape_cast %mul3A_113 : vector<16xf32> to vector<1x16xf32>
      tpu.vector_store %arg14[%swap3A, %swap3A_114], %swap3A_117 {strides = array<i32>} : memref<40x128xf32, #tpu.memory_space<vmem>>, vector<1x16xf32>,
      %get3A_118 = arith.index_cast %scan3A_105 : i32 to index
      %get3A_119 = arith.constant 16 : index
      %get3A_120 = tpu.vector_load %arg10[%get3A_118, %get3A_119] {strides = array<i32>} : memref<40x128xf32, #tpu.memory_space<vmem>>, vector<1x16xf32>,
      %get3A_121 = vector.shape_cast %get3A_120 : vector<1x16xf32> to vector<16xf32>
      %get3A_122 = arith.index_cast %scan3A_105 : i32 to index
      %get3A_123 = arith.constant 16 : index
      %get3A_124 = tpu.vector_load %arg12[%get3A_122, %get3A_123] {strides = array<i32>} : memref<40x128xf32, #tpu.memory_space<vmem>>, vector<1x16xf32>,
      %get3A_125 = vector.shape_cast %get3A_124 : vector<1x16xf32> to vector<16xf32>
      %mul3A_126 = arith.mulf %get3A_121, %get3A_125 : vector<16xf32>
      %swap3A_127 = arith.index_cast %scan3A_105 : i32 to index
      %swap3A_128 = arith.constant 16 : index
      %swap3A_129 = tpu.vector_load %arg14[%swap3A_127, %swap3A_128] {strides = array<i32>} : memref<40x128xf32, #tpu.memory_space<vmem>>, vector<1x16xf32>,
      %swap3A_130 = vector.shape_cast %swap3A_129 : vector<1x16xf32> to vector<16xf32>
      %swap3A_131 = vector.shape_cast %mul3A_126 : vector<16xf32> to vector<1x16xf32>
      tpu.vector_store %arg14[%swap3A_127, %swap3A_128], %swap3A_131 {strides = array<i32>} : memref<40x128xf32, #tpu.memory_space<vmem>>, vector<1x16xf32>,
      %get3A_132 = arith.index_cast %scan3A_105 : i32 to index
      %get3A_133 = arith.constant 32 : index
      %get3A_134 = tpu.vector_load %arg10[%get3A_132, %get3A_133] {strides = array<i32>} : memref<40x128xf32, #tpu.memory_space<vmem>>, vector<1x16xf32>,
      %get3A_135 = vector.shape_cast %get3A_134 : vector<1x16xf32> to vector<16xf32>
      %get3A_136 = arith.index_cast %scan3A_105 : i32 to index
      %get3A_137 = arith.constant 32 : index
      %get3A_138 = tpu.vector_load %arg12[%get3A_136, %get3A_137] {strides = array<i32>} : memref<40x128xf32, #tpu.memory_space<vmem>>, vector<1x16xf32>,
      %get3A_139 = vector.shape_cast %get3A_138 : vector<1x16xf32> to vector<16xf32>
      %mul3A_140 = arith.mulf %get3A_135, %get3A_139 : vector<16xf32>
      %swap3A_141 = arith.index_cast %scan3A_105 : i32 to index
      %swap3A_142 = arith.constant 32 : index
      %swap3A_143 = tpu.vector_load %arg14[%swap3A_141, %swap3A_142] {strides = array<i32>} : memref<40x128xf32, #tpu.memory_space<vmem>>, vector<1x16xf32>,
      %swap3A_144 = vector.shape_cast %swap3A_143 : vector<1x16xf32> to vector<16xf32>
      %swap3A_145 = vector.shape_cast %mul3A_140 : vector<16xf32> to vector<1x16xf32>
      tpu.vector_store %arg14[%swap3A_141, %swap3A_142], %swap3A_145 {strides = array<i32>} : memref<40x128xf32, #tpu.memory_space<vmem>>, vector<1x16xf32>,
      %get3A_146 = arith.index_cast %scan3A_105 : i32 to index
      %get3A_147 = arith.constant 48 : index
      %get3A_148 = tpu.vector_load %arg10[%get3A_146, %get3A_147] {strides = array<i32>} : memref<40x128xf32, #tpu.memory_space<vmem>>, vector<1x16xf32>,
      %get3A_149 = vector.shape_cast %get3A_148 : vector<1x16xf32> to vector<16xf32>
      %get3A_150 = arith.index_cast %scan3A_105 : i32 to index
      %get3A_151 = arith.constant 48 : index
      %get3A_152 = tpu.vector_load %arg12[%get3A_150, %get3A_151] {strides = array<i32>} : memref<40x128xf32, #tpu.memory_space<vmem>>, vector<1x16xf32>,
      %get3A_153 = vector.shape_cast %get3A_152 : vector<1x16xf32> to vector<16xf32>
      %mul3A_154 = arith.mulf %get3A_149, %get3A_153 : vector<16xf32>
      %swap3A_155 = arith.index_cast %scan3A_105 : i32 to index
      %swap3A_156 = arith.constant 48 : index
      %swap3A_157 = tpu.vector_load %arg14[%swap3A_155, %swap3A_156] {strides = array<i32>} : memref<40x128xf32, #tpu.memory_space<vmem>>, vector<1x16xf32>,
      %swap3A_158 = vector.shape_cast %swap3A_157 : vector<1x16xf32> to vector<16xf32>
      %swap3A_159 = vector.shape_cast %mul3A_154 : vector<16xf32> to vector<1x16xf32>
      tpu.vector_store %arg14[%swap3A_155, %swap3A_156], %swap3A_159 {strides = array<i32>} : memref<40x128xf32, #tpu.memory_space<vmem>>, vector<1x16xf32>,
      %get3A_160 = arith.index_cast %scan3A_105 : i32 to index
      %get3A_161 = arith.constant 64 : index
      %get3A_162 = tpu.vector_load %arg10[%get3A_160, %get3A_161] {strides = array<i32>} : memref<40x128xf32, #tpu.memory_space<vmem>>, vector<1x16xf32>,
      %get3A_163 = vector.shape_cast %get3A_162 : vector<1x16xf32> to vector<16xf32>
      %get3A_164 = arith.index_cast %scan3A_105 : i32 to index
      %get3A_165 = arith.constant 64 : index
      %get3A_166 = tpu.vector_load %arg12[%get3A_164, %get3A_165] {strides = array<i32>} : memref<40x128xf32, #tpu.memory_space<vmem>>, vector<1x16xf32>,
      %get3A_167 = vector.shape_cast %get3A_166 : vector<1x16xf32> to vector<16xf32>
      %mul3A_168 = arith.mulf %get3A_163, %get3A_167 : vector<16xf32>
      %swap3A_169 = arith.index_cast %scan3A_105 : i32 to index
      %swap3A_170 = arith.constant 64 : index
      %swap3A_171 = tpu.vector_load %arg14[%swap3A_169, %swap3A_170] {strides = array<i32>} : memref<40x128xf32, #tpu.memory_space<vmem>>, vector<1x16xf32>,
      %swap3A_172 = vector.shape_cast %swap3A_171 : vector<1x16xf32> to vector<16xf32>
      %swap3A_173 = vector.shape_cast %mul3A_168 : vector<16xf32> to vector<1x16xf32>
      tpu.vector_store %arg14[%swap3A_169, %swap3A_170], %swap3A_173 {strides = array<i32>} : memref<40x128xf32, #tpu.memory_space<vmem>>, vector<1x16xf32>,
      %get3A_174 = arith.index_cast %scan3A_105 : i32 to index
      %get3A_175 = arith.constant 80 : index
      %get3A_176 = tpu.vector_load %arg10[%get3A_174, %get3A_175] {strides = array<i32>} : memref<40x128xf32, #tpu.memory_space<vmem>>, vector<1x16xf32>,
      %get3A_177 = vector.shape_cast %get3A_176 : vector<1x16xf32> to vector<16xf32>
      %get3A_178 = arith.index_cast %scan3A_105 : i32 to index
      %get3A_179 = arith.constant 80 : index
      %get3A_180 = tpu.vector_load %arg12[%get3A_178, %get3A_179] {strides = array<i32>} : memref<40x128xf32, #tpu.memory_space<vmem>>, vector<1x16xf32>,
      %get3A_181 = vector.shape_cast %get3A_180 : vector<1x16xf32> to vector<16xf32>
      %mul3A_182 = arith.mulf %get3A_177, %get3A_181 : vector<16xf32>
      %swap3A_183 = arith.index_cast %scan3A_105 : i32 to index
      %swap3A_184 = arith.constant 80 : index
      %swap3A_185 = tpu.vector_load %arg14[%swap3A_183, %swap3A_184] {strides = array<i32>} : memref<40x128xf32, #tpu.memory_space<vmem>>, vector<1x16xf32>,
      %swap3A_186 = vector.shape_cast %swap3A_185 : vector<1x16xf32> to vector<16xf32>
      %swap3A_187 = vector.shape_cast %mul3A_182 : vector<16xf32> to vector<1x16xf32>
      tpu.vector_store %arg14[%swap3A_183, %swap3A_184], %swap3A_187 {strides = array<i32>} : memref<40x128xf32, #tpu.memory_space<vmem>>, vector<1x16xf32>,
      %get3A_188 = arith.index_cast %scan3A_105 : i32 to index
      %get3A_189 = arith.constant 96 : index
      %get3A_190 = tpu.vector_load %arg10[%get3A_188, %get3A_189] {strides = array<i32>} : memref<40x128xf32, #tpu.memory_space<vmem>>, vector<1x16xf32>,
      %get3A_191 = vector.shape_cast %get3A_190 : vector<1x16xf32> to vector<16xf32>
      %get3A_192 = arith.index_cast %scan3A_105 : i32 to index
      %get3A_193 = arith.constant 96 : index
      %get3A_194 = tpu.vector_load %arg12[%get3A_192, %get3A_193] {strides = array<i32>} : memref<40x128xf32, #tpu.memory_space<vmem>>, vector<1x16xf32>,
      %get3A_195 = vector.shape_cast %get3A_194 : vector<1x16xf32> to vector<16xf32>
      %mul3A_196 = arith.mulf %get3A_191, %get3A_195 : vector<16xf32>
      %swap3A_197 = arith.index_cast %scan3A_105 : i32 to index
      %swap3A_198 = arith.constant 96 : index
      %swap3A_199 = tpu.vector_load %arg14[%swap3A_197, %swap3A_198] {strides = array<i32>} : memref<40x128xf32, #tpu.memory_space<vmem>>, vector<1x16xf32>,
      %swap3A_200 = vector.shape_cast %swap3A_199 : vector<1x16xf32> to vector<16xf32>
      %swap3A_201 = vector.shape_cast %mul3A_196 : vector<16xf32> to vector<1x16xf32>
      tpu.vector_store %arg14[%swap3A_197, %swap3A_198], %swap3A_201 {strides = array<i32>} : memref<40x128xf32, #tpu.memory_space<vmem>>, vector<1x16xf32>,
      %get3A_202 = arith.index_cast %scan3A_105 : i32 to index
      %get3A_203 = arith.constant 112 : index
      %get3A_204 = tpu.vector_load %arg10[%get3A_202, %get3A_203] {strides = array<i32>} : memref<40x128xf32, #tpu.memory_space<vmem>>, vector<1x16xf32>,
      %get3A_205 = vector.shape_cast %get3A_204 : vector<1x16xf32> to vector<16xf32>
      %get3A_206 = arith.index_cast %scan3A_105 : i32 to index
      %get3A_207 = arith.constant 112 : index
      %get3A_208 = tpu.vector_load %arg12[%get3A_206, %get3A_207] {strides = array<i32>} : memref<40x128xf32, #tpu.memory_space<vmem>>, vector<1x16xf32>,
      %get3A_209 = vector.shape_cast %get3A_208 : vector<1x16xf32> to vector<16xf32>
      %mul3A_210 = arith.mulf %get3A_205, %get3A_209 : vector<16xf32>
      %swap3A_211 = arith.index_cast %scan3A_105 : i32 to index
      %swap3A_212 = arith.constant 112 : index
      %swap3A_213 = tpu.vector_load %arg14[%swap3A_211, %swap3A_212] {strides = array<i32>} : memref<40x128xf32, #tpu.memory_space<vmem>>, vector<1x16xf32>,
      %swap3A_214 = vector.shape_cast %swap3A_213 : vector<1x16xf32> to vector<16xf32>
      %swap3A_215 = vector.shape_cast %mul3A_210 : vector<16xf32> to vector<1x16xf32>
      tpu.vector_store %arg14[%swap3A_211, %swap3A_212], %swap3A_215 {strides = array<i32>} : memref<40x128xf32, #tpu.memory_space<vmem>>, vector<1x16xf32>,
    }
    %scan3A_40 = arith.constant 40 : i32
    %dma_start3A_41 = arith.constant 0 : i32
    %dma_start3A_42 = tpu.memref_slice %arg9[%dma_start3A_41] : memref<3600xi32, #tpu.memory_space<vmem>> -> memref<40xi32, #tpu.memory_space<vmem>>
    %dma_start3A_43 = arith.constant 0 : i32
    %dma_start3A_44 = arith.constant 0 : i32
    %dma_start3A_45 = tpu.memref_slice %arg22[%dma_start3A_43, %dma_start3A_44] : memref<10240x128xf32, #tpu.memory_space<vmem_shared>> -> memref<10240x128xf32, #tpu.memory_space<vmem_shared>>
    tpu.enqueue_indirect_dma source(%arg14 : memref<40x128xf32, #tpu.memory_space<vmem>>) target(%dma_start3A_45 : memref<10240x128xf32, #tpu.memory_space<vmem_shared>>) offsets(%dma_start3A_42 : memref<40xi32, #tpu.memory_space<vmem>>) semaphore(%arg20 : memref<!tpu.dma_semaphore, #tpu.memory_space<semaphore_mem>>) {add = true}
    %add3A_46 = arith.constant 80 : i32
    %add3A_47 = arith.addi %mul3A_2, %add3A_46 : i32
    %dma_start3A_48 = arith.constant 0 : i32
    %dma_start3A_49 = tpu.memref_slice %arg5[%add3A_47, %dma_start3A_48] : memref<115200x128xf32, #tpu.memory_space<hbm>> -> memref<40x128xf32, #tpu.memory_space<hbm>>
    %dma_start3A_50 = arith.constant 0 : i32
    %dma_start3A_51 = tpu.memref_slice %arg5[%add3A_47, %dma_start3A_50] : memref<115200x128xf32, #tpu.memory_space<hbm>> -> memref<40x128xf32, #tpu.memory_space<hbm>>
    tpu.enqueue_dma source(%dma_start3A_51 : memref<40x128xf32, #tpu.memory_space<hbm>>) target(%arg12 : memref<40x128xf32, #tpu.memory_space<vmem>>) target_semaphore(%arg18 : memref<!tpu.dma_semaphore, #tpu.memory_space<semaphore_mem>>)
    %dma_start3A_52 = arith.constant 80 : i32
    %dma_start3A_53 = tpu.memref_slice %arg8[%dma_start3A_52] : memref<3600xi32, #tpu.memory_space<vmem>> -> memref<40xi32, #tpu.memory_space<vmem>>
    %dma_start3A_54 = arith.constant 0 : i32
    %dma_start3A_55 = arith.constant 0 : i32
    %dma_start3A_56 = tpu.memref_slice %arg2[%dma_start3A_54, %dma_start3A_55] : memref<10000x128xf32, #tpu.memory_space<hbm>> -> memref<10000x128xf32, #tpu.memory_space<hbm>>
    tpu.enqueue_indirect_dma source(%dma_start3A_56 : memref<10000x128xf32, #tpu.memory_space<hbm>>) target(%arg10 : memref<40x128xf32, #tpu.memory_space<vmem>>) offsets(%dma_start3A_53 : memref<40xi32, #tpu.memory_space<vmem>>) semaphore(%arg16 : memref<!tpu.dma_semaphore, #tpu.memory_space<semaphore_mem>>)
    %dma_wait3A_57 = arith.constant 0 : i32
    %dma_wait3A_58 = tpu.memref_slice %arg5[%mul3A_2, %dma_wait3A_57] : memref<115200x128xf32, #tpu.memory_space<hbm>> -> memref<40x128xf32, #tpu.memory_space<hbm>>
    %dma_wait3A_59 = arith.constant 0 : i32
    %dma_wait3A_60 = tpu.memref_slice %arg5[%mul3A_2, %dma_wait3A_59] : memref<115200x128xf32, #tpu.memory_space<hbm>> -> memref<40x128xf32, #tpu.memory_space<hbm>>
    tpu.wait_dma2 semaphore(%arg19 : memref<!tpu.dma_semaphore, #tpu.memory_space<semaphore_mem>>) src(%dma_wait3A_60 : memref<40x128xf32, #tpu.memory_space<hbm>>) dst(%arg13 : memref<40x128xf32, #tpu.memory_space<vmem>>)
    %dma_wait3A_61 = arith.constant 0 : i32
    %dma_wait3A_62 = tpu.memref_slice %arg8[%dma_wait3A_61] : memref<3600xi32, #tpu.memory_space<vmem>> -> memref<40xi32, #tpu.memory_space<vmem>>
    %dma_wait3A_63 = arith.constant 0 : i32
    %dma_wait3A_64 = arith.constant 0 : i32
    %dma_wait3A_65 = tpu.memref_slice %arg2[%dma_wait3A_63, %dma_wait3A_64] : memref<10000x128xf32, #tpu.memory_space<hbm>> -> memref<10000x128xf32, #tpu.memory_space<hbm>>
    tpu.wait_indirect_dma semaphore(%arg17 : memref<!tpu.dma_semaphore, #tpu.memory_space<semaphore_mem>>) src(%dma_wait3A_65 : memref<10000x128xf32, #tpu.memory_space<hbm>>) dst(%arg11 : memref<40x128xf32, #tpu.memory_space<vmem>>)
    %scan3A_66 = arith.constant 0 : i32
    %scan3A_67 = arith.constant 0 : i32
    %scan3A_68 = arith.constant 40 : i32
    %scan3A_69 = arith.addi %scan3A_67, %scan3A_68 : i32
    %scan3A_70 = arith.constant 1 : i32
    scf.for %scan3A_105 = %scan3A_67 to %scan3A_69 step %scan3A_70  : i32 {
      %get3A = arith.index_cast %scan3A_105 : i32 to index
      %get3A_106 = arith.constant 0 : index
      %get3A_107 = tpu.vector_load %arg11[%get3A, %get3A_106] {strides = array<i32>} : memref<40x128xf32, #tpu.memory_space<vmem>>, vector<1x16xf32>,
      %get3A_108 = vector.shape_cast %get3A_107 : vector<1x16xf32> to vector<16xf32>
      %get3A_109 = arith.index_cast %scan3A_105 : i32 to index
      %get3A_110 = arith.constant 0 : index
      %get3A_111 = tpu.vector_load %arg13[%get3A_109, %get3A_110] {strides = array<i32>} : memref<40x128xf32, #tpu.memory_space<vmem>>, vector<1x16xf32>,
      %get3A_112 = vector.shape_cast %get3A_111 : vector<1x16xf32> to vector<16xf32>
      %mul3A_113 = arith.mulf %get3A_108, %get3A_112 : vector<16xf32>
      %swap3A = arith.index_cast %scan3A_105 : i32 to index
      %swap3A_114 = arith.constant 0 : index
      %swap3A_115 = tpu.vector_load %arg15[%swap3A, %swap3A_114] {strides = array<i32>} : memref<40x128xf32, #tpu.memory_space<vmem>>, vector<1x16xf32>,
      %swap3A_116 = vector.shape_cast %swap3A_115 : vector<1x16xf32> to vector<16xf32>
      %swap3A_117 = vector.shape_cast %mul3A_113 : vector<16xf32> to vector<1x16xf32>
      tpu.vector_store %arg15[%swap3A, %swap3A_114], %swap3A_117 {strides = array<i32>} : memref<40x128xf32, #tpu.memory_space<vmem>>, vector<1x16xf32>,
      %get3A_118 = arith.index_cast %scan3A_105 : i32 to index
      %get3A_119 = arith.constant 16 : index
      %get3A_120 = tpu.vector_load %arg11[%get3A_118, %get3A_119] {strides = array<i32>} : memref<40x128xf32, #tpu.memory_space<vmem>>, vector<1x16xf32>,
      %get3A_121 = vector.shape_cast %get3A_120 : vector<1x16xf32> to vector<16xf32>
      %get3A_122 = arith.index_cast %scan3A_105 : i32 to index
      %get3A_123 = arith.constant 16 : index
      %get3A_124 = tpu.vector_load %arg13[%get3A_122, %get3A_123] {strides = array<i32>} : memref<40x128xf32, #tpu.memory_space<vmem>>, vector<1x16xf32>,
      %get3A_125 = vector.shape_cast %get3A_124 : vector<1x16xf32> to vector<16xf32>
      %mul3A_126 = arith.mulf %get3A_121, %get3A_125 : vector<16xf32>
      %swap3A_127 = arith.index_cast %scan3A_105 : i32 to index
      %swap3A_128 = arith.constant 16 : index
      %swap3A_129 = tpu.vector_load %arg15[%swap3A_127, %swap3A_128] {strides = array<i32>} : memref<40x128xf32, #tpu.memory_space<vmem>>, vector<1x16xf32>,
      %swap3A_130 = vector.shape_cast %swap3A_129 : vector<1x16xf32> to vector<16xf32>
      %swap3A_131 = vector.shape_cast %mul3A_126 : vector<16xf32> to vector<1x16xf32>
      tpu.vector_store %arg15[%swap3A_127, %swap3A_128], %swap3A_131 {strides = array<i32>} : memref<40x128xf32, #tpu.memory_space<vmem>>, vector<1x16xf32>,
      %get3A_132 = arith.index_cast %scan3A_105 : i32 to index
      %get3A_133 = arith.constant 32 : index
      %get3A_134 = tpu.vector_load %arg11[%get3A_132, %get3A_133] {strides = array<i32>} : memref<40x128xf32, #tpu.memory_space<vmem>>, vector<1x16xf32>,
      %get3A_135 = vector.shape_cast %get3A_134 : vector<1x16xf32> to vector<16xf32>
      %get3A_136 = arith.index_cast %scan3A_105 : i32 to index
      %get3A_137 = arith.constant 32 : index
      %get3A_138 = tpu.vector_load %arg13[%get3A_136, %get3A_137] {strides = array<i32>} : memref<40x128xf32, #tpu.memory_space<vmem>>, vector<1x16xf32>,
      %get3A_139 = vector.shape_cast %get3A_138 : vector<1x16xf32> to vector<16xf32>
      %mul3A_140 = arith.mulf %get3A_135, %get3A_139 : vector<16xf32>
      %swap3A_141 = arith.index_cast %scan3A_105 : i32 to index
      %swap3A_142 = arith.constant 32 : index
      %swap3A_143 = tpu.vector_load %arg15[%swap3A_141, %swap3A_142] {strides = array<i32>} : memref<40x128xf32, #tpu.memory_space<vmem>>, vector<1x16xf32>,
      %swap3A_144 = vector.shape_cast %swap3A_143 : vector<1x16xf32> to vector<16xf32>
      %swap3A_145 = vector.shape_cast %mul3A_140 : vector<16xf32> to vector<1x16xf32>
      tpu.vector_store %arg15[%swap3A_141, %swap3A_142], %swap3A_145 {strides = array<i32>} : memref<40x128xf32, #tpu.memory_space<vmem>>, vector<1x16xf32>,
      %get3A_146 = arith.index_cast %scan3A_105 : i32 to index
      %get3A_147 = arith.constant 48 : index
      %get3A_148 = tpu.vector_load %arg11[%get3A_146, %get3A_147] {strides = array<i32>} : memref<40x128xf32, #tpu.memory_space<vmem>>, vector<1x16xf32>,
      %get3A_149 = vector.shape_cast %get3A_148 : vector<1x16xf32> to vector<16xf32>
      %get3A_150 = arith.index_cast %scan3A_105 : i32 to index
      %get3A_151 = arith.constant 48 : index
      %get3A_152 = tpu.vector_load %arg13[%get3A_150, %get3A_151] {strides = array<i32>} : memref<40x128xf32, #tpu.memory_space<vmem>>, vector<1x16xf32>,
      %get3A_153 = vector.shape_cast %get3A_152 : vector<1x16xf32> to vector<16xf32>
      %mul3A_154 = arith.mulf %get3A_149, %get3A_153 : vector<16xf32>
      %swap3A_155 = arith.index_cast %scan3A_105 : i32 to index
      %swap3A_156 = arith.constant 48 : index
      %swap3A_157 = tpu.vector_load %arg15[%swap3A_155, %swap3A_156] {strides = array<i32>} : memref<40x128xf32, #tpu.memory_space<vmem>>, vector<1x16xf32>,
      %swap3A_158 = vector.shape_cast %swap3A_157 : vector<1x16xf32> to vector<16xf32>
      %swap3A_159 = vector.shape_cast %mul3A_154 : vector<16xf32> to vector<1x16xf32>
      tpu.vector_store %arg15[%swap3A_155, %swap3A_156], %swap3A_159 {strides = array<i32>} : memref<40x128xf32, #tpu.memory_space<vmem>>, vector<1x16xf32>,
      %get3A_160 = arith.index_cast %scan3A_105 : i32 to index
      %get3A_161 = arith.constant 64 : index
      %get3A_162 = tpu.vector_load %arg11[%get3A_160, %get3A_161] {strides = array<i32>} : memref<40x128xf32, #tpu.memory_space<vmem>>, vector<1x16xf32>,
      %get3A_163 = vector.shape_cast %get3A_162 : vector<1x16xf32> to vector<16xf32>
      %get3A_164 = arith.index_cast %scan3A_105 : i32 to index
      %get3A_165 = arith.constant 64 : index
      %get3A_166 = tpu.vector_load %arg13[%get3A_164, %get3A_165] {strides = array<i32>} : memref<40x128xf32, #tpu.memory_space<vmem>>, vector<1x16xf32>,
      %get3A_167 = vector.shape_cast %get3A_166 : vector<1x16xf32> to vector<16xf32>
      %mul3A_168 = arith.mulf %get3A_163, %get3A_167 : vector<16xf32>
      %swap3A_169 = arith.index_cast %scan3A_105 : i32 to index
      %swap3A_170 = arith.constant 64 : index
      %swap3A_171 = tpu.vector_load %arg15[%swap3A_169, %swap3A_170] {strides = array<i32>} : memref<40x128xf32, #tpu.memory_space<vmem>>, vector<1x16xf32>,
      %swap3A_172 = vector.shape_cast %swap3A_171 : vector<1x16xf32> to vector<16xf32>
      %swap3A_173 = vector.shape_cast %mul3A_168 : vector<16xf32> to vector<1x16xf32>
      tpu.vector_store %arg15[%swap3A_169, %swap3A_170], %swap3A_173 {strides = array<i32>} : memref<40x128xf32, #tpu.memory_space<vmem>>, vector<1x16xf32>,
      %get3A_174 = arith.index_cast %scan3A_105 : i32 to index
      %get3A_175 = arith.constant 80 : index
      %get3A_176 = tpu.vector_load %arg11[%get3A_174, %get3A_175] {strides = array<i32>} : memref<40x128xf32, #tpu.memory_space<vmem>>, vector<1x16xf32>,
      %get3A_177 = vector.shape_cast %get3A_176 : vector<1x16xf32> to vector<16xf32>
      %get3A_178 = arith.index_cast %scan3A_105 : i32 to index
      %get3A_179 = arith.constant 80 : index
      %get3A_180 = tpu.vector_load %arg13[%get3A_178, %get3A_179] {strides = array<i32>} : memref<40x128xf32, #tpu.memory_space<vmem>>, vector<1x16xf32>,
      %get3A_181 = vector.shape_cast %get3A_180 : vector<1x16xf32> to vector<16xf32>
      %mul3A_182 = arith.mulf %get3A_177, %get3A_181 : vector<16xf32>
      %swap3A_183 = arith.index_cast %scan3A_105 : i32 to index
      %swap3A_184 = arith.constant 80 : index
      %swap3A_185 = tpu.vector_load %arg15[%swap3A_183, %swap3A_184] {strides = array<i32>} : memref<40x128xf32, #tpu.memory_space<vmem>>, vector<1x16xf32>,
      %swap3A_186 = vector.shape_cast %swap3A_185 : vector<1x16xf32> to vector<16xf32>
      %swap3A_187 = vector.shape_cast %mul3A_182 : vector<16xf32> to vector<1x16xf32>
      tpu.vector_store %arg15[%swap3A_183, %swap3A_184], %swap3A_187 {strides = array<i32>} : memref<40x128xf32, #tpu.memory_space<vmem>>, vector<1x16xf32>,
      %get3A_188 = arith.index_cast %scan3A_105 : i32 to index
      %get3A_189 = arith.constant 96 : index
      %get3A_190 = tpu.vector_load %arg11[%get3A_188, %get3A_189] {strides = array<i32>} : memref<40x128xf32, #tpu.memory_space<vmem>>, vector<1x16xf32>,
      %get3A_191 = vector.shape_cast %get3A_190 : vector<1x16xf32> to vector<16xf32>
      %get3A_192 = arith.index_cast %scan3A_105 : i32 to index
      %get3A_193 = arith.constant 96 : index
      %get3A_194 = tpu.vector_load %arg13[%get3A_192, %get3A_193] {strides = array<i32>} : memref<40x128xf32, #tpu.memory_space<vmem>>, vector<1x16xf32>,
      %get3A_195 = vector.shape_cast %get3A_194 : vector<1x16xf32> to vector<16xf32>
      %mul3A_196 = arith.mulf %get3A_191, %get3A_195 : vector<16xf32>
      %swap3A_197 = arith.index_cast %scan3A_105 : i32 to index
      %swap3A_198 = arith.constant 96 : index
      %swap3A_199 = tpu.vector_load %arg15[%swap3A_197, %swap3A_198] {strides = array<i32>} : memref<40x128xf32, #tpu.memory_space<vmem>>, vector<1x16xf32>,
      %swap3A_200 = vector.shape_cast %swap3A_199 : vector<1x16xf32> to vector<16xf32>
      %swap3A_201 = vector.shape_cast %mul3A_196 : vector<16xf32> to vector<1x16xf32>
      tpu.vector_store %arg15[%swap3A_197, %swap3A_198], %swap3A_201 {strides = array<i32>} : memref<40x128xf32, #tpu.memory_space<vmem>>, vector<1x16xf32>,
      %get3A_202 = arith.index_cast %scan3A_105 : i32 to index
      %get3A_203 = arith.constant 112 : index
      %get3A_204 = tpu.vector_load %arg11[%get3A_202, %get3A_203] {strides = array<i32>} : memref<40x128xf32, #tpu.memory_space<vmem>>, vector<1x16xf32>,
      %get3A_205 = vector.shape_cast %get3A_204 : vector<1x16xf32> to vector<16xf32>
      %get3A_206 = arith.index_cast %scan3A_105 : i32 to index
      %get3A_207 = arith.constant 112 : index
      %get3A_208 = tpu.vector_load %arg13[%get3A_206, %get3A_207] {strides = array<i32>} : memref<40x128xf32, #tpu.memory_space<vmem>>, vector<1x16xf32>,
      %get3A_209 = vector.shape_cast %get3A_208 : vector<1x16xf32> to vector<16xf32>
      %mul3A_210 = arith.mulf %get3A_205, %get3A_209 : vector<16xf32>
      %swap3A_211 = arith.index_cast %scan3A_105 : i32 to index
      %swap3A_212 = arith.constant 112 : index
      %swap3A_213 = tpu.vector_load %arg15[%swap3A_211, %swap3A_212] {strides = array<i32>} : memref<40x128xf32, #tpu.memory_space<vmem>>, vector<1x16xf32>,
      %swap3A_214 = vector.shape_cast %swap3A_213 : vector<1x16xf32> to vector<16xf32>
      %swap3A_215 = vector.shape_cast %mul3A_210 : vector<16xf32> to vector<1x16xf32>
      tpu.vector_store %arg15[%swap3A_211, %swap3A_212], %swap3A_215 {strides = array<i32>} : memref<40x128xf32, #tpu.memory_space<vmem>>, vector<1x16xf32>,
    }
    %scan3A_71 = arith.constant 40 : i32
    %dma_start3A_72 = arith.constant 40 : i32
    %dma_start3A_73 = tpu.memref_slice %arg9[%dma_start3A_72] : memref<3600xi32, #tpu.memory_space<vmem>> -> memref<40xi32, #tpu.memory_space<vmem>>
    %dma_start3A_74 = arith.constant 0 : i32
    %dma_start3A_75 = arith.constant 0 : i32
    %dma_start3A_76 = tpu.memref_slice %arg22[%dma_start3A_74, %dma_start3A_75] : memref<10240x128xf32, #tpu.memory_space<vmem_shared>> -> memref<10240x128xf32, #tpu.memory_space<vmem_shared>>
    tpu.enqueue_indirect_dma source(%arg15 : memref<40x128xf32, #tpu.memory_space<vmem>>) target(%dma_start3A_76 : memref<10240x128xf32, #tpu.memory_space<vmem_shared>>) offsets(%dma_start3A_73 : memref<40xi32, #tpu.memory_space<vmem>>) semaphore(%arg21 : memref<!tpu.dma_semaphore, #tpu.memory_space<semaphore_mem>>) {add = true}
    %add3A_77 = arith.constant 120 : i32
    %add3A_78 = arith.addi %mul3A_2, %add3A_77 : i32
    %dma_start3A_79 = arith.constant 0 : i32
    %dma_start3A_80 = tpu.memref_slice %arg5[%add3A_78, %dma_start3A_79] : memref<115200x128xf32, #tpu.memory_space<hbm>> -> memref<40x128xf32, #tpu.memory_space<hbm>>
    %dma_start3A_81 = arith.constant 0 : i32
    %dma_start3A_82 = tpu.memref_slice %arg5[%add3A_78, %dma_start3A_81] : memref<115200x128xf32, #tpu.memory_space<hbm>> -> memref<40x128xf32, #tpu.memory_space<hbm>>
    tpu.enqueue_dma source(%dma_start3A_82 : memref<40x128xf32, #tpu.memory_space<hbm>>) target(%arg13 : memref<40x128xf32, #tpu.memory_space<vmem>>) target_semaphore(%arg19 : memref<!tpu.dma_semaphore, #tpu.memory_space<semaphore_mem>>)
    %dma_start3A_83 = arith.constant 120 : i32
    %dma_start3A_84 = tpu.memref_slice %arg8[%dma_start3A_83] : memref<3600xi32, #tpu.memory_space<vmem>> -> memref<40xi32, #tpu.memory_space<vmem>>
    %dma_start3A_85 = arith.constant 0 : i32
    %dma_start3A_86 = arith.constant 0 : i32
    %dma_start3A_87 = tpu.memref_slice %arg2[%dma_start3A_85, %dma_start3A_86] : memref<10000x128xf32, #tpu.memory_space<hbm>> -> memref<10000x128xf32, #tpu.memory_space<hbm>>
    tpu.enqueue_indirect_dma source(%dma_start3A_87 : memref<10000x128xf32, #tpu.memory_space<hbm>>) target(%arg11 : memref<40x128xf32, #tpu.memory_space<vmem>>) offsets(%dma_start3A_84 : memref<40xi32, #tpu.memory_space<vmem>>) semaphore(%arg17 : memref<!tpu.dma_semaphore, #tpu.memory_space<semaphore_mem>>)
    %scan3A_88 = arith.constant 0 : i32
    %scan3A_89 = arith.constant 1 : i32
    %scan3A_90 = arith.constant 44 : i32
    %scan3A_91 = arith.addi %scan3A_89, %scan3A_90 : i32
    %scan3A_92 = arith.constant 1 : i32
    scf.for %scan3A_105 = %scan3A_89 to %scan3A_91 step %scan3A_92  : i32 {
      %mul3A_106 = arith.constant 2 : i32
      %mul3A_107 = arith.muli %mul3A_106, %scan3A_105 : i32
      %add3A_108 = arith.constant 0 : i32
      %add3A_109 = arith.addi %mul3A_107, %add3A_108 : i32
      %dma_wait3A_110 = arith.constant 0 : i32
      %dma_wait3A_111 = tpu.memref_slice %arg5[%mul3A_2, %dma_wait3A_110] : memref<115200x128xf32, #tpu.memory_space<hbm>> -> memref<40x128xf32, #tpu.memory_space<hbm>>
      %dma_wait3A_112 = arith.constant 0 : i32
      %dma_wait3A_113 = tpu.memref_slice %arg5[%mul3A_2, %dma_wait3A_112] : memref<115200x128xf32, #tpu.memory_space<hbm>> -> memref<40x128xf32, #tpu.memory_space<hbm>>
      tpu.wait_dma2 semaphore(%arg18 : memref<!tpu.dma_semaphore, #tpu.memory_space<semaphore_mem>>) src(%dma_wait3A_113 : memref<40x128xf32, #tpu.memory_space<hbm>>) dst(%arg12 : memref<40x128xf32, #tpu.memory_space<vmem>>)
      %dma_wait3A_114 = arith.constant 0 : i32
      %dma_wait3A_115 = tpu.memref_slice %arg8[%dma_wait3A_114] : memref<3600xi32, #tpu.memory_space<vmem>> -> memref<40xi32, #tpu.memory_space<vmem>>
      %dma_wait3A_116 = arith.constant 0 : i32
      %dma_wait3A_117 = arith.constant 0 : i32
      %dma_wait3A_118 = tpu.memref_slice %arg2[%dma_wait3A_116, %dma_wait3A_117] : memref<10000x128xf32, #tpu.memory_space<hbm>> -> memref<10000x128xf32, #tpu.memory_space<hbm>>
      tpu.wait_indirect_dma semaphore(%arg16 : memref<!tpu.dma_semaphore, #tpu.memory_space<semaphore_mem>>) src(%dma_wait3A_118 : memref<10000x128xf32, #tpu.memory_space<hbm>>) dst(%arg10 : memref<40x128xf32, #tpu.memory_space<vmem>>)
      %dma_wait3A_119 = arith.constant 0 : i32
      %dma_wait3A_120 = tpu.memref_slice %arg9[%dma_wait3A_119] : memref<3600xi32, #tpu.memory_space<vmem>> -> memref<40xi32, #tpu.memory_space<vmem>>
      %dma_wait3A_121 = arith.constant 0 : i32
      %dma_wait3A_122 = arith.constant 0 : i32
      %dma_wait3A_123 = tpu.memref_slice %arg22[%dma_wait3A_121, %dma_wait3A_122] : memref<10240x128xf32, #tpu.memory_space<vmem_shared>> -> memref<10240x128xf32, #tpu.memory_space<vmem_shared>>
      tpu.wait_indirect_dma semaphore(%arg20 : memref<!tpu.dma_semaphore, #tpu.memory_space<semaphore_mem>>) src(%arg14 : memref<40x128xf32, #tpu.memory_space<vmem>>) dst(%dma_wait3A_123 : memref<10240x128xf32, #tpu.memory_space<vmem_shared>>)
      %scan3A_124 = arith.constant 0 : i32
      %scan3A_125 = arith.constant 0 : i32
      %scan3A_126 = arith.constant 40 : i32
      %scan3A_127 = arith.addi %scan3A_125, %scan3A_126 : i32
      %scan3A_128 = arith.constant 1 : i32
      scf.for %scan3A_177 = %scan3A_125 to %scan3A_127 step %scan3A_128  : i32 {
        %get3A = arith.index_cast %scan3A_177 : i32 to index
        %get3A_178 = arith.constant 0 : index
        %get3A_179 = tpu.vector_load %arg10[%get3A, %get3A_178] {strides = array<i32>} : memref<40x128xf32, #tpu.memory_space<vmem>>, vector<1x16xf32>,
        %get3A_180 = vector.shape_cast %get3A_179 : vector<1x16xf32> to vector<16xf32>
        %get3A_181 = arith.index_cast %scan3A_177 : i32 to index
        %get3A_182 = arith.constant 0 : index
        %get3A_183 = tpu.vector_load %arg12[%get3A_181, %get3A_182] {strides = array<i32>} : memref<40x128xf32, #tpu.memory_space<vmem>>, vector<1x16xf32>,
        %get3A_184 = vector.shape_cast %get3A_183 : vector<1x16xf32> to vector<16xf32>
        %mul3A_185 = arith.mulf %get3A_180, %get3A_184 : vector<16xf32>
        %swap3A = arith.index_cast %scan3A_177 : i32 to index
        %swap3A_186 = arith.constant 0 : index
        %swap3A_187 = tpu.vector_load %arg14[%swap3A, %swap3A_186] {strides = array<i32>} : memref<40x128xf32, #tpu.memory_space<vmem>>, vector<1x16xf32>,
        %swap3A_188 = vector.shape_cast %swap3A_187 : vector<1x16xf32> to vector<16xf32>
        %swap3A_189 = vector.shape_cast %mul3A_185 : vector<16xf32> to vector<1x16xf32>
        tpu.vector_store %arg14[%swap3A, %swap3A_186], %swap3A_189 {strides = array<i32>} : memref<40x128xf32, #tpu.memory_space<vmem>>, vector<1x16xf32>,
        %get3A_190 = arith.index_cast %scan3A_177 : i32 to index
        %get3A_191 = arith.constant 16 : index
        %get3A_192 = tpu.vector_load %arg10[%get3A_190, %get3A_191] {strides = array<i32>} : memref<40x128xf32, #tpu.memory_space<vmem>>, vector<1x16xf32>,
        %get3A_193 = vector.shape_cast %get3A_192 : vector<1x16xf32> to vector<16xf32>
        %get3A_194 = arith.index_cast %scan3A_177 : i32 to index
        %get3A_195 = arith.constant 16 : index
        %get3A_196 = tpu.vector_load %arg12[%get3A_194, %get3A_195] {strides = array<i32>} : memref<40x128xf32, #tpu.memory_space<vmem>>, vector<1x16xf32>,
        %get3A_197 = vector.shape_cast %get3A_196 : vector<1x16xf32> to vector<16xf32>
        %mul3A_198 = arith.mulf %get3A_193, %get3A_197 : vector<16xf32>
        %swap3A_199 = arith.index_cast %scan3A_177 : i32 to index
        %swap3A_200 = arith.constant 16 : index
        %swap3A_201 = tpu.vector_load %arg14[%swap3A_199, %swap3A_200] {strides = array<i32>} : memref<40x128xf32, #tpu.memory_space<vmem>>, vector<1x16xf32>,
        %swap3A_202 = vector.shape_cast %swap3A_201 : vector<1x16xf32> to vector<16xf32>
        %swap3A_203 = vector.shape_cast %mul3A_198 : vector<16xf32> to vector<1x16xf32>
        tpu.vector_store %arg14[%swap3A_199, %swap3A_200], %swap3A_203 {strides = array<i32>} : memref<40x128xf32, #tpu.memory_space<vmem>>, vector<1x16xf32>,
        %get3A_204 = arith.index_cast %scan3A_177 : i32 to index
        %get3A_205 = arith.constant 32 : index
        %get3A_206 = tpu.vector_load %arg10[%get3A_204, %get3A_205] {strides = array<i32>} : memref<40x128xf32, #tpu.memory_space<vmem>>, vector<1x16xf32>,
        %get3A_207 = vector.shape_cast %get3A_206 : vector<1x16xf32> to vector<16xf32>
        %get3A_208 = arith.index_cast %scan3A_177 : i32 to index
        %get3A_209 = arith.constant 32 : index
        %get3A_210 = tpu.vector_load %arg12[%get3A_208, %get3A_209] {strides = array<i32>} : memref<40x128xf32, #tpu.memory_space<vmem>>, vector<1x16xf32>,
        %get3A_211 = vector.shape_cast %get3A_210 : vector<1x16xf32> to vector<16xf32>
        %mul3A_212 = arith.mulf %get3A_207, %get3A_211 : vector<16xf32>
        %swap3A_213 = arith.index_cast %scan3A_177 : i32 to index
        %swap3A_214 = arith.constant 32 : index
        %swap3A_215 = tpu.vector_load %arg14[%swap3A_213, %swap3A_214] {strides = array<i32>} : memref<40x128xf32, #tpu.memory_space<vmem>>, vector<1x16xf32>,
        %swap3A_216 = vector.shape_cast %swap3A_215 : vector<1x16xf32> to vector<16xf32>
        %swap3A_217 = vector.shape_cast %mul3A_212 : vector<16xf32> to vector<1x16xf32>
        tpu.vector_store %arg14[%swap3A_213, %swap3A_214], %swap3A_217 {strides = array<i32>} : memref<40x128xf32, #tpu.memory_space<vmem>>, vector<1x16xf32>,
        %get3A_218 = arith.index_cast %scan3A_177 : i32 to index
        %get3A_219 = arith.constant 48 : index
        %get3A_220 = tpu.vector_load %arg10[%get3A_218, %get3A_219] {strides = array<i32>} : memref<40x128xf32, #tpu.memory_space<vmem>>, vector<1x16xf32>,
        %get3A_221 = vector.shape_cast %get3A_220 : vector<1x16xf32> to vector<16xf32>
        %get3A_222 = arith.index_cast %scan3A_177 : i32 to index
        %get3A_223 = arith.constant 48 : index
        %get3A_224 = tpu.vector_load %arg12[%get3A_222, %get3A_223] {strides = array<i32>} : memref<40x128xf32, #tpu.memory_space<vmem>>, vector<1x16xf32>,
        %get3A_225 = vector.shape_cast %get3A_224 : vector<1x16xf32> to vector<16xf32>
        %mul3A_226 = arith.mulf %get3A_221, %get3A_225 : vector<16xf32>
        %swap3A_227 = arith.index_cast %scan3A_177 : i32 to index
        %swap3A_228 = arith.constant 48 : index
        %swap3A_229 = tpu.vector_load %arg14[%swap3A_227, %swap3A_228] {strides = array<i32>} : memref<40x128xf32, #tpu.memory_space<vmem>>, vector<1x16xf32>,
        %swap3A_230 = vector.shape_cast %swap3A_229 : vector<1x16xf32> to vector<16xf32>
        %swap3A_231 = vector.shape_cast %mul3A_226 : vector<16xf32> to vector<1x16xf32>
        tpu.vector_store %arg14[%swap3A_227, %swap3A_228], %swap3A_231 {strides = array<i32>} : memref<40x128xf32, #tpu.memory_space<vmem>>, vector<1x16xf32>,
        %get3A_232 = arith.index_cast %scan3A_177 : i32 to index
        %get3A_233 = arith.constant 64 : index
        %get3A_234 = tpu.vector_load %arg10[%get3A_232, %get3A_233] {strides = array<i32>} : memref<40x128xf32, #tpu.memory_space<vmem>>, vector<1x16xf32>,
        %get3A_235 = vector.shape_cast %get3A_234 : vector<1x16xf32> to vector<16xf32>
        %get3A_236 = arith.index_cast %scan3A_177 : i32 to index
        %get3A_237 = arith.constant 64 : index
        %get3A_238 = tpu.vector_load %arg12[%get3A_236, %get3A_237] {strides = array<i32>} : memref<40x128xf32, #tpu.memory_space<vmem>>, vector<1x16xf32>,
        %get3A_239 = vector.shape_cast %get3A_238 : vector<1x16xf32> to vector<16xf32>
        %mul3A_240 = arith.mulf %get3A_235, %get3A_239 : vector<16xf32>
        %swap3A_241 = arith.index_cast %scan3A_177 : i32 to index
        %swap3A_242 = arith.constant 64 : index
        %swap3A_243 = tpu.vector_load %arg14[%swap3A_241, %swap3A_242] {strides = array<i32>} : memref<40x128xf32, #tpu.memory_space<vmem>>, vector<1x16xf32>,
        %swap3A_244 = vector.shape_cast %swap3A_243 : vector<1x16xf32> to vector<16xf32>
        %swap3A_245 = vector.shape_cast %mul3A_240 : vector<16xf32> to vector<1x16xf32>
        tpu.vector_store %arg14[%swap3A_241, %swap3A_242], %swap3A_245 {strides = array<i32>} : memref<40x128xf32, #tpu.memory_space<vmem>>, vector<1x16xf32>,
        %get3A_246 = arith.index_cast %scan3A_177 : i32 to index
        %get3A_247 = arith.constant 80 : index
        %get3A_248 = tpu.vector_load %arg10[%get3A_246, %get3A_247] {strides = array<i32>} : memref<40x128xf32, #tpu.memory_space<vmem>>, vector<1x16xf32>,
        %get3A_249 = vector.shape_cast %get3A_248 : vector<1x16xf32> to vector<16xf32>
        %get3A_250 = arith.index_cast %scan3A_177 : i32 to index
        %get3A_251 = arith.constant 80 : index
        %get3A_252 = tpu.vector_load %arg12[%get3A_250, %get3A_251] {strides = array<i32>} : memref<40x128xf32, #tpu.memory_space<vmem>>, vector<1x16xf32>,
        %get3A_253 = vector.shape_cast %get3A_252 : vector<1x16xf32> to vector<16xf32>
        %mul3A_254 = arith.mulf %get3A_249, %get3A_253 : vector<16xf32>
        %swap3A_255 = arith.index_cast %scan3A_177 : i32 to index
        %swap3A_256 = arith.constant 80 : index
        %swap3A_257 = tpu.vector_load %arg14[%swap3A_255, %swap3A_256] {strides = array<i32>} : memref<40x128xf32, #tpu.memory_space<vmem>>, vector<1x16xf32>,
        %swap3A_258 = vector.shape_cast %swap3A_257 : vector<1x16xf32> to vector<16xf32>
        %swap3A_259 = vector.shape_cast %mul3A_254 : vector<16xf32> to vector<1x16xf32>
        tpu.vector_store %arg14[%swap3A_255, %swap3A_256], %swap3A_259 {strides = array<i32>} : memref<40x128xf32, #tpu.memory_space<vmem>>, vector<1x16xf32>,
        %get3A_260 = arith.index_cast %scan3A_177 : i32 to index
        %get3A_261 = arith.constant 96 : index
        %get3A_262 = tpu.vector_load %arg10[%get3A_260, %get3A_261] {strides = array<i32>} : memref<40x128xf32, #tpu.memory_space<vmem>>, vector<1x16xf32>,
        %get3A_263 = vector.shape_cast %get3A_262 : vector<1x16xf32> to vector<16xf32>
        %get3A_264 = arith.index_cast %scan3A_177 : i32 to index
        %get3A_265 = arith.constant 96 : index
        %get3A_266 = tpu.vector_load %arg12[%get3A_264, %get3A_265] {strides = array<i32>} : memref<40x128xf32, #tpu.memory_space<vmem>>, vector<1x16xf32>,
        %get3A_267 = vector.shape_cast %get3A_266 : vector<1x16xf32> to vector<16xf32>
        %mul3A_268 = arith.mulf %get3A_263, %get3A_267 : vector<16xf32>
        %swap3A_269 = arith.index_cast %scan3A_177 : i32 to index
        %swap3A_270 = arith.constant 96 : index
        %swap3A_271 = tpu.vector_load %arg14[%swap3A_269, %swap3A_270] {strides = array<i32>} : memref<40x128xf32, #tpu.memory_space<vmem>>, vector<1x16xf32>,
        %swap3A_272 = vector.shape_cast %swap3A_271 : vector<1x16xf32> to vector<16xf32>
        %swap3A_273 = vector.shape_cast %mul3A_268 : vector<16xf32> to vector<1x16xf32>
        tpu.vector_store %arg14[%swap3A_269, %swap3A_270], %swap3A_273 {strides = array<i32>} : memref<40x128xf32, #tpu.memory_space<vmem>>, vector<1x16xf32>,
        %get3A_274 = arith.index_cast %scan3A_177 : i32 to index
        %get3A_275 = arith.constant 112 : index
        %get3A_276 = tpu.vector_load %arg10[%get3A_274, %get3A_275] {strides = array<i32>} : memref<40x128xf32, #tpu.memory_space<vmem>>, vector<1x16xf32>,
        %get3A_277 = vector.shape_cast %get3A_276 : vector<1x16xf32> to vector<16xf32>
        %get3A_278 = arith.index_cast %scan3A_177 : i32 to index
        %get3A_279 = arith.constant 112 : index
        %get3A_280 = tpu.vector_load %arg12[%get3A_278, %get3A_279] {strides = array<i32>} : memref<40x128xf32, #tpu.memory_space<vmem>>, vector<1x16xf32>,
        %get3A_281 = vector.shape_cast %get3A_280 : vector<1x16xf32> to vector<16xf32>
        %mul3A_282 = arith.mulf %get3A_277, %get3A_281 : vector<16xf32>
        %swap3A_283 = arith.index_cast %scan3A_177 : i32 to index
        %swap3A_284 = arith.constant 112 : index
        %swap3A_285 = tpu.vector_load %arg14[%swap3A_283, %swap3A_284] {strides = array<i32>} : memref<40x128xf32, #tpu.memory_space<vmem>>, vector<1x16xf32>,
        %swap3A_286 = vector.shape_cast %swap3A_285 : vector<1x16xf32> to vector<16xf32>
        %swap3A_287 = vector.shape_cast %mul3A_282 : vector<16xf32> to vector<1x16xf32>
        tpu.vector_store %arg14[%swap3A_283, %swap3A_284], %swap3A_287 {strides = array<i32>} : memref<40x128xf32, #tpu.memory_space<vmem>>, vector<1x16xf32>,
      }
      %scan3A_129 = arith.constant 40 : i32
      %mul3A_130 = arith.constant 40 : i32
      %mul3A_131 = arith.muli %add3A_109, %mul3A_130 : i32
      %dma_start3A_132 = tpu.memref_slice %arg9[%mul3A_131] : memref<3600xi32, #tpu.memory_space<vmem>> -> memref<40xi32, #tpu.memory_space<vmem>>
      %dma_start3A_133 = arith.constant 0 : i32
      %dma_start3A_134 = arith.constant 0 : i32
      %dma_start3A_135 = tpu.memref_slice %arg22[%dma_start3A_133, %dma_start3A_134] : memref<10240x128xf32, #tpu.memory_space<vmem_shared>> -> memref<10240x128xf32, #tpu.memory_space<vmem_shared>>
      tpu.enqueue_indirect_dma source(%arg14 : memref<40x128xf32, #tpu.memory_space<vmem>>) target(%dma_start3A_135 : memref<10240x128xf32, #tpu.memory_space<vmem_shared>>) offsets(%dma_start3A_132 : memref<40xi32, #tpu.memory_space<vmem>>) semaphore(%arg20 : memref<!tpu.dma_semaphore, #tpu.memory_space<semaphore_mem>>) {add = true}
      %add3A_136 = arith.constant 2 : i32
      %add3A_137 = arith.addi %add3A_109, %add3A_136 : i32
      %lt3A = arith.constant 90 : i32
      %lt3A_138 = arith.cmpi slt, %add3A_137, %lt3A : i32
      %convert_element_type3A = arith.extui %lt3A_138 : i1 to i32
      %cond3A = arith.constant 0 : i32
      %cond3A_139 = arith.cmpi ne, %convert_element_type3A, %cond3A : i32
      scf.if %cond3A_139 {
        %add3A_177 = arith.constant 2 : i32
        %add3A_178 = arith.addi %add3A_109, %add3A_177 : i32
        %mul3A_179 = arith.constant 40 : i32
        %mul3A_180 = arith.muli %add3A_178, %mul3A_179 : i32
        %add3A_181 = arith.addi %mul3A_2, %mul3A_180 : i32
        %dma_start3A_182 = arith.constant 0 : i32
        %dma_start3A_183 = tpu.memref_slice %arg5[%add3A_181, %dma_start3A_182] : memref<115200x128xf32, #tpu.memory_space<hbm>> -> memref<40x128xf32, #tpu.memory_space<hbm>>
        %dma_start3A_184 = arith.constant 0 : i32
        %dma_start3A_185 = tpu.memref_slice %arg5[%add3A_181, %dma_start3A_184] : memref<115200x128xf32, #tpu.memory_space<hbm>> -> memref<40x128xf32, #tpu.memory_space<hbm>>
        tpu.enqueue_dma source(%dma_start3A_185 : memref<40x128xf32, #tpu.memory_space<hbm>>) target(%arg12 : memref<40x128xf32, #tpu.memory_space<vmem>>) target_semaphore(%arg18 : memref<!tpu.dma_semaphore, #tpu.memory_space<semaphore_mem>>)
        %mul3A_186 = arith.constant 40 : i32
        %mul3A_187 = arith.muli %add3A_178, %mul3A_186 : i32
        %dma_start3A_188 = tpu.memref_slice %arg8[%mul3A_187] : memref<3600xi32, #tpu.memory_space<vmem>> -> memref<40xi32, #tpu.memory_space<vmem>>
        %dma_start3A_189 = arith.constant 0 : i32
        %dma_start3A_190 = arith.constant 0 : i32
        %dma_start3A_191 = tpu.memref_slice %arg2[%dma_start3A_189, %dma_start3A_190] : memref<10000x128xf32, #tpu.memory_space<hbm>> -> memref<10000x128xf32, #tpu.memory_space<hbm>>
        tpu.enqueue_indirect_dma source(%dma_start3A_191 : memref<10000x128xf32, #tpu.memory_space<hbm>>) target(%arg10 : memref<40x128xf32, #tpu.memory_space<vmem>>) offsets(%dma_start3A_188 : memref<40xi32, #tpu.memory_space<vmem>>) semaphore(%arg16 : memref<!tpu.dma_semaphore, #tpu.memory_space<semaphore_mem>>)
      } else {
      }
      %mul3A_140 = arith.constant 2 : i32
      %mul3A_141 = arith.muli %mul3A_140, %scan3A_105 : i32
      %add3A_142 = arith.constant 1 : i32
      %add3A_143 = arith.addi %mul3A_141, %add3A_142 : i32
      %dma_wait3A_144 = arith.constant 0 : i32
      %dma_wait3A_145 = tpu.memref_slice %arg5[%mul3A_2, %dma_wait3A_144] : memref<115200x128xf32, #tpu.memory_space<hbm>> -> memref<40x128xf32, #tpu.memory_space<hbm>>
      %dma_wait3A_146 = arith.constant 0 : i32
      %dma_wait3A_147 = tpu.memref_slice %arg5[%mul3A_2, %dma_wait3A_146] : memref<115200x128xf32, #tpu.memory_space<hbm>> -> memref<40x128xf32, #tpu.memory_space<hbm>>
      tpu.wait_dma2 semaphore(%arg19 : memref<!tpu.dma_semaphore, #tpu.memory_space<semaphore_mem>>) src(%dma_wait3A_147 : memref<40x128xf32, #tpu.memory_space<hbm>>) dst(%arg13 : memref<40x128xf32, #tpu.memory_space<vmem>>)
      %dma_wait3A_148 = arith.constant 0 : i32
      %dma_wait3A_149 = tpu.memref_slice %arg8[%dma_wait3A_148] : memref<3600xi32, #tpu.memory_space<vmem>> -> memref<40xi32, #tpu.memory_space<vmem>>
      %dma_wait3A_150 = arith.constant 0 : i32
      %dma_wait3A_151 = arith.constant 0 : i32
      %dma_wait3A_152 = tpu.memref_slice %arg2[%dma_wait3A_150, %dma_wait3A_151] : memref<10000x128xf32, #tpu.memory_space<hbm>> -> memref<10000x128xf32, #tpu.memory_space<hbm>>
      tpu.wait_indirect_dma semaphore(%arg17 : memref<!tpu.dma_semaphore, #tpu.memory_space<semaphore_mem>>) src(%dma_wait3A_152 : memref<10000x128xf32, #tpu.memory_space<hbm>>) dst(%arg11 : memref<40x128xf32, #tpu.memory_space<vmem>>)
      %dma_wait3A_153 = arith.constant 0 : i32
      %dma_wait3A_154 = tpu.memref_slice %arg9[%dma_wait3A_153] : memref<3600xi32, #tpu.memory_space<vmem>> -> memref<40xi32, #tpu.memory_space<vmem>>
      %dma_wait3A_155 = arith.constant 0 : i32
      %dma_wait3A_156 = arith.constant 0 : i32
      %dma_wait3A_157 = tpu.memref_slice %arg22[%dma_wait3A_155, %dma_wait3A_156] : memref<10240x128xf32, #tpu.memory_space<vmem_shared>> -> memref<10240x128xf32, #tpu.memory_space<vmem_shared>>
      tpu.wait_indirect_dma semaphore(%arg21 : memref<!tpu.dma_semaphore, #tpu.memory_space<semaphore_mem>>) src(%arg15 : memref<40x128xf32, #tpu.memory_space<vmem>>) dst(%dma_wait3A_157 : memref<10240x128xf32, #tpu.memory_space<vmem_shared>>)
      %scan3A_158 = arith.constant 0 : i32
      %scan3A_159 = arith.constant 0 : i32
      %scan3A_160 = arith.constant 40 : i32
      %scan3A_161 = arith.addi %scan3A_159, %scan3A_160 : i32
      %scan3A_162 = arith.constant 1 : i32
      scf.for %scan3A_177 = %scan3A_159 to %scan3A_161 step %scan3A_162  : i32 {
        %get3A = arith.index_cast %scan3A_177 : i32 to index
        %get3A_178 = arith.constant 0 : index
        %get3A_179 = tpu.vector_load %arg11[%get3A, %get3A_178] {strides = array<i32>} : memref<40x128xf32, #tpu.memory_space<vmem>>, vector<1x16xf32>,
        %get3A_180 = vector.shape_cast %get3A_179 : vector<1x16xf32> to vector<16xf32>
        %get3A_181 = arith.index_cast %scan3A_177 : i32 to index
        %get3A_182 = arith.constant 0 : index
        %get3A_183 = tpu.vector_load %arg13[%get3A_181, %get3A_182] {strides = array<i32>} : memref<40x128xf32, #tpu.memory_space<vmem>>, vector<1x16xf32>,
        %get3A_184 = vector.shape_cast %get3A_183 : vector<1x16xf32> to vector<16xf32>
        %mul3A_185 = arith.mulf %get3A_180, %get3A_184 : vector<16xf32>
        %swap3A = arith.index_cast %scan3A_177 : i32 to index
        %swap3A_186 = arith.constant 0 : index
        %swap3A_187 = tpu.vector_load %arg15[%swap3A, %swap3A_186] {strides = array<i32>} : memref<40x128xf32, #tpu.memory_space<vmem>>, vector<1x16xf32>,
        %swap3A_188 = vector.shape_cast %swap3A_187 : vector<1x16xf32> to vector<16xf32>
        %swap3A_189 = vector.shape_cast %mul3A_185 : vector<16xf32> to vector<1x16xf32>
        tpu.vector_store %arg15[%swap3A, %swap3A_186], %swap3A_189 {strides = array<i32>} : memref<40x128xf32, #tpu.memory_space<vmem>>, vector<1x16xf32>,
        %get3A_190 = arith.index_cast %scan3A_177 : i32 to index
        %get3A_191 = arith.constant 16 : index
        %get3A_192 = tpu.vector_load %arg11[%get3A_190, %get3A_191] {strides = array<i32>} : memref<40x128xf32, #tpu.memory_space<vmem>>, vector<1x16xf32>,
        %get3A_193 = vector.shape_cast %get3A_192 : vector<1x16xf32> to vector<16xf32>
        %get3A_194 = arith.index_cast %scan3A_177 : i32 to index
        %get3A_195 = arith.constant 16 : index
        %get3A_196 = tpu.vector_load %arg13[%get3A_194, %get3A_195] {strides = array<i32>} : memref<40x128xf32, #tpu.memory_space<vmem>>, vector<1x16xf32>,
        %get3A_197 = vector.shape_cast %get3A_196 : vector<1x16xf32> to vector<16xf32>
        %mul3A_198 = arith.mulf %get3A_193, %get3A_197 : vector<16xf32>
        %swap3A_199 = arith.index_cast %scan3A_177 : i32 to index
        %swap3A_200 = arith.constant 16 : index
        %swap3A_201 = tpu.vector_load %arg15[%swap3A_199, %swap3A_200] {strides = array<i32>} : memref<40x128xf32, #tpu.memory_space<vmem>>, vector<1x16xf32>,
        %swap3A_202 = vector.shape_cast %swap3A_201 : vector<1x16xf32> to vector<16xf32>
        %swap3A_203 = vector.shape_cast %mul3A_198 : vector<16xf32> to vector<1x16xf32>
        tpu.vector_store %arg15[%swap3A_199, %swap3A_200], %swap3A_203 {strides = array<i32>} : memref<40x128xf32, #tpu.memory_space<vmem>>, vector<1x16xf32>,
        %get3A_204 = arith.index_cast %scan3A_177 : i32 to index
        %get3A_205 = arith.constant 32 : index
        %get3A_206 = tpu.vector_load %arg11[%get3A_204, %get3A_205] {strides = array<i32>} : memref<40x128xf32, #tpu.memory_space<vmem>>, vector<1x16xf32>,
        %get3A_207 = vector.shape_cast %get3A_206 : vector<1x16xf32> to vector<16xf32>
        %get3A_208 = arith.index_cast %scan3A_177 : i32 to index
        %get3A_209 = arith.constant 32 : index
        %get3A_210 = tpu.vector_load %arg13[%get3A_208, %get3A_209] {strides = array<i32>} : memref<40x128xf32, #tpu.memory_space<vmem>>, vector<1x16xf32>,
        %get3A_211 = vector.shape_cast %get3A_210 : vector<1x16xf32> to vector<16xf32>
        %mul3A_212 = arith.mulf %get3A_207, %get3A_211 : vector<16xf32>
        %swap3A_213 = arith.index_cast %scan3A_177 : i32 to index
        %swap3A_214 = arith.constant 32 : index
        %swap3A_215 = tpu.vector_load %arg15[%swap3A_213, %swap3A_214] {strides = array<i32>} : memref<40x128xf32, #tpu.memory_space<vmem>>, vector<1x16xf32>,
        %swap3A_216 = vector.shape_cast %swap3A_215 : vector<1x16xf32> to vector<16xf32>
        %swap3A_217 = vector.shape_cast %mul3A_212 : vector<16xf32> to vector<1x16xf32>
        tpu.vector_store %arg15[%swap3A_213, %swap3A_214], %swap3A_217 {strides = array<i32>} : memref<40x128xf32, #tpu.memory_space<vmem>>, vector<1x16xf32>,
        %get3A_218 = arith.index_cast %scan3A_177 : i32 to index
        %get3A_219 = arith.constant 48 : index
        %get3A_220 = tpu.vector_load %arg11[%get3A_218, %get3A_219] {strides = array<i32>} : memref<40x128xf32, #tpu.memory_space<vmem>>, vector<1x16xf32>,
        %get3A_221 = vector.shape_cast %get3A_220 : vector<1x16xf32> to vector<16xf32>
        %get3A_222 = arith.index_cast %scan3A_177 : i32 to index
        %get3A_223 = arith.constant 48 : index
        %get3A_224 = tpu.vector_load %arg13[%get3A_222, %get3A_223] {strides = array<i32>} : memref<40x128xf32, #tpu.memory_space<vmem>>, vector<1x16xf32>,
        %get3A_225 = vector.shape_cast %get3A_224 : vector<1x16xf32> to vector<16xf32>
        %mul3A_226 = arith.mulf %get3A_221, %get3A_225 : vector<16xf32>
        %swap3A_227 = arith.index_cast %scan3A_177 : i32 to index
        %swap3A_228 = arith.constant 48 : index
        %swap3A_229 = tpu.vector_load %arg15[%swap3A_227, %swap3A_228] {strides = array<i32>} : memref<40x128xf32, #tpu.memory_space<vmem>>, vector<1x16xf32>,
        %swap3A_230 = vector.shape_cast %swap3A_229 : vector<1x16xf32> to vector<16xf32>
        %swap3A_231 = vector.shape_cast %mul3A_226 : vector<16xf32> to vector<1x16xf32>
        tpu.vector_store %arg15[%swap3A_227, %swap3A_228], %swap3A_231 {strides = array<i32>} : memref<40x128xf32, #tpu.memory_space<vmem>>, vector<1x16xf32>,
        %get3A_232 = arith.index_cast %scan3A_177 : i32 to index
        %get3A_233 = arith.constant 64 : index
        %get3A_234 = tpu.vector_load %arg11[%get3A_232, %get3A_233] {strides = array<i32>} : memref<40x128xf32, #tpu.memory_space<vmem>>, vector<1x16xf32>,
        %get3A_235 = vector.shape_cast %get3A_234 : vector<1x16xf32> to vector<16xf32>
        %get3A_236 = arith.index_cast %scan3A_177 : i32 to index
        %get3A_237 = arith.constant 64 : index
        %get3A_238 = tpu.vector_load %arg13[%get3A_236, %get3A_237] {strides = array<i32>} : memref<40x128xf32, #tpu.memory_space<vmem>>, vector<1x16xf32>,
        %get3A_239 = vector.shape_cast %get3A_238 : vector<1x16xf32> to vector<16xf32>
        %mul3A_240 = arith.mulf %get3A_235, %get3A_239 : vector<16xf32>
        %swap3A_241 = arith.index_cast %scan3A_177 : i32 to index
        %swap3A_242 = arith.constant 64 : index
        %swap3A_243 = tpu.vector_load %arg15[%swap3A_241, %swap3A_242] {strides = array<i32>} : memref<40x128xf32, #tpu.memory_space<vmem>>, vector<1x16xf32>,
        %swap3A_244 = vector.shape_cast %swap3A_243 : vector<1x16xf32> to vector<16xf32>
        %swap3A_245 = vector.shape_cast %mul3A_240 : vector<16xf32> to vector<1x16xf32>
        tpu.vector_store %arg15[%swap3A_241, %swap3A_242], %swap3A_245 {strides = array<i32>} : memref<40x128xf32, #tpu.memory_space<vmem>>, vector<1x16xf32>,
        %get3A_246 = arith.index_cast %scan3A_177 : i32 to index
        %get3A_247 = arith.constant 80 : index
        %get3A_248 = tpu.vector_load %arg11[%get3A_246, %get3A_247] {strides = array<i32>} : memref<40x128xf32, #tpu.memory_space<vmem>>, vector<1x16xf32>,
        %get3A_249 = vector.shape_cast %get3A_248 : vector<1x16xf32> to vector<16xf32>
        %get3A_250 = arith.index_cast %scan3A_177 : i32 to index
        %get3A_251 = arith.constant 80 : index
        %get3A_252 = tpu.vector_load %arg13[%get3A_250, %get3A_251] {strides = array<i32>} : memref<40x128xf32, #tpu.memory_space<vmem>>, vector<1x16xf32>,
        %get3A_253 = vector.shape_cast %get3A_252 : vector<1x16xf32> to vector<16xf32>
        %mul3A_254 = arith.mulf %get3A_249, %get3A_253 : vector<16xf32>
        %swap3A_255 = arith.index_cast %scan3A_177 : i32 to index
        %swap3A_256 = arith.constant 80 : index
        %swap3A_257 = tpu.vector_load %arg15[%swap3A_255, %swap3A_256] {strides = array<i32>} : memref<40x128xf32, #tpu.memory_space<vmem>>, vector<1x16xf32>,
        %swap3A_258 = vector.shape_cast %swap3A_257 : vector<1x16xf32> to vector<16xf32>
        %swap3A_259 = vector.shape_cast %mul3A_254 : vector<16xf32> to vector<1x16xf32>
        tpu.vector_store %arg15[%swap3A_255, %swap3A_256], %swap3A_259 {strides = array<i32>} : memref<40x128xf32, #tpu.memory_space<vmem>>, vector<1x16xf32>,
        %get3A_260 = arith.index_cast %scan3A_177 : i32 to index
        %get3A_261 = arith.constant 96 : index
        %get3A_262 = tpu.vector_load %arg11[%get3A_260, %get3A_261] {strides = array<i32>} : memref<40x128xf32, #tpu.memory_space<vmem>>, vector<1x16xf32>,
        %get3A_263 = vector.shape_cast %get3A_262 : vector<1x16xf32> to vector<16xf32>
        %get3A_264 = arith.index_cast %scan3A_177 : i32 to index
        %get3A_265 = arith.constant 96 : index
        %get3A_266 = tpu.vector_load %arg13[%get3A_264, %get3A_265] {strides = array<i32>} : memref<40x128xf32, #tpu.memory_space<vmem>>, vector<1x16xf32>,
        %get3A_267 = vector.shape_cast %get3A_266 : vector<1x16xf32> to vector<16xf32>
        %mul3A_268 = arith.mulf %get3A_263, %get3A_267 : vector<16xf32>
        %swap3A_269 = arith.index_cast %scan3A_177 : i32 to index
        %swap3A_270 = arith.constant 96 : index
        %swap3A_271 = tpu.vector_load %arg15[%swap3A_269, %swap3A_270] {strides = array<i32>} : memref<40x128xf32, #tpu.memory_space<vmem>>, vector<1x16xf32>,
        %swap3A_272 = vector.shape_cast %swap3A_271 : vector<1x16xf32> to vector<16xf32>
        %swap3A_273 = vector.shape_cast %mul3A_268 : vector<16xf32> to vector<1x16xf32>
        tpu.vector_store %arg15[%swap3A_269, %swap3A_270], %swap3A_273 {strides = array<i32>} : memref<40x128xf32, #tpu.memory_space<vmem>>, vector<1x16xf32>,
        %get3A_274 = arith.index_cast %scan3A_177 : i32 to index
        %get3A_275 = arith.constant 112 : index
        %get3A_276 = tpu.vector_load %arg11[%get3A_274, %get3A_275] {strides = array<i32>} : memref<40x128xf32, #tpu.memory_space<vmem>>, vector<1x16xf32>,
        %get3A_277 = vector.shape_cast %get3A_276 : vector<1x16xf32> to vector<16xf32>
        %get3A_278 = arith.index_cast %scan3A_177 : i32 to index
        %get3A_279 = arith.constant 112 : index
        %get3A_280 = tpu.vector_load %arg13[%get3A_278, %get3A_279] {strides = array<i32>} : memref<40x128xf32, #tpu.memory_space<vmem>>, vector<1x16xf32>,
        %get3A_281 = vector.shape_cast %get3A_280 : vector<1x16xf32> to vector<16xf32>
        %mul3A_282 = arith.mulf %get3A_277, %get3A_281 : vector<16xf32>
        %swap3A_283 = arith.index_cast %scan3A_177 : i32 to index
        %swap3A_284 = arith.constant 112 : index
        %swap3A_285 = tpu.vector_load %arg15[%swap3A_283, %swap3A_284] {strides = array<i32>} : memref<40x128xf32, #tpu.memory_space<vmem>>, vector<1x16xf32>,
        %swap3A_286 = vector.shape_cast %swap3A_285 : vector<1x16xf32> to vector<16xf32>
        %swap3A_287 = vector.shape_cast %mul3A_282 : vector<16xf32> to vector<1x16xf32>
        tpu.vector_store %arg15[%swap3A_283, %swap3A_284], %swap3A_287 {strides = array<i32>} : memref<40x128xf32, #tpu.memory_space<vmem>>, vector<1x16xf32>,
      }
      %scan3A_163 = arith.constant 40 : i32
      %mul3A_164 = arith.constant 40 : i32
      %mul3A_165 = arith.muli %add3A_143, %mul3A_164 : i32
      %dma_start3A_166 = tpu.memref_slice %arg9[%mul3A_165] : memref<3600xi32, #tpu.memory_space<vmem>> -> memref<40xi32, #tpu.memory_space<vmem>>
      %dma_start3A_167 = arith.constant 0 : i32
      %dma_start3A_168 = arith.constant 0 : i32
      %dma_start3A_169 = tpu.memref_slice %arg22[%dma_start3A_167, %dma_start3A_168] : memref<10240x128xf32, #tpu.memory_space<vmem_shared>> -> memref<10240x128xf32, #tpu.memory_space<vmem_shared>>
      tpu.enqueue_indirect_dma source(%arg15 : memref<40x128xf32, #tpu.memory_space<vmem>>) target(%dma_start3A_169 : memref<10240x128xf32, #tpu.memory_space<vmem_shared>>) offsets(%dma_start3A_166 : memref<40xi32, #tpu.memory_space<vmem>>) semaphore(%arg21 : memref<!tpu.dma_semaphore, #tpu.memory_space<semaphore_mem>>) {add = true}
      %add3A_170 = arith.constant 2 : i32
      %add3A_171 = arith.addi %add3A_143, %add3A_170 : i32
      %lt3A_172 = arith.constant 90 : i32
      %lt3A_173 = arith.cmpi slt, %add3A_171, %lt3A_172 : i32
      %convert_element_type3A_174 = arith.extui %lt3A_173 : i1 to i32
      %cond3A_175 = arith.constant 0 : i32
      %cond3A_176 = arith.cmpi ne, %convert_element_type3A_174, %cond3A_175 : i32
      scf.if %cond3A_176 {
        %add3A_177 = arith.constant 2 : i32
        %add3A_178 = arith.addi %add3A_143, %add3A_177 : i32
        %mul3A_179 = arith.constant 40 : i32
        %mul3A_180 = arith.muli %add3A_178, %mul3A_179 : i32
        %add3A_181 = arith.addi %mul3A_2, %mul3A_180 : i32
        %dma_start3A_182 = arith.constant 0 : i32
        %dma_start3A_183 = tpu.memref_slice %arg5[%add3A_181, %dma_start3A_182] : memref<115200x128xf32, #tpu.memory_space<hbm>> -> memref<40x128xf32, #tpu.memory_space<hbm>>
        %dma_start3A_184 = arith.constant 0 : i32
        %dma_start3A_185 = tpu.memref_slice %arg5[%add3A_181, %dma_start3A_184] : memref<115200x128xf32, #tpu.memory_space<hbm>> -> memref<40x128xf32, #tpu.memory_space<hbm>>
        tpu.enqueue_dma source(%dma_start3A_185 : memref<40x128xf32, #tpu.memory_space<hbm>>) target(%arg13 : memref<40x128xf32, #tpu.memory_space<vmem>>) target_semaphore(%arg19 : memref<!tpu.dma_semaphore, #tpu.memory_space<semaphore_mem>>)
        %mul3A_186 = arith.constant 40 : i32
        %mul3A_187 = arith.muli %add3A_178, %mul3A_186 : i32
        %dma_start3A_188 = tpu.memref_slice %arg8[%mul3A_187] : memref<3600xi32, #tpu.memory_space<vmem>> -> memref<40xi32, #tpu.memory_space<vmem>>
        %dma_start3A_189 = arith.constant 0 : i32
        %dma_start3A_190 = arith.constant 0 : i32
        %dma_start3A_191 = tpu.memref_slice %arg2[%dma_start3A_189, %dma_start3A_190] : memref<10000x128xf32, #tpu.memory_space<hbm>> -> memref<10000x128xf32, #tpu.memory_space<hbm>>
        tpu.enqueue_indirect_dma source(%dma_start3A_191 : memref<10000x128xf32, #tpu.memory_space<hbm>>) target(%arg11 : memref<40x128xf32, #tpu.memory_space<vmem>>) offsets(%dma_start3A_188 : memref<40xi32, #tpu.memory_space<vmem>>) semaphore(%arg17 : memref<!tpu.dma_semaphore, #tpu.memory_space<semaphore_mem>>)
      } else {
      }
    }
    %scan3A_93 = arith.constant 44 : i32
    %dma_wait3A_94 = arith.constant 0 : i32
    %dma_wait3A_95 = tpu.memref_slice %arg9[%dma_wait3A_94] : memref<3600xi32, #tpu.memory_space<vmem>> -> memref<40xi32, #tpu.memory_space<vmem>>
    %dma_wait3A_96 = arith.constant 0 : i32
    %dma_wait3A_97 = arith.constant 0 : i32
    %dma_wait3A_98 = tpu.memref_slice %arg22[%dma_wait3A_96, %dma_wait3A_97] : memref<10240x128xf32, #tpu.memory_space<vmem_shared>> -> memref<10240x128xf32, #tpu.memory_space<vmem_shared>>
    tpu.wait_indirect_dma semaphore(%arg20 : memref<!tpu.dma_semaphore, #tpu.memory_space<semaphore_mem>>) src(%arg14 : memref<40x128xf32, #tpu.memory_space<vmem>>) dst(%dma_wait3A_98 : memref<10240x128xf32, #tpu.memory_space<vmem_shared>>)
    %dma_wait3A_99 = arith.constant 0 : i32
    %dma_wait3A_100 = tpu.memref_slice %arg9[%dma_wait3A_99] : memref<3600xi32, #tpu.memory_space<vmem>> -> memref<40xi32, #tpu.memory_space<vmem>>
    %dma_wait3A_101 = arith.constant 0 : i32
    %dma_wait3A_102 = arith.constant 0 : i32
    %dma_wait3A_103 = tpu.memref_slice %arg22[%dma_wait3A_101, %dma_wait3A_102] : memref<10240x128xf32, #tpu.memory_space<vmem_shared>> -> memref<10240x128xf32, #tpu.memory_space<vmem_shared>>
    tpu.wait_indirect_dma semaphore(%arg21 : memref<!tpu.dma_semaphore, #tpu.memory_space<semaphore_mem>>) src(%arg15 : memref<40x128xf32, #tpu.memory_space<vmem>>) dst(%dma_wait3A_103 : memref<10240x128xf32, #tpu.memory_space<vmem_shared>>)
    %barrier3A_104 = arith.constant 0 : index
    tpu.barrier barrier_id(%barrier3A_104)
    "tpu.region"() ({
      %run_scoped3A = tpu.sem_alloc : memref<!tpu.dma_semaphore, #tpu.memory_space<semaphore_mem>>
      %dma_start3A_105 = arith.constant 0 : i32
      %dma_start3A_106 = tpu.memref_slice %arg7[%arg0, %mul3A_6, %dma_start3A_105] : memref<2x10240x128xf32, #tpu.memory_space<hbm>> -> memref<1x640x128xf32, #tpu.memory_space<hbm>>
      %dma_start3A_107 = tpu.memref_squeeze %dma_start3A_106 : memref<1x640x128xf32, #tpu.memory_space<hbm>> -> memref<640x128xf32, #tpu.memory_space<hbm>>
      %dma_start3A_108 = arith.constant 0 : i32
      %dma_start3A_109 = tpu.memref_slice %arg22[%mul3A_6, %dma_start3A_108] : memref<10240x128xf32, #tpu.memory_space<vmem_shared>> -> memref<640x128xf32, #tpu.memory_space<vmem_shared>>
      tpu.enqueue_dma source(%dma_start3A_109 : memref<640x128xf32, #tpu.memory_space<vmem_shared>>) target(%dma_start3A_107 : memref<640x128xf32, #tpu.memory_space<hbm>>) target_semaphore(%run_scoped3A : memref<!tpu.dma_semaphore, #tpu.memory_space<semaphore_mem>>)
      %dma_wait3A_110 = arith.constant 0 : i32
      %dma_wait3A_111 = tpu.memref_slice %arg7[%arg0, %mul3A_6, %dma_wait3A_110] : memref<2x10240x128xf32, #tpu.memory_space<hbm>> -> memref<1x640x128xf32, #tpu.memory_space<hbm>>
      %dma_wait3A_112 = tpu.memref_squeeze %dma_wait3A_111 : memref<1x640x128xf32, #tpu.memory_space<hbm>> -> memref<640x128xf32, #tpu.memory_space<hbm>>
      %dma_wait3A_113 = arith.constant 0 : i32
      %dma_wait3A_114 = tpu.memref_slice %arg22[%mul3A_6, %dma_wait3A_113] : memref<10240x128xf32, #tpu.memory_space<vmem_shared>> -> memref<640x128xf32, #tpu.memory_space<vmem_shared>>
      tpu.wait_dma2 semaphore(%run_scoped3A : memref<!tpu.dma_semaphore, #tpu.memory_space<semaphore_mem>>) src(%dma_wait3A_114 : memref<640x128xf32, #tpu.memory_space<vmem_shared>>) dst(%dma_wait3A_112 : memref<640x128xf32, #tpu.memory_space<hbm>>)
      tpu.yield
    }) : () -> ()
    return
  }
}

module attributes {stable_mosaic.version = 14 : i64} {
  func.func @_h_body(%arg0: memref<10000x128xf32, #tpu.memory_space<vmem>>, %arg1: memref<128x128xf32, #tpu.memory_space<vmem>>, %arg2: memref<1x128xf32, #tpu.memory_space<vmem>>, %arg3: memref<10000x128xf32, #tpu.memory_space<vmem>>) attributes {dimension_semantics = [], scalar_prefetch = 0 : i64, scratch_operands = 0 : i64, tpu.core_type = #tpu.core_type<tc>} {
    %get3A = arith.constant 0 : index
    %get3A_0 = arith.constant 0 : index
    %get3A_1 = vector.load %arg0[%get3A, %get3A_0] : memref<10000x128xf32, #tpu.memory_space<vmem>>, vector<10000x128xf32>
    %get3A_2 = arith.constant 0 : index
    %get3A_3 = arith.constant 0 : index
    %get3A_4 = vector.load %arg1[%get3A_2, %get3A_3] : memref<128x128xf32, #tpu.memory_space<vmem>>, vector<128x128xf32>
    %dot_general3A = arith.constant dense<0.000000e+00> : vector<10000x128xf32>
    %dot_general3A_5 = tpu.matmul %get3A_1, %get3A_4, %dot_general3A {dimension_numbers = #tpu.dot_dimension_numbers<[1], [0], [0], [1], [0, 0, 1, 1], [], []>, transpose_lhs_hint = false} : vector<10000x128xf32>, vector<128x128xf32>, vector<10000x128xf32> -> vector<10000x128xf32>
    %get3A_6 = arith.constant 0 : index
    %get3A_7 = arith.constant 0 : index
    %get3A_8 = vector.load %arg2[%get3A_6, %get3A_7] : memref<1x128xf32, #tpu.memory_space<vmem>>, vector<1x128xf32>
    %add3A = vector.broadcast %get3A_8 : vector<1x128xf32> to vector<10000x128xf32>
    %add3A_9 = arith.addf %dot_general3A_5, %add3A : vector<10000x128xf32>
    %swap3A = arith.constant 0 : index
    %swap3A_10 = arith.constant 0 : index
    %swap3A_11 = vector.load %arg3[%swap3A, %swap3A_10] : memref<10000x128xf32, #tpu.memory_space<vmem>>, vector<10000x128xf32>
    tpu.vector_store %arg3[%swap3A, %swap3A_10], %add3A_9 {strides = array<i32>} : memref<10000x128xf32, #tpu.memory_space<vmem>>, vector<10000x128xf32>,
    return
  }
}

module attributes {stable_mosaic.version = 14 : i64} {
  func.func @_filter_body(%arg0: i32, %arg1: memref<20x2048xf32, #tpu.memory_space<vmem>>, %arg2: memref<2048xf32, #tpu.memory_space<vmem>>, %arg3: memref<20x128xf32, #tpu.memory_space<vmem>>, %arg4: memref<1x128xf32, #tpu.memory_space<vmem>>, %arg5: memref<128x128xf32, #tpu.memory_space<vmem>>, %arg6: memref<1x128xf32, #tpu.memory_space<vmem>>, %arg7: memref<2048x128xf32, #tpu.memory_space<vmem>>) attributes {dimension_semantics = [#tpu.dimension_semantics<arbitrary>], iteration_bounds = array<i64: 57>, scalar_prefetch = 0 : i64, scratch_operands = 0 : i64, tpu.core_type = #tpu.core_type<tc>, window_params = [{transform_indices = @transform_0, window_bounds = array<i64: 20, 2048>}, {transform_indices = @transform_1, window_bounds = array<i64: 2048>}, {pipeline_mode = #tpu.pipeline_mode<synchronous>, transform_indices = @transform_2, window_bounds = array<i64: 20, 128>}, {pipeline_mode = #tpu.pipeline_mode<synchronous>, transform_indices = @transform_3, window_bounds = array<i64: 1, 128>}, {pipeline_mode = #tpu.pipeline_mode<synchronous>, transform_indices = @transform_4, window_bounds = array<i64: 128, 128>}, {pipeline_mode = #tpu.pipeline_mode<synchronous>, transform_indices = @transform_5, window_bounds = array<i64: 1, 128>}, {transform_indices = @transform_6, window_bounds = array<i64: 2048, 128>}]} {
    %get3A = arith.constant 0 : index
    %get3A_0 = arith.constant 0 : index
    %get3A_1 = vector.load %arg1[%get3A, %get3A_0] : memref<20x2048xf32, #tpu.memory_space<vmem>>, vector<20x2048xf32>
    %get3A_2 = arith.constant 0 : index
    %get3A_3 = arith.constant 0 : index
    %get3A_4 = vector.load %arg3[%get3A_2, %get3A_3] : memref<20x128xf32, #tpu.memory_space<vmem>>, vector<20x128xf32>
    %dot_general3A = arith.constant dense<0.000000e+00> : vector<2048x128xf32>
    %dot_general3A_5 = tpu.matmul %get3A_1, %get3A_4, %dot_general3A {dimension_numbers = #tpu.dot_dimension_numbers<[0], [0], [1], [1], [0, 1, 1, 1], [], []>, transpose_lhs_hint = false} : vector<20x2048xf32>, vector<20x128xf32>, vector<2048x128xf32> -> vector<2048x128xf32>
    %get3A_6 = arith.constant 0 : index
    %get3A_7 = arith.constant 0 : index
    %get3A_8 = vector.load %arg4[%get3A_6, %get3A_7] : memref<1x128xf32, #tpu.memory_space<vmem>>, vector<1x128xf32>
    %add3A = vector.broadcast %get3A_8 : vector<1x128xf32> to vector<2048x128xf32>
    %add3A_9 = arith.addf %dot_general3A_5, %add3A : vector<2048x128xf32>
    %custom_jvp_call3A = arith.constant 0.000000e+00 : f32
    %max3A = vector.broadcast %custom_jvp_call3A : f32 to vector<2048x128xf32>
    %max3A_10 = arith.maximumf %add3A_9, %max3A : vector<2048x128xf32>
    %sub3A = vector.broadcast %custom_jvp_call3A : f32 to vector<2048x128xf32>
    %sub3A_11 = arith.subf %add3A_9, %sub3A : vector<2048x128xf32>
    %ne3A = arith.cmpf one, %sub3A_11, %sub3A_11 : vector<2048x128xf32>
    %add3A_12 = vector.broadcast %custom_jvp_call3A : f32 to vector<2048x128xf32>
    %add3A_13 = arith.addf %add3A_9, %add3A_12 : vector<2048x128xf32>
    %abs3A = math.absf %sub3A_11 : vector<2048x128xf32>
    %neg3A = arith.constant 0.000000e+00 : f32
    %neg3A_14 = vector.broadcast %neg3A : f32 to vector<2048x128xf32>
    %neg3A_15 = arith.subf %neg3A_14, %abs3A : vector<2048x128xf32>
    %exp3A = math.exp %neg3A_15 : vector<2048x128xf32>
    %log1p3A = math.log1p %exp3A : vector<2048x128xf32>
    %add3A_16 = arith.addf %max3A_10, %log1p3A : vector<2048x128xf32>
    %select_n3A = arith.select %ne3A, %add3A_13, %add3A_16 : vector<2048x128xi1>, vector<2048x128xf32>
    %log3A = arith.constant 2.000000e+00 : f32
    %log3A_17 = math.log %log3A : f32
    %sub3A_18 = vector.broadcast %log3A_17 : f32 to vector<2048x128xf32>
    %sub3A_19 = arith.subf %select_n3A, %sub3A_18 : vector<2048x128xf32>
    %get3A_20 = arith.constant 0 : index
    %get3A_21 = arith.constant 0 : index
    %get3A_22 = vector.load %arg5[%get3A_20, %get3A_21] : memref<128x128xf32, #tpu.memory_space<vmem>>, vector<128x128xf32>
    %dot_general3A_23 = arith.constant dense<0.000000e+00> : vector<2048x128xf32>
    %dot_general3A_24 = tpu.matmul %sub3A_19, %get3A_22, %dot_general3A_23 {dimension_numbers = #tpu.dot_dimension_numbers<[1], [0], [0], [1], [0, 0, 1, 1], [], []>, transpose_lhs_hint = false} : vector<2048x128xf32>, vector<128x128xf32>, vector<2048x128xf32> -> vector<2048x128xf32>
    %get3A_25 = arith.constant 0 : index
    %get3A_26 = arith.constant 0 : index
    %get3A_27 = vector.load %arg6[%get3A_25, %get3A_26] : memref<1x128xf32, #tpu.memory_space<vmem>>, vector<1x128xf32>
    %add3A_28 = vector.broadcast %get3A_27 : vector<1x128xf32> to vector<2048x128xf32>
    %add3A_29 = arith.addf %dot_general3A_24, %add3A_28 : vector<2048x128xf32>
    %get3A_30 = arith.constant 0 : index
    %get3A_31 = vector.load %arg2[%get3A_30] : memref<2048xf32, #tpu.memory_space<vmem>>, vector<2048xf32>
    %broadcast_in_dim3A = vector.shape_cast %get3A_31 : vector<2048xf32> to vector<2048x1xf32>
    %mul3A = vector.broadcast %broadcast_in_dim3A : vector<2048x1xf32> to vector<2048x128xf32>
    %mul3A_32 = arith.mulf %add3A_29, %mul3A : vector<2048x128xf32>
    %swap3A = arith.constant 0 : index
    %swap3A_33 = arith.constant 0 : index
    %swap3A_34 = vector.load %arg7[%swap3A, %swap3A_33] : memref<2048x128xf32, #tpu.memory_space<vmem>>, vector<2048x128xf32>
    tpu.vector_store %arg7[%swap3A, %swap3A_33], %mul3A_32 {strides = array<i32>} : memref<2048x128xf32, #tpu.memory_space<vmem>>, vector<2048x128xf32>,
    return
  }
  func.func @transform_0(%arg0: i32) -> (i32, i32) {
    %add3A = arith.constant 100 : i32
    %add3A_0 = arith.addi %add3A, %arg0 : i32
    %c0_i32 = arith.constant 0 : i32
    %c0_i32_1 = arith.constant 0 : i32
    return %c0_i32, %add3A_0 : i32, i32
  }
  func.func @transform_1(%arg0: i32) -> i32 {
    %add3A = arith.constant 100 : i32
    %add3A_0 = arith.addi %add3A, %arg0 : i32
    %c0_i32 = arith.constant 0 : i32
    return %add3A_0 : i32
  }
  func.func @transform_2(%arg0: i32) -> (i32, i32) {
    %c0_i32 = arith.constant 0 : i32
    %c0_i32_0 = arith.constant 0 : i32
    %c0_i32_1 = arith.constant 0 : i32
    return %c0_i32, %c0_i32_0 : i32, i32
  }
  func.func @transform_3(%arg0: i32) -> (i32, i32) {
    %c0_i32 = arith.constant 0 : i32
    %c0_i32_0 = arith.constant 0 : i32
    %c0_i32_1 = arith.constant 0 : i32
    return %c0_i32, %c0_i32_0 : i32, i32
  }
  func.func @transform_4(%arg0: i32) -> (i32, i32) {
    %c0_i32 = arith.constant 0 : i32
    %c0_i32_0 = arith.constant 0 : i32
    %c0_i32_1 = arith.constant 0 : i32
    return %c0_i32, %c0_i32_0 : i32, i32
  }
  func.func @transform_5(%arg0: i32) -> (i32, i32) {
    %c0_i32 = arith.constant 0 : i32
    %c0_i32_0 = arith.constant 0 : i32
    %c0_i32_1 = arith.constant 0 : i32
    return %c0_i32, %c0_i32_0 : i32, i32
  }
  func.func @transform_6(%arg0: i32) -> (i32, i32) {
    %c0_i32 = arith.constant 0 : i32
    %c0_i32_0 = arith.constant 0 : i32
    return %arg0, %c0_i32 : i32, i32
  }
}

module attributes {stable_mosaic.version = 14 : i64} {
  func.func @_filter_body(%arg0: i32, %arg1: memref<20x2048xf32, #tpu.memory_space<vmem>>, %arg2: memref<2048xf32, #tpu.memory_space<vmem>>, %arg3: memref<20x128xf32, #tpu.memory_space<vmem>>, %arg4: memref<1x128xf32, #tpu.memory_space<vmem>>, %arg5: memref<128x128xf32, #tpu.memory_space<vmem>>, %arg6: memref<1x128xf32, #tpu.memory_space<vmem>>, %arg7: memref<2048x128xf32, #tpu.memory_space<vmem>>) attributes {dimension_semantics = [#tpu.dimension_semantics<arbitrary>], iteration_bounds = array<i64: 50>, scalar_prefetch = 0 : i64, scratch_operands = 0 : i64, tpu.core_type = #tpu.core_type<tc>, window_params = [{transform_indices = @transform_0, window_bounds = array<i64: 20, 2048>}, {transform_indices = @transform_1, window_bounds = array<i64: 2048>}, {pipeline_mode = #tpu.pipeline_mode<synchronous>, transform_indices = @transform_2, window_bounds = array<i64: 20, 128>}, {pipeline_mode = #tpu.pipeline_mode<synchronous>, transform_indices = @transform_3, window_bounds = array<i64: 1, 128>}, {pipeline_mode = #tpu.pipeline_mode<synchronous>, transform_indices = @transform_4, window_bounds = array<i64: 128, 128>}, {pipeline_mode = #tpu.pipeline_mode<synchronous>, transform_indices = @transform_5, window_bounds = array<i64: 1, 128>}, {transform_indices = @transform_6, window_bounds = array<i64: 2048, 128>}]} {
    %get3A = arith.constant 0 : index
    %get3A_0 = arith.constant 0 : index
    %get3A_1 = vector.load %arg1[%get3A, %get3A_0] : memref<20x2048xf32, #tpu.memory_space<vmem>>, vector<20x2048xf32>
    %get3A_2 = arith.constant 0 : index
    %get3A_3 = arith.constant 0 : index
    %get3A_4 = vector.load %arg3[%get3A_2, %get3A_3] : memref<20x128xf32, #tpu.memory_space<vmem>>, vector<20x128xf32>
    %dot_general3A = arith.constant dense<0.000000e+00> : vector<2048x128xf32>
    %dot_general3A_5 = tpu.matmul %get3A_1, %get3A_4, %dot_general3A {dimension_numbers = #tpu.dot_dimension_numbers<[0], [0], [1], [1], [0, 1, 1, 1], [], []>, transpose_lhs_hint = false} : vector<20x2048xf32>, vector<20x128xf32>, vector<2048x128xf32> -> vector<2048x128xf32>
    %get3A_6 = arith.constant 0 : index
    %get3A_7 = arith.constant 0 : index
    %get3A_8 = vector.load %arg4[%get3A_6, %get3A_7] : memref<1x128xf32, #tpu.memory_space<vmem>>, vector<1x128xf32>
    %add3A = vector.broadcast %get3A_8 : vector<1x128xf32> to vector<2048x128xf32>
    %add3A_9 = arith.addf %dot_general3A_5, %add3A : vector<2048x128xf32>
    %custom_jvp_call3A = arith.constant 0.000000e+00 : f32
    %max3A = vector.broadcast %custom_jvp_call3A : f32 to vector<2048x128xf32>
    %max3A_10 = arith.maximumf %add3A_9, %max3A : vector<2048x128xf32>
    %sub3A = vector.broadcast %custom_jvp_call3A : f32 to vector<2048x128xf32>
    %sub3A_11 = arith.subf %add3A_9, %sub3A : vector<2048x128xf32>
    %ne3A = arith.cmpf one, %sub3A_11, %sub3A_11 : vector<2048x128xf32>
    %add3A_12 = vector.broadcast %custom_jvp_call3A : f32 to vector<2048x128xf32>
    %add3A_13 = arith.addf %add3A_9, %add3A_12 : vector<2048x128xf32>
    %abs3A = math.absf %sub3A_11 : vector<2048x128xf32>
    %neg3A = arith.constant 0.000000e+00 : f32
    %neg3A_14 = vector.broadcast %neg3A : f32 to vector<2048x128xf32>
    %neg3A_15 = arith.subf %neg3A_14, %abs3A : vector<2048x128xf32>
    %exp3A = math.exp %neg3A_15 : vector<2048x128xf32>
    %log1p3A = math.log1p %exp3A : vector<2048x128xf32>
    %add3A_16 = arith.addf %max3A_10, %log1p3A : vector<2048x128xf32>
    %select_n3A = arith.select %ne3A, %add3A_13, %add3A_16 : vector<2048x128xi1>, vector<2048x128xf32>
    %log3A = arith.constant 2.000000e+00 : f32
    %log3A_17 = math.log %log3A : f32
    %sub3A_18 = vector.broadcast %log3A_17 : f32 to vector<2048x128xf32>
    %sub3A_19 = arith.subf %select_n3A, %sub3A_18 : vector<2048x128xf32>
    %get3A_20 = arith.constant 0 : index
    %get3A_21 = arith.constant 0 : index
    %get3A_22 = vector.load %arg5[%get3A_20, %get3A_21] : memref<128x128xf32, #tpu.memory_space<vmem>>, vector<128x128xf32>
    %dot_general3A_23 = arith.constant dense<0.000000e+00> : vector<2048x128xf32>
    %dot_general3A_24 = tpu.matmul %sub3A_19, %get3A_22, %dot_general3A_23 {dimension_numbers = #tpu.dot_dimension_numbers<[1], [0], [0], [1], [0, 0, 1, 1], [], []>, transpose_lhs_hint = false} : vector<2048x128xf32>, vector<128x128xf32>, vector<2048x128xf32> -> vector<2048x128xf32>
    %get3A_25 = arith.constant 0 : index
    %get3A_26 = arith.constant 0 : index
    %get3A_27 = vector.load %arg6[%get3A_25, %get3A_26] : memref<1x128xf32, #tpu.memory_space<vmem>>, vector<1x128xf32>
    %add3A_28 = vector.broadcast %get3A_27 : vector<1x128xf32> to vector<2048x128xf32>
    %add3A_29 = arith.addf %dot_general3A_24, %add3A_28 : vector<2048x128xf32>
    %get3A_30 = arith.constant 0 : index
    %get3A_31 = vector.load %arg2[%get3A_30] : memref<2048xf32, #tpu.memory_space<vmem>>, vector<2048xf32>
    %broadcast_in_dim3A = vector.shape_cast %get3A_31 : vector<2048xf32> to vector<2048x1xf32>
    %mul3A = vector.broadcast %broadcast_in_dim3A : vector<2048x1xf32> to vector<2048x128xf32>
    %mul3A_32 = arith.mulf %add3A_29, %mul3A : vector<2048x128xf32>
    %swap3A = arith.constant 0 : index
    %swap3A_33 = arith.constant 0 : index
    %swap3A_34 = vector.load %arg7[%swap3A, %swap3A_33] : memref<2048x128xf32, #tpu.memory_space<vmem>>, vector<2048x128xf32>
    tpu.vector_store %arg7[%swap3A, %swap3A_33], %mul3A_32 {strides = array<i32>} : memref<2048x128xf32, #tpu.memory_space<vmem>>, vector<2048x128xf32>,
    return
  }
  func.func @transform_0(%arg0: i32) -> (i32, i32) {
    %add3A = arith.constant 50 : i32
    %add3A_0 = arith.addi %add3A, %arg0 : i32
    %c0_i32 = arith.constant 0 : i32
    %c0_i32_1 = arith.constant 0 : i32
    return %c0_i32, %add3A_0 : i32, i32
  }
  func.func @transform_1(%arg0: i32) -> i32 {
    %add3A = arith.constant 50 : i32
    %add3A_0 = arith.addi %add3A, %arg0 : i32
    %c0_i32 = arith.constant 0 : i32
    return %add3A_0 : i32
  }
  func.func @transform_2(%arg0: i32) -> (i32, i32) {
    %c0_i32 = arith.constant 0 : i32
    %c0_i32_0 = arith.constant 0 : i32
    %c0_i32_1 = arith.constant 0 : i32
    return %c0_i32, %c0_i32_0 : i32, i32
  }
  func.func @transform_3(%arg0: i32) -> (i32, i32) {
    %c0_i32 = arith.constant 0 : i32
    %c0_i32_0 = arith.constant 0 : i32
    %c0_i32_1 = arith.constant 0 : i32
    return %c0_i32, %c0_i32_0 : i32, i32
  }
  func.func @transform_4(%arg0: i32) -> (i32, i32) {
    %c0_i32 = arith.constant 0 : i32
    %c0_i32_0 = arith.constant 0 : i32
    %c0_i32_1 = arith.constant 0 : i32
    return %c0_i32, %c0_i32_0 : i32, i32
  }
  func.func @transform_5(%arg0: i32) -> (i32, i32) {
    %c0_i32 = arith.constant 0 : i32
    %c0_i32_0 = arith.constant 0 : i32
    %c0_i32_1 = arith.constant 0 : i32
    return %c0_i32, %c0_i32_0 : i32, i32
  }
  func.func @transform_6(%arg0: i32) -> (i32, i32) {
    %c0_i32 = arith.constant 0 : i32
    %c0_i32_0 = arith.constant 0 : i32
    return %arg0, %c0_i32 : i32, i32
  }
}

module attributes {stable_mosaic.version = 14 : i64} {
  func.func @_filter_body(%arg0: i32, %arg1: memref<20x2048xf32, #tpu.memory_space<vmem>>, %arg2: memref<2048xf32, #tpu.memory_space<vmem>>, %arg3: memref<20x128xf32, #tpu.memory_space<vmem>>, %arg4: memref<1x128xf32, #tpu.memory_space<vmem>>, %arg5: memref<128x128xf32, #tpu.memory_space<vmem>>, %arg6: memref<1x128xf32, #tpu.memory_space<vmem>>, %arg7: memref<2048x128xf32, #tpu.memory_space<vmem>>) attributes {dimension_semantics = [#tpu.dimension_semantics<arbitrary>], iteration_bounds = array<i64: 50>, scalar_prefetch = 0 : i64, scratch_operands = 0 : i64, tpu.core_type = #tpu.core_type<tc>, window_params = [{transform_indices = @transform_0, window_bounds = array<i64: 20, 2048>}, {transform_indices = @transform_1, window_bounds = array<i64: 2048>}, {pipeline_mode = #tpu.pipeline_mode<synchronous>, transform_indices = @transform_2, window_bounds = array<i64: 20, 128>}, {pipeline_mode = #tpu.pipeline_mode<synchronous>, transform_indices = @transform_3, window_bounds = array<i64: 1, 128>}, {pipeline_mode = #tpu.pipeline_mode<synchronous>, transform_indices = @transform_4, window_bounds = array<i64: 128, 128>}, {pipeline_mode = #tpu.pipeline_mode<synchronous>, transform_indices = @transform_5, window_bounds = array<i64: 1, 128>}, {transform_indices = @transform_6, window_bounds = array<i64: 2048, 128>}]} {
    %get3A = arith.constant 0 : index
    %get3A_0 = arith.constant 0 : index
    %get3A_1 = vector.load %arg1[%get3A, %get3A_0] : memref<20x2048xf32, #tpu.memory_space<vmem>>, vector<20x2048xf32>
    %get3A_2 = arith.constant 0 : index
    %get3A_3 = arith.constant 0 : index
    %get3A_4 = vector.load %arg3[%get3A_2, %get3A_3] : memref<20x128xf32, #tpu.memory_space<vmem>>, vector<20x128xf32>
    %dot_general3A = arith.constant dense<0.000000e+00> : vector<2048x128xf32>
    %dot_general3A_5 = tpu.matmul %get3A_1, %get3A_4, %dot_general3A {dimension_numbers = #tpu.dot_dimension_numbers<[0], [0], [1], [1], [0, 1, 1, 1], [], []>, transpose_lhs_hint = false} : vector<20x2048xf32>, vector<20x128xf32>, vector<2048x128xf32> -> vector<2048x128xf32>
    %get3A_6 = arith.constant 0 : index
    %get3A_7 = arith.constant 0 : index
    %get3A_8 = vector.load %arg4[%get3A_6, %get3A_7] : memref<1x128xf32, #tpu.memory_space<vmem>>, vector<1x128xf32>
    %add3A = vector.broadcast %get3A_8 : vector<1x128xf32> to vector<2048x128xf32>
    %add3A_9 = arith.addf %dot_general3A_5, %add3A : vector<2048x128xf32>
    %custom_jvp_call3A = arith.constant 0.000000e+00 : f32
    %max3A = vector.broadcast %custom_jvp_call3A : f32 to vector<2048x128xf32>
    %max3A_10 = arith.maximumf %add3A_9, %max3A : vector<2048x128xf32>
    %sub3A = vector.broadcast %custom_jvp_call3A : f32 to vector<2048x128xf32>
    %sub3A_11 = arith.subf %add3A_9, %sub3A : vector<2048x128xf32>
    %ne3A = arith.cmpf one, %sub3A_11, %sub3A_11 : vector<2048x128xf32>
    %add3A_12 = vector.broadcast %custom_jvp_call3A : f32 to vector<2048x128xf32>
    %add3A_13 = arith.addf %add3A_9, %add3A_12 : vector<2048x128xf32>
    %abs3A = math.absf %sub3A_11 : vector<2048x128xf32>
    %neg3A = arith.constant 0.000000e+00 : f32
    %neg3A_14 = vector.broadcast %neg3A : f32 to vector<2048x128xf32>
    %neg3A_15 = arith.subf %neg3A_14, %abs3A : vector<2048x128xf32>
    %exp3A = math.exp %neg3A_15 : vector<2048x128xf32>
    %log1p3A = math.log1p %exp3A : vector<2048x128xf32>
    %add3A_16 = arith.addf %max3A_10, %log1p3A : vector<2048x128xf32>
    %select_n3A = arith.select %ne3A, %add3A_13, %add3A_16 : vector<2048x128xi1>, vector<2048x128xf32>
    %log3A = arith.constant 2.000000e+00 : f32
    %log3A_17 = math.log %log3A : f32
    %sub3A_18 = vector.broadcast %log3A_17 : f32 to vector<2048x128xf32>
    %sub3A_19 = arith.subf %select_n3A, %sub3A_18 : vector<2048x128xf32>
    %get3A_20 = arith.constant 0 : index
    %get3A_21 = arith.constant 0 : index
    %get3A_22 = vector.load %arg5[%get3A_20, %get3A_21] : memref<128x128xf32, #tpu.memory_space<vmem>>, vector<128x128xf32>
    %dot_general3A_23 = arith.constant dense<0.000000e+00> : vector<2048x128xf32>
    %dot_general3A_24 = tpu.matmul %sub3A_19, %get3A_22, %dot_general3A_23 {dimension_numbers = #tpu.dot_dimension_numbers<[1], [0], [0], [1], [0, 0, 1, 1], [], []>, transpose_lhs_hint = false} : vector<2048x128xf32>, vector<128x128xf32>, vector<2048x128xf32> -> vector<2048x128xf32>
    %get3A_25 = arith.constant 0 : index
    %get3A_26 = arith.constant 0 : index
    %get3A_27 = vector.load %arg6[%get3A_25, %get3A_26] : memref<1x128xf32, #tpu.memory_space<vmem>>, vector<1x128xf32>
    %add3A_28 = vector.broadcast %get3A_27 : vector<1x128xf32> to vector<2048x128xf32>
    %add3A_29 = arith.addf %dot_general3A_24, %add3A_28 : vector<2048x128xf32>
    %get3A_30 = arith.constant 0 : index
    %get3A_31 = vector.load %arg2[%get3A_30] : memref<2048xf32, #tpu.memory_space<vmem>>, vector<2048xf32>
    %broadcast_in_dim3A = vector.shape_cast %get3A_31 : vector<2048xf32> to vector<2048x1xf32>
    %mul3A = vector.broadcast %broadcast_in_dim3A : vector<2048x1xf32> to vector<2048x128xf32>
    %mul3A_32 = arith.mulf %add3A_29, %mul3A : vector<2048x128xf32>
    %swap3A = arith.constant 0 : index
    %swap3A_33 = arith.constant 0 : index
    %swap3A_34 = vector.load %arg7[%swap3A, %swap3A_33] : memref<2048x128xf32, #tpu.memory_space<vmem>>, vector<2048x128xf32>
    tpu.vector_store %arg7[%swap3A, %swap3A_33], %mul3A_32 {strides = array<i32>} : memref<2048x128xf32, #tpu.memory_space<vmem>>, vector<2048x128xf32>,
    return
  }
  func.func @transform_0(%arg0: i32) -> (i32, i32) {
    %add3A = arith.constant 0 : i32
    %add3A_0 = arith.addi %add3A, %arg0 : i32
    %c0_i32 = arith.constant 0 : i32
    %c0_i32_1 = arith.constant 0 : i32
    return %c0_i32, %add3A_0 : i32, i32
  }
  func.func @transform_1(%arg0: i32) -> i32 {
    %add3A = arith.constant 0 : i32
    %add3A_0 = arith.addi %add3A, %arg0 : i32
    %c0_i32 = arith.constant 0 : i32
    return %add3A_0 : i32
  }
  func.func @transform_2(%arg0: i32) -> (i32, i32) {
    %c0_i32 = arith.constant 0 : i32
    %c0_i32_0 = arith.constant 0 : i32
    %c0_i32_1 = arith.constant 0 : i32
    return %c0_i32, %c0_i32_0 : i32, i32
  }
  func.func @transform_3(%arg0: i32) -> (i32, i32) {
    %c0_i32 = arith.constant 0 : i32
    %c0_i32_0 = arith.constant 0 : i32
    %c0_i32_1 = arith.constant 0 : i32
    return %c0_i32, %c0_i32_0 : i32, i32
  }
  func.func @transform_4(%arg0: i32) -> (i32, i32) {
    %c0_i32 = arith.constant 0 : i32
    %c0_i32_0 = arith.constant 0 : i32
    %c0_i32_1 = arith.constant 0 : i32
    return %c0_i32, %c0_i32_0 : i32, i32
  }
  func.func @transform_5(%arg0: i32) -> (i32, i32) {
    %c0_i32 = arith.constant 0 : i32
    %c0_i32_0 = arith.constant 0 : i32
    %c0_i32_1 = arith.constant 0 : i32
    return %c0_i32, %c0_i32_0 : i32, i32
  }
  func.func @transform_6(%arg0: i32) -> (i32, i32) {
    %c0_i32 = arith.constant 0 : i32
    %c0_i32_0 = arith.constant 0 : i32
    return %arg0, %c0_i32 : i32, i32
  }
}

module attributes {stable_mosaic.version = 14 : i64} {
  func.func @_out_body(%arg0: memref<2x10240x128xf32, #tpu.memory_space<vmem>>, %arg1: memref<128x128xf32, #tpu.memory_space<vmem>>, %arg2: memref<1x128xf32, #tpu.memory_space<vmem>>, %arg3: memref<128x128xf32, #tpu.memory_space<vmem>>, %arg4: memref<1x128xf32, #tpu.memory_space<vmem>>, %arg5: memref<10000x128xf32, #tpu.memory_space<vmem>>) attributes {dimension_semantics = [], scalar_prefetch = 0 : i64, scratch_operands = 0 : i64, tpu.core_type = #tpu.core_type<tc>} {
    %get3A = arith.constant 0 : index
    %get3A_0 = arith.constant 0 : index
    %get3A_1 = arith.constant 0 : index
    %get3A_2 = vector.load %arg0[%get3A, %get3A_0, %get3A_1] : memref<2x10240x128xf32, #tpu.memory_space<vmem>>, vector<1x10000x128xf32>
    %get3A_3 = vector.shape_cast %get3A_2 : vector<1x10000x128xf32> to vector<10000x128xf32>
    %get3A_4 = arith.constant 1 : index
    %get3A_5 = arith.constant 0 : index
    %get3A_6 = arith.constant 0 : index
    %get3A_7 = vector.load %arg0[%get3A_4, %get3A_5, %get3A_6] : memref<2x10240x128xf32, #tpu.memory_space<vmem>>, vector<1x10000x128xf32>
    %get3A_8 = vector.shape_cast %get3A_7 : vector<1x10000x128xf32> to vector<10000x128xf32>
    %add3A = arith.addf %get3A_3, %get3A_8 : vector<10000x128xf32>
    %get3A_9 = arith.constant 0 : index
    %get3A_10 = arith.constant 0 : index
    %get3A_11 = vector.load %arg1[%get3A_9, %get3A_10] : memref<128x128xf32, #tpu.memory_space<vmem>>, vector<128x128xf32>
    %dot_general3A = arith.constant dense<0.000000e+00> : vector<10000x128xf32>
    %dot_general3A_12 = tpu.matmul %add3A, %get3A_11, %dot_general3A {dimension_numbers = #tpu.dot_dimension_numbers<[1], [0], [0], [1], [0, 0, 1, 1], [], []>, transpose_lhs_hint = false} : vector<10000x128xf32>, vector<128x128xf32>, vector<10000x128xf32> -> vector<10000x128xf32>
    %get3A_13 = arith.constant 0 : index
    %get3A_14 = arith.constant 0 : index
    %get3A_15 = vector.load %arg2[%get3A_13, %get3A_14] : memref<1x128xf32, #tpu.memory_space<vmem>>, vector<1x128xf32>
    %add3A_16 = vector.broadcast %get3A_15 : vector<1x128xf32> to vector<10000x128xf32>
    %add3A_17 = arith.addf %dot_general3A_12, %add3A_16 : vector<10000x128xf32>
    %custom_jvp_call3A = arith.constant 0.000000e+00 : f32
    %max3A = vector.broadcast %custom_jvp_call3A : f32 to vector<10000x128xf32>
    %max3A_18 = arith.maximumf %add3A_17, %max3A : vector<10000x128xf32>
    %sub3A = vector.broadcast %custom_jvp_call3A : f32 to vector<10000x128xf32>
    %sub3A_19 = arith.subf %add3A_17, %sub3A : vector<10000x128xf32>
    %ne3A = arith.cmpf one, %sub3A_19, %sub3A_19 : vector<10000x128xf32>
    %add3A_20 = vector.broadcast %custom_jvp_call3A : f32 to vector<10000x128xf32>
    %add3A_21 = arith.addf %add3A_17, %add3A_20 : vector<10000x128xf32>
    %abs3A = math.absf %sub3A_19 : vector<10000x128xf32>
    %neg3A = arith.constant 0.000000e+00 : f32
    %neg3A_22 = vector.broadcast %neg3A : f32 to vector<10000x128xf32>
    %neg3A_23 = arith.subf %neg3A_22, %abs3A : vector<10000x128xf32>
    %exp3A = math.exp %neg3A_23 : vector<10000x128xf32>
    %log1p3A = math.log1p %exp3A : vector<10000x128xf32>
    %add3A_24 = arith.addf %max3A_18, %log1p3A : vector<10000x128xf32>
    %select_n3A = arith.select %ne3A, %add3A_21, %add3A_24 : vector<10000x128xi1>, vector<10000x128xf32>
    %log3A = arith.constant 2.000000e+00 : f32
    %log3A_25 = math.log %log3A : f32
    %sub3A_26 = vector.broadcast %log3A_25 : f32 to vector<10000x128xf32>
    %sub3A_27 = arith.subf %select_n3A, %sub3A_26 : vector<10000x128xf32>
    %get3A_28 = arith.constant 0 : index
    %get3A_29 = arith.constant 0 : index
    %get3A_30 = vector.load %arg3[%get3A_28, %get3A_29] : memref<128x128xf32, #tpu.memory_space<vmem>>, vector<128x128xf32>
    %dot_general3A_31 = arith.constant dense<0.000000e+00> : vector<10000x128xf32>
    %dot_general3A_32 = tpu.matmul %sub3A_27, %get3A_30, %dot_general3A_31 {dimension_numbers = #tpu.dot_dimension_numbers<[1], [0], [0], [1], [0, 0, 1, 1], [], []>, transpose_lhs_hint = false} : vector<10000x128xf32>, vector<128x128xf32>, vector<10000x128xf32> -> vector<10000x128xf32>
    %get3A_33 = arith.constant 0 : index
    %get3A_34 = arith.constant 0 : index
    %get3A_35 = vector.load %arg4[%get3A_33, %get3A_34] : memref<1x128xf32, #tpu.memory_space<vmem>>, vector<1x128xf32>
    %add3A_36 = vector.broadcast %get3A_35 : vector<1x128xf32> to vector<10000x128xf32>
    %add3A_37 = arith.addf %dot_general3A_32, %add3A_36 : vector<10000x128xf32>
    %swap3A = arith.constant 0 : index
    %swap3A_38 = arith.constant 0 : index
    %swap3A_39 = vector.load %arg5[%swap3A, %swap3A_38] : memref<10000x128xf32, #tpu.memory_space<vmem>>, vector<10000x128xf32>
    tpu.vector_store %arg5[%swap3A, %swap3A_38], %add3A_37 {strides = array<i32>} : memref<10000x128xf32, #tpu.memory_space<vmem>>, vector<10000x128xf32>,
    return
  }
}

</mosaic_0001>

<sc_bundles>
// kernel: kernel.10.cloned.1.call-start
scs
__scs_entry_jumppad:
0x0: {  	(pc) =	sbr.rel $0x88, $3  }
0x1: {  	(tag) =	ssettag $0x0;
	lr =	simm.s32 $0x1  }
0x2: {  	[smem:$0x3F92] =	sst lr;
	_ =	strace $0xD0000000  }
0x3: {  	_ = 	snop  }
0x4: {  	_ = 	snop  }
0x5: {  	_ = 	snop  }
0x6: {  	_ = 	snop  }
0x7: {  	_ = 	snop  }
__scs_overlays_trampoline_lowered:
0x8: {  	[smem:$0x3FA1] =	sst s0  }
0x9: {  	[smem:$0x3FA2] =	sst s1  }
0xa: {  	[smem:$0x3FA3] =	sst s2  }
0xb: {  	[smem:$0x3FA4] =	sst s3  }
0xc: {  	[smem:$0x3FA5] =	sst s4  }
0xd: {  	[smem:$0x3FA6] =	sst s5  }
0xe: {  	[smem:$0x3FA7] =	sst s6  }
0xf: {  	[smem:$0x3FA8] =	sst s7  }
0x10: {  	[smem:$0x3FA9] =	sst s8  }
0x11: {  	[smem:$0x3FAA] =	sst s9;
	s0 =	simm.s32 @!p0 $0x0  }
0x12: {  	s1 =	sld [smem:$0x3F90];
	s0 =	simm.s32 @p0 $0x1  }
0x13: {  	[smem:$0x3FAB] =	sst s0;
	s0 =	simm.s32 @!p1 $0x0  }
0x14: {  	s2 =	sld [smem:$0x3F8F];
	s0 =	simm.s32 @p1 $0x1  }
0x15: {  	[smem:$0x3FAC] =	sst s0;
	s0 =	simm.s32 @!p2 $0x0  }
0x16: {  	s3 =	sld [smem:$0x3FDB];
	s0 =	simm.s32 @p2 $0x1  }
0x17: {  	s4 =	simm.s32 $0x1BF5;
	[smem:$0x3FAE] =	sst s0  }
0x18: {  	s0 =	sld [smem:$0x3F91];
	_ =	swait.ge [sflag:s4], $0x0  }
0x19: {  	s7 =	sld [smem:$0x3F92]  }
0x1a: {  	s8 =	sadd.s32 $0xFFFFE003, lr  }
0x1b: {  	s9 =	sadd.s32 $0xFFFFFEF7, lr;
	s5 =	simm.s32 $0xFFFFFFFF;
	p2 =	slt.u32 s8, $0xFFFFF086  }
0x1c: {  	p1 =	slt.u32 s9, $0xF7A;
	s5 =	simm.s32 @!p2 $0x0  }
0x1d: {  	s5 =	simm.s32 @p1 $0x1;
	p0 =	seq.s32 s7, s2  }
0x1e: {  	s7 =	smul.u32 @!p0 $0xF7A, s2;
	p2 =	seq.s32 @!p0 s5, $0x0  }
0x1f: {  	s9 =	smul.u32 $0xF7A, s1;
	s8 =	simm.s32 @!p0 $0x1BF5;
	p2 =	por !p2, p0  }
0x20: {  	[sflag:s8] =	ssyncset.s32 @!p0 $0xFFFFF086;
	s6 =	sadd.s32 @!p0 s3, s7;
	s7 =	simm.s32 @!p0 $0x108  }
0x21: {  	s3 =	sadd.s32 s3, s9;
	s6 =	sadd.s32 @!p0 $0x88, s6;
	s7 =	simm.s32 @p2 $0x1082  }
0x22: {  	[simem:s7], [sflag:s8] =	dma.local @!p0 [hbm:s6], $0xF7A  }
0x23: {  	s9 =	sor.u32 $0xD0000000, s2;
	s6 =	simm.s32 $0x108;
	_ =	swait.ge @!p0 [sflag:s8], $0x0  }
0x24: {  	s3 =	sadd.s32 $0x88, s3;
	s6 =	simm.s32 @!p1 $0x1082;
	[sflag:s4] =	ssyncset.s32 $0xFFFFF086  }
0x25: {  	[simem:s6], [sflag:s4] =	dma.local [hbm:s3], $0xF7A  }
0x26: {  	[smem:$0x3F92] =	sst s1;
	(tag) =	ssettag s2;
	_ =	strace s9  }
0x27: {  	s1 =	sld [smem:$0x3FA2]  }
0x28: {  	s2 =	sld [smem:$0x3FA3]  }
0x29: {  	s4 =	sld [smem:$0x3FA5]  }
0x2a: {  	p0 =	seq.s32 s5, $0x0;
	s5 =	sld [smem:$0x3FA6]  }
0x2b: {  	s6 =	sld [smem:$0x3FA7]  }
0x2c: {  	s7 =	sld [smem:$0x3FA8]  }
0x2d: {  	s3 =	simm.s32 $0x108;
	s8 =	sld [smem:$0x3FA9]  }
0x2e: {  	s3 =	simm.s32 @!p0 $0x1082;
	s9 =	sld [smem:$0x3FAA]  }
0x2f: {  	lr =	sadd.s32 s0, s3;
	s0 =	sld [smem:$0x3FA1]  }
0x30: {  	s3 =	sld [smem:$0x3FA4]  }
0x31: {  	[smem:$0x3FAD] =	sst s10  }
0x32: {  	s10 =	sld [smem:$0x3FAB];
	_ =	sdelay $0x3  }
0x33: {  	p0 =	seq.s32 s10, $0x1;
	s10 =	sld [smem:$0x3FAD];
	_ =	sdelay $0x3  }
0x34: {  	[smem:$0x3FAD] =	sst s10  }
0x35: {  	s10 =	sld [smem:$0x3FAC];
	_ =	sdelay $0x3  }
0x36: {  	p1 =	seq.s32 s10, $0x1;
	s10 =	sld [smem:$0x3FAD];
	_ =	sdelay $0x3  }
0x37: {  	[smem:$0x3FAD] =	sst s10  }
0x38: {  	s10 =	sld [smem:$0x3FAE]  }
0x39: {  	_ = 	snop;
	(pc) =	sbr.ind lr, $3  }
0x3a: {  	_ = 	snop  }
0x3b: {  	_ = 	snop  }
0x3c: {  	p2 =	seq.s32 s10, $0x1;
	s10 =	sld [smem:$0x3FAD]  }
0x3d: {  	_ =	shalt  }
0x3e: {  	_ =	shalt  }
0x3f: {  	_ =	shalt  }
0x40: {  	_ =	shalt  }
0x41: {  	_ =	shalt  }
0x42: {  	_ =	shalt  }
0x43: {  	_ =	shalt  }
0x44: {  	_ =	shalt  }
0x45: {  	_ =	shalt  }
0x46: {  	_ =	shalt  }
0x47: {  	_ =	shalt  }
0x48: {  	_ =	shalt  }
0x49: {  	_ =	shalt  }
0x4a: {  	_ =	shalt  }
0x4b: {  	_ =	shalt  }
0x4c: {  	_ =	shalt  }
0x4d: {  	_ =	shalt  }
0x4e: {  	_ =	shalt  }
0x4f: {  	_ =	shalt  }
0x50: {  	_ =	shalt  }
0x51: {  	_ =	shalt  }
0x52: {  	_ =	shalt  }
0x53: {  	_ =	shalt  }
0x54: {  	_ =	shalt  }
0x55: {  	_ =	shalt  }
0x56: {  	_ =	shalt  }
0x57: {  	_ =	shalt  }
0x58: {  	_ =	shalt  }
0x59: {  	_ =	shalt  }
0x5a: {  	_ =	shalt  }
0x5b: {  	_ =	shalt  }
0x5c: {  	_ =	shalt  }
0x5d: {  	_ =	shalt  }
0x5e: {  	_ =	shalt  }
0x5f: {  	_ =	shalt  }
0x60: {  	_ =	shalt  }
0x61: {  	_ =	shalt  }
0x62: {  	_ =	shalt  }
0x63: {  	_ =	shalt  }
0x64: {  	_ =	shalt  }
0x65: {  	_ =	shalt  }
0x66: {  	_ =	shalt  }
0x67: {  	_ =	shalt  }
0x68: {  	_ =	shalt  }
0x69: {  	_ =	shalt  }
0x6a: {  	_ =	shalt  }
0x6b: {  	_ =	shalt  }
0x6c: {  	_ =	shalt  }
0x6d: {  	_ =	shalt  }
0x6e: {  	_ =	shalt  }
0x6f: {  	_ =	shalt  }
0x70: {  	_ =	shalt  }
0x71: {  	_ =	shalt  }
0x72: {  	_ =	shalt  }
0x73: {  	_ =	shalt  }
0x74: {  	_ =	shalt  }
0x75: {  	_ =	shalt  }
0x76: {  	_ =	shalt  }
0x77: {  	_ =	shalt  }
0x78: {  	_ =	shalt  }
0x79: {  	_ =	shalt  }
0x7a: {  	_ =	shalt  }
0x7b: {  	_ =	shalt  }
0x7c: {  	_ =	shalt  }
0x7d: {  	_ =	shalt  }
0x7e: {  	_ =	shalt  }
0x7f: {  	_ =	shalt  }
0x80: {  	_ =	shalt  }
0x81: {  	_ =	shalt  }
0x82: {  	_ =	shalt  }
0x83: {  	_ =	shalt  }
0x84: {  	_ =	shalt  }
0x85: {  	_ =	shalt  }
0x86: {  	_ =	shalt  }
0x87: {  	_ =	shalt  }
.Lfunc_end0:
.L_simem_size_0:
called_computation_lowered:
.L_overlay_start_0:
0x88: {  	s2 =	sld [smem:$0x3FD9]  }
0x89: {  	s3 =	sld [smem:$0x3FFE];
	_ =	sdelay $0x1  }
0x8a: {  	s1 =	srdreg.scid  }
0x8b: {  	s0 =	sand.u32 $0x1, s1  }
0x8c: {  	s17 =	sshll.u32 s0, $0xA;
	s2 =	sadd.s32 s3, s2  }
0x8d: {  	s2 =	sadd.s32 s2, s17  }
0x8e: {  	[smem:$0x3FB9] =	sst s2  }
0x8f: {  	_ = 	snop  }
0x90: {  	s2 =	sld [smem:$0x3FC7]  }
0x91: {  	s18 =	sld [smem:$0x3FC6]  }
0x92: {  	s4 =	sld [smem:$0x3FD0];
	(tm) =	ssettm $0x1  }
0x93: {  	s5 =	sld [smem:$0x3FFB];
	_ =	sdelay $0x3  }
0x94: {  	_ =	strace s5  }
0x95: {  	s5 =	sld [smem:$0x3FFC];
	_ =	sdelay $0x3  }
0x96: {  	_ =	strace s5  }
0x97: {  	s5 =	sld [smem:$0x3FFD];
	_ =	sdelay $0x3  }
0x98: {  	_ =	strace s5  }
0x99: {  	_ =	strace $0x8FFFFFFF  }
0x9a: {  	s19 =	sld [smem:$0x3FDB];
	_ =	sdelay $0x1  }
0x9b: {  	s6 =	simm.s32 $_scs_section_size  }
0x9c: {  	s7 =	simm.s32 $_size__tile_overlayer_lowered;
	s8 =	simm.s32 $_tile_overlayer_lowered  }
0x9d: {  	s22 =	simm.s32 $0x1BFF;
	s21 =	sshll.u32 s8, $0x1;
	s5 =	sadd.s32 s6, s19  }
0x9e: {  	s9 =	simm.s32 $0x0;
	s20 =	sshll.u32 s7, $0x1;
	s7 =	sadd.s32 s21, s5  }
0x9f: {  	[timem:s9], [sflag:s22] =	dma.local [hbm:s7], s20  }
0xa0: {  	_ =	swait.ge [sflag:s22], s20  }
0xa1: {  	s6 =	ssub.s32 $0x0, s20;
	[sflag:s22] =	ssyncset.done $0x0  }
0xa2: {  	[sflag:s22] =	ssyncadd.s32 s6;
	_ =	sdelay $0x1  }
0xa3: {  	s23 =	simm.s32 $0x1B8B  }
0xa4: {  	_ =	swait.ge [sflag:s23], $0x1  }
0xa5: {  	[sflag:s23] =	ssyncset.done $0x0  }
0xa6: {  	s25 =	simm.s32 $0x1B8E;
	s24 =	sld [smem:$0x3FFE];
	[sflag:s23] =	ssyncadd.s32 $0xFFFFFFFF  }
0xa7: {  	s26 =	simm.s32 $execute0_lowered;
	[smem:$0x3FD2] =	sst s25  }
0xa8: {  	s7 =	sshll.u32 s26, $0x1;
	_ =	strace $0x80000046;
	[dreg:$0x1] =	wrdreg $0xFFFFFFFF  }
0xa9: {  	s28 =	simm.s32 $_size_execute0_lowered;
	s5 =	sadd.s32 s5, s7;
	[dreg:$0x0] =	wrdreg $0x0  }
0xaa: {  	s7 =	sshll.u32 s28, $0x1;
	[dreg:$0x2] =	wrdreg s5  }
0xab: {  	[dreg:$0x3] =	wrdreg s7  }
0xac: {  	[dreg:$0x4] =	wrdreg $0xC0  }
0xad: {  	_ =	task [dreg:s9], $0x5FFFF  }
0xae: {  	[dreg:$0x1] =	wrdreg $0xFFFFFFFF  }
0xaf: {  	[dreg:$0x0] =	wrdreg $0x60  }
0xb0: {  	[dreg:$0x2] =	wrdreg s4  }
0xb1: {  	[dreg:$0x3] =	wrdreg s18  }
0xb2: {  	[dreg:$0x4] =	wrdreg s2  }
0xb3: {  	[dreg:$0x5] =	wrdreg s24  }
0xb4: {  	[dreg:$0x6] =	wrdreg $0x91000  }
0xb5: {  	[dreg:$0x7] =	wrdreg $0x9  }
0xb6: {  	_ =	task.clear_ibuf [dreg:s9], $0x8FFFF;
	_ =	strace $0x90000046  }
0xb7: {  	s29 =	simm.s32 $0x9;
	_ =	strace $0x80000048  }
0xb8: {  	_ =	swait.ge [sflag:s29], $0x1  }
0xb9: {  	[sflag:s29] =	ssyncadd.s32 $0xFFFFFFFF  }
0xba: {  	_ =	strace $0x90000048  }
0xbb: {  	_ =	sfence  }
0xbc: {  	s30 =	sld [smem:$0x0];
	_ =	sdelay $0x2  }
0xbd: {  	s31 =	sshll.u32 s1, $0xD;
	s1 =	sshrl.u32 s1, $0x2  }
0xbe: {  	s3 =	sand.u32 $0x4000, s31;
	s1 =	sadd.s32 s1, s30  }
0xbf: {  	s0 =	sor.u32 s3, s0;
	s1 =	sshll.u32 s1, $0x11  }
0xc0: {  	s0 =	sor.u32 s1, s0  }
0xc1: {  	s0 =	sadd.s32 $0x8F2B, s0  }
0xc2: {  	[sflag:s0] =	ssyncadd.remote.s32 $0x1  }
0xc3: {  	_ =	sfence.sel $0xFFFF  }
0xc4: {  	[dreg:$0x0] =	wrdreg $0xFFFFFFFF;
	(pc) =	sbr.abs _section_cstart, $3  }
0xc5: {  	[dreg:$0x1] =	wrdreg $0xFFFFFFFF  }
0xc6: {  	_ =	task.clear_ibuf [dreg:s9], $0x2FFFF;
	_ =	strace $0x9FFFFFFF  }
0xc7: {  	(tm) =	ssettm $0x7FFFFFFF  }
tec
execute0_lowered:
.L_overlay_start_1:
0x0: {  	(tag) =	ssettag $0x1  }
0x1: {  	s0 =	rddreg [dreg:$0x0]  }
0x2: {  	s1 =	rddreg [dreg:$0x1]  }
0x3: {  	s2 =	rddreg [dreg:$0x2]  }
0x4: {  	s7 =	rddreg [dreg:$0x3];
	s11 =	stileid.u32  }
0x5: {  	s4 =	srdreg.scid;
	s6 =	smul.u32 $0x14000, s11  }
0x6: {  	s3 =	rddreg [dreg:$0x4];
	s8 =	sand.u32 $0x1, s4;
	s25 =	smul.u32 $0x50000, s11  }
0x7: {  	s4 =	simm.s32 $0x0;
	s5 =	smul.u32 $0x140000, s8;
	s9 =	sshll.u32 s8, $0x4  }
0x8: {  	[smem:$0x7FF] =	sst s4;
	s8 =	ssub.s32 $0x2, s8;
	s9 =	sor.u32 s11, s9  }
0x9: {  	s26 =	sshrl.u32 s8, $0x1;
	s11 =	sshrl.u32 s25, $0x2;
	s6 =	sadd.s32 s6, s5  }
0xa: {  	s5 =	sadd.s32 $0x2800, s7;
	s8 =	ssub.s32 s8, s26;
	s10 =	sshrl.u32 s6, $0x3  }
0xb: {  	s26 =	smax.u32 s8, $0x1;
	s7 =	sadd.s32 s10, s7;
	s10 =	sadd.s32 s11, s3  }
0xc: {  	_ =	strace $0x80000047;
	[dreg:$0x16] =	wrdreg s26;
	s13 =	sadd.s32 $0x1400, s10  }
0xd: {  	s14 =	sadd.s32 $0x2800, s10;
	[dreg:$0x9] =	wrdreg s13  }
0xe: {  	s15 =	sadd.s32 $0x3C00, s10;
	[dreg:$0xa] =	wrdreg s14  }
0xf: {  	s6 =	smul.u32 $0xC80, s9;
	s16 =	sadd.s32 $0x5000, s10;
	[dreg:$0xb] =	wrdreg s15  }
0x10: {  	s9 =	smul.u32 $0xC800, s9;
	s17 =	sadd.s32 $0x6400, s10;
	[dreg:$0xc] =	wrdreg s16  }
0x11: {  	s8 =	simm.s32 $0x28;
	s18 =	sadd.s32 $0x7800, s10;
	[dreg:$0xd] =	wrdreg s17  }
0x12: {  	s12 =	sshrl.u32 s6, $0x3;
	s19 =	sadd.s32 $0x8C00, s10;
	[dreg:$0xe] =	wrdreg s18  }
0x13: {  	s9 =	sadd.s32 s5, s9;
	s20 =	sadd.s32 $0xA000, s10;
	[dreg:$0xf] =	wrdreg s19  }
0x14: {  	s21 =	sadd.s32 $0xB400, s10;
	s22 =	sadd.s32 $0xC800, s10;
	[dreg:$0x10] =	wrdreg s20  }
0x15: {  	s23 =	sadd.s32 $0xDC00, s10;
	s24 =	sadd.s32 $0xF000, s10;
	[dreg:$0x11] =	wrdreg s21  }
0x16: {  	s25 =	sadd.s32 $0x192800, s7;
	s26 =	sadd.s32 $0x10400, s10;
	[dreg:$0x12] =	wrdreg s22  }
0x17: {  	s28 =	sadd.s32 $0x11800, s10;
	s29 =	sadd.s32 $0x12C00, s10;
	[dreg:$0x13] =	wrdreg s23  }
0x18: {  	s1 =	sadd.s32 s1, s12;
	s2 =	sadd.s32 s2, s12;
	[dreg:$0x14] =	wrdreg s24  }
0x19: {  	s12 =	sadd.s32 $0x280, s9;
	[dreg:$0x15] =	wrdreg s25;
	s30 =	sadd.s32 $0x500, s9  }
0x1a: {  	s31 =	sadd.s32 $0x780, s9;
	s23 =	simm.s32 $0xC80;
	s13 =	simm.s32 $0x2D00  }
.Ltmp0:
0x1b: {  	s14 =	simm.s32 $0x6900;
	s15 =	simm.s32 $0x3;
	(pc) =	sbr.rel .LBB2_1-.Ltmp0, $4  }
0x1c: {  	s16 =	simm.s32 $0x1;
	s17 =	simm.s32 $0x4;
	[dreg:$0x6] =	wrdreg s1  }
0x1d: {  	s18 =	simm.s32 $0x2;
	s19 =	simm.s32 $0x7D00;
	[dreg:$0x7] =	wrdreg s2  }
0x1e: {  	s20 =	simm.s32 $0x5;
	s21 =	simm.s32 $0x0;
	[dreg:$0x8] =	wrdreg s12  }
0x1f: {  	v0 =	vimm.f32 $0.0e+00;
	s1 =	simm.s32 $0x7;
	s12 =	simm.s32 $0x5500;
	s2 =	simm.s32 $0x6  }
.LBB2_14:
0x20: {  	_ =	swait.ge [sflag:s20], $0x1400  }
0x21: {  	[sflag:s20] =	ssyncset.done $0x0  }
0x22: {  	[sflag:s20] =	ssyncadd.s32 $0xFFFFEC00  }
0x23: {  	_ =	swait.ge [sflag:s2], $0x1400  }
0x24: {  	[sflag:s2] =	ssyncset.done $0x0  }
0x25: {  	s7 =	stileid.u32;
	[sflag:s2] =	ssyncadd.s32 $0xFFFFEC00  }
0x26: {  	s7 =	sshll.u32 s7, $0x6;
	[bflag:$0x0] =	sbarrier.arrive $0xFFFF  }
0x27: {  	s11 =	sshrl.u32 s10, $0x3;
	s7 =	sor.u32 $0x1C07, s7;
	s22 =	rddreg [dreg:$0x15]  }
0x28: {  	[hbm:s22], [sflag:s7] =	dma.local [spmem:s11], $0x2800  }
0x29: {  	_ =	swait.ge [sflag:s1], $0x2800  }
0x2a: {  	s21 =	sadd.s32 $0x1, s21;
	s25 =	rddreg [dreg:$0x16]  }
0x2b: {  	p0 =	sne.s32 s21, s25  }
.Ltmp1:
0x2c: {  	_ = 	snop;
	(pc) =	sbr.rel @!p0 .LBB2_15-.Ltmp1, $3  }
0x2d: {  	_ =	sdelay $0x1  }
0x2e: {  	[sflag:s1] =	ssyncset.done $0x0  }
0x2f: {  	s23 =	simm.s32 $0xC80;
	[sflag:s1] =	ssyncadd.s32 $0xFFFFD800  }
.LBB2_1:
0x30: {  	s7 =	rddreg [dreg:$0x6]  }
0x31: {  	[tilespmem:s4], [sflag:$0x7] =	stream.linear.gather [hbm4b:s7+s4], $0xC80, $0x38;
	[tilespmem:$0x1D100] =	vst v63  }
0x32: {  	_ =	swait.ge [sflag:s1], $0xC80  }
0x33: {  	[sflag:s1] =	ssyncset.done $0x0  }
0x34: {  	s11 =	rddreg [dreg:$0x7];
	[sflag:s1] =	ssyncadd.s32 $0xFFFFF380  }
0x35: {  	[tilespmem:s23], [sflag:$0x7] =	stream.linear.gather [hbm4b:s11+s4], $0xC80, $0x38;
	[tilespmem:$0x1D100] =	vst v63  }
0x36: {  	_ =	swait.ge [sflag:s1], $0xC80  }
0x37: {  	[sflag:s1] =	ssyncset.done $0x0  }
0x38: {  	s22 =	simm.s32 $0x4100;
	[sflag:s1] =	ssyncadd.s32 $0xFFFFF380  }
0x39: {  	[tilespmem:s22], [sflag:$0x3] =	stream.linear.gather [hbm4b:s9+s4], $0x1400, $0x38;
	[tilespmem:$0x1D100] =	vst v63  }
0x3a: {  	s24 =	simm.s32 $0x1900  }
0x3b: {  	[tilespmem:s24], [sflag:$0x1] =	stream.indirect.gather [hbm4b:s0+s8], $0x80, s4, s8, $0xb8;
	[tilespmem:$0x1D100] =	vst v63  }
0x3c: {  	s25 =	rddreg [dreg:$0x8]  }
0x3d: {  	[tilespmem:s12], [sflag:$0x4] =	stream.linear.gather [hbm4b:s25+s4], $0x1400, $0x38;
	[tilespmem:$0x1D100] =	vst v63  }
0x3e: {  	s7 =	simm.s32 $0x0;
	s11 =	simm.s32 $0x200  }
0x3f: {  	[tilespmem:s13], [sflag:$0x2] =	stream.indirect.gather [hbm4b:s0+s8], $0x80, s8, s8, $0xb8;
	[tilespmem:$0x1D100] =	vst v63  }
.LBB2_2:
0x40: {  	p0 =	sne.s32 s11, $0x4E00;
	[tilespmem:s7+$0x6970] =	vst v0  }
0x41: {  	[tilespmem:s7+$0x6900] =	vst v0  }
0x42: {  	[tilespmem:s7+$0x6910] =	vst v0  }
.Ltmp2:
0x43: {  	[tilespmem:s7+$0x6920] =	vst v0;
	(pc) =	sbr.rel @p0 .LBB2_2-.Ltmp2, $4  }
0x44: {  	[tilespmem:s7+$0x6930] =	vst v0  }
0x45: {  	[tilespmem:s7+$0x6940] =	vst v0  }
0x46: {  	[tilespmem:s7+$0x6950] =	vst v0  }
0x47: {  	[tilespmem:s7+$0x6960] =	vst v0;
	s7 =	sshra.s32 s11, $0x2;
	s11 =	sadd.s32 $0x200, s11  }
0x48: {  	[tilespmem:s7+$0x6970] =	vst v0  }
0x49: {  	[tilespmem:s7+$0x6900] =	vst v0  }
0x4a: {  	[tilespmem:s7+$0x6910] =	vst v0  }
0x4b: {  	[tilespmem:s7+$0x6920] =	vst v0  }
0x4c: {  	[tilespmem:s7+$0x6930] =	vst v0  }
0x4d: {  	[tilespmem:s7+$0x6940] =	vst v0  }
0x4e: {  	[tilespmem:s7+$0x6950] =	vst v0  }
0x4f: {  	[tilespmem:s7+$0x6960] =	vst v0  }
0x50: {  	[spmem:s10] =	stream.linear.scatter [tilespmem:s14], [sflag:$0x7], $0x1400, $0x38;
	[tilespmem:$0x1D100] =	vst v63  }
0x51: {  	_ =	swait.ge [sflag:s1], $0x1400  }
0x52: {  	[sflag:s1] =	ssyncset.done $0x0  }
0x53: {  	s11 =	rddreg [dreg:$0x9];
	[sflag:s1] =	ssyncadd.s32 $0xFFFFEC00  }
0x54: {  	[spmem:s11] =	stream.linear.scatter [tilespmem:s14], [sflag:$0x7], $0x1400, $0x38;
	[tilespmem:$0x1D100] =	vst v63  }
0x55: {  	_ =	swait.ge [sflag:s1], $0x1400  }
0x56: {  	[sflag:s1] =	ssyncset.done $0x0  }
0x57: {  	s22 =	rddreg [dreg:$0xa];
	[sflag:s1] =	ssyncadd.s32 $0xFFFFEC00  }
0x58: {  	[spmem:s22] =	stream.linear.scatter [tilespmem:s14], [sflag:$0x7], $0x1400, $0x38;
	[tilespmem:$0x1D100] =	vst v63  }
0x59: {  	_ =	swait.ge [sflag:s1], $0x1400  }
0x5a: {  	[sflag:s1] =	ssyncset.done $0x0  }
0x5b: {  	s24 =	rddreg [dreg:$0xb];
	[sflag:s1] =	ssyncadd.s32 $0xFFFFEC00  }
0x5c: {  	[spmem:s24] =	stream.linear.scatter [tilespmem:s14], [sflag:$0x7], $0x1400, $0x38;
	[tilespmem:$0x1D100] =	vst v63  }
0x5d: {  	_ =	swait.ge [sflag:s1], $0x1400  }
0x5e: {  	[sflag:s1] =	ssyncset.done $0x0  }
0x5f: {  	s25 =	rddreg [dreg:$0xc];
	[sflag:s1] =	ssyncadd.s32 $0xFFFFEC00  }
0x60: {  	[spmem:s25] =	stream.linear.scatter [tilespmem:s14], [sflag:$0x7], $0x1400, $0x38;
	[tilespmem:$0x1D100] =	vst v63  }
0x61: {  	_ =	swait.ge [sflag:s1], $0x1400  }
0x62: {  	[sflag:s1] =	ssyncset.done $0x0  }
0x63: {  	s11 =	rddreg [dreg:$0xd];
	[sflag:s1] =	ssyncadd.s32 $0xFFFFEC00  }
0x64: {  	[spmem:s11] =	stream.linear.scatter [tilespmem:s14], [sflag:$0x7], $0x1400, $0x38;
	[tilespmem:$0x1D100] =	vst v63  }
0x65: {  	_ =	swait.ge [sflag:s1], $0x1400  }
0x66: {  	[sflag:s1] =	ssyncset.done $0x0  }
0x67: {  	s22 =	rddreg [dreg:$0xe];
	[sflag:s1] =	ssyncadd.s32 $0xFFFFEC00  }
0x68: {  	[spmem:s22] =	stream.linear.scatter [tilespmem:s14], [sflag:$0x7], $0x1400, $0x38;
	[tilespmem:$0x1D100] =	vst v63  }
0x69: {  	_ =	swait.ge [sflag:s1], $0x1400  }
0x6a: {  	[sflag:s1] =	ssyncset.done $0x0  }
0x6b: {  	s24 =	rddreg [dreg:$0xf];
	[sflag:s1] =	ssyncadd.s32 $0xFFFFEC00  }
0x6c: {  	[spmem:s24] =	stream.linear.scatter [tilespmem:s14], [sflag:$0x7], $0x1400, $0x38;
	[tilespmem:$0x1D100] =	vst v63  }
0x6d: {  	_ =	swait.ge [sflag:s1], $0x1400  }
0x6e: {  	[sflag:s1] =	ssyncset.done $0x0  }
0x6f: {  	s25 =	rddreg [dreg:$0x10];
	[sflag:s1] =	ssyncadd.s32 $0xFFFFEC00  }
0x70: {  	[spmem:s25] =	stream.linear.scatter [tilespmem:s14], [sflag:$0x7], $0x1400, $0x38;
	[tilespmem:$0x1D100] =	vst v63  }
0x71: {  	_ =	swait.ge [sflag:s1], $0x1400  }
0x72: {  	[sflag:s1] =	ssyncset.done $0x0  }
0x73: {  	s11 =	rddreg [dreg:$0x11];
	[sflag:s1] =	ssyncadd.s32 $0xFFFFEC00  }
0x74: {  	[spmem:s11] =	stream.linear.scatter [tilespmem:s14], [sflag:$0x7], $0x1400, $0x38;
	[tilespmem:$0x1D100] =	vst v63  }
0x75: {  	_ =	swait.ge [sflag:s1], $0x1400  }
0x76: {  	[sflag:s1] =	ssyncset.done $0x0  }
0x77: {  	s22 =	rddreg [dreg:$0x12];
	[sflag:s1] =	ssyncadd.s32 $0xFFFFEC00  }
0x78: {  	[spmem:s22] =	stream.linear.scatter [tilespmem:s14], [sflag:$0x7], $0x1400, $0x38;
	[tilespmem:$0x1D100] =	vst v63  }
0x79: {  	_ =	swait.ge [sflag:s1], $0x1400  }
0x7a: {  	[sflag:s1] =	ssyncset.done $0x0  }
0x7b: {  	s24 =	rddreg [dreg:$0x13];
	[sflag:s1] =	ssyncadd.s32 $0xFFFFEC00  }
0x7c: {  	[spmem:s24] =	stream.linear.scatter [tilespmem:s14], [sflag:$0x7], $0x1400, $0x38;
	[tilespmem:$0x1D100] =	vst v63  }
0x7d: {  	_ =	swait.ge [sflag:s1], $0x1400  }
0x7e: {  	[sflag:s1] =	ssyncset.done $0x0  }
0x7f: {  	s25 =	rddreg [dreg:$0x14];
	[sflag:s1] =	ssyncadd.s32 $0xFFFFEC00  }
0x80: {  	[spmem:s25] =	stream.linear.scatter [tilespmem:s14], [sflag:$0x7], $0x1400, $0x38;
	[tilespmem:$0x1D100] =	vst v63  }
0x81: {  	_ =	swait.ge [sflag:s1], $0x1400  }
0x82: {  	[sflag:s1] =	ssyncset.done $0x0  }
0x83: {  	[sflag:s1] =	ssyncadd.s32 $0xFFFFEC00  }
0x84: {  	[spmem:s26] =	stream.linear.scatter [tilespmem:s14], [sflag:$0x7], $0x1400, $0x38;
	[tilespmem:$0x1D100] =	vst v63  }
0x85: {  	_ =	swait.ge [sflag:s1], $0x1400  }
0x86: {  	[sflag:s1] =	ssyncset.done $0x0  }
0x87: {  	[sflag:s1] =	ssyncadd.s32 $0xFFFFEC00  }
0x88: {  	[spmem:s28] =	stream.linear.scatter [tilespmem:s14], [sflag:$0x7], $0x1400, $0x38;
	[tilespmem:$0x1D100] =	vst v63  }
0x89: {  	_ =	swait.ge [sflag:s1], $0x1400  }
0x8a: {  	[sflag:s1] =	ssyncset.done $0x0  }
0x8b: {  	[sflag:s1] =	ssyncadd.s32 $0xFFFFEC00  }
0x8c: {  	[spmem:s29] =	stream.linear.scatter [tilespmem:s14], [sflag:$0x7], $0x1400, $0x38;
	[tilespmem:$0x1D100] =	vst v63  }
0x8d: {  	_ =	swait.ge [sflag:s1], $0x1400  }
0x8e: {  	[sflag:s1] =	ssyncset.done $0x0  }
0x8f: {  	[sflag:s1] =	ssyncadd.s32 $0xFFFFEC00  }
0x90: {  	[bflag:$0x0] =	sbarrier.arrive $0xFFFF  }
0x91: {  	_ =	swait.ge [sflag:s15], $0x1400  }
0x92: {  	[sflag:s15] =	ssyncset.done $0x0  }
0x93: {  	[sflag:s15] =	ssyncadd.s32 $0xFFFFEC00  }
0x94: {  	_ =	swait.ge [sflag:s16], $0x1400  }
0x95: {  	[sflag:s16] =	ssyncset.done $0x0  }
0x96: {  	s7 =	simm.s32 $0x0;
	[sflag:s16] =	ssyncadd.s32 $0xFFFFEC00  }
0x97: {  	v1 =	vld [tilespmem:s7+$0x1970]  }
0x98: {  	v2 =	vld [tilespmem:s7+$0x4170]  }
0x99: {  	v3 =	vld [tilespmem:s7+$0x1900]  }
0x9a: {  	v4 =	vld [tilespmem:s7+$0x4100]  }
0x9b: {  	v5 =	vld [tilespmem:s7+$0x1910]  }
0x9c: {  	v6 =	vld [tilespmem:s7+$0x4110]  }
0x9d: {  	v7 =	vld [tilespmem:s7+$0x1920]  }
0x9e: {  	v8 =	vld [tilespmem:s7+$0x1930]  }
0x9f: {  	v1 =	vmul.f32 v2, v1;
	v2 =	vld [tilespmem:s7+$0x4120]  }
0xa0: {  	v9 =	vld [tilespmem:s7+$0x4130]  }
0xa1: {  	v10 =	vld [tilespmem:s7+$0x4140];
	v3 =	vmul.f32 v4, v3  }
0xa2: {  	[tilespmem:s7+$0x6970] =	vst v1;
	v1 =	vmul.f32 v6, v5;
	v6 =	vld [tilespmem:s7+$0x1940]  }
0xa3: {  	v4 =	vld [tilespmem:s7+$0x4150];
	[tilespmem:s7+$0x6900] =	vst v3  }
0xa4: {  	v3 =	vld [tilespmem:s7+$0x1950];
	[tilespmem:s7+$0x6910] =	vst v1;
	v1 =	vmul.f32 v2, v7  }
0xa5: {  	v5 =	vld [tilespmem:s7+$0x4160];
	v7 =	vmul.f32 v9, v8  }
0xa6: {  	s22 =	simm.s32 $0x80;
	[tilespmem:s7+$0x6920] =	vst v1;
	v1 =	vld [tilespmem:s7+$0x1960]  }
0xa7: {  	s11 =	simm.s32 $0x400;
	v6 =	vmul.f32 v10, v6;
	v2 =	vld [tilespmem:s22+$0x1970];
	[tilespmem:s7+$0x6930] =	vst v7  }
.LBB2_4:
0xa8: {  	p0 =	sne.s32 s11, $0x4E00;
	v7 =	vld [tilespmem:s22+$0x4170]  }
0xa9: {  	v8 =	vld [tilespmem:s22+$0x1900];
	[tilespmem:s7+$0x6940] =	vst v6;
	v3 =	vmul.f32 v4, v3  }
0xaa: {  	v4 =	vld [tilespmem:s22+$0x4100]  }
0xab: {  	v6 =	vld [tilespmem:s22+$0x1910];
	[tilespmem:s7+$0x6950] =	vst v3;
	v1 =	vmul.f32 v5, v1  }
0xac: {  	v3 =	vld [tilespmem:s22+$0x4110]  }
0xad: {  	v5 =	vld [tilespmem:s22+$0x1920];
	v2 =	vmul.f32 v7, v2;
	[tilespmem:s7+$0x6960] =	vst v1;
	s7 =	smov.u32 s22  }
0xae: {  	v1 =	vld [tilespmem:s7+$0x4120]  }
0xaf: {  	v4 =	vmul.f32 v4, v8;
	v7 =	vld [tilespmem:s7+$0x1930];
	[tilespmem:s7+$0x6970] =	vst v2  }
0xb0: {  	v2 =	vld [tilespmem:s7+$0x4130]  }
0xb1: {  	[tilespmem:s7+$0x6900] =	vst v4;
	v3 =	vmul.f32 v3, v6;
	v6 =	vld [tilespmem:s7+$0x1940]  }
0xb2: {  	v8 =	vld [tilespmem:s7+$0x4140]  }
.Ltmp3:
0xb3: {  	[tilespmem:s7+$0x6910] =	vst v3;
	v1 =	vmul.f32 v1, v5;
	v3 =	vld [tilespmem:s7+$0x1950];
	(pc) =	sbr.rel @p0 .LBB2_4-.Ltmp3, $4  }
0xb4: {  	v4 =	vld [tilespmem:s7+$0x4150]  }
0xb5: {  	[tilespmem:s7+$0x6920] =	vst v1;
	v7 =	vmul.f32 v2, v7;
	v1 =	vld [tilespmem:s7+$0x1960]  }
0xb6: {  	s22 =	sshra.s32 s11, $0x2;
	v5 =	vld [tilespmem:s7+$0x4160]  }
0xb7: {  	s11 =	sadd.s32 $0x200, s11;
	v2 =	vld [tilespmem:s22+$0x1970];
	[tilespmem:s7+$0x6930] =	vst v7;
	v6 =	vmul.f32 v8, v6  }
0xb8: {  	v7 =	vld [tilespmem:s22+$0x4170]  }
0xb9: {  	v8 =	vld [tilespmem:s22+$0x1900];
	[tilespmem:s7+$0x6940] =	vst v6;
	v3 =	vmul.f32 v4, v3  }
0xba: {  	v4 =	vld [tilespmem:s22+$0x4100]  }
0xbb: {  	v6 =	vld [tilespmem:s22+$0x1910];
	[tilespmem:s7+$0x6950] =	vst v3;
	v1 =	vmul.f32 v5, v1  }
0xbc: {  	v3 =	vld [tilespmem:s22+$0x4110]  }
0xbd: {  	v5 =	vld [tilespmem:s22+$0x1920];
	[tilespmem:s7+$0x6960] =	vst v1  }
0xbe: {  	v1 =	vmul.f32 v7, v2;
	v2 =	vld [tilespmem:s22+$0x4120]  }
0xbf: {  	v7 =	vld [tilespmem:s22+$0x1930]  }
0xc0: {  	v4 =	vmul.f32 v4, v8;
	[tilespmem:s22+$0x6970] =	vst v1;
	v1 =	vld [tilespmem:s22+$0x4130]  }
0xc1: {  	v8 =	vld [tilespmem:s22+$0x4160]  }
0xc2: {  	[tilespmem:s22+$0x6900] =	vst v4;
	v3 =	vmul.f32 v3, v6;
	v4 =	vld [tilespmem:s22+$0x1940]  }
0xc3: {  	v6 =	vld [tilespmem:s22+$0x4140]  }
0xc4: {  	[tilespmem:s22+$0x6910] =	vst v3;
	v2 =	vmul.f32 v2, v5;
	v3 =	vld [tilespmem:s22+$0x1950]  }
0xc5: {  	v5 =	vld [tilespmem:s22+$0x4150]  }
0xc6: {  	[tilespmem:s22+$0x6920] =	vst v2;
	v2 =	vld [tilespmem:s22+$0x1960];
	_ =	sdelay $0x1  }
0xc7: {  	v1 =	vmul.f32 v1, v7  }
0xc8: {  	v4 =	vmul.f32 v6, v4  }
0xc9: {  	[tilespmem:s22+$0x6930] =	vst v1;
	v1 =	vmul.f32 v5, v3  }
0xca: {  	[tilespmem:s22+$0x6940] =	vst v4;
	v2 =	vmul.f32 v8, v2  }
0xcb: {  	[tilespmem:s22+$0x6950] =	vst v1  }
0xcc: {  	[tilespmem:s22+$0x6960] =	vst v2  }
0xcd: {  	[spmem:s3] =	stream.indirect.scatter.add.f32 [tilespmem:s14], [sflag:$0x5], $0x80, s23, s8, $0xb8;
	[tilespmem:$0x1D100] =	vst v63  }
0xce: {  	s11 =	simm.s32 $0x4100;
	s23 =	simm.s32 $0x0  }
0xcf: {  	[tilespmem:s11], [sflag:$0x3] =	stream.linear.gather [hbm4b:s30+s23], $0x1400, $0x38;
	[tilespmem:$0x1D100] =	vst v63  }
0xd0: {  	s24 =	simm.s32 $0x1900;
	s25 =	simm.s32 $0x50  }
0xd1: {  	[tilespmem:s24], [sflag:$0x1] =	stream.indirect.gather [hbm4b:s0+s8], $0x80, s25, s8, $0xb8;
	[tilespmem:$0x1D100] =	vst v63  }
0xd2: {  	_ =	swait.ge [sflag:s17], $0x1400  }
0xd3: {  	[sflag:s17] =	ssyncset.done $0x0  }
0xd4: {  	[sflag:s17] =	ssyncadd.s32 $0xFFFFEC00  }
0xd5: {  	_ =	swait.ge [sflag:s18], $0x1400  }
0xd6: {  	[sflag:s18] =	ssyncset.done $0x0  }
0xd7: {  	s7 =	simm.s32 $0x0;
	[sflag:s18] =	ssyncadd.s32 $0xFFFFEC00  }
0xd8: {  	v1 =	vld [tilespmem:s7+$0x2D70]  }
0xd9: {  	v2 =	vld [tilespmem:s7+$0x5570]  }
0xda: {  	v3 =	vld [tilespmem:s7+$0x2D00]  }
0xdb: {  	v4 =	vld [tilespmem:s7+$0x5500]  }
0xdc: {  	v5 =	vld [tilespmem:s7+$0x2D10]  }
0xdd: {  	v6 =	vld [tilespmem:s7+$0x5510]  }
0xde: {  	v7 =	vld [tilespmem:s7+$0x2D20]  }
0xdf: {  	v8 =	vld [tilespmem:s7+$0x2D30]  }
0xe0: {  	v1 =	vmul.f32 v2, v1;
	v2 =	vld [tilespmem:s7+$0x5520]  }
0xe1: {  	v9 =	vld [tilespmem:s7+$0x5530]  }
0xe2: {  	v10 =	vld [tilespmem:s7+$0x5540];
	v3 =	vmul.f32 v4, v3  }
0xe3: {  	[tilespmem:s7+$0x7D70] =	vst v1;
	v1 =	vmul.f32 v6, v5;
	v6 =	vld [tilespmem:s7+$0x2D40]  }
0xe4: {  	v4 =	vld [tilespmem:s7+$0x5550];
	[tilespmem:s7+$0x7D00] =	vst v3  }
0xe5: {  	v3 =	vld [tilespmem:s7+$0x2D50];
	[tilespmem:s7+$0x7D10] =	vst v1;
	v1 =	vmul.f32 v2, v7  }
0xe6: {  	v5 =	vld [tilespmem:s7+$0x5560];
	v7 =	vmul.f32 v9, v8  }
0xe7: {  	s22 =	simm.s32 $0x80;
	[tilespmem:s7+$0x7D20] =	vst v1;
	v1 =	vld [tilespmem:s7+$0x2D60]  }
0xe8: {  	s11 =	simm.s32 $0x400;
	v6 =	vmul.f32 v10, v6;
	v2 =	vld [tilespmem:s22+$0x2D70];
	[tilespmem:s7+$0x7D30] =	vst v7  }
.LBB2_6:
0xe9: {  	p0 =	sne.s32 s11, $0x4E00;
	v7 =	vld [tilespmem:s22+$0x5570]  }
0xea: {  	v8 =	vld [tilespmem:s22+$0x2D00];
	[tilespmem:s7+$0x7D40] =	vst v6;
	v3 =	vmul.f32 v4, v3  }
0xeb: {  	v4 =	vld [tilespmem:s22+$0x5500]  }
0xec: {  	v6 =	vld [tilespmem:s22+$0x2D10];
	[tilespmem:s7+$0x7D50] =	vst v3;
	v1 =	vmul.f32 v5, v1  }
0xed: {  	v3 =	vld [tilespmem:s22+$0x5510]  }
0xee: {  	v5 =	vld [tilespmem:s22+$0x2D20];
	v2 =	vmul.f32 v7, v2;
	[tilespmem:s7+$0x7D60] =	vst v1;
	s7 =	smov.u32 s22  }
0xef: {  	v1 =	vld [tilespmem:s7+$0x5520]  }
0xf0: {  	v4 =	vmul.f32 v4, v8;
	v7 =	vld [tilespmem:s7+$0x2D30];
	[tilespmem:s7+$0x7D70] =	vst v2  }
0xf1: {  	v2 =	vld [tilespmem:s7+$0x5530]  }
0xf2: {  	[tilespmem:s7+$0x7D00] =	vst v4;
	v3 =	vmul.f32 v3, v6;
	v6 =	vld [tilespmem:s7+$0x2D40]  }
0xf3: {  	v8 =	vld [tilespmem:s7+$0x5540]  }
.Ltmp4:
0xf4: {  	[tilespmem:s7+$0x7D10] =	vst v3;
	v1 =	vmul.f32 v1, v5;
	v3 =	vld [tilespmem:s7+$0x2D50];
	(pc) =	sbr.rel @p0 .LBB2_6-.Ltmp4, $4  }
0xf5: {  	v4 =	vld [tilespmem:s7+$0x5550]  }
0xf6: {  	[tilespmem:s7+$0x7D20] =	vst v1;
	v7 =	vmul.f32 v2, v7;
	v1 =	vld [tilespmem:s7+$0x2D60]  }
0xf7: {  	s22 =	sshra.s32 s11, $0x2;
	v5 =	vld [tilespmem:s7+$0x5560]  }
0xf8: {  	s11 =	sadd.s32 $0x200, s11;
	v2 =	vld [tilespmem:s22+$0x2D70];
	[tilespmem:s7+$0x7D30] =	vst v7;
	v6 =	vmul.f32 v8, v6  }
0xf9: {  	v7 =	vld [tilespmem:s22+$0x5570]  }
0xfa: {  	v8 =	vld [tilespmem:s22+$0x2D00];
	[tilespmem:s7+$0x7D40] =	vst v6;
	v3 =	vmul.f32 v4, v3  }
0xfb: {  	v57 =	vld [tilespmem:s22+$0x5500]  }
0xfc: {  	v6 =	vld [tilespmem:s22+$0x2D10];
	[tilespmem:s7+$0x7D50] =	vst v3;
	v1 =	vmul.f32 v5, v1  }
0xfd: {  	v3 =	vld [tilespmem:s22+$0x5510]  }
0xfe: {  	v58 =	vld [tilespmem:s22+$0x2D20];
	[tilespmem:s7+$0x7D60] =	vst v1  }
0xff: {  	v1 =	vmul.f32 v7, v2;
	v2 =	vld [tilespmem:s22+$0x5520]  }
0x100: {  	v59 =	vld [tilespmem:s22+$0x2D30]  }
0x101: {  	v60 =	vld [tilespmem:s22+$0x2D40]  }
0x102: {  	v61 =	vld [tilespmem:s22+$0x5540]  }
0x103: {  	v62 =	vld [tilespmem:s22+$0x5550]  }
0x104: {  	[tilespmem:s22+$0x7D70] =	vst v1;
	v1 =	vld [tilespmem:s22+$0x5530];
	v3 =	vmul.f32 v3, v6  }
0x105: {  	v63 =	vld [tilespmem:s22+$0x5560];
	v2 =	vmul.f32 v2, v58  }
0x106: {  	[tilespmem:s22+$0x7D10] =	vst v3;
	v3 =	vld [tilespmem:s22+$0x2D50]  }
0x107: {  	[tilespmem:s22+$0x7D20] =	vst v2;
	v2 =	vld [tilespmem:s22+$0x2D60]  }
0x108: {  	v4 =	vmul.f32 v57, v8  }
0x109: {  	v1 =	vmul.f32 v1, v59  }
0x10a: {  	[tilespmem:s22+$0x7D00] =	vst v4;
	v4 =	vmul.f32 v61, v60  }
0x10b: {  	[tilespmem:s22+$0x7D30] =	vst v1;
	v1 =	vmul.f32 v62, v3  }
0x10c: {  	[tilespmem:s22+$0x7D40] =	vst v4;
	v2 =	vmul.f32 v63, v2  }
0x10d: {  	[tilespmem:s22+$0x7D50] =	vst v1  }
0x10e: {  	s24 =	simm.s32 $0xCA8;
	[tilespmem:s22+$0x7D60] =	vst v2  }
0x10f: {  	[spmem:s3] =	stream.indirect.scatter.add.f32 [tilespmem:s19], [sflag:$0x6], $0x80, s24, s8, $0xb8;
	[tilespmem:$0x1D100] =	vst v63  }
0x110: {  	_ = 	snop  }
0x111: {  	[tilespmem:s12], [sflag:$0x4] =	stream.linear.gather [hbm4b:s31+s4], $0x1400, $0x38;
	[tilespmem:$0x1D100] =	vst v63  }
0x112: {  	s25 =	simm.s32 $0x78;
	s7 =	simm.s32 $0x1  }
0x113: {  	[tilespmem:s13], [sflag:$0x2] =	stream.indirect.gather [hbm4b:s0+s8], $0x80, s25, s8, $0xb8;
	[tilespmem:$0x1D100] =	vst v63  }
.LBB2_8:
0x114: {  	_ =	swait.ge [sflag:s15], $0x1400  }
0x115: {  	[sflag:s15] =	ssyncset.done $0x0  }
0x116: {  	[sflag:s15] =	ssyncadd.s32 $0xFFFFEC00  }
0x117: {  	_ =	swait.ge [sflag:s16], $0x1400  }
0x118: {  	[sflag:s16] =	ssyncset.done $0x0  }
0x119: {  	[sflag:s16] =	ssyncadd.s32 $0xFFFFEC00  }
0x11a: {  	_ =	swait.ge [sflag:s20], $0x1400  }
0x11b: {  	[sflag:s20] =	ssyncset.done $0x0  }
0x11c: {  	s22 =	simm.s32 $0x0;
	[sflag:s20] =	ssyncadd.s32 $0xFFFFEC00  }
0x11d: {  	v1 =	vld [tilespmem:s22+$0x1970]  }
0x11e: {  	v2 =	vld [tilespmem:s22+$0x4170]  }
0x11f: {  	v3 =	vld [tilespmem:s22+$0x1900]  }
0x120: {  	v4 =	vld [tilespmem:s22+$0x4100]  }
0x121: {  	v5 =	vld [tilespmem:s22+$0x1910]  }
0x122: {  	v6 =	vld [tilespmem:s22+$0x4110]  }
0x123: {  	v7 =	vld [tilespmem:s22+$0x1920]  }
0x124: {  	v8 =	vld [tilespmem:s22+$0x1930]  }
0x125: {  	v1 =	vmul.f32 v2, v1;
	v2 =	vld [tilespmem:s22+$0x4120]  }
0x126: {  	v9 =	vld [tilespmem:s22+$0x4130]  }
0x127: {  	v10 =	vld [tilespmem:s22+$0x4140];
	v3 =	vmul.f32 v4, v3  }
0x128: {  	[tilespmem:s22+$0x6970] =	vst v1;
	v1 =	vmul.f32 v6, v5;
	v6 =	vld [tilespmem:s22+$0x1940]  }
0x129: {  	v4 =	vld [tilespmem:s22+$0x4150];
	[tilespmem:s22+$0x6900] =	vst v3  }
0x12a: {  	v3 =	vld [tilespmem:s22+$0x1950];
	[tilespmem:s22+$0x6910] =	vst v1;
	v1 =	vmul.f32 v2, v7  }
0x12b: {  	v5 =	vld [tilespmem:s22+$0x4160];
	v7 =	vmul.f32 v9, v8  }
0x12c: {  	s23 =	simm.s32 $0x80;
	[tilespmem:s22+$0x6920] =	vst v1;
	v1 =	vld [tilespmem:s22+$0x1960]  }
0x12d: {  	s11 =	simm.s32 $0x400;
	v6 =	vmul.f32 v10, v6;
	v2 =	vld [tilespmem:s23+$0x1970];
	[tilespmem:s22+$0x6930] =	vst v7  }
.LBB2_9:
0x12e: {  	p0 =	sne.s32 s11, $0x4E00;
	v7 =	vld [tilespmem:s23+$0x4170]  }
0x12f: {  	v8 =	vld [tilespmem:s23+$0x1900];
	[tilespmem:s22+$0x6940] =	vst v6;
	v3 =	vmul.f32 v4, v3  }
0x130: {  	v4 =	vld [tilespmem:s23+$0x4100]  }
0x131: {  	v6 =	vld [tilespmem:s23+$0x1910];
	[tilespmem:s22+$0x6950] =	vst v3;
	v1 =	vmul.f32 v5, v1  }
0x132: {  	v3 =	vld [tilespmem:s23+$0x4110]  }
0x133: {  	v5 =	vld [tilespmem:s23+$0x1920];
	v2 =	vmul.f32 v7, v2;
	[tilespmem:s22+$0x6960] =	vst v1;
	s22 =	smov.u32 s23  }
0x134: {  	v1 =	vld [tilespmem:s22+$0x4120]  }
0x135: {  	v4 =	vmul.f32 v4, v8;
	v7 =	vld [tilespmem:s22+$0x1930];
	[tilespmem:s22+$0x6970] =	vst v2  }
0x136: {  	v2 =	vld [tilespmem:s22+$0x4130]  }
0x137: {  	[tilespmem:s22+$0x6900] =	vst v4;
	v3 =	vmul.f32 v3, v6;
	v6 =	vld [tilespmem:s22+$0x1940]  }
0x138: {  	v8 =	vld [tilespmem:s22+$0x4140]  }
.Ltmp5:
0x139: {  	[tilespmem:s22+$0x6910] =	vst v3;
	v1 =	vmul.f32 v1, v5;
	v3 =	vld [tilespmem:s22+$0x1950];
	(pc) =	sbr.rel @p0 .LBB2_9-.Ltmp5, $4  }
0x13a: {  	v4 =	vld [tilespmem:s22+$0x4150]  }
0x13b: {  	[tilespmem:s22+$0x6920] =	vst v1;
	v7 =	vmul.f32 v2, v7;
	v1 =	vld [tilespmem:s22+$0x1960]  }
0x13c: {  	s23 =	sshra.s32 s11, $0x2;
	v5 =	vld [tilespmem:s22+$0x4160]  }
0x13d: {  	s11 =	sadd.s32 $0x200, s11;
	v2 =	vld [tilespmem:s23+$0x1970];
	[tilespmem:s22+$0x6930] =	vst v7;
	v6 =	vmul.f32 v8, v6  }
0x13e: {  	v7 =	vld [tilespmem:s23+$0x4170]  }
0x13f: {  	v8 =	vld [tilespmem:s23+$0x1900];
	[tilespmem:s22+$0x6940] =	vst v6;
	v3 =	vmul.f32 v4, v3  }
0x140: {  	v4 =	vld [tilespmem:s23+$0x4100]  }
0x141: {  	v6 =	vld [tilespmem:s23+$0x1910];
	[tilespmem:s22+$0x6950] =	vst v3;
	v1 =	vmul.f32 v5, v1  }
0x142: {  	v3 =	vld [tilespmem:s23+$0x4110]  }
0x143: {  	v5 =	vld [tilespmem:s23+$0x1920];
	[tilespmem:s22+$0x6960] =	vst v1  }
0x144: {  	v1 =	vmul.f32 v7, v2;
	v2 =	vld [tilespmem:s23+$0x4120]  }
0x145: {  	v7 =	vld [tilespmem:s23+$0x1930]  }
0x146: {  	v4 =	vmul.f32 v4, v8;
	[tilespmem:s23+$0x6970] =	vst v1;
	v1 =	vld [tilespmem:s23+$0x4130]  }
0x147: {  	v8 =	vld [tilespmem:s23+$0x4160]  }
0x148: {  	[tilespmem:s23+$0x6900] =	vst v4;
	v3 =	vmul.f32 v3, v6;
	v4 =	vld [tilespmem:s23+$0x1940]  }
0x149: {  	v6 =	vld [tilespmem:s23+$0x4140]  }
0x14a: {  	[tilespmem:s23+$0x6910] =	vst v3;
	v2 =	vmul.f32 v2, v5;
	v3 =	vld [tilespmem:s23+$0x1950]  }
0x14b: {  	v5 =	vld [tilespmem:s23+$0x4150]  }
0x14c: {  	[tilespmem:s23+$0x6920] =	vst v2;
	v2 =	vld [tilespmem:s23+$0x1960];
	_ =	sdelay $0x1  }
0x14d: {  	v1 =	vmul.f32 v1, v7  }
0x14e: {  	v4 =	vmul.f32 v6, v4  }
0x14f: {  	s11 =	smul.u32 $0x140, s7;
	[tilespmem:s23+$0x6930] =	vst v1;
	v1 =	vmul.f32 v5, v3  }
0x150: {  	[tilespmem:s23+$0x6940] =	vst v4;
	v2 =	vmul.f32 v8, v2  }
0x151: {  	p0 =	seq.s32 s7, $0x27;
	s22 =	sshra.s32 s11, $0x2;
	[tilespmem:s23+$0x6950] =	vst v1  }
0x152: {  	s11 =	sadd.s32 $0xC80, s22;
	[tilespmem:s23+$0x6960] =	vst v2;
	s23 =	smul.u32 @!p0 $0x50, s7  }
0x153: {  	[spmem:s3] =	stream.indirect.scatter.add.f32 [tilespmem:s14], [sflag:$0x5], $0x80, s11, s8, $0xb8;
	[tilespmem:$0x1D100] =	vst v63  }
0x154: {  	s11 =	sadd.s32 @!p0 $0x50, s23  }
0x155: {  	s23 =	sadd.s32 @!p0 s6, s11  }
0x156: {  	s23 =	sshll.u32 @!p0 s23, $0x4  }
0x157: {  	s24 =	simm.s32 @!p0 $0x0;
	s25 =	simm.s32 @!p0 $0x4100;
	s23 =	sadd.s32 @!p0 s5, s23  }
0x158: {  	[tilespmem:s25], [sflag:$0x3] =	stream.linear.gather @!p0 [hbm4b:s23+s24], $0x1400, $0x38;
	[tilespmem:$0x1D100] =	vst v63  }
0x159: {  	s23 =	simm.s32 @!p0 $0x28;
	s24 =	simm.s32 @!p0 $0x1900  }
0x15a: {  	[tilespmem:s24], [sflag:$0x1] =	stream.indirect.gather @!p0 [hbm4b:s0+s23], $0x80, s11, s23, $0xb8;
	[tilespmem:$0x1D100] =	vst v63  }
0x15b: {  	_ =	swait.ge [sflag:s17], $0x1400  }
0x15c: {  	[sflag:s17] =	ssyncset.done $0x0  }
0x15d: {  	[sflag:s17] =	ssyncadd.s32 $0xFFFFEC00  }
0x15e: {  	_ =	swait.ge [sflag:s18], $0x1400  }
0x15f: {  	[sflag:s18] =	ssyncset.done $0x0  }
0x160: {  	[sflag:s18] =	ssyncadd.s32 $0xFFFFEC00  }
0x161: {  	_ =	swait.ge [sflag:s2], $0x1400  }
0x162: {  	[sflag:s2] =	ssyncset.done $0x0  }
0x163: {  	s23 =	simm.s32 $0x0;
	[sflag:s2] =	ssyncadd.s32 $0xFFFFEC00  }
0x164: {  	v1 =	vld [tilespmem:s23+$0x2D70]  }
0x165: {  	v2 =	vld [tilespmem:s23+$0x5570]  }
0x166: {  	v3 =	vld [tilespmem:s23+$0x2D00]  }
0x167: {  	v4 =	vld [tilespmem:s23+$0x5500]  }
0x168: {  	v5 =	vld [tilespmem:s23+$0x2D10]  }
0x169: {  	v6 =	vld [tilespmem:s23+$0x5510]  }
0x16a: {  	v7 =	vld [tilespmem:s23+$0x2D20]  }
0x16b: {  	v8 =	vld [tilespmem:s23+$0x2D30]  }
0x16c: {  	v1 =	vmul.f32 v2, v1;
	v2 =	vld [tilespmem:s23+$0x5520]  }
0x16d: {  	v9 =	vld [tilespmem:s23+$0x5530]  }
0x16e: {  	v10 =	vld [tilespmem:s23+$0x5540];
	v3 =	vmul.f32 v4, v3  }
0x16f: {  	[tilespmem:s23+$0x7D70] =	vst v1;
	v1 =	vmul.f32 v6, v5;
	v6 =	vld [tilespmem:s23+$0x2D40]  }
0x170: {  	v4 =	vld [tilespmem:s23+$0x5550];
	[tilespmem:s23+$0x7D00] =	vst v3  }
0x171: {  	v3 =	vld [tilespmem:s23+$0x2D50];
	[tilespmem:s23+$0x7D10] =	vst v1;
	v1 =	vmul.f32 v2, v7  }
0x172: {  	v5 =	vld [tilespmem:s23+$0x5560];
	v7 =	vmul.f32 v9, v8  }
0x173: {  	s11 =	simm.s32 $0x80;
	[tilespmem:s23+$0x7D20] =	vst v1;
	v1 =	vld [tilespmem:s23+$0x2D60]  }
0x174: {  	s24 =	simm.s32 $0x400;
	v6 =	vmul.f32 v10, v6;
	v2 =	vld [tilespmem:s11+$0x2D70];
	[tilespmem:s23+$0x7D30] =	vst v7  }
.LBB2_11:
0x175: {  	p1 =	sne.s32 s24, $0x4E00;
	v7 =	vld [tilespmem:s11+$0x5570]  }
0x176: {  	v8 =	vld [tilespmem:s11+$0x2D00];
	[tilespmem:s23+$0x7D40] =	vst v6;
	v3 =	vmul.f32 v4, v3  }
0x177: {  	v4 =	vld [tilespmem:s11+$0x5500]  }
0x178: {  	v6 =	vld [tilespmem:s11+$0x2D10];
	[tilespmem:s23+$0x7D50] =	vst v3;
	v1 =	vmul.f32 v5, v1  }
0x179: {  	v3 =	vld [tilespmem:s11+$0x5510]  }
0x17a: {  	v5 =	vld [tilespmem:s11+$0x2D20];
	v2 =	vmul.f32 v7, v2;
	[tilespmem:s23+$0x7D60] =	vst v1;
	s23 =	smov.u32 s11  }
0x17b: {  	v1 =	vld [tilespmem:s23+$0x5520]  }
0x17c: {  	v4 =	vmul.f32 v4, v8;
	v7 =	vld [tilespmem:s23+$0x2D30];
	[tilespmem:s23+$0x7D70] =	vst v2  }
0x17d: {  	v2 =	vld [tilespmem:s23+$0x5530]  }
0x17e: {  	[tilespmem:s23+$0x7D00] =	vst v4;
	v3 =	vmul.f32 v3, v6;
	v6 =	vld [tilespmem:s23+$0x2D40]  }
0x17f: {  	v8 =	vld [tilespmem:s23+$0x5540]  }
.Ltmp6:
0x180: {  	[tilespmem:s23+$0x7D10] =	vst v3;
	v1 =	vmul.f32 v1, v5;
	v3 =	vld [tilespmem:s23+$0x2D50];
	(pc) =	sbr.rel @p1 .LBB2_11-.Ltmp6, $4  }
0x181: {  	v4 =	vld [tilespmem:s23+$0x5550]  }
0x182: {  	[tilespmem:s23+$0x7D20] =	vst v1;
	v7 =	vmul.f32 v2, v7;
	v1 =	vld [tilespmem:s23+$0x2D60]  }
0x183: {  	s11 =	sshra.s32 s24, $0x2;
	v5 =	vld [tilespmem:s23+$0x5560]  }
0x184: {  	s24 =	sadd.s32 $0x200, s24;
	v2 =	vld [tilespmem:s11+$0x2D70];
	[tilespmem:s23+$0x7D30] =	vst v7;
	v6 =	vmul.f32 v8, v6  }
0x185: {  	v7 =	vld [tilespmem:s11+$0x5570]  }
0x186: {  	v8 =	vld [tilespmem:s11+$0x2D00];
	[tilespmem:s23+$0x7D40] =	vst v6;
	v3 =	vmul.f32 v4, v3  }
0x187: {  	v57 =	vld [tilespmem:s11+$0x5500]  }
0x188: {  	v6 =	vld [tilespmem:s11+$0x2D10];
	[tilespmem:s23+$0x7D50] =	vst v3;
	v1 =	vmul.f32 v5, v1  }
0x189: {  	v3 =	vld [tilespmem:s11+$0x5510]  }
0x18a: {  	v58 =	vld [tilespmem:s11+$0x2D20];
	[tilespmem:s23+$0x7D60] =	vst v1  }
0x18b: {  	v1 =	vmul.f32 v7, v2;
	v2 =	vld [tilespmem:s11+$0x5520]  }
0x18c: {  	v59 =	vld [tilespmem:s11+$0x2D30]  }
0x18d: {  	v60 =	vld [tilespmem:s11+$0x2D40]  }
0x18e: {  	v61 =	vld [tilespmem:s11+$0x5540]  }
0x18f: {  	v62 =	vld [tilespmem:s11+$0x5550]  }
0x190: {  	[tilespmem:s11+$0x7D70] =	vst v1;
	v1 =	vld [tilespmem:s11+$0x5530];
	v3 =	vmul.f32 v3, v6  }
0x191: {  	v63 =	vld [tilespmem:s11+$0x5560];
	v2 =	vmul.f32 v2, v58  }
0x192: {  	[tilespmem:s11+$0x7D10] =	vst v3;
	v3 =	vld [tilespmem:s11+$0x2D50]  }
0x193: {  	[tilespmem:s11+$0x7D20] =	vst v2;
	v2 =	vld [tilespmem:s11+$0x2D60]  }
0x194: {  	v4 =	vmul.f32 v57, v8  }
0x195: {  	v1 =	vmul.f32 v1, v59  }
0x196: {  	[tilespmem:s11+$0x7D00] =	vst v4;
	v4 =	vmul.f32 v61, v60  }
.Ltmp7:
0x197: {  	[tilespmem:s11+$0x7D30] =	vst v1;
	v1 =	vmul.f32 v62, v3;
	(pc) =	sbr.rel @p0 .LBB2_14-.Ltmp7, $4  }
0x198: {  	[tilespmem:s11+$0x7D40] =	vst v4;
	v2 =	vmul.f32 v63, v2  }
0x199: {  	[tilespmem:s11+$0x7D50] =	vst v1  }
0x19a: {  	s25 =	sadd.s32 $0xCA8, s22;
	[tilespmem:s11+$0x7D60] =	vst v2  }
0x19b: {  	[spmem:s3] =	stream.indirect.scatter.add.f32 [tilespmem:s19], [sflag:$0x6], $0x80, s25, s8, $0xb8;
	[tilespmem:$0x1D100] =	vst v63  }
0x19c: {  	s11 =	smul.u32 $0x50, s7;
	_ =	sdelay $0x1  }
0x19d: {  	s11 =	sadd.s32 $0x78, s11  }
0x19e: {  	s22 =	sadd.s32 s6, s11  }
.Ltmp8:
0x19f: {  	s22 =	sshll.u32 s22, $0x4;
	(pc) =	sbr.rel .LBB2_8-.Ltmp8, $4  }
0x1a0: {  	s22 =	sadd.s32 s5, s22  }
0x1a1: {  	[tilespmem:s12], [sflag:$0x4] =	stream.linear.gather [hbm4b:s22+s4], $0x1400, $0x38;
	[tilespmem:$0x1D100] =	vst v63  }
0x1a2: {  	s7 =	sadd.s32 $0x1, s7  }
0x1a3: {  	[tilespmem:s13], [sflag:$0x2] =	stream.indirect.gather [hbm4b:s0+s8], $0x80, s11, s8, $0xb8;
	[tilespmem:$0x1D100] =	vst v63  }
.LBB2_15:
0x1a4: {  	_ =	sfence.sel $0x180000  }
0x1a5: {  	[bflag:$0x0] =	sbarrier.arrive $0xFFFF  }
0x1a6: {  	_ =	strace $0x90000047  }
0x1a7: {  	s0 =	stileid.u32;
	[bflag:$0x2] =	sbarrier.arrive $0xFFFF  }
0x1a8: {  	p0 =	sne.s32 s0, $0x0;
	s0 =	rddreg [dreg:$0x5]  }
0x1a9: {  	s0 =	sadd.s32 @!p0 $0x100000, s0  }
0x1aa: {  	[sflag:s0] =	ssyncadd.tile.s32 @!p0 $0x1;
	_ =	shalt  }
.Lfunc_end2:
_tile_overlayer_lowered:
.L_overlay_start_2:
0x1ab: {  	(tag) =	ssettag $0x2  }
0x1ac: {  	s0 =	rddreg [dreg:$0x0];
	s2 =	stileid.u32  }
0x1ad: {  	s1 =	rddreg [dreg:$0x1];
	p0 =	sne.s32 s2, $0x0  }
0x1ae: {  	s3 =	rddreg [dreg:$0x2];
	[bflag:$0x3] =	sbarrier.arrive $0xFFFF;
	s2 =	simm.s32 @!p0 $0x1C07  }
0x1af: {  	[timem:s3], [sflag:s2] =	dma.local @!p0 [hbm:s0], s1  }
0x1b0: {  	s0 =	simm.s32 @!p0 $0x7  }
0x1b1: {  	_ =	swait.ge @!p0 [sflag:s0], s1  }
0x1b2: {  	s1 =	ssub.s32 @!p0 $0x0, s1;
	[sflag:s0] =	ssyncset.done @!p0 $0x0  }
0x1b3: {  	[sflag:s0] =	ssyncadd.s32 @!p0 s1  }
0x1b4: {  	[bflag:$0x3] =	sbarrier.arrive $0xFFFF  }
0x1b5: {  	_ =	shalt  }

// kernel: kernel.13.cloned.1.call-start
scs
__scs_entry_jumppad:
0x0: {  	(pc) =	sbr.rel $0x88, $3  }
0x1: {  	(tag) =	ssettag $0x0;
	lr =	simm.s32 $0x1  }
0x2: {  	[smem:$0x3F92] =	sst lr;
	_ =	strace $0xD0000000  }
0x3: {  	_ = 	snop  }
0x4: {  	_ = 	snop  }
0x5: {  	_ = 	snop  }
0x6: {  	_ = 	snop  }
0x7: {  	_ = 	snop  }
__scs_overlays_trampoline_lowered:
0x8: {  	[smem:$0x3FA1] =	sst s0  }
0x9: {  	[smem:$0x3FA2] =	sst s1  }
0xa: {  	[smem:$0x3FA3] =	sst s2  }
0xb: {  	[smem:$0x3FA4] =	sst s3  }
0xc: {  	[smem:$0x3FA5] =	sst s4  }
0xd: {  	[smem:$0x3FA6] =	sst s5  }
0xe: {  	[smem:$0x3FA7] =	sst s6  }
0xf: {  	[smem:$0x3FA8] =	sst s7  }
0x10: {  	[smem:$0x3FA9] =	sst s8  }
0x11: {  	[smem:$0x3FAA] =	sst s9;
	s0 =	simm.s32 @!p0 $0x0  }
0x12: {  	s1 =	sld [smem:$0x3F90];
	s0 =	simm.s32 @p0 $0x1  }
0x13: {  	[smem:$0x3FAB] =	sst s0;
	s0 =	simm.s32 @!p1 $0x0  }
0x14: {  	s2 =	sld [smem:$0x3F8F];
	s0 =	simm.s32 @p1 $0x1  }
0x15: {  	[smem:$0x3FAC] =	sst s0;
	s0 =	simm.s32 @!p2 $0x0  }
0x16: {  	s3 =	sld [smem:$0x3FDB];
	s0 =	simm.s32 @p2 $0x1  }
0x17: {  	s4 =	simm.s32 $0x1BF5;
	[smem:$0x3FAE] =	sst s0  }
0x18: {  	s0 =	sld [smem:$0x3F91];
	_ =	swait.ge [sflag:s4], $0x0  }
0x19: {  	s7 =	sld [smem:$0x3F92]  }
0x1a: {  	s8 =	sadd.s32 $0xFFFFE003, lr  }
0x1b: {  	s9 =	sadd.s32 $0xFFFFFEF7, lr;
	s5 =	simm.s32 $0xFFFFFFFF;
	p2 =	slt.u32 s8, $0xFFFFF086  }
0x1c: {  	p1 =	slt.u32 s9, $0xF7A;
	s5 =	simm.s32 @!p2 $0x0  }
0x1d: {  	s5 =	simm.s32 @p1 $0x1;
	p0 =	seq.s32 s7, s2  }
0x1e: {  	s7 =	smul.u32 @!p0 $0xF7A, s2;
	p2 =	seq.s32 @!p0 s5, $0x0  }
0x1f: {  	s9 =	smul.u32 $0xF7A, s1;
	s8 =	simm.s32 @!p0 $0x1BF5;
	p2 =	por !p2, p0  }
0x20: {  	[sflag:s8] =	ssyncset.s32 @!p0 $0xFFFFF086;
	s6 =	sadd.s32 @!p0 s3, s7;
	s7 =	simm.s32 @!p0 $0x108  }
0x21: {  	s3 =	sadd.s32 s3, s9;
	s6 =	sadd.s32 @!p0 $0x88, s6;
	s7 =	simm.s32 @p2 $0x1082  }
0x22: {  	[simem:s7], [sflag:s8] =	dma.local @!p0 [hbm:s6], $0xF7A  }
0x23: {  	s9 =	sor.u32 $0xD0000000, s2;
	s6 =	simm.s32 $0x108;
	_ =	swait.ge @!p0 [sflag:s8], $0x0  }
0x24: {  	s3 =	sadd.s32 $0x88, s3;
	s6 =	simm.s32 @!p1 $0x1082;
	[sflag:s4] =	ssyncset.s32 $0xFFFFF086  }
0x25: {  	[simem:s6], [sflag:s4] =	dma.local [hbm:s3], $0xF7A  }
0x26: {  	[smem:$0x3F92] =	sst s1;
	(tag) =	ssettag s2;
	_ =	strace s9  }
0x27: {  	s1 =	sld [smem:$0x3FA2]  }
0x28: {  	s2 =	sld [smem:$0x3FA3]  }
0x29: {  	s4 =	sld [smem:$0x3FA5]  }
0x2a: {  	p0 =	seq.s32 s5, $0x0;
	s5 =	sld [smem:$0x3FA6]  }
0x2b: {  	s6 =	sld [smem:$0x3FA7]  }
0x2c: {  	s7 =	sld [smem:$0x3FA8]  }
0x2d: {  	s3 =	simm.s32 $0x108;
	s8 =	sld [smem:$0x3FA9]  }
0x2e: {  	s3 =	simm.s32 @!p0 $0x1082;
	s9 =	sld [smem:$0x3FAA]  }
0x2f: {  	lr =	sadd.s32 s0, s3;
	s0 =	sld [smem:$0x3FA1]  }
0x30: {  	s3 =	sld [smem:$0x3FA4]  }
0x31: {  	[smem:$0x3FAD] =	sst s10  }
0x32: {  	s10 =	sld [smem:$0x3FAB];
	_ =	sdelay $0x3  }
0x33: {  	p0 =	seq.s32 s10, $0x1;
	s10 =	sld [smem:$0x3FAD];
	_ =	sdelay $0x3  }
0x34: {  	[smem:$0x3FAD] =	sst s10  }
0x35: {  	s10 =	sld [smem:$0x3FAC];
	_ =	sdelay $0x3  }
0x36: {  	p1 =	seq.s32 s10, $0x1;
	s10 =	sld [smem:$0x3FAD];
	_ =	sdelay $0x3  }
0x37: {  	[smem:$0x3FAD] =	sst s10  }
0x38: {  	s10 =	sld [smem:$0x3FAE]  }
0x39: {  	_ = 	snop;
	(pc) =	sbr.ind lr, $3  }
0x3a: {  	_ = 	snop  }
0x3b: {  	_ = 	snop  }
0x3c: {  	p2 =	seq.s32 s10, $0x1;
	s10 =	sld [smem:$0x3FAD]  }
0x3d: {  	_ =	shalt  }
0x3e: {  	_ =	shalt  }
0x3f: {  	_ =	shalt  }
0x40: {  	_ =	shalt  }
0x41: {  	_ =	shalt  }
0x42: {  	_ =	shalt  }
0x43: {  	_ =	shalt  }
0x44: {  	_ =	shalt  }
0x45: {  	_ =	shalt  }
0x46: {  	_ =	shalt  }
0x47: {  	_ =	shalt  }
0x48: {  	_ =	shalt  }
0x49: {  	_ =	shalt  }
0x4a: {  	_ =	shalt  }
0x4b: {  	_ =	shalt  }
0x4c: {  	_ =	shalt  }
0x4d: {  	_ =	shalt  }
0x4e: {  	_ =	shalt  }
0x4f: {  	_ =	shalt  }
0x50: {  	_ =	shalt  }
0x51: {  	_ =	shalt  }
0x52: {  	_ =	shalt  }
0x53: {  	_ =	shalt  }
0x54: {  	_ =	shalt  }
0x55: {  	_ =	shalt  }
0x56: {  	_ =	shalt  }
0x57: {  	_ =	shalt  }
0x58: {  	_ =	shalt  }
0x59: {  	_ =	shalt  }
0x5a: {  	_ =	shalt  }
0x5b: {  	_ =	shalt  }
0x5c: {  	_ =	shalt  }
0x5d: {  	_ =	shalt  }
0x5e: {  	_ =	shalt  }
0x5f: {  	_ =	shalt  }
0x60: {  	_ =	shalt  }
0x61: {  	_ =	shalt  }
0x62: {  	_ =	shalt  }
0x63: {  	_ =	shalt  }
0x64: {  	_ =	shalt  }
0x65: {  	_ =	shalt  }
0x66: {  	_ =	shalt  }
0x67: {  	_ =	shalt  }
0x68: {  	_ =	shalt  }
0x69: {  	_ =	shalt  }
0x6a: {  	_ =	shalt  }
0x6b: {  	_ =	shalt  }
0x6c: {  	_ =	shalt  }
0x6d: {  	_ =	shalt  }
0x6e: {  	_ =	shalt  }
0x6f: {  	_ =	shalt  }
0x70: {  	_ =	shalt  }
0x71: {  	_ =	shalt  }
0x72: {  	_ =	shalt  }
0x73: {  	_ =	shalt  }
0x74: {  	_ =	shalt  }
0x75: {  	_ =	shalt  }
0x76: {  	_ =	shalt  }
0x77: {  	_ =	shalt  }
0x78: {  	_ =	shalt  }
0x79: {  	_ =	shalt  }
0x7a: {  	_ =	shalt  }
0x7b: {  	_ =	shalt  }
0x7c: {  	_ =	shalt  }
0x7d: {  	_ =	shalt  }
0x7e: {  	_ =	shalt  }
0x7f: {  	_ =	shalt  }
0x80: {  	_ =	shalt  }
0x81: {  	_ =	shalt  }
0x82: {  	_ =	shalt  }
0x83: {  	_ =	shalt  }
0x84: {  	_ =	shalt  }
0x85: {  	_ =	shalt  }
0x86: {  	_ =	shalt  }
0x87: {  	_ =	shalt  }
.Lfunc_end0:
.L_simem_size_0:
called_computation.1_lowered:
.L_overlay_start_0:
0x88: {  	s2 =	sld [smem:$0x3FD9]  }
0x89: {  	s3 =	sld [smem:$0x3FFE];
	_ =	sdelay $0x1  }
0x8a: {  	s1 =	srdreg.scid  }
0x8b: {  	s0 =	sand.u32 $0x1, s1  }
0x8c: {  	s17 =	sshll.u32 s0, $0xA;
	s2 =	sadd.s32 s3, s2  }
0x8d: {  	s2 =	sadd.s32 s2, s17  }
0x8e: {  	[smem:$0x3FB9] =	sst s2  }
0x8f: {  	_ = 	snop  }
0x90: {  	s2 =	sld [smem:$0x3FC7]  }
0x91: {  	s18 =	sld [smem:$0x3FC6]  }
0x92: {  	s4 =	sld [smem:$0x3FD0];
	(tm) =	ssettm $0x1  }
0x93: {  	s5 =	sld [smem:$0x3FFB];
	_ =	sdelay $0x3  }
0x94: {  	_ =	strace s5  }
0x95: {  	s5 =	sld [smem:$0x3FFC];
	_ =	sdelay $0x3  }
0x96: {  	_ =	strace s5  }
0x97: {  	s5 =	sld [smem:$0x3FFD];
	_ =	sdelay $0x3  }
0x98: {  	_ =	strace s5  }
0x99: {  	_ =	strace $0x8FFFFFFF  }
0x9a: {  	s19 =	sld [smem:$0x3FDB];
	_ =	sdelay $0x1  }
0x9b: {  	s6 =	simm.s32 $_scs_section_size  }
0x9c: {  	s7 =	simm.s32 $_size__tile_overlayer_lowered;
	s8 =	simm.s32 $_tile_overlayer_lowered  }
0x9d: {  	s22 =	simm.s32 $0x1BFF;
	s21 =	sshll.u32 s8, $0x1;
	s5 =	sadd.s32 s6, s19  }
0x9e: {  	s9 =	simm.s32 $0x0;
	s20 =	sshll.u32 s7, $0x1;
	s7 =	sadd.s32 s21, s5  }
0x9f: {  	[timem:s9], [sflag:s22] =	dma.local [hbm:s7], s20  }
0xa0: {  	_ =	swait.ge [sflag:s22], s20  }
0xa1: {  	s6 =	ssub.s32 $0x0, s20;
	[sflag:s22] =	ssyncset.done $0x0  }
0xa2: {  	[sflag:s22] =	ssyncadd.s32 s6;
	_ =	sdelay $0x1  }
0xa3: {  	s23 =	simm.s32 $0x1B8B  }
0xa4: {  	_ =	swait.ge [sflag:s23], $0x1  }
0xa5: {  	[sflag:s23] =	ssyncset.done $0x0  }
0xa6: {  	s25 =	simm.s32 $0x1B8E;
	s24 =	sld [smem:$0x3FFE];
	[sflag:s23] =	ssyncadd.s32 $0xFFFFFFFF  }
0xa7: {  	s26 =	simm.s32 $execute0_lowered;
	[smem:$0x3FD2] =	sst s25  }
0xa8: {  	s7 =	sshll.u32 s26, $0x1;
	_ =	strace $0x80000049;
	[dreg:$0x1] =	wrdreg $0xFFFFFFFF  }
0xa9: {  	s28 =	simm.s32 $_size_execute0_lowered;
	s5 =	sadd.s32 s5, s7;
	[dreg:$0x0] =	wrdreg $0x0  }
0xaa: {  	s7 =	sshll.u32 s28, $0x1;
	[dreg:$0x2] =	wrdreg s5  }
0xab: {  	[dreg:$0x3] =	wrdreg s7  }
0xac: {  	[dreg:$0x4] =	wrdreg $0xC0  }
0xad: {  	_ =	task [dreg:s9], $0x5FFFF  }
0xae: {  	[dreg:$0x1] =	wrdreg $0xFFFFFFFF  }
0xaf: {  	[dreg:$0x0] =	wrdreg $0x60  }
0xb0: {  	[dreg:$0x2] =	wrdreg s4  }
0xb1: {  	[dreg:$0x3] =	wrdreg s18  }
0xb2: {  	[dreg:$0x4] =	wrdreg s2  }
0xb3: {  	[dreg:$0x5] =	wrdreg s24  }
0xb4: {  	[dreg:$0x6] =	wrdreg $0x91000  }
0xb5: {  	[dreg:$0x7] =	wrdreg $0x9  }
0xb6: {  	_ =	task.clear_ibuf [dreg:s9], $0x8FFFF;
	_ =	strace $0x90000049  }
0xb7: {  	s29 =	simm.s32 $0x9;
	_ =	strace $0x8000004B  }
0xb8: {  	_ =	swait.ge [sflag:s29], $0x1  }
0xb9: {  	[sflag:s29] =	ssyncadd.s32 $0xFFFFFFFF  }
0xba: {  	_ =	strace $0x9000004B  }
0xbb: {  	_ =	sfence  }
0xbc: {  	s30 =	sld [smem:$0x0];
	_ =	sdelay $0x2  }
0xbd: {  	s31 =	sshll.u32 s1, $0xD;
	s1 =	sshrl.u32 s1, $0x2  }
0xbe: {  	s3 =	sand.u32 $0x4000, s31;
	s1 =	sadd.s32 s1, s30  }
0xbf: {  	s0 =	sor.u32 s3, s0;
	s1 =	sshll.u32 s1, $0x11  }
0xc0: {  	s0 =	sor.u32 s1, s0  }
0xc1: {  	s0 =	sadd.s32 $0x8F2B, s0  }
0xc2: {  	[sflag:s0] =	ssyncadd.remote.s32 $0x1  }
0xc3: {  	_ =	sfence.sel $0xFFFF  }
0xc4: {  	[dreg:$0x0] =	wrdreg $0xFFFFFFFF;
	(pc) =	sbr.abs _section_cstart, $3  }
0xc5: {  	[dreg:$0x1] =	wrdreg $0xFFFFFFFF  }
0xc6: {  	_ =	task.clear_ibuf [dreg:s9], $0x2FFFF;
	_ =	strace $0x9FFFFFFF  }
0xc7: {  	(tm) =	ssettm $0x7FFFFFFF  }
tec
execute0_lowered:
.L_overlay_start_1:
0x0: {  	(tag) =	ssettag $0x1  }
0x1: {  	s0 =	rddreg [dreg:$0x0]  }
0x2: {  	s1 =	rddreg [dreg:$0x1]  }
0x3: {  	s2 =	rddreg [dreg:$0x2];
	s3 =	srdreg.scid  }
0x4: {  	s7 =	rddreg [dreg:$0x3];
	s18 =	stileid.u32;
	s4 =	simm.s32 $0x0  }
0x5: {  	s17 =	simm.s32 $0x7;
	s19 =	simm.s32 $0x4100;
	s20 =	simm.s32 $0x28  }
0x6: {  	s28 =	simm.s32 $0x6900;
	s30 =	simm.s32 $0x4;
	s31 =	simm.s32 $0x2  }
0x7: {  	s8 =	sand.u32 $0x1, s3;
	s3 =	rddreg [dreg:$0x4];
	s6 =	smul.u32 $0x14000, s18  }
0x8: {  	s29 =	simm.s32 $0x6;
	[smem:$0x7FF] =	sst s4;
	s12 =	smul.u32 $0x50000, s18  }
0x9: {  	s26 =	sshll.u32 s18, $0x6;
	s5 =	smul.u32 $0x140000, s8;
	s9 =	sshll.u32 s8, $0x4  }
0xa: {  	_ =	strace $0x8000004A;
	s8 =	ssub.s32 $0x2, s8;
	s9 =	sor.u32 s18, s9  }
0xb: {  	s11 =	sshrl.u32 s8, $0x1;
	s24 =	sshrl.u32 s12, $0x2;
	s5 =	sadd.s32 s6, s5  }
0xc: {  	s12 =	simm.s32 $0xC80;
	s10 =	sshrl.u32 s5, $0x3;
	s5 =	smul.u32 $0xC80, s9  }
0xd: {  	s6 =	sadd.s32 $0x1E2800, s7;
	s11 =	ssub.s32 s8, s11;
	s9 =	smul.u32 $0xC800, s9  }
0xe: {  	s16 =	smax.u32 s11, $0x1;
	s7 =	sadd.s32 s10, s7;
	s21 =	sshrl.u32 s5, $0x3  }
0xf: {  	s8 =	sadd.s32 s6, s9;
	s25 =	sadd.s32 $0x192800, s7;
	s15 =	sadd.s32 $0x2800, s7  }
0x10: {  	s7 =	simm.s32 $0x0;
	s10 =	sadd.s32 $0x3200, s21;
	s23 =	sadd.s32 $0x280, s8  }
0x11: {  	[dreg:$0xa] =	wrdreg s25;
	s13 =	sadd.s32 $0x500, s8;
	s14 =	sadd.s32 $0x780, s8  }
.Ltmp0:
0x12: {  	s1 =	sadd.s32 s1, s10;
	[dreg:$0x8] =	wrdreg s23;
	(pc) =	sbr.rel .LBB2_1-.Ltmp0, $4  }
0x13: {  	s25 =	simm.s32 $0x3;
	s22 =	sadd.s32 s2, s10;
	[dreg:$0x6] =	wrdreg s1  }
0x14: {  	s23 =	simm.s32 $0x2D00;
	s2 =	simm.s32 $0x5;
	[dreg:$0x7] =	wrdreg s22  }
0x15: {  	s1 =	sadd.s32 s24, s3;
	s22 =	simm.s32 $0x5500;
	s24 =	sor.u32 $0x1C07, s26  }
0x16: {  	s26 =	simm.s32 $0x1;
	[dreg:$0x9] =	wrdreg s1;
	s1 =	simm.s32 $0x7D00  }
.LBB2_12:
0x17: {  	_ =	swait.ge [sflag:s2], $0x1400  }
0x18: {  	[sflag:s2] =	ssyncset.done $0x0  }
0x19: {  	[sflag:s2] =	ssyncadd.s32 $0xFFFFEC00  }
0x1a: {  	_ =	swait.ge [sflag:s29], $0x1400  }
0x1b: {  	s7 =	sadd.s32 $0x1, s7;
	[sflag:s29] =	ssyncset.done $0x0  }
0x1c: {  	p0 =	sne.s32 s7, s16;
	[sflag:s29] =	ssyncadd.s32 $0xFFFFEC00  }
.Ltmp1:
0x1d: {  	[bflag:$0x0] =	sbarrier.arrive $0xFFFF;
	(pc) =	sbr.rel @!p0 .LBB2_13-.Ltmp1, $4  }
0x1e: {  	[hbm:s15], [sflag:s24] =	dma.local [spmem:s9], $0x2800  }
0x1f: {  	_ =	swait.ge [sflag:s17], $0x2800  }
0x20: {  	[sflag:s17] =	ssyncset.done $0x0  }
0x21: {  	s12 =	simm.s32 $0xC80;
	s19 =	simm.s32 $0x4100;
	[sflag:s17] =	ssyncadd.s32 $0xFFFFD800  }
.LBB2_1:
0x22: {  	s9 =	rddreg [dreg:$0x6]  }
0x23: {  	[tilespmem:s4], [sflag:$0x7] =	stream.linear.gather [hbm4b:s9+s4], $0xC80, $0x38;
	[tilespmem:$0x1D100] =	vst v63  }
0x24: {  	_ =	swait.ge [sflag:s17], $0xC80  }
0x25: {  	[sflag:s17] =	ssyncset.done $0x0  }
0x26: {  	s10 =	rddreg [dreg:$0x7];
	[sflag:s17] =	ssyncadd.s32 $0xFFFFF380  }
0x27: {  	[tilespmem:s12], [sflag:$0x7] =	stream.linear.gather [hbm4b:s10+s4], $0xC80, $0x38;
	[tilespmem:$0x1D100] =	vst v63  }
0x28: {  	_ =	swait.ge [sflag:s17], $0xC80  }
0x29: {  	[sflag:s17] =	ssyncset.done $0x0  }
0x2a: {  	[sflag:s17] =	ssyncadd.s32 $0xFFFFF380  }
0x2b: {  	[tilespmem:s19], [sflag:$0x3] =	stream.linear.gather [hbm4b:s8+s4], $0x1400, $0x38;
	[tilespmem:$0x1D100] =	vst v63  }
0x2c: {  	s11 =	simm.s32 $0x1900;
	s18 =	rddreg [dreg:$0x8]  }
0x2d: {  	[tilespmem:s11], [sflag:$0x1] =	stream.indirect.gather [hbm4b:s0+s20], $0x80, s4, s20, $0xb8;
	[tilespmem:$0x1D100] =	vst v63  }
0x2e: {  	s21 =	rddreg [dreg:$0x9]  }
0x2f: {  	[tilespmem:s22], [sflag:$0x4] =	stream.linear.gather [hbm4b:s18+s4], $0x1400, $0x38;
	[tilespmem:$0x1D100] =	vst v63  }
0x30: {  	s10 =	rddreg [dreg:$0xa];
	s9 =	sshrl.u32 s21, $0x3  }
0x31: {  	[tilespmem:s23], [sflag:$0x2] =	stream.indirect.gather [hbm4b:s0+s20], $0x80, s20, s20, $0xb8;
	[tilespmem:$0x1D100] =	vst v63  }
0x32: {  	[spmem:s9], [sflag:s24] =	dma.local [hbm:s10], $0x2800  }
0x33: {  	_ =	swait.ge [sflag:s17], $0x2800  }
0x34: {  	[sflag:s17] =	ssyncset.done $0x0  }
0x35: {  	[sflag:s17] =	ssyncadd.s32 $0xFFFFD800  }
0x36: {  	[bflag:$0x0] =	sbarrier.arrive $0xFFFF  }
0x37: {  	_ =	swait.ge [sflag:s25], $0x1400  }
0x38: {  	[sflag:s25] =	ssyncset.done $0x0  }
0x39: {  	[sflag:s25] =	ssyncadd.s32 $0xFFFFEC00  }
0x3a: {  	_ =	swait.ge [sflag:s26], $0x1400  }
0x3b: {  	[sflag:s26] =	ssyncset.done $0x0  }
0x3c: {  	s10 =	simm.s32 $0x0;
	[sflag:s26] =	ssyncadd.s32 $0xFFFFEC00  }
0x3d: {  	v0 =	vld [tilespmem:s10+$0x1970]  }
0x3e: {  	v1 =	vld [tilespmem:s10+$0x4170]  }
0x3f: {  	v2 =	vld [tilespmem:s10+$0x1900]  }
0x40: {  	v3 =	vld [tilespmem:s10+$0x4100]  }
0x41: {  	v4 =	vld [tilespmem:s10+$0x1910]  }
0x42: {  	v5 =	vld [tilespmem:s10+$0x4110]  }
0x43: {  	v6 =	vld [tilespmem:s10+$0x1920]  }
0x44: {  	v7 =	vld [tilespmem:s10+$0x1930]  }
0x45: {  	v0 =	vmul.f32 v1, v0;
	v1 =	vld [tilespmem:s10+$0x4120]  }
0x46: {  	v8 =	vld [tilespmem:s10+$0x4130]  }
0x47: {  	v9 =	vld [tilespmem:s10+$0x4140];
	v2 =	vmul.f32 v3, v2  }
0x48: {  	[tilespmem:s10+$0x6970] =	vst v0;
	v0 =	vmul.f32 v5, v4;
	v5 =	vld [tilespmem:s10+$0x1940]  }
0x49: {  	v3 =	vld [tilespmem:s10+$0x4150];
	[tilespmem:s10+$0x6900] =	vst v2  }
0x4a: {  	v2 =	vld [tilespmem:s10+$0x1950];
	[tilespmem:s10+$0x6910] =	vst v0;
	v0 =	vmul.f32 v1, v6  }
0x4b: {  	v4 =	vld [tilespmem:s10+$0x4160];
	v6 =	vmul.f32 v8, v7  }
0x4c: {  	s18 =	simm.s32 $0x80;
	[tilespmem:s10+$0x6920] =	vst v0;
	v0 =	vld [tilespmem:s10+$0x1960]  }
0x4d: {  	s11 =	simm.s32 $0x400;
	v5 =	vmul.f32 v9, v5;
	v1 =	vld [tilespmem:s18+$0x1970];
	[tilespmem:s10+$0x6930] =	vst v6  }
.LBB2_2:
0x4e: {  	p0 =	sne.s32 s11, $0x4E00;
	v6 =	vld [tilespmem:s18+$0x4170]  }
0x4f: {  	v7 =	vld [tilespmem:s18+$0x1900];
	[tilespmem:s10+$0x6940] =	vst v5;
	v2 =	vmul.f32 v3, v2  }
0x50: {  	v3 =	vld [tilespmem:s18+$0x4100]  }
0x51: {  	v5 =	vld [tilespmem:s18+$0x1910];
	[tilespmem:s10+$0x6950] =	vst v2;
	v0 =	vmul.f32 v4, v0  }
0x52: {  	v2 =	vld [tilespmem:s18+$0x4110]  }
0x53: {  	v4 =	vld [tilespmem:s18+$0x1920];
	v1 =	vmul.f32 v6, v1;
	[tilespmem:s10+$0x6960] =	vst v0;
	s10 =	smov.u32 s18  }
0x54: {  	v0 =	vld [tilespmem:s10+$0x4120]  }
0x55: {  	v3 =	vmul.f32 v3, v7;
	v6 =	vld [tilespmem:s10+$0x1930];
	[tilespmem:s10+$0x6970] =	vst v1  }
0x56: {  	v1 =	vld [tilespmem:s10+$0x4130]  }
0x57: {  	[tilespmem:s10+$0x6900] =	vst v3;
	v2 =	vmul.f32 v2, v5;
	v5 =	vld [tilespmem:s10+$0x1940]  }
0x58: {  	v7 =	vld [tilespmem:s10+$0x4140]  }
.Ltmp2:
0x59: {  	[tilespmem:s10+$0x6910] =	vst v2;
	v0 =	vmul.f32 v0, v4;
	v2 =	vld [tilespmem:s10+$0x1950];
	(pc) =	sbr.rel @p0 .LBB2_2-.Ltmp2, $4  }
0x5a: {  	v3 =	vld [tilespmem:s10+$0x4150]  }
0x5b: {  	[tilespmem:s10+$0x6920] =	vst v0;
	v6 =	vmul.f32 v1, v6;
	v0 =	vld [tilespmem:s10+$0x1960]  }
0x5c: {  	s18 =	sshra.s32 s11, $0x2;
	v4 =	vld [tilespmem:s10+$0x4160]  }
0x5d: {  	s11 =	sadd.s32 $0x200, s11;
	v1 =	vld [tilespmem:s18+$0x1970];
	[tilespmem:s10+$0x6930] =	vst v6;
	v5 =	vmul.f32 v7, v5  }
0x5e: {  	v6 =	vld [tilespmem:s18+$0x4170]  }
0x5f: {  	v7 =	vld [tilespmem:s18+$0x1900];
	[tilespmem:s10+$0x6940] =	vst v5;
	v2 =	vmul.f32 v3, v2  }
0x60: {  	v3 =	vld [tilespmem:s18+$0x4100]  }
0x61: {  	v5 =	vld [tilespmem:s18+$0x1910];
	[tilespmem:s10+$0x6950] =	vst v2;
	v0 =	vmul.f32 v4, v0  }
0x62: {  	v2 =	vld [tilespmem:s18+$0x4110]  }
0x63: {  	v4 =	vld [tilespmem:s18+$0x1920];
	[tilespmem:s10+$0x6960] =	vst v0  }
0x64: {  	v0 =	vmul.f32 v6, v1;
	v1 =	vld [tilespmem:s18+$0x4120]  }
0x65: {  	v6 =	vld [tilespmem:s18+$0x1930]  }
0x66: {  	v3 =	vmul.f32 v3, v7;
	[tilespmem:s18+$0x6970] =	vst v0;
	v0 =	vld [tilespmem:s18+$0x4130]  }
0x67: {  	v7 =	vld [tilespmem:s18+$0x4160]  }
0x68: {  	[tilespmem:s18+$0x6900] =	vst v3;
	v2 =	vmul.f32 v2, v5;
	v3 =	vld [tilespmem:s18+$0x1940]  }
0x69: {  	v5 =	vld [tilespmem:s18+$0x4140]  }
0x6a: {  	[tilespmem:s18+$0x6910] =	vst v2;
	v1 =	vmul.f32 v1, v4;
	v2 =	vld [tilespmem:s18+$0x1950]  }
0x6b: {  	v4 =	vld [tilespmem:s18+$0x4150]  }
0x6c: {  	[tilespmem:s18+$0x6920] =	vst v1;
	v1 =	vld [tilespmem:s18+$0x1960];
	_ =	sdelay $0x1  }
0x6d: {  	v0 =	vmul.f32 v0, v6  }
0x6e: {  	v3 =	vmul.f32 v5, v3  }
0x6f: {  	[tilespmem:s18+$0x6930] =	vst v0;
	v0 =	vmul.f32 v4, v2  }
0x70: {  	[tilespmem:s18+$0x6940] =	vst v3;
	v1 =	vmul.f32 v7, v1  }
0x71: {  	[tilespmem:s18+$0x6950] =	vst v0  }
0x72: {  	[tilespmem:s18+$0x6960] =	vst v1  }
0x73: {  	[spmem:s3] =	stream.indirect.scatter.add.f32 [tilespmem:s28], [sflag:$0x5], $0x80, s12, s20, $0xb8;
	[tilespmem:$0x1D100] =	vst v63  }
0x74: {  	s18 =	simm.s32 $0x0  }
0x75: {  	[tilespmem:s19], [sflag:$0x3] =	stream.linear.gather [hbm4b:s13+s18], $0x1400, $0x38;
	[tilespmem:$0x1D100] =	vst v63  }
0x76: {  	s21 =	simm.s32 $0x1900;
	s11 =	simm.s32 $0x50  }
0x77: {  	[tilespmem:s21], [sflag:$0x1] =	stream.indirect.gather [hbm4b:s0+s20], $0x80, s11, s20, $0xb8;
	[tilespmem:$0x1D100] =	vst v63  }
0x78: {  	_ =	swait.ge [sflag:s30], $0x1400  }
0x79: {  	[sflag:s30] =	ssyncset.done $0x0  }
0x7a: {  	[sflag:s30] =	ssyncadd.s32 $0xFFFFEC00  }
0x7b: {  	_ =	swait.ge [sflag:s31], $0x1400  }
0x7c: {  	[sflag:s31] =	ssyncset.done $0x0  }
0x7d: {  	s10 =	simm.s32 $0x0;
	[sflag:s31] =	ssyncadd.s32 $0xFFFFEC00  }
0x7e: {  	v0 =	vld [tilespmem:s10+$0x2D70]  }
0x7f: {  	v1 =	vld [tilespmem:s10+$0x5570]  }
0x80: {  	v2 =	vld [tilespmem:s10+$0x2D00]  }
0x81: {  	v3 =	vld [tilespmem:s10+$0x5500]  }
0x82: {  	v4 =	vld [tilespmem:s10+$0x2D10]  }
0x83: {  	v5 =	vld [tilespmem:s10+$0x5510]  }
0x84: {  	v6 =	vld [tilespmem:s10+$0x2D20]  }
0x85: {  	v7 =	vld [tilespmem:s10+$0x2D30]  }
0x86: {  	v0 =	vmul.f32 v1, v0;
	v1 =	vld [tilespmem:s10+$0x5520]  }
0x87: {  	v8 =	vld [tilespmem:s10+$0x5530]  }
0x88: {  	v9 =	vld [tilespmem:s10+$0x5540];
	v2 =	vmul.f32 v3, v2  }
0x89: {  	[tilespmem:s10+$0x7D70] =	vst v0;
	v0 =	vmul.f32 v5, v4;
	v5 =	vld [tilespmem:s10+$0x2D40]  }
0x8a: {  	v3 =	vld [tilespmem:s10+$0x5550];
	[tilespmem:s10+$0x7D00] =	vst v2  }
0x8b: {  	v2 =	vld [tilespmem:s10+$0x2D50];
	[tilespmem:s10+$0x7D10] =	vst v0;
	v0 =	vmul.f32 v1, v6  }
0x8c: {  	v4 =	vld [tilespmem:s10+$0x5560];
	v6 =	vmul.f32 v8, v7  }
0x8d: {  	s18 =	simm.s32 $0x80;
	[tilespmem:s10+$0x7D20] =	vst v0;
	v0 =	vld [tilespmem:s10+$0x2D60]  }
0x8e: {  	s11 =	simm.s32 $0x400;
	v5 =	vmul.f32 v9, v5;
	v1 =	vld [tilespmem:s18+$0x2D70];
	[tilespmem:s10+$0x7D30] =	vst v6  }
.LBB2_4:
0x8f: {  	p0 =	sne.s32 s11, $0x4E00;
	v6 =	vld [tilespmem:s18+$0x5570]  }
0x90: {  	v7 =	vld [tilespmem:s18+$0x2D00];
	[tilespmem:s10+$0x7D40] =	vst v5;
	v2 =	vmul.f32 v3, v2  }
0x91: {  	v3 =	vld [tilespmem:s18+$0x5500]  }
0x92: {  	v5 =	vld [tilespmem:s18+$0x2D10];
	[tilespmem:s10+$0x7D50] =	vst v2;
	v0 =	vmul.f32 v4, v0  }
0x93: {  	v2 =	vld [tilespmem:s18+$0x5510]  }
0x94: {  	v4 =	vld [tilespmem:s18+$0x2D20];
	v1 =	vmul.f32 v6, v1;
	[tilespmem:s10+$0x7D60] =	vst v0;
	s10 =	smov.u32 s18  }
0x95: {  	v0 =	vld [tilespmem:s10+$0x5520]  }
0x96: {  	v3 =	vmul.f32 v3, v7;
	v6 =	vld [tilespmem:s10+$0x2D30];
	[tilespmem:s10+$0x7D70] =	vst v1  }
0x97: {  	v1 =	vld [tilespmem:s10+$0x5530]  }
0x98: {  	[tilespmem:s10+$0x7D00] =	vst v3;
	v2 =	vmul.f32 v2, v5;
	v5 =	vld [tilespmem:s10+$0x2D40]  }
0x99: {  	v7 =	vld [tilespmem:s10+$0x5540]  }
.Ltmp3:
0x9a: {  	[tilespmem:s10+$0x7D10] =	vst v2;
	v0 =	vmul.f32 v0, v4;
	v2 =	vld [tilespmem:s10+$0x2D50];
	(pc) =	sbr.rel @p0 .LBB2_4-.Ltmp3, $4  }
0x9b: {  	v3 =	vld [tilespmem:s10+$0x5550]  }
0x9c: {  	[tilespmem:s10+$0x7D20] =	vst v0;
	v6 =	vmul.f32 v1, v6;
	v0 =	vld [tilespmem:s10+$0x2D60]  }
0x9d: {  	s18 =	sshra.s32 s11, $0x2;
	v4 =	vld [tilespmem:s10+$0x5560]  }
0x9e: {  	s11 =	sadd.s32 $0x200, s11;
	v1 =	vld [tilespmem:s18+$0x2D70];
	[tilespmem:s10+$0x7D30] =	vst v6;
	v5 =	vmul.f32 v7, v5  }
0x9f: {  	v6 =	vld [tilespmem:s18+$0x5570]  }
0xa0: {  	v7 =	vld [tilespmem:s18+$0x2D00];
	[tilespmem:s10+$0x7D40] =	vst v5;
	v2 =	vmul.f32 v3, v2  }
0xa1: {  	v51 =	vld [tilespmem:s18+$0x5500]  }
0xa2: {  	v5 =	vld [tilespmem:s18+$0x2D10];
	[tilespmem:s10+$0x7D50] =	vst v2;
	v0 =	vmul.f32 v4, v0  }
0xa3: {  	v2 =	vld [tilespmem:s18+$0x5510]  }
0xa4: {  	v52 =	vld [tilespmem:s18+$0x2D20];
	[tilespmem:s10+$0x7D60] =	vst v0  }
0xa5: {  	v54 =	vld [tilespmem:s18+$0x5520]  }
0xa6: {  	v55 =	vld [tilespmem:s18+$0x2D30]  }
0xa7: {  	v56 =	vld [tilespmem:s18+$0x5530]  }
0xa8: {  	v57 =	vld [tilespmem:s18+$0x2D40]  }
0xa9: {  	v58 =	vld [tilespmem:s18+$0x5540]  }
0xaa: {  	v59 =	vld [tilespmem:s18+$0x2D50]  }
0xab: {  	v53 =	vmul.f32 v6, v1;
	v60 =	vld [tilespmem:s18+$0x5550]  }
0xac: {  	v61 =	vld [tilespmem:s18+$0x2D60];
	v3 =	vmul.f32 v51, v7  }
0xad: {  	v62 =	vld [tilespmem:s18+$0x5560];
	[tilespmem:s18+$0x7D70] =	vst v53;
	v2 =	vmul.f32 v2, v5  }
0xae: {  	[tilespmem:s18+$0x7D00] =	vst v3;
	v1 =	vmul.f32 v54, v52  }
0xaf: {  	[tilespmem:s18+$0x7D10] =	vst v2;
	v0 =	vmul.f32 v56, v55  }
0xb0: {  	v3 =	vmul.f32 v58, v57;
	[tilespmem:s18+$0x7D20] =	vst v1  }
0xb1: {  	v63 =	vmul.f32 v60, v59;
	[tilespmem:s18+$0x7D30] =	vst v0  }
0xb2: {  	[tilespmem:s18+$0x7D40] =	vst v3;
	v1 =	vmul.f32 v62, v61  }
0xb3: {  	[tilespmem:s18+$0x7D50] =	vst v63  }
0xb4: {  	s19 =	simm.s32 $0xCA8;
	[tilespmem:s18+$0x7D60] =	vst v1  }
0xb5: {  	[spmem:s3] =	stream.indirect.scatter.add.f32 [tilespmem:s1], [sflag:$0x6], $0x80, s19, s20, $0xb8;
	[tilespmem:$0x1D100] =	vst v63  }
0xb6: {  	_ = 	snop  }
0xb7: {  	[tilespmem:s22], [sflag:$0x4] =	stream.linear.gather [hbm4b:s14+s4], $0x1400, $0x38;
	[tilespmem:$0x1D100] =	vst v63  }
0xb8: {  	s21 =	simm.s32 $0x78;
	s18 =	simm.s32 $0x1  }
0xb9: {  	[tilespmem:s23], [sflag:$0x2] =	stream.indirect.gather [hbm4b:s0+s20], $0x80, s21, s20, $0xb8;
	[tilespmem:$0x1D100] =	vst v63  }
.LBB2_6:
0xba: {  	_ =	swait.ge [sflag:s25], $0x1400  }
0xbb: {  	[sflag:s25] =	ssyncset.done $0x0  }
0xbc: {  	[sflag:s25] =	ssyncadd.s32 $0xFFFFEC00  }
0xbd: {  	_ =	swait.ge [sflag:s26], $0x1400  }
0xbe: {  	[sflag:s26] =	ssyncset.done $0x0  }
0xbf: {  	[sflag:s26] =	ssyncadd.s32 $0xFFFFEC00  }
0xc0: {  	_ =	swait.ge [sflag:s2], $0x1400  }
0xc1: {  	[sflag:s2] =	ssyncset.done $0x0  }
0xc2: {  	s10 =	simm.s32 $0x0;
	[sflag:s2] =	ssyncadd.s32 $0xFFFFEC00  }
0xc3: {  	v0 =	vld [tilespmem:s10+$0x1970]  }
0xc4: {  	v1 =	vld [tilespmem:s10+$0x4170]  }
0xc5: {  	v2 =	vld [tilespmem:s10+$0x1900]  }
0xc6: {  	v3 =	vld [tilespmem:s10+$0x4100]  }
0xc7: {  	v4 =	vld [tilespmem:s10+$0x1910]  }
0xc8: {  	v5 =	vld [tilespmem:s10+$0x4110]  }
0xc9: {  	v6 =	vld [tilespmem:s10+$0x1920]  }
0xca: {  	v7 =	vld [tilespmem:s10+$0x1930]  }
0xcb: {  	v0 =	vmul.f32 v1, v0;
	v1 =	vld [tilespmem:s10+$0x4120]  }
0xcc: {  	v8 =	vld [tilespmem:s10+$0x4130]  }
0xcd: {  	v9 =	vld [tilespmem:s10+$0x4140];
	v2 =	vmul.f32 v3, v2  }
0xce: {  	[tilespmem:s10+$0x6970] =	vst v0;
	v0 =	vmul.f32 v5, v4;
	v5 =	vld [tilespmem:s10+$0x1940]  }
0xcf: {  	v3 =	vld [tilespmem:s10+$0x4150];
	[tilespmem:s10+$0x6900] =	vst v2  }
0xd0: {  	v2 =	vld [tilespmem:s10+$0x1950];
	[tilespmem:s10+$0x6910] =	vst v0;
	v0 =	vmul.f32 v1, v6  }
0xd1: {  	v4 =	vld [tilespmem:s10+$0x4160];
	v6 =	vmul.f32 v8, v7  }
0xd2: {  	s19 =	simm.s32 $0x80;
	[tilespmem:s10+$0x6920] =	vst v0;
	v0 =	vld [tilespmem:s10+$0x1960]  }
0xd3: {  	s11 =	simm.s32 $0x400;
	v5 =	vmul.f32 v9, v5;
	v1 =	vld [tilespmem:s19+$0x1970];
	[tilespmem:s10+$0x6930] =	vst v6  }
.LBB2_7:
0xd4: {  	p0 =	sne.s32 s11, $0x4E00;
	v6 =	vld [tilespmem:s19+$0x4170]  }
0xd5: {  	v7 =	vld [tilespmem:s19+$0x1900];
	[tilespmem:s10+$0x6940] =	vst v5;
	v2 =	vmul.f32 v3, v2  }
0xd6: {  	v3 =	vld [tilespmem:s19+$0x4100]  }
0xd7: {  	v5 =	vld [tilespmem:s19+$0x1910];
	[tilespmem:s10+$0x6950] =	vst v2;
	v0 =	vmul.f32 v4, v0  }
0xd8: {  	v2 =	vld [tilespmem:s19+$0x4110]  }
0xd9: {  	v4 =	vld [tilespmem:s19+$0x1920];
	v1 =	vmul.f32 v6, v1;
	[tilespmem:s10+$0x6960] =	vst v0;
	s10 =	smov.u32 s19  }
0xda: {  	v0 =	vld [tilespmem:s10+$0x4120]  }
0xdb: {  	v3 =	vmul.f32 v3, v7;
	v6 =	vld [tilespmem:s10+$0x1930];
	[tilespmem:s10+$0x6970] =	vst v1  }
0xdc: {  	v1 =	vld [tilespmem:s10+$0x4130]  }
0xdd: {  	[tilespmem:s10+$0x6900] =	vst v3;
	v2 =	vmul.f32 v2, v5;
	v5 =	vld [tilespmem:s10+$0x1940]  }
0xde: {  	v7 =	vld [tilespmem:s10+$0x4140]  }
.Ltmp4:
0xdf: {  	[tilespmem:s10+$0x6910] =	vst v2;
	v0 =	vmul.f32 v0, v4;
	v2 =	vld [tilespmem:s10+$0x1950];
	(pc) =	sbr.rel @p0 .LBB2_7-.Ltmp4, $4  }
0xe0: {  	v3 =	vld [tilespmem:s10+$0x4150]  }
0xe1: {  	[tilespmem:s10+$0x6920] =	vst v0;
	v6 =	vmul.f32 v1, v6;
	v0 =	vld [tilespmem:s10+$0x1960]  }
0xe2: {  	s19 =	sshra.s32 s11, $0x2;
	v4 =	vld [tilespmem:s10+$0x4160]  }
0xe3: {  	s11 =	sadd.s32 $0x200, s11;
	v1 =	vld [tilespmem:s19+$0x1970];
	[tilespmem:s10+$0x6930] =	vst v6;
	v5 =	vmul.f32 v7, v5  }
0xe4: {  	v6 =	vld [tilespmem:s19+$0x4170]  }
0xe5: {  	v7 =	vld [tilespmem:s19+$0x1900];
	[tilespmem:s10+$0x6940] =	vst v5;
	v2 =	vmul.f32 v3, v2  }
0xe6: {  	v3 =	vld [tilespmem:s19+$0x4100]  }
0xe7: {  	v5 =	vld [tilespmem:s19+$0x1910];
	[tilespmem:s10+$0x6950] =	vst v2;
	v0 =	vmul.f32 v4, v0  }
0xe8: {  	v2 =	vld [tilespmem:s19+$0x4110]  }
0xe9: {  	v4 =	vld [tilespmem:s19+$0x1920];
	[tilespmem:s10+$0x6960] =	vst v0  }
0xea: {  	v0 =	vmul.f32 v6, v1;
	v1 =	vld [tilespmem:s19+$0x4120]  }
0xeb: {  	v6 =	vld [tilespmem:s19+$0x1930]  }
0xec: {  	v3 =	vmul.f32 v3, v7;
	[tilespmem:s19+$0x6970] =	vst v0;
	v0 =	vld [tilespmem:s19+$0x4130]  }
0xed: {  	v7 =	vld [tilespmem:s19+$0x4160]  }
0xee: {  	[tilespmem:s19+$0x6900] =	vst v3;
	v2 =	vmul.f32 v2, v5;
	v3 =	vld [tilespmem:s19+$0x1940]  }
0xef: {  	v5 =	vld [tilespmem:s19+$0x4140]  }
0xf0: {  	[tilespmem:s19+$0x6910] =	vst v2;
	v1 =	vmul.f32 v1, v4;
	v2 =	vld [tilespmem:s19+$0x1950]  }
0xf1: {  	v4 =	vld [tilespmem:s19+$0x4150]  }
0xf2: {  	[tilespmem:s19+$0x6920] =	vst v1;
	v1 =	vld [tilespmem:s19+$0x1960];
	_ =	sdelay $0x1  }
0xf3: {  	v0 =	vmul.f32 v0, v6  }
0xf4: {  	v3 =	vmul.f32 v5, v3  }
0xf5: {  	s21 =	smul.u32 $0x140, s18;
	[tilespmem:s19+$0x6930] =	vst v0;
	v0 =	vmul.f32 v4, v2  }
0xf6: {  	[tilespmem:s19+$0x6940] =	vst v3;
	v1 =	vmul.f32 v7, v1  }
0xf7: {  	p0 =	seq.s32 s18, $0x27;
	s10 =	sshra.s32 s21, $0x2;
	[tilespmem:s19+$0x6950] =	vst v0  }
0xf8: {  	s11 =	sadd.s32 $0xC80, s10;
	[tilespmem:s19+$0x6960] =	vst v1;
	s19 =	smul.u32 @!p0 $0x50, s18  }
0xf9: {  	[spmem:s3] =	stream.indirect.scatter.add.f32 [tilespmem:s28], [sflag:$0x5], $0x80, s11, s20, $0xb8;
	[tilespmem:$0x1D100] =	vst v63  }
0xfa: {  	s11 =	sadd.s32 @!p0 $0x50, s19  }
0xfb: {  	s19 =	sadd.s32 @!p0 s5, s11  }
0xfc: {  	s19 =	sshll.u32 @!p0 s19, $0x4  }
0xfd: {  	s12 =	simm.s32 @!p0 $0x4100;
	s21 =	simm.s32 @!p0 $0x0;
	s19 =	sadd.s32 @!p0 s6, s19  }
0xfe: {  	[tilespmem:s12], [sflag:$0x3] =	stream.linear.gather @!p0 [hbm4b:s19+s21], $0x1400, $0x38;
	[tilespmem:$0x1D100] =	vst v63  }
0xff: {  	s12 =	simm.s32 @!p0 $0x28;
	s19 =	simm.s32 @!p0 $0x1900  }
0x100: {  	[tilespmem:s19], [sflag:$0x1] =	stream.indirect.gather @!p0 [hbm4b:s0+s12], $0x80, s11, s12, $0xb8;
	[tilespmem:$0x1D100] =	vst v63  }
0x101: {  	_ =	swait.ge [sflag:s30], $0x1400  }
0x102: {  	[sflag:s30] =	ssyncset.done $0x0  }
0x103: {  	[sflag:s30] =	ssyncadd.s32 $0xFFFFEC00  }
0x104: {  	_ =	swait.ge [sflag:s31], $0x1400  }
0x105: {  	[sflag:s31] =	ssyncset.done $0x0  }
0x106: {  	[sflag:s31] =	ssyncadd.s32 $0xFFFFEC00  }
0x107: {  	_ =	swait.ge [sflag:s29], $0x1400  }
0x108: {  	[sflag:s29] =	ssyncset.done $0x0  }
0x109: {  	s19 =	simm.s32 $0x0;
	[sflag:s29] =	ssyncadd.s32 $0xFFFFEC00  }
0x10a: {  	v0 =	vld [tilespmem:s19+$0x2D70]  }
0x10b: {  	v1 =	vld [tilespmem:s19+$0x5570]  }
0x10c: {  	v2 =	vld [tilespmem:s19+$0x2D00]  }
0x10d: {  	v3 =	vld [tilespmem:s19+$0x5500]  }
0x10e: {  	v4 =	vld [tilespmem:s19+$0x2D10]  }
0x10f: {  	v5 =	vld [tilespmem:s19+$0x5510]  }
0x110: {  	v6 =	vld [tilespmem:s19+$0x2D20]  }
0x111: {  	v7 =	vld [tilespmem:s19+$0x2D30]  }
0x112: {  	v0 =	vmul.f32 v1, v0;
	v1 =	vld [tilespmem:s19+$0x5520]  }
0x113: {  	v8 =	vld [tilespmem:s19+$0x5530]  }
0x114: {  	v9 =	vld [tilespmem:s19+$0x5540];
	v2 =	vmul.f32 v3, v2  }
0x115: {  	[tilespmem:s19+$0x7D70] =	vst v0;
	v0 =	vmul.f32 v5, v4;
	v5 =	vld [tilespmem:s19+$0x2D40]  }
0x116: {  	v3 =	vld [tilespmem:s19+$0x5550];
	[tilespmem:s19+$0x7D00] =	vst v2  }
0x117: {  	v2 =	vld [tilespmem:s19+$0x2D50];
	[tilespmem:s19+$0x7D10] =	vst v0;
	v0 =	vmul.f32 v1, v6  }
0x118: {  	v4 =	vld [tilespmem:s19+$0x5560];
	v6 =	vmul.f32 v8, v7  }
0x119: {  	s11 =	simm.s32 $0x80;
	[tilespmem:s19+$0x7D20] =	vst v0;
	v0 =	vld [tilespmem:s19+$0x2D60]  }
0x11a: {  	s21 =	simm.s32 $0x400;
	v5 =	vmul.f32 v9, v5;
	v1 =	vld [tilespmem:s11+$0x2D70];
	[tilespmem:s19+$0x7D30] =	vst v6  }
.LBB2_9:
0x11b: {  	p1 =	sne.s32 s21, $0x4E00;
	v6 =	vld [tilespmem:s11+$0x5570]  }
0x11c: {  	v7 =	vld [tilespmem:s11+$0x2D00];
	[tilespmem:s19+$0x7D40] =	vst v5;
	v2 =	vmul.f32 v3, v2  }
0x11d: {  	v3 =	vld [tilespmem:s11+$0x5500]  }
0x11e: {  	v5 =	vld [tilespmem:s11+$0x2D10];
	[tilespmem:s19+$0x7D50] =	vst v2;
	v0 =	vmul.f32 v4, v0  }
0x11f: {  	v2 =	vld [tilespmem:s11+$0x5510]  }
0x120: {  	v4 =	vld [tilespmem:s11+$0x2D20];
	v1 =	vmul.f32 v6, v1;
	[tilespmem:s19+$0x7D60] =	vst v0;
	s19 =	smov.u32 s11  }
0x121: {  	v0 =	vld [tilespmem:s19+$0x5520]  }
0x122: {  	v3 =	vmul.f32 v3, v7;
	v6 =	vld [tilespmem:s19+$0x2D30];
	[tilespmem:s19+$0x7D70] =	vst v1  }
0x123: {  	v1 =	vld [tilespmem:s19+$0x5530]  }
0x124: {  	[tilespmem:s19+$0x7D00] =	vst v3;
	v2 =	vmul.f32 v2, v5;
	v5 =	vld [tilespmem:s19+$0x2D40]  }
0x125: {  	v7 =	vld [tilespmem:s19+$0x5540]  }
.Ltmp5:
0x126: {  	[tilespmem:s19+$0x7D10] =	vst v2;
	v0 =	vmul.f32 v0, v4;
	v2 =	vld [tilespmem:s19+$0x2D50];
	(pc) =	sbr.rel @p1 .LBB2_9-.Ltmp5, $4  }
0x127: {  	v3 =	vld [tilespmem:s19+$0x5550]  }
0x128: {  	[tilespmem:s19+$0x7D20] =	vst v0;
	v6 =	vmul.f32 v1, v6;
	v0 =	vld [tilespmem:s19+$0x2D60]  }
0x129: {  	s11 =	sshra.s32 s21, $0x2;
	v4 =	vld [tilespmem:s19+$0x5560]  }
0x12a: {  	s21 =	sadd.s32 $0x200, s21;
	v1 =	vld [tilespmem:s11+$0x2D70];
	[tilespmem:s19+$0x7D30] =	vst v6;
	v5 =	vmul.f32 v7, v5  }
0x12b: {  	v6 =	vld [tilespmem:s11+$0x5570]  }
0x12c: {  	v7 =	vld [tilespmem:s11+$0x2D00];
	[tilespmem:s19+$0x7D40] =	vst v5;
	v2 =	vmul.f32 v3, v2  }
0x12d: {  	v51 =	vld [tilespmem:s11+$0x5500]  }
0x12e: {  	v5 =	vld [tilespmem:s11+$0x2D10];
	[tilespmem:s19+$0x7D50] =	vst v2;
	v0 =	vmul.f32 v4, v0  }
0x12f: {  	v2 =	vld [tilespmem:s11+$0x5510]  }
0x130: {  	v52 =	vld [tilespmem:s11+$0x2D20];
	[tilespmem:s19+$0x7D60] =	vst v0  }
0x131: {  	v54 =	vld [tilespmem:s11+$0x5520]  }
0x132: {  	v55 =	vld [tilespmem:s11+$0x2D30]  }
0x133: {  	v56 =	vld [tilespmem:s11+$0x5530]  }
0x134: {  	v57 =	vld [tilespmem:s11+$0x2D40]  }
0x135: {  	v58 =	vld [tilespmem:s11+$0x5540]  }
0x136: {  	v59 =	vld [tilespmem:s11+$0x2D50]  }
0x137: {  	v53 =	vmul.f32 v6, v1;
	v60 =	vld [tilespmem:s11+$0x5550]  }
0x138: {  	v61 =	vld [tilespmem:s11+$0x2D60];
	v3 =	vmul.f32 v51, v7  }
0x139: {  	v62 =	vld [tilespmem:s11+$0x5560];
	[tilespmem:s11+$0x7D70] =	vst v53;
	v2 =	vmul.f32 v2, v5  }
0x13a: {  	[tilespmem:s11+$0x7D00] =	vst v3;
	v1 =	vmul.f32 v54, v52  }
0x13b: {  	[tilespmem:s11+$0x7D10] =	vst v2;
	v0 =	vmul.f32 v56, v55  }
0x13c: {  	v3 =	vmul.f32 v58, v57;
	[tilespmem:s11+$0x7D20] =	vst v1  }
.Ltmp6:
0x13d: {  	v63 =	vmul.f32 v60, v59;
	[tilespmem:s11+$0x7D30] =	vst v0;
	(pc) =	sbr.rel @p0 .LBB2_12-.Ltmp6, $4  }
0x13e: {  	[tilespmem:s11+$0x7D40] =	vst v3;
	v1 =	vmul.f32 v62, v61  }
0x13f: {  	[tilespmem:s11+$0x7D50] =	vst v63  }
0x140: {  	s10 =	sadd.s32 $0xCA8, s10;
	[tilespmem:s11+$0x7D60] =	vst v1  }
0x141: {  	[spmem:s3] =	stream.indirect.scatter.add.f32 [tilespmem:s1], [sflag:$0x6], $0x80, s10, s20, $0xb8;
	[tilespmem:$0x1D100] =	vst v63  }
0x142: {  	s10 =	smul.u32 $0x50, s18;
	_ =	sdelay $0x1  }
0x143: {  	s10 =	sadd.s32 $0x78, s10  }
0x144: {  	s11 =	sadd.s32 s5, s10  }
.Ltmp7:
0x145: {  	s11 =	sshll.u32 s11, $0x4;
	(pc) =	sbr.rel .LBB2_6-.Ltmp7, $4  }
0x146: {  	s11 =	sadd.s32 s6, s11  }
0x147: {  	[tilespmem:s22], [sflag:$0x4] =	stream.linear.gather [hbm4b:s11+s4], $0x1400, $0x38;
	[tilespmem:$0x1D100] =	vst v63  }
0x148: {  	s18 =	sadd.s32 $0x1, s18  }
0x149: {  	[tilespmem:s23], [sflag:$0x2] =	stream.indirect.gather [hbm4b:s0+s20], $0x80, s10, s20, $0xb8;
	[tilespmem:$0x1D100] =	vst v63  }
.LBB2_13:
0x14a: {  	_ =	sfence.sel $0x180000  }
0x14b: {  	[bflag:$0x0] =	sbarrier.arrive $0xFFFF  }
0x14c: {  	_ =	strace $0x9000004A  }
0x14d: {  	s0 =	stileid.u32;
	[bflag:$0x2] =	sbarrier.arrive $0xFFFF  }
0x14e: {  	p0 =	sne.s32 s0, $0x0;
	s0 =	rddreg [dreg:$0x5]  }
0x14f: {  	s0 =	sadd.s32 @!p0 $0x100000, s0  }
0x150: {  	[sflag:s0] =	ssyncadd.tile.s32 @!p0 $0x1;
	_ =	shalt  }
.Lfunc_end2:
_tile_overlayer_lowered:
.L_overlay_start_2:
0x151: {  	(tag) =	ssettag $0x2  }
0x152: {  	s0 =	rddreg [dreg:$0x0];
	s2 =	stileid.u32  }
0x153: {  	s1 =	rddreg [dreg:$0x1];
	p0 =	sne.s32 s2, $0x0  }
0x154: {  	s3 =	rddreg [dreg:$0x2];
	[bflag:$0x3] =	sbarrier.arrive $0xFFFF;
	s2 =	simm.s32 @!p0 $0x1C07  }
0x155: {  	[timem:s3], [sflag:s2] =	dma.local @!p0 [hbm:s0], s1  }
0x156: {  	s0 =	simm.s32 @!p0 $0x7  }
0x157: {  	_ =	swait.ge @!p0 [sflag:s0], s1  }
0x158: {  	s1 =	ssub.s32 @!p0 $0x0, s1;
	[sflag:s0] =	ssyncset.done @!p0 $0x0  }
0x159: {  	[sflag:s0] =	ssyncadd.s32 @!p0 s1  }
0x15a: {  	[bflag:$0x3] =	sbarrier.arrive $0xFFFF  }
0x15b: {  	_ =	shalt  }

// kernel: kernel.16.cloned.1.call-start
scs
__scs_entry_jumppad:
0x0: {  	(pc) =	sbr.rel $0x88, $3  }
0x1: {  	(tag) =	ssettag $0x0;
	lr =	simm.s32 $0x1  }
0x2: {  	[smem:$0x3F92] =	sst lr;
	_ =	strace $0xD0000000  }
0x3: {  	_ = 	snop  }
0x4: {  	_ = 	snop  }
0x5: {  	_ = 	snop  }
0x6: {  	_ = 	snop  }
0x7: {  	_ = 	snop  }
__scs_overlays_trampoline_lowered:
0x8: {  	[smem:$0x3FA1] =	sst s0  }
0x9: {  	[smem:$0x3FA2] =	sst s1  }
0xa: {  	[smem:$0x3FA3] =	sst s2  }
0xb: {  	[smem:$0x3FA4] =	sst s3  }
0xc: {  	[smem:$0x3FA5] =	sst s4  }
0xd: {  	[smem:$0x3FA6] =	sst s5  }
0xe: {  	[smem:$0x3FA7] =	sst s6  }
0xf: {  	[smem:$0x3FA8] =	sst s7  }
0x10: {  	[smem:$0x3FA9] =	sst s8  }
0x11: {  	[smem:$0x3FAA] =	sst s9;
	s0 =	simm.s32 @!p0 $0x0  }
0x12: {  	s1 =	sld [smem:$0x3F90];
	s0 =	simm.s32 @p0 $0x1  }
0x13: {  	[smem:$0x3FAB] =	sst s0;
	s0 =	simm.s32 @!p1 $0x0  }
0x14: {  	s2 =	sld [smem:$0x3F8F];
	s0 =	simm.s32 @p1 $0x1  }
0x15: {  	[smem:$0x3FAC] =	sst s0;
	s0 =	simm.s32 @!p2 $0x0  }
0x16: {  	s3 =	sld [smem:$0x3FDB];
	s0 =	simm.s32 @p2 $0x1  }
0x17: {  	s4 =	simm.s32 $0x1BF5;
	[smem:$0x3FAE] =	sst s0  }
0x18: {  	s0 =	sld [smem:$0x3F91];
	_ =	swait.ge [sflag:s4], $0x0  }
0x19: {  	s7 =	sld [smem:$0x3F92]  }
0x1a: {  	s8 =	sadd.s32 $0xFFFFE003, lr  }
0x1b: {  	s9 =	sadd.s32 $0xFFFFFEF7, lr;
	s5 =	simm.s32 $0xFFFFFFFF;
	p2 =	slt.u32 s8, $0xFFFFF086  }
0x1c: {  	p1 =	slt.u32 s9, $0xF7A;
	s5 =	simm.s32 @!p2 $0x0  }
0x1d: {  	s5 =	simm.s32 @p1 $0x1;
	p0 =	seq.s32 s7, s2  }
0x1e: {  	s7 =	smul.u32 @!p0 $0xF7A, s2;
	p2 =	seq.s32 @!p0 s5, $0x0  }
0x1f: {  	s9 =	smul.u32 $0xF7A, s1;
	s8 =	simm.s32 @!p0 $0x1BF5;
	p2 =	por !p2, p0  }
0x20: {  	[sflag:s8] =	ssyncset.s32 @!p0 $0xFFFFF086;
	s6 =	sadd.s32 @!p0 s3, s7;
	s7 =	simm.s32 @!p0 $0x108  }
0x21: {  	s3 =	sadd.s32 s3, s9;
	s6 =	sadd.s32 @!p0 $0x88, s6;
	s7 =	simm.s32 @p2 $0x1082  }
0x22: {  	[simem:s7], [sflag:s8] =	dma.local @!p0 [hbm:s6], $0xF7A  }
0x23: {  	s9 =	sor.u32 $0xD0000000, s2;
	s6 =	simm.s32 $0x108;
	_ =	swait.ge @!p0 [sflag:s8], $0x0  }
0x24: {  	s3 =	sadd.s32 $0x88, s3;
	s6 =	simm.s32 @!p1 $0x1082;
	[sflag:s4] =	ssyncset.s32 $0xFFFFF086  }
0x25: {  	[simem:s6], [sflag:s4] =	dma.local [hbm:s3], $0xF7A  }
0x26: {  	[smem:$0x3F92] =	sst s1;
	(tag) =	ssettag s2;
	_ =	strace s9  }
0x27: {  	s1 =	sld [smem:$0x3FA2]  }
0x28: {  	s2 =	sld [smem:$0x3FA3]  }
0x29: {  	s4 =	sld [smem:$0x3FA5]  }
0x2a: {  	p0 =	seq.s32 s5, $0x0;
	s5 =	sld [smem:$0x3FA6]  }
0x2b: {  	s6 =	sld [smem:$0x3FA7]  }
0x2c: {  	s7 =	sld [smem:$0x3FA8]  }
0x2d: {  	s3 =	simm.s32 $0x108;
	s8 =	sld [smem:$0x3FA9]  }
0x2e: {  	s3 =	simm.s32 @!p0 $0x1082;
	s9 =	sld [smem:$0x3FAA]  }
0x2f: {  	lr =	sadd.s32 s0, s3;
	s0 =	sld [smem:$0x3FA1]  }
0x30: {  	s3 =	sld [smem:$0x3FA4]  }
0x31: {  	[smem:$0x3FAD] =	sst s10  }
0x32: {  	s10 =	sld [smem:$0x3FAB];
	_ =	sdelay $0x3  }
0x33: {  	p0 =	seq.s32 s10, $0x1;
	s10 =	sld [smem:$0x3FAD];
	_ =	sdelay $0x3  }
0x34: {  	[smem:$0x3FAD] =	sst s10  }
0x35: {  	s10 =	sld [smem:$0x3FAC];
	_ =	sdelay $0x3  }
0x36: {  	p1 =	seq.s32 s10, $0x1;
	s10 =	sld [smem:$0x3FAD];
	_ =	sdelay $0x3  }
0x37: {  	[smem:$0x3FAD] =	sst s10  }
0x38: {  	s10 =	sld [smem:$0x3FAE]  }
0x39: {  	_ = 	snop;
	(pc) =	sbr.ind lr, $3  }
0x3a: {  	_ = 	snop  }
0x3b: {  	_ = 	snop  }
0x3c: {  	p2 =	seq.s32 s10, $0x1;
	s10 =	sld [smem:$0x3FAD]  }
0x3d: {  	_ =	shalt  }
0x3e: {  	_ =	shalt  }
0x3f: {  	_ =	shalt  }
0x40: {  	_ =	shalt  }
0x41: {  	_ =	shalt  }
0x42: {  	_ =	shalt  }
0x43: {  	_ =	shalt  }
0x44: {  	_ =	shalt  }
0x45: {  	_ =	shalt  }
0x46: {  	_ =	shalt  }
0x47: {  	_ =	shalt  }
0x48: {  	_ =	shalt  }
0x49: {  	_ =	shalt  }
0x4a: {  	_ =	shalt  }
0x4b: {  	_ =	shalt  }
0x4c: {  	_ =	shalt  }
0x4d: {  	_ =	shalt  }
0x4e: {  	_ =	shalt  }
0x4f: {  	_ =	shalt  }
0x50: {  	_ =	shalt  }
0x51: {  	_ =	shalt  }
0x52: {  	_ =	shalt  }
0x53: {  	_ =	shalt  }
0x54: {  	_ =	shalt  }
0x55: {  	_ =	shalt  }
0x56: {  	_ =	shalt  }
0x57: {  	_ =	shalt  }
0x58: {  	_ =	shalt  }
0x59: {  	_ =	shalt  }
0x5a: {  	_ =	shalt  }
0x5b: {  	_ =	shalt  }
0x5c: {  	_ =	shalt  }
0x5d: {  	_ =	shalt  }
0x5e: {  	_ =	shalt  }
0x5f: {  	_ =	shalt  }
0x60: {  	_ =	shalt  }
0x61: {  	_ =	shalt  }
0x62: {  	_ =	shalt  }
0x63: {  	_ =	shalt  }
0x64: {  	_ =	shalt  }
0x65: {  	_ =	shalt  }
0x66: {  	_ =	shalt  }
0x67: {  	_ =	shalt  }
0x68: {  	_ =	shalt  }
0x69: {  	_ =	shalt  }
0x6a: {  	_ =	shalt  }
0x6b: {  	_ =	shalt  }
0x6c: {  	_ =	shalt  }
0x6d: {  	_ =	shalt  }
0x6e: {  	_ =	shalt  }
0x6f: {  	_ =	shalt  }
0x70: {  	_ =	shalt  }
0x71: {  	_ =	shalt  }
0x72: {  	_ =	shalt  }
0x73: {  	_ =	shalt  }
0x74: {  	_ =	shalt  }
0x75: {  	_ =	shalt  }
0x76: {  	_ =	shalt  }
0x77: {  	_ =	shalt  }
0x78: {  	_ =	shalt  }
0x79: {  	_ =	shalt  }
0x7a: {  	_ =	shalt  }
0x7b: {  	_ =	shalt  }
0x7c: {  	_ =	shalt  }
0x7d: {  	_ =	shalt  }
0x7e: {  	_ =	shalt  }
0x7f: {  	_ =	shalt  }
0x80: {  	_ =	shalt  }
0x81: {  	_ =	shalt  }
0x82: {  	_ =	shalt  }
0x83: {  	_ =	shalt  }
0x84: {  	_ =	shalt  }
0x85: {  	_ =	shalt  }
0x86: {  	_ =	shalt  }
0x87: {  	_ =	shalt  }
.Lfunc_end0:
.L_simem_size_0:
called_computation.2_lowered:
.L_overlay_start_0:
0x88: {  	s2 =	sld [smem:$0x3FD9]  }
0x89: {  	s3 =	sld [smem:$0x3FFE];
	_ =	sdelay $0x1  }
0x8a: {  	s1 =	srdreg.scid  }
0x8b: {  	s0 =	sand.u32 $0x1, s1  }
0x8c: {  	s17 =	sshll.u32 s0, $0xA;
	s2 =	sadd.s32 s3, s2  }
0x8d: {  	s2 =	sadd.s32 s2, s17  }
0x8e: {  	[smem:$0x3FB9] =	sst s2  }
0x8f: {  	_ = 	snop  }
0x90: {  	s2 =	sld [smem:$0x3FC7]  }
0x91: {  	s18 =	sld [smem:$0x3FC6]  }
0x92: {  	s4 =	sld [smem:$0x3FD0];
	(tm) =	ssettm $0x1  }
0x93: {  	s5 =	sld [smem:$0x3FFB];
	_ =	sdelay $0x3  }
0x94: {  	_ =	strace s5  }
0x95: {  	s5 =	sld [smem:$0x3FFC];
	_ =	sdelay $0x3  }
0x96: {  	_ =	strace s5  }
0x97: {  	s5 =	sld [smem:$0x3FFD];
	_ =	sdelay $0x3  }
0x98: {  	_ =	strace s5  }
0x99: {  	_ =	strace $0x8FFFFFFF  }
0x9a: {  	s19 =	sld [smem:$0x3FDB];
	_ =	sdelay $0x1  }
0x9b: {  	s6 =	simm.s32 $_scs_section_size  }
0x9c: {  	s7 =	simm.s32 $_size__tile_overlayer_lowered;
	s8 =	simm.s32 $_tile_overlayer_lowered  }
0x9d: {  	s22 =	simm.s32 $0x1BFF;
	s21 =	sshll.u32 s8, $0x1;
	s5 =	sadd.s32 s6, s19  }
0x9e: {  	s9 =	simm.s32 $0x0;
	s20 =	sshll.u32 s7, $0x1;
	s7 =	sadd.s32 s21, s5  }
0x9f: {  	[timem:s9], [sflag:s22] =	dma.local [hbm:s7], s20  }
0xa0: {  	_ =	swait.ge [sflag:s22], s20  }
0xa1: {  	s6 =	ssub.s32 $0x0, s20;
	[sflag:s22] =	ssyncset.done $0x0  }
0xa2: {  	[sflag:s22] =	ssyncadd.s32 s6;
	_ =	sdelay $0x1  }
0xa3: {  	s23 =	simm.s32 $0x1B8B  }
0xa4: {  	_ =	swait.ge [sflag:s23], $0x1  }
0xa5: {  	[sflag:s23] =	ssyncset.done $0x0  }
0xa6: {  	s25 =	simm.s32 $0x1B8E;
	s24 =	sld [smem:$0x3FFE];
	[sflag:s23] =	ssyncadd.s32 $0xFFFFFFFF  }
0xa7: {  	s26 =	simm.s32 $execute0_lowered;
	[smem:$0x3FD2] =	sst s25  }
0xa8: {  	s7 =	sshll.u32 s26, $0x1;
	_ =	strace $0x8000004C;
	[dreg:$0x1] =	wrdreg $0xFFFFFFFF  }
0xa9: {  	s28 =	simm.s32 $_size_execute0_lowered;
	s5 =	sadd.s32 s5, s7;
	[dreg:$0x0] =	wrdreg $0x0  }
0xaa: {  	s7 =	sshll.u32 s28, $0x1;
	[dreg:$0x2] =	wrdreg s5  }
0xab: {  	[dreg:$0x3] =	wrdreg s7  }
0xac: {  	[dreg:$0x4] =	wrdreg $0xC0  }
0xad: {  	_ =	task [dreg:s9], $0x5FFFF  }
0xae: {  	[dreg:$0x1] =	wrdreg $0xFFFFFFFF  }
0xaf: {  	[dreg:$0x0] =	wrdreg $0x60  }
0xb0: {  	[dreg:$0x2] =	wrdreg s4  }
0xb1: {  	[dreg:$0x3] =	wrdreg s18  }
0xb2: {  	[dreg:$0x4] =	wrdreg s2  }
0xb3: {  	[dreg:$0x5] =	wrdreg s24  }
0xb4: {  	[dreg:$0x6] =	wrdreg $0x95000  }
0xb5: {  	[dreg:$0x7] =	wrdreg $0x9  }
0xb6: {  	_ =	task.clear_ibuf [dreg:s9], $0x8FFFF;
	_ =	strace $0x9000004C  }
0xb7: {  	s29 =	simm.s32 $0x9;
	_ =	strace $0x8000004E  }
0xb8: {  	_ =	swait.ge [sflag:s29], $0x1  }
0xb9: {  	[sflag:s29] =	ssyncadd.s32 $0xFFFFFFFF  }
0xba: {  	_ =	strace $0x9000004E  }
0xbb: {  	_ =	sfence  }
0xbc: {  	s30 =	sld [smem:$0x0];
	_ =	sdelay $0x2  }
0xbd: {  	s31 =	sshll.u32 s1, $0xD;
	s1 =	sshrl.u32 s1, $0x2  }
0xbe: {  	s3 =	sand.u32 $0x4000, s31;
	s1 =	sadd.s32 s1, s30  }
0xbf: {  	s0 =	sor.u32 s3, s0;
	s1 =	sshll.u32 s1, $0x11  }
0xc0: {  	s0 =	sor.u32 s1, s0  }
0xc1: {  	s0 =	sadd.s32 $0x8F2B, s0  }
0xc2: {  	[sflag:s0] =	ssyncadd.remote.s32 $0x1  }
0xc3: {  	_ =	sfence.sel $0xFFFF  }
0xc4: {  	[dreg:$0x0] =	wrdreg $0xFFFFFFFF;
	(pc) =	sbr.abs _section_cstart, $3  }
0xc5: {  	[dreg:$0x1] =	wrdreg $0xFFFFFFFF  }
0xc6: {  	_ =	task.clear_ibuf [dreg:s9], $0x2FFFF;
	_ =	strace $0x9FFFFFFF  }
0xc7: {  	(tm) =	ssettm $0x7FFFFFFF  }
tec
execute0_lowered:
.L_overlay_start_1:
0x0: {  	(tag) =	ssettag $0x1  }
0x1: {  	s0 =	rddreg [dreg:$0x0]  }
0x2: {  	s1 =	rddreg [dreg:$0x1]  }
0x3: {  	s2 =	rddreg [dreg:$0x2]  }
0x4: {  	s3 =	srdreg.scid;
	s7 =	rddreg [dreg:$0x3]  }
0x5: {  	s13 =	stileid.u32;
	s4 =	simm.s32 $0x0;
	s17 =	simm.s32 $0x7  }
0x6: {  	s29 =	simm.s32 $0x4;
	s30 =	simm.s32 $0x2;
	s31 =	simm.s32 $0x5  }
0x7: {  	s8 =	sand.u32 $0x1, s3;
	s3 =	rddreg [dreg:$0x4];
	s6 =	smul.u32 $0x14000, s13  }
0x8: {  	s28 =	simm.s32 $0x6;
	[smem:$0x7FF] =	sst s4;
	s20 =	smul.u32 $0x50000, s13  }
0x9: {  	s5 =	smul.u32 $0x140000, s8;
	s9 =	sshll.u32 s8, $0x4;
	s8 =	ssub.s32 $0x2, s8  }
0xa: {  	_ =	strace $0x8000004D;
	s9 =	sor.u32 s13, s9;
	s18 =	sshrl.u32 s8, $0x1  }
0xb: {  	s24 =	sshrl.u32 s20, $0x2;
	s20 =	simm.s32 $0x28;
	s5 =	sadd.s32 s6, s5  }
0xc: {  	s6 =	sadd.s32 $0x372800, s7;
	s12 =	smul.u32 $0x70800, s9;
	s8 =	ssub.s32 s8, s18  }
0xd: {  	s21 =	smul.u32 $0xE100, s9;
	s26 =	sadd.s32 s24, s3;
	s24 =	simm.s32 $0x3  }
0xe: {  	s10 =	sshrl.u32 s5, $0x3;
	s5 =	smul.u32 $0xE10, s9;
	[dreg:$0xa] =	wrdreg s26  }
0xf: {  	s16 =	smax.u32 s8, $0x1;
	s26 =	simm.s32 $0x6D00;
	s22 =	sshrl.u32 s12, $0x3  }
0x10: {  	s7 =	sadd.s32 s10, s7;
	s11 =	sshrl.u32 s5, $0x3;
	s23 =	sadd.s32 s6, s22  }
0x11: {  	s12 =	sadd.s32 $0x2800, s7;
	s15 =	sadd.s32 $0x52800, s7;
	s22 =	simm.s32 $0x5900  }
0x12: {  	s19 =	sadd.s32 $0x6400, s11;
	s25 =	sadd.s32 $0x280, s23;
	s13 =	sadd.s32 $0x500, s23  }
.Ltmp0:
0x13: {  	s14 =	sadd.s32 $0x780, s23;
	s11 =	simm.s32 $0xE80;
	(pc) =	sbr.rel .LBB2_1-.Ltmp0, $4  }
0x14: {  	s23 =	simm.s32 $0x3100;
	s1 =	sadd.s32 s1, s19;
	[dreg:$0x9] =	wrdreg s25  }
0x15: {  	s2 =	sadd.s32 s2, s19;
	s19 =	simm.s32 $0x4500;
	[dreg:$0x6] =	wrdreg s1  }
0x16: {  	s25 =	simm.s32 $0x1;
	[dreg:$0x7] =	wrdreg s2;
	s1 =	sadd.s32 s6, s21  }
0x17: {  	s2 =	simm.s32 $0x8100;
	[dreg:$0x8] =	wrdreg s1;
	s1 =	simm.s32 $0x0  }
.LBB2_12:
0x18: {  	_ =	swait.ge [sflag:s31], $0x1400  }
0x19: {  	[sflag:s31] =	ssyncset.done $0x0  }
0x1a: {  	[sflag:s31] =	ssyncadd.s32 $0xFFFFEC00  }
0x1b: {  	_ =	swait.ge [sflag:s28], $0x1400  }
0x1c: {  	s1 =	sadd.s32 $0x1, s1;
	[sflag:s28] =	ssyncset.done $0x0  }
0x1d: {  	p0 =	sne.s32 s1, s16;
	[sflag:s28] =	ssyncadd.s32 $0xFFFFEC00  }
.Ltmp1:
0x1e: {  	[bflag:$0x0] =	sbarrier.arrive $0xFFFF;
	(pc) =	sbr.rel @!p0 .LBB2_13-.Ltmp1, $4  }
0x1f: {  	[hbm:s15], [sflag:s7] =	dma.local [spmem:s8], $0x2800  }
0x20: {  	_ =	swait.ge [sflag:s17], $0x2800  }
0x21: {  	[sflag:s17] =	ssyncset.done $0x0  }
0x22: {  	s11 =	simm.s32 $0xE80;
	s19 =	simm.s32 $0x4500;
	[sflag:s17] =	ssyncadd.s32 $0xFFFFD800  }
.LBB2_1:
0x23: {  	s7 =	rddreg [dreg:$0x6]  }
0x24: {  	[tilespmem:s4], [sflag:$0x7] =	stream.linear.gather [hbm4b:s7+s4], $0xE10, $0x38;
	[tilespmem:$0x1D500] =	vst v63  }
0x25: {  	_ =	swait.ge [sflag:s17], $0xE10  }
0x26: {  	[sflag:s17] =	ssyncset.done $0x0  }
0x27: {  	s8 =	rddreg [dreg:$0x7];
	[sflag:s17] =	ssyncadd.s32 $0xFFFFF1F0  }
0x28: {  	[tilespmem:s11], [sflag:$0x7] =	stream.linear.gather [hbm4b:s8+s4], $0xE10, $0x38;
	[tilespmem:$0x1D500] =	vst v63  }
0x29: {  	_ =	swait.ge [sflag:s17], $0xE10  }
0x2a: {  	[sflag:s17] =	ssyncset.done $0x0  }
0x2b: {  	s9 =	rddreg [dreg:$0x8];
	[sflag:s17] =	ssyncadd.s32 $0xFFFFF1F0  }
0x2c: {  	[tilespmem:s19], [sflag:$0x3] =	stream.linear.gather [hbm4b:s9+s4], $0x1400, $0x38;
	[tilespmem:$0x1D500] =	vst v63  }
0x2d: {  	s10 =	simm.s32 $0x1D00;
	s21 =	stileid.u32;
	s18 =	rddreg [dreg:$0x9]  }
0x2e: {  	[tilespmem:s10], [sflag:$0x1] =	stream.indirect.gather [hbm4b:s0+s20], $0x80, s4, s20, $0xb8;
	[tilespmem:$0x1D500] =	vst v63  }
0x2f: {  	s7 =	sshll.u32 s21, $0x6;
	s8 =	rddreg [dreg:$0xa]  }
0x30: {  	[tilespmem:s22], [sflag:$0x4] =	stream.linear.gather [hbm4b:s18+s4], $0x1400, $0x38;
	[tilespmem:$0x1D500] =	vst v63  }
0x31: {  	s7 =	sor.u32 $0x1C07, s7;
	s8 =	sshrl.u32 s8, $0x3  }
0x32: {  	[tilespmem:s23], [sflag:$0x2] =	stream.indirect.gather [hbm4b:s0+s20], $0x80, s20, s20, $0xb8;
	[tilespmem:$0x1D500] =	vst v63  }
0x33: {  	[spmem:s8], [sflag:s7] =	dma.local [hbm:s12], $0x2800  }
0x34: {  	_ =	swait.ge [sflag:s17], $0x2800  }
0x35: {  	[sflag:s17] =	ssyncset.done $0x0  }
0x36: {  	[sflag:s17] =	ssyncadd.s32 $0xFFFFD800  }
0x37: {  	[bflag:$0x0] =	sbarrier.arrive $0xFFFF  }
0x38: {  	_ =	swait.ge [sflag:s24], $0x1400  }
0x39: {  	[sflag:s24] =	ssyncset.done $0x0  }
0x3a: {  	[sflag:s24] =	ssyncadd.s32 $0xFFFFEC00  }
0x3b: {  	_ =	swait.ge [sflag:s25], $0x1400  }
0x3c: {  	[sflag:s25] =	ssyncset.done $0x0  }
0x3d: {  	s9 =	simm.s32 $0x0;
	[sflag:s25] =	ssyncadd.s32 $0xFFFFEC00  }
0x3e: {  	v0 =	vld [tilespmem:s9+$0x1D70]  }
0x3f: {  	v1 =	vld [tilespmem:s9+$0x4570]  }
0x40: {  	v2 =	vld [tilespmem:s9+$0x1D00]  }
0x41: {  	v3 =	vld [tilespmem:s9+$0x4500]  }
0x42: {  	v4 =	vld [tilespmem:s9+$0x1D10]  }
0x43: {  	v5 =	vld [tilespmem:s9+$0x4510]  }
0x44: {  	v6 =	vld [tilespmem:s9+$0x1D20]  }
0x45: {  	v7 =	vld [tilespmem:s9+$0x1D30]  }
0x46: {  	v0 =	vmul.f32 v1, v0;
	v1 =	vld [tilespmem:s9+$0x4520]  }
0x47: {  	v8 =	vld [tilespmem:s9+$0x4530]  }
0x48: {  	v9 =	vld [tilespmem:s9+$0x4540];
	v2 =	vmul.f32 v3, v2  }
0x49: {  	[tilespmem:s9+$0x6D70] =	vst v0;
	v0 =	vmul.f32 v5, v4;
	v5 =	vld [tilespmem:s9+$0x1D40]  }
0x4a: {  	v3 =	vld [tilespmem:s9+$0x4550];
	[tilespmem:s9+$0x6D00] =	vst v2  }
0x4b: {  	v2 =	vld [tilespmem:s9+$0x1D50];
	[tilespmem:s9+$0x6D10] =	vst v0;
	v0 =	vmul.f32 v1, v6  }
0x4c: {  	v4 =	vld [tilespmem:s9+$0x4560];
	v6 =	vmul.f32 v8, v7  }
0x4d: {  	s18 =	simm.s32 $0x80;
	[tilespmem:s9+$0x6D20] =	vst v0;
	v0 =	vld [tilespmem:s9+$0x1D60]  }
0x4e: {  	s10 =	simm.s32 $0x400;
	v5 =	vmul.f32 v9, v5;
	v1 =	vld [tilespmem:s18+$0x1D70];
	[tilespmem:s9+$0x6D30] =	vst v6  }
.LBB2_2:
0x4f: {  	p0 =	sne.s32 s10, $0x4E00;
	v6 =	vld [tilespmem:s18+$0x4570]  }
0x50: {  	v7 =	vld [tilespmem:s18+$0x1D00];
	[tilespmem:s9+$0x6D40] =	vst v5;
	v2 =	vmul.f32 v3, v2  }
0x51: {  	v3 =	vld [tilespmem:s18+$0x4500]  }
0x52: {  	v5 =	vld [tilespmem:s18+$0x1D10];
	[tilespmem:s9+$0x6D50] =	vst v2;
	v0 =	vmul.f32 v4, v0  }
0x53: {  	v2 =	vld [tilespmem:s18+$0x4510]  }
0x54: {  	v4 =	vld [tilespmem:s18+$0x1D20];
	v1 =	vmul.f32 v6, v1;
	[tilespmem:s9+$0x6D60] =	vst v0;
	s9 =	smov.u32 s18  }
0x55: {  	v0 =	vld [tilespmem:s9+$0x4520]  }
0x56: {  	v3 =	vmul.f32 v3, v7;
	v6 =	vld [tilespmem:s9+$0x1D30];
	[tilespmem:s9+$0x6D70] =	vst v1  }
0x57: {  	v1 =	vld [tilespmem:s9+$0x4530]  }
0x58: {  	[tilespmem:s9+$0x6D00] =	vst v3;
	v2 =	vmul.f32 v2, v5;
	v5 =	vld [tilespmem:s9+$0x1D40]  }
0x59: {  	v7 =	vld [tilespmem:s9+$0x4540]  }
.Ltmp2:
0x5a: {  	[tilespmem:s9+$0x6D10] =	vst v2;
	v0 =	vmul.f32 v0, v4;
	v2 =	vld [tilespmem:s9+$0x1D50];
	(pc) =	sbr.rel @p0 .LBB2_2-.Ltmp2, $4  }
0x5b: {  	v3 =	vld [tilespmem:s9+$0x4550]  }
0x5c: {  	[tilespmem:s9+$0x6D20] =	vst v0;
	v6 =	vmul.f32 v1, v6;
	v0 =	vld [tilespmem:s9+$0x1D60]  }
0x5d: {  	s18 =	sshra.s32 s10, $0x2;
	v4 =	vld [tilespmem:s9+$0x4560]  }
0x5e: {  	s10 =	sadd.s32 $0x200, s10;
	v1 =	vld [tilespmem:s18+$0x1D70];
	[tilespmem:s9+$0x6D30] =	vst v6;
	v5 =	vmul.f32 v7, v5  }
0x5f: {  	v6 =	vld [tilespmem:s18+$0x4570]  }
0x60: {  	v7 =	vld [tilespmem:s18+$0x1D00];
	[tilespmem:s9+$0x6D40] =	vst v5;
	v2 =	vmul.f32 v3, v2  }
0x61: {  	v3 =	vld [tilespmem:s18+$0x4500]  }
0x62: {  	v5 =	vld [tilespmem:s18+$0x1D10];
	[tilespmem:s9+$0x6D50] =	vst v2;
	v0 =	vmul.f32 v4, v0  }
0x63: {  	v2 =	vld [tilespmem:s18+$0x4510]  }
0x64: {  	v4 =	vld [tilespmem:s18+$0x1D20];
	[tilespmem:s9+$0x6D60] =	vst v0  }
0x65: {  	v0 =	vmul.f32 v6, v1;
	v1 =	vld [tilespmem:s18+$0x4520]  }
0x66: {  	v6 =	vld [tilespmem:s18+$0x1D30]  }
0x67: {  	v3 =	vmul.f32 v3, v7;
	[tilespmem:s18+$0x6D70] =	vst v0;
	v0 =	vld [tilespmem:s18+$0x4530]  }
0x68: {  	v7 =	vld [tilespmem:s18+$0x4560]  }
0x69: {  	[tilespmem:s18+$0x6D00] =	vst v3;
	v2 =	vmul.f32 v2, v5;
	v3 =	vld [tilespmem:s18+$0x1D40]  }
0x6a: {  	v5 =	vld [tilespmem:s18+$0x4540]  }
0x6b: {  	[tilespmem:s18+$0x6D10] =	vst v2;
	v1 =	vmul.f32 v1, v4;
	v2 =	vld [tilespmem:s18+$0x1D50]  }
0x6c: {  	v4 =	vld [tilespmem:s18+$0x4550]  }
0x6d: {  	[tilespmem:s18+$0x6D20] =	vst v1;
	v1 =	vld [tilespmem:s18+$0x1D60];
	_ =	sdelay $0x1  }
0x6e: {  	v0 =	vmul.f32 v0, v6  }
0x6f: {  	v3 =	vmul.f32 v5, v3  }
0x70: {  	[tilespmem:s18+$0x6D30] =	vst v0;
	v0 =	vmul.f32 v4, v2  }
0x71: {  	[tilespmem:s18+$0x6D40] =	vst v3;
	v1 =	vmul.f32 v7, v1  }
0x72: {  	[tilespmem:s18+$0x6D50] =	vst v0  }
0x73: {  	[tilespmem:s18+$0x6D60] =	vst v1  }
0x74: {  	[spmem:s3] =	stream.indirect.scatter.add.f32 [tilespmem:s26], [sflag:$0x5], $0x80, s11, s20, $0xb8;
	[tilespmem:$0x1D500] =	vst v63  }
0x75: {  	s18 =	simm.s32 $0x0  }
0x76: {  	[tilespmem:s19], [sflag:$0x3] =	stream.linear.gather [hbm4b:s13+s18], $0x1400, $0x38;
	[tilespmem:$0x1D500] =	vst v63  }
0x77: {  	s21 =	simm.s32 $0x1D00;
	s10 =	simm.s32 $0x50  }
0x78: {  	[tilespmem:s21], [sflag:$0x1] =	stream.indirect.gather [hbm4b:s0+s20], $0x80, s10, s20, $0xb8;
	[tilespmem:$0x1D500] =	vst v63  }
0x79: {  	_ =	swait.ge [sflag:s29], $0x1400  }
0x7a: {  	[sflag:s29] =	ssyncset.done $0x0  }
0x7b: {  	[sflag:s29] =	ssyncadd.s32 $0xFFFFEC00  }
0x7c: {  	_ =	swait.ge [sflag:s30], $0x1400  }
0x7d: {  	[sflag:s30] =	ssyncset.done $0x0  }
0x7e: {  	s9 =	simm.s32 $0x0;
	[sflag:s30] =	ssyncadd.s32 $0xFFFFEC00  }
0x7f: {  	v0 =	vld [tilespmem:s9+$0x3170]  }
0x80: {  	v1 =	vld [tilespmem:s9+$0x5970]  }
0x81: {  	v2 =	vld [tilespmem:s9+$0x3100]  }
0x82: {  	v3 =	vld [tilespmem:s9+$0x5900]  }
0x83: {  	v4 =	vld [tilespmem:s9+$0x3110]  }
0x84: {  	v5 =	vld [tilespmem:s9+$0x5910]  }
0x85: {  	v6 =	vld [tilespmem:s9+$0x3120]  }
0x86: {  	v7 =	vld [tilespmem:s9+$0x3130]  }
0x87: {  	v0 =	vmul.f32 v1, v0;
	v1 =	vld [tilespmem:s9+$0x5920]  }
0x88: {  	v8 =	vld [tilespmem:s9+$0x5930]  }
0x89: {  	v9 =	vld [tilespmem:s9+$0x5940];
	v2 =	vmul.f32 v3, v2  }
0x8a: {  	[tilespmem:s9+$0x8170] =	vst v0;
	v0 =	vmul.f32 v5, v4;
	v5 =	vld [tilespmem:s9+$0x3140]  }
0x8b: {  	v3 =	vld [tilespmem:s9+$0x5950];
	[tilespmem:s9+$0x8100] =	vst v2  }
0x8c: {  	v2 =	vld [tilespmem:s9+$0x3150];
	[tilespmem:s9+$0x8110] =	vst v0;
	v0 =	vmul.f32 v1, v6  }
0x8d: {  	v4 =	vld [tilespmem:s9+$0x5960];
	v6 =	vmul.f32 v8, v7  }
0x8e: {  	s18 =	simm.s32 $0x80;
	[tilespmem:s9+$0x8120] =	vst v0;
	v0 =	vld [tilespmem:s9+$0x3160]  }
0x8f: {  	s10 =	simm.s32 $0x400;
	v5 =	vmul.f32 v9, v5;
	v1 =	vld [tilespmem:s18+$0x3170];
	[tilespmem:s9+$0x8130] =	vst v6  }
.LBB2_4:
0x90: {  	p0 =	sne.s32 s10, $0x4E00;
	v6 =	vld [tilespmem:s18+$0x5970]  }
0x91: {  	v7 =	vld [tilespmem:s18+$0x3100];
	[tilespmem:s9+$0x8140] =	vst v5;
	v2 =	vmul.f32 v3, v2  }
0x92: {  	v3 =	vld [tilespmem:s18+$0x5900]  }
0x93: {  	v5 =	vld [tilespmem:s18+$0x3110];
	[tilespmem:s9+$0x8150] =	vst v2;
	v0 =	vmul.f32 v4, v0  }
0x94: {  	v2 =	vld [tilespmem:s18+$0x5910]  }
0x95: {  	v4 =	vld [tilespmem:s18+$0x3120];
	v1 =	vmul.f32 v6, v1;
	[tilespmem:s9+$0x8160] =	vst v0;
	s9 =	smov.u32 s18  }
0x96: {  	v0 =	vld [tilespmem:s9+$0x5920]  }
0x97: {  	v3 =	vmul.f32 v3, v7;
	v6 =	vld [tilespmem:s9+$0x3130];
	[tilespmem:s9+$0x8170] =	vst v1  }
0x98: {  	v1 =	vld [tilespmem:s9+$0x5930]  }
0x99: {  	[tilespmem:s9+$0x8100] =	vst v3;
	v2 =	vmul.f32 v2, v5;
	v5 =	vld [tilespmem:s9+$0x3140]  }
0x9a: {  	v7 =	vld [tilespmem:s9+$0x5940]  }
.Ltmp3:
0x9b: {  	[tilespmem:s9+$0x8110] =	vst v2;
	v0 =	vmul.f32 v0, v4;
	v2 =	vld [tilespmem:s9+$0x3150];
	(pc) =	sbr.rel @p0 .LBB2_4-.Ltmp3, $4  }
0x9c: {  	v3 =	vld [tilespmem:s9+$0x5950]  }
0x9d: {  	[tilespmem:s9+$0x8120] =	vst v0;
	v6 =	vmul.f32 v1, v6;
	v0 =	vld [tilespmem:s9+$0x3160]  }
0x9e: {  	s18 =	sshra.s32 s10, $0x2;
	v4 =	vld [tilespmem:s9+$0x5960]  }
0x9f: {  	s10 =	sadd.s32 $0x200, s10;
	v1 =	vld [tilespmem:s18+$0x3170];
	[tilespmem:s9+$0x8130] =	vst v6;
	v5 =	vmul.f32 v7, v5  }
0xa0: {  	v6 =	vld [tilespmem:s18+$0x5970]  }
0xa1: {  	v7 =	vld [tilespmem:s18+$0x3100];
	[tilespmem:s9+$0x8140] =	vst v5;
	v2 =	vmul.f32 v3, v2  }
0xa2: {  	v51 =	vld [tilespmem:s18+$0x5900]  }
0xa3: {  	v5 =	vld [tilespmem:s18+$0x3110];
	[tilespmem:s9+$0x8150] =	vst v2;
	v0 =	vmul.f32 v4, v0  }
0xa4: {  	v2 =	vld [tilespmem:s18+$0x5910]  }
0xa5: {  	v52 =	vld [tilespmem:s18+$0x3120];
	[tilespmem:s9+$0x8160] =	vst v0  }
0xa6: {  	v54 =	vld [tilespmem:s18+$0x5920]  }
0xa7: {  	v55 =	vld [tilespmem:s18+$0x3130]  }
0xa8: {  	v56 =	vld [tilespmem:s18+$0x5930]  }
0xa9: {  	v57 =	vld [tilespmem:s18+$0x3140]  }
0xaa: {  	v58 =	vld [tilespmem:s18+$0x5940]  }
0xab: {  	v59 =	vld [tilespmem:s18+$0x3150]  }
0xac: {  	v53 =	vmul.f32 v6, v1;
	v60 =	vld [tilespmem:s18+$0x5950]  }
0xad: {  	v61 =	vld [tilespmem:s18+$0x3160];
	v3 =	vmul.f32 v51, v7  }
0xae: {  	v62 =	vld [tilespmem:s18+$0x5960];
	[tilespmem:s18+$0x8170] =	vst v53;
	v2 =	vmul.f32 v2, v5  }
0xaf: {  	[tilespmem:s18+$0x8100] =	vst v3;
	v1 =	vmul.f32 v54, v52  }
0xb0: {  	[tilespmem:s18+$0x8110] =	vst v2;
	v0 =	vmul.f32 v56, v55  }
0xb1: {  	v3 =	vmul.f32 v58, v57;
	[tilespmem:s18+$0x8120] =	vst v1  }
0xb2: {  	v63 =	vmul.f32 v60, v59;
	[tilespmem:s18+$0x8130] =	vst v0  }
0xb3: {  	[tilespmem:s18+$0x8140] =	vst v3;
	v1 =	vmul.f32 v62, v61  }
0xb4: {  	[tilespmem:s18+$0x8150] =	vst v63  }
0xb5: {  	s19 =	simm.s32 $0xEA8;
	[tilespmem:s18+$0x8160] =	vst v1  }
0xb6: {  	[spmem:s3] =	stream.indirect.scatter.add.f32 [tilespmem:s2], [sflag:$0x6], $0x80, s19, s20, $0xb8;
	[tilespmem:$0x1D500] =	vst v63  }
0xb7: {  	_ = 	snop  }
0xb8: {  	[tilespmem:s22], [sflag:$0x4] =	stream.linear.gather [hbm4b:s14+s4], $0x1400, $0x38;
	[tilespmem:$0x1D500] =	vst v63  }
0xb9: {  	s21 =	simm.s32 $0x78;
	s18 =	simm.s32 $0x1  }
0xba: {  	[tilespmem:s23], [sflag:$0x2] =	stream.indirect.gather [hbm4b:s0+s20], $0x80, s21, s20, $0xb8;
	[tilespmem:$0x1D500] =	vst v63  }
.LBB2_6:
0xbb: {  	_ =	swait.ge [sflag:s24], $0x1400  }
0xbc: {  	[sflag:s24] =	ssyncset.done $0x0  }
0xbd: {  	[sflag:s24] =	ssyncadd.s32 $0xFFFFEC00  }
0xbe: {  	_ =	swait.ge [sflag:s25], $0x1400  }
0xbf: {  	[sflag:s25] =	ssyncset.done $0x0  }
0xc0: {  	[sflag:s25] =	ssyncadd.s32 $0xFFFFEC00  }
0xc1: {  	_ =	swait.ge [sflag:s31], $0x1400  }
0xc2: {  	[sflag:s31] =	ssyncset.done $0x0  }
0xc3: {  	s9 =	simm.s32 $0x0;
	[sflag:s31] =	ssyncadd.s32 $0xFFFFEC00  }
0xc4: {  	v0 =	vld [tilespmem:s9+$0x1D70]  }
0xc5: {  	v1 =	vld [tilespmem:s9+$0x4570]  }
0xc6: {  	v2 =	vld [tilespmem:s9+$0x1D00]  }
0xc7: {  	v3 =	vld [tilespmem:s9+$0x4500]  }
0xc8: {  	v4 =	vld [tilespmem:s9+$0x1D10]  }
0xc9: {  	v5 =	vld [tilespmem:s9+$0x4510]  }
0xca: {  	v6 =	vld [tilespmem:s9+$0x1D20]  }
0xcb: {  	v7 =	vld [tilespmem:s9+$0x1D30]  }
0xcc: {  	v0 =	vmul.f32 v1, v0;
	v1 =	vld [tilespmem:s9+$0x4520]  }
0xcd: {  	v8 =	vld [tilespmem:s9+$0x4530]  }
0xce: {  	v9 =	vld [tilespmem:s9+$0x4540];
	v2 =	vmul.f32 v3, v2  }
0xcf: {  	[tilespmem:s9+$0x6D70] =	vst v0;
	v0 =	vmul.f32 v5, v4;
	v5 =	vld [tilespmem:s9+$0x1D40]  }
0xd0: {  	v3 =	vld [tilespmem:s9+$0x4550];
	[tilespmem:s9+$0x6D00] =	vst v2  }
0xd1: {  	v2 =	vld [tilespmem:s9+$0x1D50];
	[tilespmem:s9+$0x6D10] =	vst v0;
	v0 =	vmul.f32 v1, v6  }
0xd2: {  	v4 =	vld [tilespmem:s9+$0x4560];
	v6 =	vmul.f32 v8, v7  }
0xd3: {  	s19 =	simm.s32 $0x80;
	[tilespmem:s9+$0x6D20] =	vst v0;
	v0 =	vld [tilespmem:s9+$0x1D60]  }
0xd4: {  	s10 =	simm.s32 $0x400;
	v5 =	vmul.f32 v9, v5;
	v1 =	vld [tilespmem:s19+$0x1D70];
	[tilespmem:s9+$0x6D30] =	vst v6  }
.LBB2_7:
0xd5: {  	p0 =	sne.s32 s10, $0x4E00;
	v6 =	vld [tilespmem:s19+$0x4570]  }
0xd6: {  	v7 =	vld [tilespmem:s19+$0x1D00];
	[tilespmem:s9+$0x6D40] =	vst v5;
	v2 =	vmul.f32 v3, v2  }
0xd7: {  	v3 =	vld [tilespmem:s19+$0x4500]  }
0xd8: {  	v5 =	vld [tilespmem:s19+$0x1D10];
	[tilespmem:s9+$0x6D50] =	vst v2;
	v0 =	vmul.f32 v4, v0  }
0xd9: {  	v2 =	vld [tilespmem:s19+$0x4510]  }
0xda: {  	v4 =	vld [tilespmem:s19+$0x1D20];
	v1 =	vmul.f32 v6, v1;
	[tilespmem:s9+$0x6D60] =	vst v0;
	s9 =	smov.u32 s19  }
0xdb: {  	v0 =	vld [tilespmem:s9+$0x4520]  }
0xdc: {  	v3 =	vmul.f32 v3, v7;
	v6 =	vld [tilespmem:s9+$0x1D30];
	[tilespmem:s9+$0x6D70] =	vst v1  }
0xdd: {  	v1 =	vld [tilespmem:s9+$0x4530]  }
0xde: {  	[tilespmem:s9+$0x6D00] =	vst v3;
	v2 =	vmul.f32 v2, v5;
	v5 =	vld [tilespmem:s9+$0x1D40]  }
0xdf: {  	v7 =	vld [tilespmem:s9+$0x4540]  }
.Ltmp4:
0xe0: {  	[tilespmem:s9+$0x6D10] =	vst v2;
	v0 =	vmul.f32 v0, v4;
	v2 =	vld [tilespmem:s9+$0x1D50];
	(pc) =	sbr.rel @p0 .LBB2_7-.Ltmp4, $4  }
0xe1: {  	v3 =	vld [tilespmem:s9+$0x4550]  }
0xe2: {  	[tilespmem:s9+$0x6D20] =	vst v0;
	v6 =	vmul.f32 v1, v6;
	v0 =	vld [tilespmem:s9+$0x1D60]  }
0xe3: {  	s19 =	sshra.s32 s10, $0x2;
	v4 =	vld [tilespmem:s9+$0x4560]  }
0xe4: {  	s10 =	sadd.s32 $0x200, s10;
	v1 =	vld [tilespmem:s19+$0x1D70];
	[tilespmem:s9+$0x6D30] =	vst v6;
	v5 =	vmul.f32 v7, v5  }
0xe5: {  	v6 =	vld [tilespmem:s19+$0x4570]  }
0xe6: {  	v7 =	vld [tilespmem:s19+$0x1D00];
	[tilespmem:s9+$0x6D40] =	vst v5;
	v2 =	vmul.f32 v3, v2  }
0xe7: {  	v3 =	vld [tilespmem:s19+$0x4500]  }
0xe8: {  	v5 =	vld [tilespmem:s19+$0x1D10];
	[tilespmem:s9+$0x6D50] =	vst v2;
	v0 =	vmul.f32 v4, v0  }
0xe9: {  	v2 =	vld [tilespmem:s19+$0x4510]  }
0xea: {  	v4 =	vld [tilespmem:s19+$0x1D20];
	[tilespmem:s9+$0x6D60] =	vst v0  }
0xeb: {  	v0 =	vmul.f32 v6, v1;
	v1 =	vld [tilespmem:s19+$0x4520]  }
0xec: {  	v6 =	vld [tilespmem:s19+$0x1D30]  }
0xed: {  	v3 =	vmul.f32 v3, v7;
	[tilespmem:s19+$0x6D70] =	vst v0;
	v0 =	vld [tilespmem:s19+$0x4530]  }
0xee: {  	v7 =	vld [tilespmem:s19+$0x4560]  }
0xef: {  	[tilespmem:s19+$0x6D00] =	vst v3;
	v2 =	vmul.f32 v2, v5;
	v3 =	vld [tilespmem:s19+$0x1D40]  }
0xf0: {  	v5 =	vld [tilespmem:s19+$0x4540]  }
0xf1: {  	[tilespmem:s19+$0x6D10] =	vst v2;
	v1 =	vmul.f32 v1, v4;
	v2 =	vld [tilespmem:s19+$0x1D50]  }
0xf2: {  	v4 =	vld [tilespmem:s19+$0x4550]  }
0xf3: {  	[tilespmem:s19+$0x6D20] =	vst v1;
	v1 =	vld [tilespmem:s19+$0x1D60];
	_ =	sdelay $0x1  }
0xf4: {  	v0 =	vmul.f32 v0, v6  }
0xf5: {  	v3 =	vmul.f32 v5, v3  }
0xf6: {  	s21 =	smul.u32 $0x140, s18;
	[tilespmem:s19+$0x6D30] =	vst v0;
	v0 =	vmul.f32 v4, v2  }
0xf7: {  	[tilespmem:s19+$0x6D40] =	vst v3;
	v1 =	vmul.f32 v7, v1  }
0xf8: {  	p0 =	seq.s32 s18, $0x2C;
	s9 =	sshra.s32 s21, $0x2;
	[tilespmem:s19+$0x6D50] =	vst v0  }
0xf9: {  	s11 =	smul.u32 @!p0 $0x50, s18;
	s10 =	sadd.s32 $0xE80, s9;
	[tilespmem:s19+$0x6D60] =	vst v1  }
0xfa: {  	[spmem:s3] =	stream.indirect.scatter.add.f32 [tilespmem:s26], [sflag:$0x5], $0x80, s10, s20, $0xb8;
	[tilespmem:$0x1D500] =	vst v63  }
0xfb: {  	s10 =	sadd.s32 @!p0 $0x50, s11  }
0xfc: {  	s11 =	sadd.s32 @!p0 s5, s10  }
0xfd: {  	s11 =	sshll.u32 @!p0 s11, $0x4  }
0xfe: {  	s21 =	simm.s32 @!p0 $0x4500;
	s19 =	simm.s32 @!p0 $0x0;
	s11 =	sadd.s32 @!p0 s6, s11  }
0xff: {  	[tilespmem:s21], [sflag:$0x3] =	stream.linear.gather @!p0 [hbm4b:s11+s19], $0x1400, $0x38;
	[tilespmem:$0x1D500] =	vst v63  }
0x100: {  	s11 =	simm.s32 @!p0 $0x28;
	s19 =	simm.s32 @!p0 $0x1D00  }
0x101: {  	[tilespmem:s19], [sflag:$0x1] =	stream.indirect.gather @!p0 [hbm4b:s0+s11], $0x80, s10, s11, $0xb8;
	[tilespmem:$0x1D500] =	vst v63  }
0x102: {  	_ =	swait.ge [sflag:s29], $0x1400  }
0x103: {  	[sflag:s29] =	ssyncset.done $0x0  }
0x104: {  	[sflag:s29] =	ssyncadd.s32 $0xFFFFEC00  }
0x105: {  	_ =	swait.ge [sflag:s30], $0x1400  }
0x106: {  	[sflag:s30] =	ssyncset.done $0x0  }
0x107: {  	[sflag:s30] =	ssyncadd.s32 $0xFFFFEC00  }
0x108: {  	_ =	swait.ge [sflag:s28], $0x1400  }
0x109: {  	[sflag:s28] =	ssyncset.done $0x0  }
0x10a: {  	s19 =	simm.s32 $0x0;
	[sflag:s28] =	ssyncadd.s32 $0xFFFFEC00  }
0x10b: {  	v0 =	vld [tilespmem:s19+$0x3170]  }
0x10c: {  	v1 =	vld [tilespmem:s19+$0x5970]  }
0x10d: {  	v2 =	vld [tilespmem:s19+$0x3100]  }
0x10e: {  	v3 =	vld [tilespmem:s19+$0x5900]  }
0x10f: {  	v4 =	vld [tilespmem:s19+$0x3110]  }
0x110: {  	v5 =	vld [tilespmem:s19+$0x5910]  }
0x111: {  	v6 =	vld [tilespmem:s19+$0x3120]  }
0x112: {  	v7 =	vld [tilespmem:s19+$0x3130]  }
0x113: {  	v0 =	vmul.f32 v1, v0;
	v1 =	vld [tilespmem:s19+$0x5920]  }
0x114: {  	v8 =	vld [tilespmem:s19+$0x5930]  }
0x115: {  	v9 =	vld [tilespmem:s19+$0x5940];
	v2 =	vmul.f32 v3, v2  }
0x116: {  	[tilespmem:s19+$0x8170] =	vst v0;
	v0 =	vmul.f32 v5, v4;
	v5 =	vld [tilespmem:s19+$0x3140]  }
0x117: {  	v3 =	vld [tilespmem:s19+$0x5950];
	[tilespmem:s19+$0x8100] =	vst v2  }
0x118: {  	v2 =	vld [tilespmem:s19+$0x3150];
	[tilespmem:s19+$0x8110] =	vst v0;
	v0 =	vmul.f32 v1, v6  }
0x119: {  	v4 =	vld [tilespmem:s19+$0x5960];
	v6 =	vmul.f32 v8, v7  }
0x11a: {  	s10 =	simm.s32 $0x80;
	[tilespmem:s19+$0x8120] =	vst v0;
	v0 =	vld [tilespmem:s19+$0x3160]  }
0x11b: {  	s11 =	simm.s32 $0x400;
	v5 =	vmul.f32 v9, v5;
	v1 =	vld [tilespmem:s10+$0x3170];
	[tilespmem:s19+$0x8130] =	vst v6  }
.LBB2_9:
0x11c: {  	p1 =	sne.s32 s11, $0x4E00;
	v6 =	vld [tilespmem:s10+$0x5970]  }
0x11d: {  	v7 =	vld [tilespmem:s10+$0x3100];
	[tilespmem:s19+$0x8140] =	vst v5;
	v2 =	vmul.f32 v3, v2  }
0x11e: {  	v3 =	vld [tilespmem:s10+$0x5900]  }
0x11f: {  	v5 =	vld [tilespmem:s10+$0x3110];
	[tilespmem:s19+$0x8150] =	vst v2;
	v0 =	vmul.f32 v4, v0  }
0x120: {  	v2 =	vld [tilespmem:s10+$0x5910]  }
0x121: {  	v4 =	vld [tilespmem:s10+$0x3120];
	v1 =	vmul.f32 v6, v1;
	[tilespmem:s19+$0x8160] =	vst v0;
	s19 =	smov.u32 s10  }
0x122: {  	v0 =	vld [tilespmem:s19+$0x5920]  }
0x123: {  	v3 =	vmul.f32 v3, v7;
	v6 =	vld [tilespmem:s19+$0x3130];
	[tilespmem:s19+$0x8170] =	vst v1  }
0x124: {  	v1 =	vld [tilespmem:s19+$0x5930]  }
0x125: {  	[tilespmem:s19+$0x8100] =	vst v3;
	v2 =	vmul.f32 v2, v5;
	v5 =	vld [tilespmem:s19+$0x3140]  }
0x126: {  	v7 =	vld [tilespmem:s19+$0x5940]  }
.Ltmp5:
0x127: {  	[tilespmem:s19+$0x8110] =	vst v2;
	v0 =	vmul.f32 v0, v4;
	v2 =	vld [tilespmem:s19+$0x3150];
	(pc) =	sbr.rel @p1 .LBB2_9-.Ltmp5, $4  }
0x128: {  	v3 =	vld [tilespmem:s19+$0x5950]  }
0x129: {  	[tilespmem:s19+$0x8120] =	vst v0;
	v6 =	vmul.f32 v1, v6;
	v0 =	vld [tilespmem:s19+$0x3160]  }
0x12a: {  	s10 =	sshra.s32 s11, $0x2;
	v4 =	vld [tilespmem:s19+$0x5960]  }
0x12b: {  	s11 =	sadd.s32 $0x200, s11;
	v1 =	vld [tilespmem:s10+$0x3170];
	[tilespmem:s19+$0x8130] =	vst v6;
	v5 =	vmul.f32 v7, v5  }
0x12c: {  	v6 =	vld [tilespmem:s10+$0x5970]  }
0x12d: {  	v7 =	vld [tilespmem:s10+$0x3100];
	[tilespmem:s19+$0x8140] =	vst v5;
	v2 =	vmul.f32 v3, v2  }
0x12e: {  	v51 =	vld [tilespmem:s10+$0x5900]  }
0x12f: {  	v5 =	vld [tilespmem:s10+$0x3110];
	[tilespmem:s19+$0x8150] =	vst v2;
	v0 =	vmul.f32 v4, v0  }
0x130: {  	v2 =	vld [tilespmem:s10+$0x5910]  }
0x131: {  	v52 =	vld [tilespmem:s10+$0x3120];
	[tilespmem:s19+$0x8160] =	vst v0  }
0x132: {  	v54 =	vld [tilespmem:s10+$0x5920]  }
0x133: {  	v55 =	vld [tilespmem:s10+$0x3130]  }
0x134: {  	v56 =	vld [tilespmem:s10+$0x5930]  }
0x135: {  	v57 =	vld [tilespmem:s10+$0x3140]  }
0x136: {  	v58 =	vld [tilespmem:s10+$0x5940]  }
0x137: {  	v59 =	vld [tilespmem:s10+$0x3150]  }
0x138: {  	v53 =	vmul.f32 v6, v1;
	v60 =	vld [tilespmem:s10+$0x5950]  }
0x139: {  	v61 =	vld [tilespmem:s10+$0x3160];
	v3 =	vmul.f32 v51, v7  }
0x13a: {  	v62 =	vld [tilespmem:s10+$0x5960];
	[tilespmem:s10+$0x8170] =	vst v53;
	v2 =	vmul.f32 v2, v5  }
0x13b: {  	[tilespmem:s10+$0x8100] =	vst v3;
	v1 =	vmul.f32 v54, v52  }
0x13c: {  	[tilespmem:s10+$0x8110] =	vst v2;
	v0 =	vmul.f32 v56, v55  }
0x13d: {  	v3 =	vmul.f32 v58, v57;
	[tilespmem:s10+$0x8120] =	vst v1  }
.Ltmp6:
0x13e: {  	v63 =	vmul.f32 v60, v59;
	[tilespmem:s10+$0x8130] =	vst v0;
	(pc) =	sbr.rel @p0 .LBB2_12-.Ltmp6, $4  }
0x13f: {  	[tilespmem:s10+$0x8140] =	vst v3;
	v1 =	vmul.f32 v62, v61  }
0x140: {  	[tilespmem:s10+$0x8150] =	vst v63  }
0x141: {  	s9 =	sadd.s32 $0xEA8, s9;
	[tilespmem:s10+$0x8160] =	vst v1  }
0x142: {  	[spmem:s3] =	stream.indirect.scatter.add.f32 [tilespmem:s2], [sflag:$0x6], $0x80, s9, s20, $0xb8;
	[tilespmem:$0x1D500] =	vst v63  }
0x143: {  	s9 =	smul.u32 $0x50, s18;
	_ =	sdelay $0x1  }
0x144: {  	s9 =	sadd.s32 $0x78, s9  }
0x145: {  	s10 =	sadd.s32 s5, s9  }
.Ltmp7:
0x146: {  	s10 =	sshll.u32 s10, $0x4;
	(pc) =	sbr.rel .LBB2_6-.Ltmp7, $4  }
0x147: {  	s10 =	sadd.s32 s6, s10  }
0x148: {  	[tilespmem:s22], [sflag:$0x4] =	stream.linear.gather [hbm4b:s10+s4], $0x1400, $0x38;
	[tilespmem:$0x1D500] =	vst v63  }
0x149: {  	s18 =	sadd.s32 $0x1, s18  }
0x14a: {  	[tilespmem:s23], [sflag:$0x2] =	stream.indirect.gather [hbm4b:s0+s20], $0x80, s9, s20, $0xb8;
	[tilespmem:$0x1D500] =	vst v63  }
.LBB2_13:
0x14b: {  	_ =	sfence.sel $0x180000  }
0x14c: {  	[bflag:$0x0] =	sbarrier.arrive $0xFFFF  }
0x14d: {  	_ =	strace $0x9000004D  }
0x14e: {  	s0 =	stileid.u32;
	[bflag:$0x2] =	sbarrier.arrive $0xFFFF  }
0x14f: {  	p0 =	sne.s32 s0, $0x0;
	s0 =	rddreg [dreg:$0x5]  }
0x150: {  	s0 =	sadd.s32 @!p0 $0x100000, s0  }
0x151: {  	[sflag:s0] =	ssyncadd.tile.s32 @!p0 $0x1;
	_ =	shalt  }
.Lfunc_end2:
_tile_overlayer_lowered:
.L_overlay_start_2:
0x152: {  	(tag) =	ssettag $0x2  }
0x153: {  	s0 =	rddreg [dreg:$0x0];
	s2 =	stileid.u32  }
0x154: {  	s1 =	rddreg [dreg:$0x1];
	p0 =	sne.s32 s2, $0x0  }
0x155: {  	s3 =	rddreg [dreg:$0x2];
	[bflag:$0x3] =	sbarrier.arrive $0xFFFF;
	s2 =	simm.s32 @!p0 $0x1C07  }
0x156: {  	[timem:s3], [sflag:s2] =	dma.local @!p0 [hbm:s0], s1  }
0x157: {  	s0 =	simm.s32 @!p0 $0x7  }
0x158: {  	_ =	swait.ge @!p0 [sflag:s0], s1  }
0x159: {  	s1 =	ssub.s32 @!p0 $0x0, s1;
	[sflag:s0] =	ssyncset.done @!p0 $0x0  }
0x15a: {  	[sflag:s0] =	ssyncadd.s32 @!p0 s1  }
0x15b: {  	[bflag:$0x3] =	sbarrier.arrive $0xFFFF  }
0x15c: {  	_ =	shalt  }

</sc_bundles>
